<compile_context>
chip_gen: v7x
topology: tpu7x:2x2x1
jax: 0.10.2.dev20260603
libtpu: 0.0.44.dev20260713+nightly
codegen_flags: <defaults>
</compile_context>

<pallas_src>
import dataclasses
import functools

import jax
import jax.numpy as jnp
from jax import lax
from jax.experimental import pallas as pl
from jax.experimental.pallas import tpu as pltpu
from jax.experimental.pallas import tpu_sc as plsc

N_WORKERS = 32
LANES = 16
CHUNK = 128


def _sc_compiler_params():
    cp = pltpu.CompilerParams()
    if "needs_layout_passes" in pltpu.CompilerParams.__dataclass_fields__:
        cp = dataclasses.replace(cp, needs_layout_passes=False)
    return cp


def _sc_degree(ei, n_bins):
    n_nodes = n_bins
    n_edges = ei.shape[1]
    chunks = n_edges // CHUNK
    assert chunks * CHUNK == n_edges
    cpw = chunks // N_WORKERS
    extra = chunks % N_WORKERS
    per_w = cpw * CHUNK
    mesh = plsc.VectorSubcoreMesh(core_axis_name="c", subcore_axis_name="s")

    @functools.partial(
        pl.kernel,
        out_type=jax.ShapeDtypeStruct((N_WORKERS, n_nodes), jnp.float32),
        mesh=mesh,
        scratch_types=[
            pltpu.VMEM((2, per_w), jnp.int32),
            pltpu.VMEM((2, CHUNK), jnp.int32),
            pltpu.VMEM((n_nodes,), jnp.float32),
        ],
        compiler_params=_sc_compiler_params(),
    )
    def k(ei_hbm, out_hbm, idx_v, idx1_v, hist_v):
        wid = lax.axis_index("s") * 2 + lax.axis_index("c")
        zero16 = jnp.zeros((LANES,), jnp.float32)
        ones16 = jnp.ones((LANES,), jnp.float32)

        pltpu.sync_copy(ei_hbm.at[:, pl.ds(wid * per_w, per_w)], idx_v)

        @pl.loop(0, n_nodes, step=LANES)
        def _(i):
            hist_v[pl.ds(i, LANES)] = zero16

        @pl.loop(0, per_w, step=LANES)
        def _(i):
            idx = idx_v[1, pl.ds(i, LANES)]
            plsc.addupdate_scatter(hist_v, [idx], ones16)

        if extra:
            @pl.when(wid < extra)
            def _():
                base = (N_WORKERS * cpw + wid) * CHUNK
                pltpu.sync_copy(ei_hbm.at[:, pl.ds(base, CHUNK)], idx1_v)

                @pl.loop(0, CHUNK, step=LANES)
                def _(i):
                    idx = idx1_v[1, pl.ds(i, LANES)]
                    plsc.addupdate_scatter(hist_v, [idx], ones16)

        pltpu.sync_copy(hist_v, out_hbm.at[wid])

    return k(ei)


def _tc_matmul(x, W):

    def body(x_ref, w_ref, o_ref):
        o_ref[...] = jnp.dot(x_ref[...], w_ref[...],
                             preferred_element_type=jnp.float32)

    return pl.pallas_call(
        body, out_shape=jax.ShapeDtypeStruct((x.shape[0], W.shape[1]),
                                             jnp.float32)
    )(x, W)


def _tc_scale(x, hist):
    n, d = x.shape
    nw = hist.shape[0]

    def body(x_ref, h_ref, xs_ref, d_ref):
        ones = jnp.ones((nw, 1), jnp.float32)
        deg = jax.lax.dot_general(
            h_ref[...], ones, (((0,), (0,)), ((), ())),
            preferred_element_type=jnp.float32) + 1.0
        dinv = lax.rsqrt(deg[:n])
        d_ref[...] = dinv
        xs_ref[...] = x_ref[...] * dinv

    return pl.pallas_call(
        body,
        out_shape=(jax.ShapeDtypeStruct((n, d), jnp.float32),
                   jax.ShapeDtypeStruct((n, 1), jnp.float32)),
    )(x, hist)


NSLOT = 2
ISLOT = 8
PDIST = 4


def _sc_aggregate(xs, ei, pad3d, npad):
    n, d = xs.shape
    n_edges = ei.shape[1]
    real_chunks = n_edges // CHUNK
    assert real_chunks * CHUNK == n_edges
    total_chunks = real_chunks + pad3d.shape[0]
    cpt = total_chunks // N_WORKERS
    assert cpt * N_WORKERS == total_chunks and cpt % ISLOT == 0
    groups = cpt // ISLOT
    rows_per_tile = npad // 16
    zr = 32
    assert rows_per_tile % zr == 0
    mesh = plsc.VectorSubcoreMesh(core_axis_name="c", subcore_axis_name="s")

    @functools.partial(
        pl.kernel,
        out_type=jax.ShapeDtypeStruct((2 * npad, d), jnp.float32),
        mesh=mesh,
        scratch_types=[
            pltpu.VMEM_SHARED((npad, d), jnp.float32),
            pltpu.VMEM((zr, d), jnp.float32),
            pltpu.VMEM((ISLOT, 2, CHUNK), jnp.int32),
            pltpu.VMEM((NSLOT, CHUNK, d), jnp.float32),
            pltpu.SemaphoreType.DMA((ISLOT,)),
            pltpu.SemaphoreType.DMA((NSLOT,)),
            pltpu.SemaphoreType.DMA((NSLOT,)),
        ],
    )
    def k(xs_hbm, ei_hbm, pad_hbm, out_hbm, t_sh, zbuf, idxb, rows,
          isem, gsem, ssem):
        cid = lax.axis_index("c")
        sid = lax.axis_index("s")
        wid = cid * 16 + sid
        crow0 = wid * cpt
        zero16 = jnp.zeros((LANES,), jnp.float32)

        @pl.loop(0, zr)
        def _(r):
            for j in range(d // LANES):
                zbuf[r, pl.ds(j * LANES, LANES)] = zero16

        row0 = sid * rows_per_tile
        for j in range(rows_per_tile // zr):
            pltpu.sync_copy(zbuf, t_sh.at[pl.ds(row0 + j * zr, zr)])
        plsc.subcore_barrier()

        def idx_start(c_rel, s):
            c = crow0 + c_rel

            @pl.when(c < real_chunks)
            def _():
                pltpu.async_copy(ei_hbm.at[:, pl.ds(c * CHUNK, CHUNK)],
                                 idxb.at[s], isem.at[s])

            @pl.when(c >= real_chunks)
            def _():
                pltpu.async_copy(pad_hbm.at[c - real_chunks], idxb.at[s],
                                 isem.at[s])

        def idx_wait(s):
            pltpu.make_async_copy(pad_hbm.at[0], idxb.at[s],
                                  isem.at[s]).wait()

        def gather(s, b):
            return pltpu.make_async_copy(
                xs_hbm.at[idxb.at[s, 0]], rows.at[b], gsem.at[b])

        def scat(s, b):
            return pltpu.make_async_copy(
                rows.at[b], t_sh.at[idxb.at[s, 1]], ssem.at[b])

        for c0 in range(PDIST):
            idx_start(c0, c0)
        idx_wait(0)
        gather(0, 0).start()

        @pl.loop(0, groups)
        def _(g):
            for b in range(ISLOT):
                c = g * ISLOT + b

                def prefetch(c=c, s=(b + PDIST) % ISLOT):
                    idx_start(c + PDIST, s)

                def launch(c=c, s=(b + 1) % ISLOT, r=(b + 1) % NSLOT,
                           drain=True):
                    idx_wait(s)
                    if drain:
                        scat((b + 1) % ISLOT, r).wait()
                    gather(s, r).start()

                if b < ISLOT - PDIST:
                    prefetch()
                else:
                    pl.when(g < groups - 1)(prefetch)
                if b == 0:
                    pl.when(g == 0)(functools.partial(launch, drain=False))
                    pl.when(g > 0)(launch)
                elif b < ISLOT - 1:
                    launch()
                else:
                    pl.when(g < groups - 1)(launch)
                gather(b % ISLOT, b % NSLOT).wait()
                pltpu.async_copy(rows.at[b % NSLOT],
                                 t_sh.at[idxb.at[b % ISLOT, 1]],
                                 ssem.at[b % NSLOT], add=True)

        for cc in range(cpt - NSLOT, cpt):
            scat(cc % ISLOT, cc % NSLOT).wait()
        plsc.subcore_barrier()
        for j in range(rows_per_tile // zr):
            r = row0 + j * zr
            pltpu.sync_copy(t_sh.at[pl.ds(r, zr)],
                            out_hbm.at[pl.ds(cid * npad + r, zr)])

    return k(xs, ei, pad3d).reshape(2, npad, d)


def _tc_finish(t2, hs, dinv_col, bias, prelu_w):
    n, d = hs.shape

    def body(t_ref, hs_ref, d_ref, b_ref, p_ref, o_ref):
        z = (t_ref[0, :n] + t_ref[1, :n] + hs_ref[...]) * d_ref[...]
        z = z + b_ref[...][None, :]
        o_ref[...] = jnp.where(z >= 0, z, p_ref[...][None, :] * z)

    return pl.pallas_call(
        body, out_shape=jax.ShapeDtypeStruct((n, d), jnp.float32)
    )(t2, hs, dinv_col, bias, prelu_w)


def kernel(x, edge_index, W, bias, prelu_w):
    n = x.shape[0]
    npad = -(-n // 2048) * 2048
    ei = edge_index.astype(jnp.int32)

    e = ei.shape[1]
    quant = N_WORKERS * CHUNK * ISLOT
    ep = -(-e // quant) * quant
    pad = ep - e
    pidx = jnp.arange(pad, dtype=jnp.int32)
    psrc = (pidx % n).reshape(-1, CHUNK)
    pdst = (n + pidx % (npad - n)).reshape(-1, CHUNK)
    pad3d = jnp.stack([psrc, pdst], axis=1)

    h = _tc_matmul(x, W)
    hist = _sc_degree(ei, npad)
    hs, dinv_col = _tc_scale(h, hist)
    t2 = _sc_aggregate(hs, ei, pad3d, npad)
    return _tc_finish(t2, hs, dinv_col, bias, prelu_w)

# --- scband reference (transcript-rebuilt; emitter-appended) ---
"""Pipeline reference for scband-encoder-18717467476687 (READ-ONLY COPY).

The authoritative reference and input builder live on the scoring server;
editing this copy changes nothing except your own understanding.
"""

import jax, jax.numpy as jnp
import numpy as np

N_NODES = 10000
IN_CH = 128
HID_CH = 128
N_EDGES = 320000


def setup_inputs(seed: int = 0) -> dict:
    key = jax.random.key(seed)
    k_x, k_e, k_w = jax.random.split(key, 3)
    x = jax.random.normal(k_x, (N_NODES, IN_CH), dtype=jnp.float32)
    edge_index = jax.random.randint(k_e, (2, N_EDGES), 0, N_NODES, dtype=jnp.int64)
    # GCNConv linear weight (glorot-style init), bias, and PReLU per-channel weight
    limit = float(np.sqrt(6.0 / (IN_CH + HID_CH)))
    W = jax.random.uniform(k_w, (IN_CH, HID_CH), dtype=jnp.float32, minval=-limit, maxval=limit)
    bias = jnp.zeros((HID_CH,), dtype=jnp.float32)
    prelu_w = jnp.full((HID_CH,), 0.25, dtype=jnp.float32)
    return {"x": x, "edge_index": edge_index, "W": W, "bias": bias, "prelu_w": prelu_w}


def reference(x, edge_index, W, bias, prelu_w):
    N = x.shape[0]
    # Linear transform (GCNConv lin, no bias here; bias added after aggregation)
    h = x @ W
    src = edge_index[0]
    dst = edge_index[1]
    # Add self-loops (PyG GCNConv default add_self_loops=True)
    loop = jnp.arange(N, dtype=src.dtype)
    src = jnp.concatenate([src, loop])
    dst = jnp.concatenate([dst, loop])
    # Symmetric normalization: deg computed over dst with unit edge weights
    deg = jnp.zeros((N,), dtype=h.dtype).at[dst].add(1.0)
    deg_inv_sqrt = jnp.where(deg > 0, jax.lax.rsqrt(jnp.maximum(deg, 1e-12)), 0.0)
    norm = deg_inv_sqrt[src] * deg_inv_sqrt[dst]
    # Message = x_j * norm ; aggregate (scatter-add) at dst
    msgs = h[src] * norm[:, None]
    out = jax.ops.segment_sum(msgs, dst, num_segments=N)
    out = out + bias
    # PReLU with per-channel weight
    out = jnp.where(out >= 0, out, prelu_w[None, :] * out)
    return out

if __name__ == "__main__":
    import jax
    _d = setup_inputs()
    print(jax.jit(kernel)(*tuple(_d.values())))

</pallas_src>

<mosaic_0001>
#map = affine_map<(d0, d1) -> (0, 0)>
module attributes {stable_mosaic.version = 14 : i64} {
  func.func @k(%arg0: i32, %arg1: i32, %arg2: memref<2x320000xi32, #tpu.memory_space<hbm>>, %arg3: memref<32x10240xf32, #tpu.memory_space<hbm>>, %arg4: memref<2x9984xi32, #tpu.memory_space<vmem>>, %arg5: memref<2x128xi32, #tpu.memory_space<vmem>>, %arg6: memref<10240xf32, #tpu.memory_space<vmem>>) attributes {dimension_semantics = [#tpu.dimension_semantics<core_parallel>, #tpu.dimension_semantics<subcore_parallel>], iteration_bounds = array<i64: 2, 16>, scalar_prefetch = 0 : i64, scratch_operands = 3 : i64, tpu.core_type = #tpu.core_type<sc_vector_subcore>, window_params = [{transform_indices = #map}, {transform_indices = #map}]} {
    %mul3A = arith.constant 2 : i32
    %mul3A_0 = arith.muli %arg1, %mul3A : i32
    %add3A = arith.addi %mul3A_0, %arg0 : i32
    %broadcast_in_dim3A = arith.constant 0.000000e+00 : f32
    %broadcast_in_dim3A_1 = vector.broadcast %broadcast_in_dim3A : f32 to vector<16xf32>
    %broadcast_in_dim3A_2 = arith.constant 1.000000e+00 : f32
    %broadcast_in_dim3A_3 = vector.broadcast %broadcast_in_dim3A_2 : f32 to vector<16xf32>
    %mul3A_4 = arith.constant 9984 : i32
    %mul3A_5 = arith.muli %add3A, %mul3A_4 : i32
    "tpu.region"() ({
      %run_scoped3A = tpu.sem_alloc : memref<!tpu.dma_semaphore, #tpu.memory_space<semaphore_mem>>
      %dma_start3A = arith.constant 0 : i32
      %dma_start3A_17 = tpu.memref_slice %arg2[%dma_start3A, %mul3A_5] : memref<2x320000xi32, #tpu.memory_space<hbm>> -> memref<2x9984xi32, #tpu.memory_space<hbm>>
      %dma_start3A_18 = arith.constant 0 : i32
      %dma_start3A_19 = tpu.memref_slice %arg2[%dma_start3A_18, %mul3A_5] : memref<2x320000xi32, #tpu.memory_space<hbm>> -> memref<2x9984xi32, #tpu.memory_space<hbm>>
      tpu.enqueue_dma source(%dma_start3A_19 : memref<2x9984xi32, #tpu.memory_space<hbm>>) target(%arg4 : memref<2x9984xi32, #tpu.memory_space<vmem>>) target_semaphore(%run_scoped3A : memref<!tpu.dma_semaphore, #tpu.memory_space<semaphore_mem>>)
      %dma_wait3A = arith.constant 0 : i32
      %dma_wait3A_20 = tpu.memref_slice %arg2[%dma_wait3A, %mul3A_5] : memref<2x320000xi32, #tpu.memory_space<hbm>> -> memref<2x9984xi32, #tpu.memory_space<hbm>>
      %dma_wait3A_21 = arith.constant 0 : i32
      %dma_wait3A_22 = tpu.memref_slice %arg2[%dma_wait3A_21, %mul3A_5] : memref<2x320000xi32, #tpu.memory_space<hbm>> -> memref<2x9984xi32, #tpu.memory_space<hbm>>
      tpu.wait_dma2 semaphore(%run_scoped3A : memref<!tpu.dma_semaphore, #tpu.memory_space<semaphore_mem>>) src(%dma_wait3A_22 : memref<2x9984xi32, #tpu.memory_space<hbm>>) dst(%arg4 : memref<2x9984xi32, #tpu.memory_space<vmem>>)
      tpu.yield
    }) : () -> ()
    %scan3A = arith.constant 0 : i32
    %scan3A_6 = arith.constant 640 : i32
    %scan3A_7 = arith.addi %scan3A, %scan3A_6 : i32
    %scan3A_8 = arith.constant 1 : i32
    scf.for %scan3A_17 = %scan3A to %scan3A_7 step %scan3A_8  : i32 {
      %mul3A_18 = arith.constant 16 : i32
      %mul3A_19 = arith.muli %scan3A_17, %mul3A_18 : i32
      %add3A_20 = arith.constant 0 : i32
      %add3A_21 = arith.addi %add3A_20, %mul3A_19 : i32
      %swap3A = arith.index_cast %add3A_21 : i32 to index
      %swap3A_22 = tpu.vector_load %arg6[%swap3A] {strides = array<i32>} : memref<10240xf32, #tpu.memory_space<vmem>>, vector<16xf32>,
      tpu.vector_store %arg6[%swap3A], %broadcast_in_dim3A_1 {strides = array<i32>} : memref<10240xf32, #tpu.memory_space<vmem>>, vector<16xf32>,
    }
    %scan3A_9 = arith.constant 640 : i32
    %scan3A_10 = arith.constant 0 : i32
    %scan3A_11 = arith.constant 624 : i32
    %scan3A_12 = arith.addi %scan3A_10, %scan3A_11 : i32
    %scan3A_13 = arith.constant 1 : i32
    scf.for %scan3A_17 = %scan3A_10 to %scan3A_12 step %scan3A_13  : i32 {
      %mul3A_18 = arith.constant 16 : i32
      %mul3A_19 = arith.muli %scan3A_17, %mul3A_18 : i32
      %add3A_20 = arith.constant 0 : i32
      %add3A_21 = arith.addi %add3A_20, %mul3A_19 : i32
      %get3A = arith.constant 1 : i32
      %get3A_22 = arith.index_cast %get3A : i32 to index
      %get3A_23 = arith.index_cast %add3A_21 : i32 to index
      %get3A_24 = tpu.vector_load %arg4[%get3A_22, %get3A_23] {strides = array<i32>} : memref<2x9984xi32, #tpu.memory_space<vmem>>, vector<16xi32>,
      tpu.vector_store_idx %arg6[%get3A_24], %broadcast_in_dim3A_3 {add = true} : memref<10240xf32, #tpu.memory_space<vmem>>[vector<16xi32>], vector<16xf32>,
    }
    %scan3A_14 = arith.constant 624 : i32
    %lt3A = arith.constant 4 : i32
    %lt3A_15 = arith.cmpi slt, %add3A, %lt3A : i32
    %convert_element_type3A = arith.extui %lt3A_15 : i1 to i32
    %cond3A = arith.constant 0 : i32
    %cond3A_16 = arith.cmpi ne, %convert_element_type3A, %cond3A : i32
    scf.if %cond3A_16 {
      %add3A_17 = arith.constant 2496 : i32
      %add3A_18 = arith.addi %add3A_17, %add3A : i32
      %mul3A_19 = arith.constant 128 : i32
      %mul3A_20 = arith.muli %add3A_18, %mul3A_19 : i32
      "tpu.region"() ({
        %run_scoped3A = tpu.sem_alloc : memref<!tpu.dma_semaphore, #tpu.memory_space<semaphore_mem>>
        %dma_start3A = arith.constant 0 : i32
        %dma_start3A_26 = tpu.memref_slice %arg2[%dma_start3A, %mul3A_20] : memref<2x320000xi32, #tpu.memory_space<hbm>> -> memref<2x128xi32, #tpu.memory_space<hbm>>
        %dma_start3A_27 = arith.constant 0 : i32
        %dma_start3A_28 = tpu.memref_slice %arg2[%dma_start3A_27, %mul3A_20] : memref<2x320000xi32, #tpu.memory_space<hbm>> -> memref<2x128xi32, #tpu.memory_space<hbm>>
        tpu.enqueue_dma source(%dma_start3A_28 : memref<2x128xi32, #tpu.memory_space<hbm>>) target(%arg5 : memref<2x128xi32, #tpu.memory_space<vmem>>) target_semaphore(%run_scoped3A : memref<!tpu.dma_semaphore, #tpu.memory_space<semaphore_mem>>)
        %dma_wait3A = arith.constant 0 : i32
        %dma_wait3A_29 = tpu.memref_slice %arg2[%dma_wait3A, %mul3A_20] : memref<2x320000xi32, #tpu.memory_space<hbm>> -> memref<2x128xi32, #tpu.memory_space<hbm>>
        %dma_wait3A_30 = arith.constant 0 : i32
        %dma_wait3A_31 = tpu.memref_slice %arg2[%dma_wait3A_30, %mul3A_20] : memref<2x320000xi32, #tpu.memory_space<hbm>> -> memref<2x128xi32, #tpu.memory_space<hbm>>
        tpu.wait_dma2 semaphore(%run_scoped3A : memref<!tpu.dma_semaphore, #tpu.memory_space<semaphore_mem>>) src(%dma_wait3A_31 : memref<2x128xi32, #tpu.memory_space<hbm>>) dst(%arg5 : memref<2x128xi32, #tpu.memory_space<vmem>>)
        tpu.yield
      }) : () -> ()
      %scan3A_21 = arith.constant 0 : i32
      %scan3A_22 = arith.constant 8 : i32
      %scan3A_23 = arith.addi %scan3A_21, %scan3A_22 : i32
      %scan3A_24 = arith.constant 1 : i32
      scf.for %scan3A_26 = %scan3A_21 to %scan3A_23 step %scan3A_24  : i32 {
        %mul3A_27 = arith.constant 16 : i32
        %mul3A_28 = arith.muli %scan3A_26, %mul3A_27 : i32
        %add3A_29 = arith.constant 0 : i32
        %add3A_30 = arith.addi %add3A_29, %mul3A_28 : i32
        %get3A = arith.constant 1 : i32
        %get3A_31 = arith.index_cast %get3A : i32 to index
        %get3A_32 = arith.index_cast %add3A_30 : i32 to index
        %get3A_33 = tpu.vector_load %arg5[%get3A_31, %get3A_32] {strides = array<i32>} : memref<2x128xi32, #tpu.memory_space<vmem>>, vector<16xi32>,
        tpu.vector_store_idx %arg6[%get3A_33], %broadcast_in_dim3A_3 {add = true} : memref<10240xf32, #tpu.memory_space<vmem>>[vector<16xi32>], vector<16xf32>,
      }
      %scan3A_25 = arith.constant 8 : i32
    } else {
    }
    "tpu.region"() ({
      %run_scoped3A = tpu.sem_alloc : memref<!tpu.dma_semaphore, #tpu.memory_space<semaphore_mem>>
      %dma_start3A = arith.constant 0 : i32
      %dma_start3A_17 = tpu.memref_slice %arg3[%add3A, %dma_start3A] : memref<32x10240xf32, #tpu.memory_space<hbm>> -> memref<1x10240xf32, #tpu.memory_space<hbm>>
      %dma_start3A_18 = tpu.memref_squeeze %dma_start3A_17 : memref<1x10240xf32, #tpu.memory_space<hbm>> -> memref<10240xf32, #tpu.memory_space<hbm>>
      %dma_start3A_19 = arith.constant 0 : i32
      %dma_start3A_20 = tpu.memref_slice %arg3[%add3A, %dma_start3A_19] : memref<32x10240xf32, #tpu.memory_space<hbm>> -> memref<1x10240xf32, #tpu.memory_space<hbm>>
      %dma_start3A_21 = tpu.memref_squeeze %dma_start3A_20 : memref<1x10240xf32, #tpu.memory_space<hbm>> -> memref<10240xf32, #tpu.memory_space<hbm>>
      tpu.enqueue_dma source(%arg6 : memref<10240xf32, #tpu.memory_space<vmem>>) target(%dma_start3A_21 : memref<10240xf32, #tpu.memory_space<hbm>>) target_semaphore(%run_scoped3A : memref<!tpu.dma_semaphore, #tpu.memory_space<semaphore_mem>>)
      %dma_wait3A = arith.constant 0 : i32
      %dma_wait3A_22 = tpu.memref_slice %arg3[%add3A, %dma_wait3A] : memref<32x10240xf32, #tpu.memory_space<hbm>> -> memref<1x10240xf32, #tpu.memory_space<hbm>>
      %dma_wait3A_23 = tpu.memref_squeeze %dma_wait3A_22 : memref<1x10240xf32, #tpu.memory_space<hbm>> -> memref<10240xf32, #tpu.memory_space<hbm>>
      %dma_wait3A_24 = arith.constant 0 : i32
      %dma_wait3A_25 = tpu.memref_slice %arg3[%add3A, %dma_wait3A_24] : memref<32x10240xf32, #tpu.memory_space<hbm>> -> memref<1x10240xf32, #tpu.memory_space<hbm>>
      %dma_wait3A_26 = tpu.memref_squeeze %dma_wait3A_25 : memref<1x10240xf32, #tpu.memory_space<hbm>> -> memref<10240xf32, #tpu.memory_space<hbm>>
      tpu.wait_dma2 semaphore(%run_scoped3A : memref<!tpu.dma_semaphore, #tpu.memory_space<semaphore_mem>>) src(%arg6 : memref<10240xf32, #tpu.memory_space<vmem>>) dst(%dma_wait3A_26 : memref<10240xf32, #tpu.memory_space<hbm>>)
      tpu.yield
    }) : () -> ()
    return
  }
}

#map = affine_map<(d0, d1) -> (0, 0)>
#map1 = affine_map<(d0, d1) -> (0, 0, 0)>
module attributes {stable_mosaic.version = 14 : i64} {
  func.func @k(%arg0: i32, %arg1: i32, %arg2: memref<10000x128xf32, #tpu.memory_space<hbm>>, %arg3: memref<2x320000xi32, #tpu.memory_space<hbm>>, %arg4: memref<60x2x128xi32, #tpu.memory_space<hbm>>, %arg5: memref<20480x128xf32, #tpu.memory_space<hbm>>, %arg6: memref<10240x128xf32, #tpu.memory_space<vmem_shared>>, %arg7: memref<32x128xf32, #tpu.memory_space<vmem>>, %arg8: memref<8x2x128xi32, #tpu.memory_space<vmem>>, %arg9: memref<2x128x128xf32, #tpu.memory_space<vmem>>, %arg10: memref<8x!tpu.dma_semaphore, #tpu.memory_space<semaphore_mem>>, %arg11: memref<2x!tpu.dma_semaphore, #tpu.memory_space<semaphore_mem>>, %arg12: memref<2x!tpu.dma_semaphore, #tpu.memory_space<semaphore_mem>>) attributes {dimension_semantics = [#tpu.dimension_semantics<core_parallel>, #tpu.dimension_semantics<subcore_parallel>], iteration_bounds = array<i64: 2, 16>, scalar_prefetch = 0 : i64, scratch_operands = 7 : i64, tpu.core_type = #tpu.core_type<sc_vector_subcore>, window_params = [{transform_indices = #map}, {transform_indices = #map}, {transform_indices = #map1}, {transform_indices = #map}]} {
    %mul3A = arith.constant 16 : i32
    %mul3A_0 = arith.muli %arg0, %mul3A : i32
    %add3A = arith.addi %mul3A_0, %arg1 : i32
    %mul3A_1 = arith.constant 80 : i32
    %mul3A_2 = arith.muli %add3A, %mul3A_1 : i32
    %broadcast_in_dim3A = arith.constant 0.000000e+00 : f32
    %broadcast_in_dim3A_3 = vector.broadcast %broadcast_in_dim3A : f32 to vector<16xf32>
    %scan3A = arith.constant 0 : i32
    %scan3A_4 = arith.constant 32 : i32
    %scan3A_5 = arith.addi %scan3A, %scan3A_4 : i32
    %scan3A_6 = arith.constant 1 : i32
    scf.for %scan3A_267 = %scan3A to %scan3A_5 step %scan3A_6  : i32 {
      %mul3A_268 = arith.constant 1 : i32
      %mul3A_269 = arith.muli %scan3A_267, %mul3A_268 : i32
      %add3A_270 = arith.constant 0 : i32
      %add3A_271 = arith.addi %add3A_270, %mul3A_269 : i32
      %swap3A = arith.index_cast %add3A_271 : i32 to index
      %swap3A_272 = arith.constant 0 : index
      %swap3A_273 = tpu.vector_load %arg7[%swap3A, %swap3A_272] {strides = array<i32>} : memref<32x128xf32, #tpu.memory_space<vmem>>, vector<1x16xf32>,
      %swap3A_274 = vector.shape_cast %swap3A_273 : vector<1x16xf32> to vector<16xf32>
      %swap3A_275 = vector.shape_cast %broadcast_in_dim3A_3 : vector<16xf32> to vector<1x16xf32>
      tpu.vector_store %arg7[%swap3A, %swap3A_272], %swap3A_275 {strides = array<i32>} : memref<32x128xf32, #tpu.memory_space<vmem>>, vector<1x16xf32>,
      %swap3A_276 = arith.index_cast %add3A_271 : i32 to index
      %swap3A_277 = arith.constant 16 : index
      %swap3A_278 = tpu.vector_load %arg7[%swap3A_276, %swap3A_277] {strides = array<i32>} : memref<32x128xf32, #tpu.memory_space<vmem>>, vector<1x16xf32>,
      %swap3A_279 = vector.shape_cast %swap3A_278 : vector<1x16xf32> to vector<16xf32>
      %swap3A_280 = vector.shape_cast %broadcast_in_dim3A_3 : vector<16xf32> to vector<1x16xf32>
      tpu.vector_store %arg7[%swap3A_276, %swap3A_277], %swap3A_280 {strides = array<i32>} : memref<32x128xf32, #tpu.memory_space<vmem>>, vector<1x16xf32>,
      %swap3A_281 = arith.index_cast %add3A_271 : i32 to index
      %swap3A_282 = arith.constant 32 : index
      %swap3A_283 = tpu.vector_load %arg7[%swap3A_281, %swap3A_282] {strides = array<i32>} : memref<32x128xf32, #tpu.memory_space<vmem>>, vector<1x16xf32>,
      %swap3A_284 = vector.shape_cast %swap3A_283 : vector<1x16xf32> to vector<16xf32>
      %swap3A_285 = vector.shape_cast %broadcast_in_dim3A_3 : vector<16xf32> to vector<1x16xf32>
      tpu.vector_store %arg7[%swap3A_281, %swap3A_282], %swap3A_285 {strides = array<i32>} : memref<32x128xf32, #tpu.memory_space<vmem>>, vector<1x16xf32>,
      %swap3A_286 = arith.index_cast %add3A_271 : i32 to index
      %swap3A_287 = arith.constant 48 : index
      %swap3A_288 = tpu.vector_load %arg7[%swap3A_286, %swap3A_287] {strides = array<i32>} : memref<32x128xf32, #tpu.memory_space<vmem>>, vector<1x16xf32>,
      %swap3A_289 = vector.shape_cast %swap3A_288 : vector<1x16xf32> to vector<16xf32>
      %swap3A_290 = vector.shape_cast %broadcast_in_dim3A_3 : vector<16xf32> to vector<1x16xf32>
      tpu.vector_store %arg7[%swap3A_286, %swap3A_287], %swap3A_290 {strides = array<i32>} : memref<32x128xf32, #tpu.memory_space<vmem>>, vector<1x16xf32>,
      %swap3A_291 = arith.index_cast %add3A_271 : i32 to index
      %swap3A_292 = arith.constant 64 : index
      %swap3A_293 = tpu.vector_load %arg7[%swap3A_291, %swap3A_292] {strides = array<i32>} : memref<32x128xf32, #tpu.memory_space<vmem>>, vector<1x16xf32>,
      %swap3A_294 = vector.shape_cast %swap3A_293 : vector<1x16xf32> to vector<16xf32>
      %swap3A_295 = vector.shape_cast %broadcast_in_dim3A_3 : vector<16xf32> to vector<1x16xf32>
      tpu.vector_store %arg7[%swap3A_291, %swap3A_292], %swap3A_295 {strides = array<i32>} : memref<32x128xf32, #tpu.memory_space<vmem>>, vector<1x16xf32>,
      %swap3A_296 = arith.index_cast %add3A_271 : i32 to index
      %swap3A_297 = arith.constant 80 : index
      %swap3A_298 = tpu.vector_load %arg7[%swap3A_296, %swap3A_297] {strides = array<i32>} : memref<32x128xf32, #tpu.memory_space<vmem>>, vector<1x16xf32>,
      %swap3A_299 = vector.shape_cast %swap3A_298 : vector<1x16xf32> to vector<16xf32>
      %swap3A_300 = vector.shape_cast %broadcast_in_dim3A_3 : vector<16xf32> to vector<1x16xf32>
      tpu.vector_store %arg7[%swap3A_296, %swap3A_297], %swap3A_300 {strides = array<i32>} : memref<32x128xf32, #tpu.memory_space<vmem>>, vector<1x16xf32>,
      %swap3A_301 = arith.index_cast %add3A_271 : i32 to index
      %swap3A_302 = arith.constant 96 : index
      %swap3A_303 = tpu.vector_load %arg7[%swap3A_301, %swap3A_302] {strides = array<i32>} : memref<32x128xf32, #tpu.memory_space<vmem>>, vector<1x16xf32>,
      %swap3A_304 = vector.shape_cast %swap3A_303 : vector<1x16xf32> to vector<16xf32>
      %swap3A_305 = vector.shape_cast %broadcast_in_dim3A_3 : vector<16xf32> to vector<1x16xf32>
      tpu.vector_store %arg7[%swap3A_301, %swap3A_302], %swap3A_305 {strides = array<i32>} : memref<32x128xf32, #tpu.memory_space<vmem>>, vector<1x16xf32>,
      %swap3A_306 = arith.index_cast %add3A_271 : i32 to index
      %swap3A_307 = arith.constant 112 : index
      %swap3A_308 = tpu.vector_load %arg7[%swap3A_306, %swap3A_307] {strides = array<i32>} : memref<32x128xf32, #tpu.memory_space<vmem>>, vector<1x16xf32>,
      %swap3A_309 = vector.shape_cast %swap3A_308 : vector<1x16xf32> to vector<16xf32>
      %swap3A_310 = vector.shape_cast %broadcast_in_dim3A_3 : vector<16xf32> to vector<1x16xf32>
      tpu.vector_store %arg7[%swap3A_306, %swap3A_307], %swap3A_310 {strides = array<i32>} : memref<32x128xf32, #tpu.memory_space<vmem>>, vector<1x16xf32>,
    }
    %scan3A_7 = arith.constant 32 : i32
    %mul3A_8 = arith.constant 640 : i32
    %mul3A_9 = arith.muli %arg1, %mul3A_8 : i32
    %add3A_10 = arith.constant 0 : i32
    %add3A_11 = arith.addi %mul3A_9, %add3A_10 : i32
    "tpu.region"() ({
      %run_scoped3A = tpu.sem_alloc : memref<!tpu.dma_semaphore, #tpu.memory_space<semaphore_mem>>
      %dma_start3A_267 = arith.constant 0 : i32
      %dma_start3A_268 = tpu.memref_slice %arg6[%add3A_11, %dma_start3A_267] : memref<10240x128xf32, #tpu.memory_space<vmem_shared>> -> memref<32x128xf32, #tpu.memory_space<vmem_shared>>
      %dma_start3A_269 = arith.constant 0 : i32
      %dma_start3A_270 = tpu.memref_slice %arg6[%add3A_11, %dma_start3A_269] : memref<10240x128xf32, #tpu.memory_space<vmem_shared>> -> memref<32x128xf32, #tpu.memory_space<vmem_shared>>
      tpu.enqueue_dma source(%arg7 : memref<32x128xf32, #tpu.memory_space<vmem>>) target(%dma_start3A_270 : memref<32x128xf32, #tpu.memory_space<vmem_shared>>) target_semaphore(%run_scoped3A : memref<!tpu.dma_semaphore, #tpu.memory_space<semaphore_mem>>)
      %dma_wait3A_271 = arith.constant 0 : i32
      %dma_wait3A_272 = tpu.memref_slice %arg6[%add3A_11, %dma_wait3A_271] : memref<10240x128xf32, #tpu.memory_space<vmem_shared>> -> memref<32x128xf32, #tpu.memory_space<vmem_shared>>
      %dma_wait3A_273 = arith.constant 0 : i32
      %dma_wait3A_274 = tpu.memref_slice %arg6[%add3A_11, %dma_wait3A_273] : memref<10240x128xf32, #tpu.memory_space<vmem_shared>> -> memref<32x128xf32, #tpu.memory_space<vmem_shared>>
      tpu.wait_dma2 semaphore(%run_scoped3A : memref<!tpu.dma_semaphore, #tpu.memory_space<semaphore_mem>>) src(%arg7 : memref<32x128xf32, #tpu.memory_space<vmem>>) dst(%dma_wait3A_274 : memref<32x128xf32, #tpu.memory_space<vmem_shared>>)
      tpu.yield
    }) : () -> ()
    %add3A_12 = arith.constant 32 : i32
    %add3A_13 = arith.addi %mul3A_9, %add3A_12 : i32
    "tpu.region"() ({
      %run_scoped3A = tpu.sem_alloc : memref<!tpu.dma_semaphore, #tpu.memory_space<semaphore_mem>>
      %dma_start3A_267 = arith.constant 0 : i32
      %dma_start3A_268 = tpu.memref_slice %arg6[%add3A_13, %dma_start3A_267] : memref<10240x128xf32, #tpu.memory_space<vmem_shared>> -> memref<32x128xf32, #tpu.memory_space<vmem_shared>>
      %dma_start3A_269 = arith.constant 0 : i32
      %dma_start3A_270 = tpu.memref_slice %arg6[%add3A_13, %dma_start3A_269] : memref<10240x128xf32, #tpu.memory_space<vmem_shared>> -> memref<32x128xf32, #tpu.memory_space<vmem_shared>>
      tpu.enqueue_dma source(%arg7 : memref<32x128xf32, #tpu.memory_space<vmem>>) target(%dma_start3A_270 : memref<32x128xf32, #tpu.memory_space<vmem_shared>>) target_semaphore(%run_scoped3A : memref<!tpu.dma_semaphore, #tpu.memory_space<semaphore_mem>>)
      %dma_wait3A_271 = arith.constant 0 : i32
      %dma_wait3A_272 = tpu.memref_slice %arg6[%add3A_13, %dma_wait3A_271] : memref<10240x128xf32, #tpu.memory_space<vmem_shared>> -> memref<32x128xf32, #tpu.memory_space<vmem_shared>>
      %dma_wait3A_273 = arith.constant 0 : i32
      %dma_wait3A_274 = tpu.memref_slice %arg6[%add3A_13, %dma_wait3A_273] : memref<10240x128xf32, #tpu.memory_space<vmem_shared>> -> memref<32x128xf32, #tpu.memory_space<vmem_shared>>
      tpu.wait_dma2 semaphore(%run_scoped3A : memref<!tpu.dma_semaphore, #tpu.memory_space<semaphore_mem>>) src(%arg7 : memref<32x128xf32, #tpu.memory_space<vmem>>) dst(%dma_wait3A_274 : memref<32x128xf32, #tpu.memory_space<vmem_shared>>)
      tpu.yield
    }) : () -> ()
    %add3A_14 = arith.constant 64 : i32
    %add3A_15 = arith.addi %mul3A_9, %add3A_14 : i32
    "tpu.region"() ({
      %run_scoped3A = tpu.sem_alloc : memref<!tpu.dma_semaphore, #tpu.memory_space<semaphore_mem>>
      %dma_start3A_267 = arith.constant 0 : i32
      %dma_start3A_268 = tpu.memref_slice %arg6[%add3A_15, %dma_start3A_267] : memref<10240x128xf32, #tpu.memory_space<vmem_shared>> -> memref<32x128xf32, #tpu.memory_space<vmem_shared>>
      %dma_start3A_269 = arith.constant 0 : i32
      %dma_start3A_270 = tpu.memref_slice %arg6[%add3A_15, %dma_start3A_269] : memref<10240x128xf32, #tpu.memory_space<vmem_shared>> -> memref<32x128xf32, #tpu.memory_space<vmem_shared>>
      tpu.enqueue_dma source(%arg7 : memref<32x128xf32, #tpu.memory_space<vmem>>) target(%dma_start3A_270 : memref<32x128xf32, #tpu.memory_space<vmem_shared>>) target_semaphore(%run_scoped3A : memref<!tpu.dma_semaphore, #tpu.memory_space<semaphore_mem>>)
      %dma_wait3A_271 = arith.constant 0 : i32
      %dma_wait3A_272 = tpu.memref_slice %arg6[%add3A_15, %dma_wait3A_271] : memref<10240x128xf32, #tpu.memory_space<vmem_shared>> -> memref<32x128xf32, #tpu.memory_space<vmem_shared>>
      %dma_wait3A_273 = arith.constant 0 : i32
      %dma_wait3A_274 = tpu.memref_slice %arg6[%add3A_15, %dma_wait3A_273] : memref<10240x128xf32, #tpu.memory_space<vmem_shared>> -> memref<32x128xf32, #tpu.memory_space<vmem_shared>>
      tpu.wait_dma2 semaphore(%run_scoped3A : memref<!tpu.dma_semaphore, #tpu.memory_space<semaphore_mem>>) src(%arg7 : memref<32x128xf32, #tpu.memory_space<vmem>>) dst(%dma_wait3A_274 : memref<32x128xf32, #tpu.memory_space<vmem_shared>>)
      tpu.yield
    }) : () -> ()
    %add3A_16 = arith.constant 96 : i32
    %add3A_17 = arith.addi %mul3A_9, %add3A_16 : i32
    "tpu.region"() ({
      %run_scoped3A = tpu.sem_alloc : memref<!tpu.dma_semaphore, #tpu.memory_space<semaphore_mem>>
      %dma_start3A_267 = arith.constant 0 : i32
      %dma_start3A_268 = tpu.memref_slice %arg6[%add3A_17, %dma_start3A_267] : memref<10240x128xf32, #tpu.memory_space<vmem_shared>> -> memref<32x128xf32, #tpu.memory_space<vmem_shared>>
      %dma_start3A_269 = arith.constant 0 : i32
      %dma_start3A_270 = tpu.memref_slice %arg6[%add3A_17, %dma_start3A_269] : memref<10240x128xf32, #tpu.memory_space<vmem_shared>> -> memref<32x128xf32, #tpu.memory_space<vmem_shared>>
      tpu.enqueue_dma source(%arg7 : memref<32x128xf32, #tpu.memory_space<vmem>>) target(%dma_start3A_270 : memref<32x128xf32, #tpu.memory_space<vmem_shared>>) target_semaphore(%run_scoped3A : memref<!tpu.dma_semaphore, #tpu.memory_space<semaphore_mem>>)
      %dma_wait3A_271 = arith.constant 0 : i32
      %dma_wait3A_272 = tpu.memref_slice %arg6[%add3A_17, %dma_wait3A_271] : memref<10240x128xf32, #tpu.memory_space<vmem_shared>> -> memref<32x128xf32, #tpu.memory_space<vmem_shared>>
      %dma_wait3A_273 = arith.constant 0 : i32
      %dma_wait3A_274 = tpu.memref_slice %arg6[%add3A_17, %dma_wait3A_273] : memref<10240x128xf32, #tpu.memory_space<vmem_shared>> -> memref<32x128xf32, #tpu.memory_space<vmem_shared>>
      tpu.wait_dma2 semaphore(%run_scoped3A : memref<!tpu.dma_semaphore, #tpu.memory_space<semaphore_mem>>) src(%arg7 : memref<32x128xf32, #tpu.memory_space<vmem>>) dst(%dma_wait3A_274 : memref<32x128xf32, #tpu.memory_space<vmem_shared>>)
      tpu.yield
    }) : () -> ()
    %add3A_18 = arith.constant 128 : i32
    %add3A_19 = arith.addi %mul3A_9, %add3A_18 : i32
    "tpu.region"() ({
      %run_scoped3A = tpu.sem_alloc : memref<!tpu.dma_semaphore, #tpu.memory_space<semaphore_mem>>
      %dma_start3A_267 = arith.constant 0 : i32
      %dma_start3A_268 = tpu.memref_slice %arg6[%add3A_19, %dma_start3A_267] : memref<10240x128xf32, #tpu.memory_space<vmem_shared>> -> memref<32x128xf32, #tpu.memory_space<vmem_shared>>
      %dma_start3A_269 = arith.constant 0 : i32
      %dma_start3A_270 = tpu.memref_slice %arg6[%add3A_19, %dma_start3A_269] : memref<10240x128xf32, #tpu.memory_space<vmem_shared>> -> memref<32x128xf32, #tpu.memory_space<vmem_shared>>
      tpu.enqueue_dma source(%arg7 : memref<32x128xf32, #tpu.memory_space<vmem>>) target(%dma_start3A_270 : memref<32x128xf32, #tpu.memory_space<vmem_shared>>) target_semaphore(%run_scoped3A : memref<!tpu.dma_semaphore, #tpu.memory_space<semaphore_mem>>)
      %dma_wait3A_271 = arith.constant 0 : i32
      %dma_wait3A_272 = tpu.memref_slice %arg6[%add3A_19, %dma_wait3A_271] : memref<10240x128xf32, #tpu.memory_space<vmem_shared>> -> memref<32x128xf32, #tpu.memory_space<vmem_shared>>
      %dma_wait3A_273 = arith.constant 0 : i32
      %dma_wait3A_274 = tpu.memref_slice %arg6[%add3A_19, %dma_wait3A_273] : memref<10240x128xf32, #tpu.memory_space<vmem_shared>> -> memref<32x128xf32, #tpu.memory_space<vmem_shared>>
      tpu.wait_dma2 semaphore(%run_scoped3A : memref<!tpu.dma_semaphore, #tpu.memory_space<semaphore_mem>>) src(%arg7 : memref<32x128xf32, #tpu.memory_space<vmem>>) dst(%dma_wait3A_274 : memref<32x128xf32, #tpu.memory_space<vmem_shared>>)
      tpu.yield
    }) : () -> ()
    %add3A_20 = arith.constant 160 : i32
    %add3A_21 = arith.addi %mul3A_9, %add3A_20 : i32
    "tpu.region"() ({
      %run_scoped3A = tpu.sem_alloc : memref<!tpu.dma_semaphore, #tpu.memory_space<semaphore_mem>>
      %dma_start3A_267 = arith.constant 0 : i32
      %dma_start3A_268 = tpu.memref_slice %arg6[%add3A_21, %dma_start3A_267] : memref<10240x128xf32, #tpu.memory_space<vmem_shared>> -> memref<32x128xf32, #tpu.memory_space<vmem_shared>>
      %dma_start3A_269 = arith.constant 0 : i32
      %dma_start3A_270 = tpu.memref_slice %arg6[%add3A_21, %dma_start3A_269] : memref<10240x128xf32, #tpu.memory_space<vmem_shared>> -> memref<32x128xf32, #tpu.memory_space<vmem_shared>>
      tpu.enqueue_dma source(%arg7 : memref<32x128xf32, #tpu.memory_space<vmem>>) target(%dma_start3A_270 : memref<32x128xf32, #tpu.memory_space<vmem_shared>>) target_semaphore(%run_scoped3A : memref<!tpu.dma_semaphore, #tpu.memory_space<semaphore_mem>>)
      %dma_wait3A_271 = arith.constant 0 : i32
      %dma_wait3A_272 = tpu.memref_slice %arg6[%add3A_21, %dma_wait3A_271] : memref<10240x128xf32, #tpu.memory_space<vmem_shared>> -> memref<32x128xf32, #tpu.memory_space<vmem_shared>>
      %dma_wait3A_273 = arith.constant 0 : i32
      %dma_wait3A_274 = tpu.memref_slice %arg6[%add3A_21, %dma_wait3A_273] : memref<10240x128xf32, #tpu.memory_space<vmem_shared>> -> memref<32x128xf32, #tpu.memory_space<vmem_shared>>
      tpu.wait_dma2 semaphore(%run_scoped3A : memref<!tpu.dma_semaphore, #tpu.memory_space<semaphore_mem>>) src(%arg7 : memref<32x128xf32, #tpu.memory_space<vmem>>) dst(%dma_wait3A_274 : memref<32x128xf32, #tpu.memory_space<vmem_shared>>)
      tpu.yield
    }) : () -> ()
    %add3A_22 = arith.constant 192 : i32
    %add3A_23 = arith.addi %mul3A_9, %add3A_22 : i32
    "tpu.region"() ({
      %run_scoped3A = tpu.sem_alloc : memref<!tpu.dma_semaphore, #tpu.memory_space<semaphore_mem>>
      %dma_start3A_267 = arith.constant 0 : i32
      %dma_start3A_268 = tpu.memref_slice %arg6[%add3A_23, %dma_start3A_267] : memref<10240x128xf32, #tpu.memory_space<vmem_shared>> -> memref<32x128xf32, #tpu.memory_space<vmem_shared>>
      %dma_start3A_269 = arith.constant 0 : i32
      %dma_start3A_270 = tpu.memref_slice %arg6[%add3A_23, %dma_start3A_269] : memref<10240x128xf32, #tpu.memory_space<vmem_shared>> -> memref<32x128xf32, #tpu.memory_space<vmem_shared>>
      tpu.enqueue_dma source(%arg7 : memref<32x128xf32, #tpu.memory_space<vmem>>) target(%dma_start3A_270 : memref<32x128xf32, #tpu.memory_space<vmem_shared>>) target_semaphore(%run_scoped3A : memref<!tpu.dma_semaphore, #tpu.memory_space<semaphore_mem>>)
      %dma_wait3A_271 = arith.constant 0 : i32
      %dma_wait3A_272 = tpu.memref_slice %arg6[%add3A_23, %dma_wait3A_271] : memref<10240x128xf32, #tpu.memory_space<vmem_shared>> -> memref<32x128xf32, #tpu.memory_space<vmem_shared>>
      %dma_wait3A_273 = arith.constant 0 : i32
      %dma_wait3A_274 = tpu.memref_slice %arg6[%add3A_23, %dma_wait3A_273] : memref<10240x128xf32, #tpu.memory_space<vmem_shared>> -> memref<32x128xf32, #tpu.memory_space<vmem_shared>>
      tpu.wait_dma2 semaphore(%run_scoped3A : memref<!tpu.dma_semaphore, #tpu.memory_space<semaphore_mem>>) src(%arg7 : memref<32x128xf32, #tpu.memory_space<vmem>>) dst(%dma_wait3A_274 : memref<32x128xf32, #tpu.memory_space<vmem_shared>>)
      tpu.yield
    }) : () -> ()
    %add3A_24 = arith.constant 224 : i32
    %add3A_25 = arith.addi %mul3A_9, %add3A_24 : i32
    "tpu.region"() ({
      %run_scoped3A = tpu.sem_alloc : memref<!tpu.dma_semaphore, #tpu.memory_space<semaphore_mem>>
      %dma_start3A_267 = arith.constant 0 : i32
      %dma_start3A_268 = tpu.memref_slice %arg6[%add3A_25, %dma_start3A_267] : memref<10240x128xf32, #tpu.memory_space<vmem_shared>> -> memref<32x128xf32, #tpu.memory_space<vmem_shared>>
      %dma_start3A_269 = arith.constant 0 : i32
      %dma_start3A_270 = tpu.memref_slice %arg6[%add3A_25, %dma_start3A_269] : memref<10240x128xf32, #tpu.memory_space<vmem_shared>> -> memref<32x128xf32, #tpu.memory_space<vmem_shared>>
      tpu.enqueue_dma source(%arg7 : memref<32x128xf32, #tpu.memory_space<vmem>>) target(%dma_start3A_270 : memref<32x128xf32, #tpu.memory_space<vmem_shared>>) target_semaphore(%run_scoped3A : memref<!tpu.dma_semaphore, #tpu.memory_space<semaphore_mem>>)
      %dma_wait3A_271 = arith.constant 0 : i32
      %dma_wait3A_272 = tpu.memref_slice %arg6[%add3A_25, %dma_wait3A_271] : memref<10240x128xf32, #tpu.memory_space<vmem_shared>> -> memref<32x128xf32, #tpu.memory_space<vmem_shared>>
      %dma_wait3A_273 = arith.constant 0 : i32
      %dma_wait3A_274 = tpu.memref_slice %arg6[%add3A_25, %dma_wait3A_273] : memref<10240x128xf32, #tpu.memory_space<vmem_shared>> -> memref<32x128xf32, #tpu.memory_space<vmem_shared>>
      tpu.wait_dma2 semaphore(%run_scoped3A : memref<!tpu.dma_semaphore, #tpu.memory_space<semaphore_mem>>) src(%arg7 : memref<32x128xf32, #tpu.memory_space<vmem>>) dst(%dma_wait3A_274 : memref<32x128xf32, #tpu.memory_space<vmem_shared>>)
      tpu.yield
    }) : () -> ()
    %add3A_26 = arith.constant 256 : i32
    %add3A_27 = arith.addi %mul3A_9, %add3A_26 : i32
    "tpu.region"() ({
      %run_scoped3A = tpu.sem_alloc : memref<!tpu.dma_semaphore, #tpu.memory_space<semaphore_mem>>
      %dma_start3A_267 = arith.constant 0 : i32
      %dma_start3A_268 = tpu.memref_slice %arg6[%add3A_27, %dma_start3A_267] : memref<10240x128xf32, #tpu.memory_space<vmem_shared>> -> memref<32x128xf32, #tpu.memory_space<vmem_shared>>
      %dma_start3A_269 = arith.constant 0 : i32
      %dma_start3A_270 = tpu.memref_slice %arg6[%add3A_27, %dma_start3A_269] : memref<10240x128xf32, #tpu.memory_space<vmem_shared>> -> memref<32x128xf32, #tpu.memory_space<vmem_shared>>
      tpu.enqueue_dma source(%arg7 : memref<32x128xf32, #tpu.memory_space<vmem>>) target(%dma_start3A_270 : memref<32x128xf32, #tpu.memory_space<vmem_shared>>) target_semaphore(%run_scoped3A : memref<!tpu.dma_semaphore, #tpu.memory_space<semaphore_mem>>)
      %dma_wait3A_271 = arith.constant 0 : i32
      %dma_wait3A_272 = tpu.memref_slice %arg6[%add3A_27, %dma_wait3A_271] : memref<10240x128xf32, #tpu.memory_space<vmem_shared>> -> memref<32x128xf32, #tpu.memory_space<vmem_shared>>
      %dma_wait3A_273 = arith.constant 0 : i32
      %dma_wait3A_274 = tpu.memref_slice %arg6[%add3A_27, %dma_wait3A_273] : memref<10240x128xf32, #tpu.memory_space<vmem_shared>> -> memref<32x128xf32, #tpu.memory_space<vmem_shared>>
      tpu.wait_dma2 semaphore(%run_scoped3A : memref<!tpu.dma_semaphore, #tpu.memory_space<semaphore_mem>>) src(%arg7 : memref<32x128xf32, #tpu.memory_space<vmem>>) dst(%dma_wait3A_274 : memref<32x128xf32, #tpu.memory_space<vmem_shared>>)
      tpu.yield
    }) : () -> ()
    %add3A_28 = arith.constant 288 : i32
    %add3A_29 = arith.addi %mul3A_9, %add3A_28 : i32
    "tpu.region"() ({
      %run_scoped3A = tpu.sem_alloc : memref<!tpu.dma_semaphore, #tpu.memory_space<semaphore_mem>>
      %dma_start3A_267 = arith.constant 0 : i32
      %dma_start3A_268 = tpu.memref_slice %arg6[%add3A_29, %dma_start3A_267] : memref<10240x128xf32, #tpu.memory_space<vmem_shared>> -> memref<32x128xf32, #tpu.memory_space<vmem_shared>>
      %dma_start3A_269 = arith.constant 0 : i32
      %dma_start3A_270 = tpu.memref_slice %arg6[%add3A_29, %dma_start3A_269] : memref<10240x128xf32, #tpu.memory_space<vmem_shared>> -> memref<32x128xf32, #tpu.memory_space<vmem_shared>>
      tpu.enqueue_dma source(%arg7 : memref<32x128xf32, #tpu.memory_space<vmem>>) target(%dma_start3A_270 : memref<32x128xf32, #tpu.memory_space<vmem_shared>>) target_semaphore(%run_scoped3A : memref<!tpu.dma_semaphore, #tpu.memory_space<semaphore_mem>>)
      %dma_wait3A_271 = arith.constant 0 : i32
      %dma_wait3A_272 = tpu.memref_slice %arg6[%add3A_29, %dma_wait3A_271] : memref<10240x128xf32, #tpu.memory_space<vmem_shared>> -> memref<32x128xf32, #tpu.memory_space<vmem_shared>>
      %dma_wait3A_273 = arith.constant 0 : i32
      %dma_wait3A_274 = tpu.memref_slice %arg6[%add3A_29, %dma_wait3A_273] : memref<10240x128xf32, #tpu.memory_space<vmem_shared>> -> memref<32x128xf32, #tpu.memory_space<vmem_shared>>
      tpu.wait_dma2 semaphore(%run_scoped3A : memref<!tpu.dma_semaphore, #tpu.memory_space<semaphore_mem>>) src(%arg7 : memref<32x128xf32, #tpu.memory_space<vmem>>) dst(%dma_wait3A_274 : memref<32x128xf32, #tpu.memory_space<vmem_shared>>)
      tpu.yield
    }) : () -> ()
    %add3A_30 = arith.constant 320 : i32
    %add3A_31 = arith.addi %mul3A_9, %add3A_30 : i32
    "tpu.region"() ({
      %run_scoped3A = tpu.sem_alloc : memref<!tpu.dma_semaphore, #tpu.memory_space<semaphore_mem>>
      %dma_start3A_267 = arith.constant 0 : i32
      %dma_start3A_268 = tpu.memref_slice %arg6[%add3A_31, %dma_start3A_267] : memref<10240x128xf32, #tpu.memory_space<vmem_shared>> -> memref<32x128xf32, #tpu.memory_space<vmem_shared>>
      %dma_start3A_269 = arith.constant 0 : i32
      %dma_start3A_270 = tpu.memref_slice %arg6[%add3A_31, %dma_start3A_269] : memref<10240x128xf32, #tpu.memory_space<vmem_shared>> -> memref<32x128xf32, #tpu.memory_space<vmem_shared>>
      tpu.enqueue_dma source(%arg7 : memref<32x128xf32, #tpu.memory_space<vmem>>) target(%dma_start3A_270 : memref<32x128xf32, #tpu.memory_space<vmem_shared>>) target_semaphore(%run_scoped3A : memref<!tpu.dma_semaphore, #tpu.memory_space<semaphore_mem>>)
      %dma_wait3A_271 = arith.constant 0 : i32
      %dma_wait3A_272 = tpu.memref_slice %arg6[%add3A_31, %dma_wait3A_271] : memref<10240x128xf32, #tpu.memory_space<vmem_shared>> -> memref<32x128xf32, #tpu.memory_space<vmem_shared>>
      %dma_wait3A_273 = arith.constant 0 : i32
      %dma_wait3A_274 = tpu.memref_slice %arg6[%add3A_31, %dma_wait3A_273] : memref<10240x128xf32, #tpu.memory_space<vmem_shared>> -> memref<32x128xf32, #tpu.memory_space<vmem_shared>>
      tpu.wait_dma2 semaphore(%run_scoped3A : memref<!tpu.dma_semaphore, #tpu.memory_space<semaphore_mem>>) src(%arg7 : memref<32x128xf32, #tpu.memory_space<vmem>>) dst(%dma_wait3A_274 : memref<32x128xf32, #tpu.memory_space<vmem_shared>>)
      tpu.yield
    }) : () -> ()
    %add3A_32 = arith.constant 352 : i32
    %add3A_33 = arith.addi %mul3A_9, %add3A_32 : i32
    "tpu.region"() ({
      %run_scoped3A = tpu.sem_alloc : memref<!tpu.dma_semaphore, #tpu.memory_space<semaphore_mem>>
      %dma_start3A_267 = arith.constant 0 : i32
      %dma_start3A_268 = tpu.memref_slice %arg6[%add3A_33, %dma_start3A_267] : memref<10240x128xf32, #tpu.memory_space<vmem_shared>> -> memref<32x128xf32, #tpu.memory_space<vmem_shared>>
      %dma_start3A_269 = arith.constant 0 : i32
      %dma_start3A_270 = tpu.memref_slice %arg6[%add3A_33, %dma_start3A_269] : memref<10240x128xf32, #tpu.memory_space<vmem_shared>> -> memref<32x128xf32, #tpu.memory_space<vmem_shared>>
      tpu.enqueue_dma source(%arg7 : memref<32x128xf32, #tpu.memory_space<vmem>>) target(%dma_start3A_270 : memref<32x128xf32, #tpu.memory_space<vmem_shared>>) target_semaphore(%run_scoped3A : memref<!tpu.dma_semaphore, #tpu.memory_space<semaphore_mem>>)
      %dma_wait3A_271 = arith.constant 0 : i32
      %dma_wait3A_272 = tpu.memref_slice %arg6[%add3A_33, %dma_wait3A_271] : memref<10240x128xf32, #tpu.memory_space<vmem_shared>> -> memref<32x128xf32, #tpu.memory_space<vmem_shared>>
      %dma_wait3A_273 = arith.constant 0 : i32
      %dma_wait3A_274 = tpu.memref_slice %arg6[%add3A_33, %dma_wait3A_273] : memref<10240x128xf32, #tpu.memory_space<vmem_shared>> -> memref<32x128xf32, #tpu.memory_space<vmem_shared>>
      tpu.wait_dma2 semaphore(%run_scoped3A : memref<!tpu.dma_semaphore, #tpu.memory_space<semaphore_mem>>) src(%arg7 : memref<32x128xf32, #tpu.memory_space<vmem>>) dst(%dma_wait3A_274 : memref<32x128xf32, #tpu.memory_space<vmem_shared>>)
      tpu.yield
    }) : () -> ()
    %add3A_34 = arith.constant 384 : i32
    %add3A_35 = arith.addi %mul3A_9, %add3A_34 : i32
    "tpu.region"() ({
      %run_scoped3A = tpu.sem_alloc : memref<!tpu.dma_semaphore, #tpu.memory_space<semaphore_mem>>
      %dma_start3A_267 = arith.constant 0 : i32
      %dma_start3A_268 = tpu.memref_slice %arg6[%add3A_35, %dma_start3A_267] : memref<10240x128xf32, #tpu.memory_space<vmem_shared>> -> memref<32x128xf32, #tpu.memory_space<vmem_shared>>
      %dma_start3A_269 = arith.constant 0 : i32
      %dma_start3A_270 = tpu.memref_slice %arg6[%add3A_35, %dma_start3A_269] : memref<10240x128xf32, #tpu.memory_space<vmem_shared>> -> memref<32x128xf32, #tpu.memory_space<vmem_shared>>
      tpu.enqueue_dma source(%arg7 : memref<32x128xf32, #tpu.memory_space<vmem>>) target(%dma_start3A_270 : memref<32x128xf32, #tpu.memory_space<vmem_shared>>) target_semaphore(%run_scoped3A : memref<!tpu.dma_semaphore, #tpu.memory_space<semaphore_mem>>)
      %dma_wait3A_271 = arith.constant 0 : i32
      %dma_wait3A_272 = tpu.memref_slice %arg6[%add3A_35, %dma_wait3A_271] : memref<10240x128xf32, #tpu.memory_space<vmem_shared>> -> memref<32x128xf32, #tpu.memory_space<vmem_shared>>
      %dma_wait3A_273 = arith.constant 0 : i32
      %dma_wait3A_274 = tpu.memref_slice %arg6[%add3A_35, %dma_wait3A_273] : memref<10240x128xf32, #tpu.memory_space<vmem_shared>> -> memref<32x128xf32, #tpu.memory_space<vmem_shared>>
      tpu.wait_dma2 semaphore(%run_scoped3A : memref<!tpu.dma_semaphore, #tpu.memory_space<semaphore_mem>>) src(%arg7 : memref<32x128xf32, #tpu.memory_space<vmem>>) dst(%dma_wait3A_274 : memref<32x128xf32, #tpu.memory_space<vmem_shared>>)
      tpu.yield
    }) : () -> ()
    %add3A_36 = arith.constant 416 : i32
    %add3A_37 = arith.addi %mul3A_9, %add3A_36 : i32
    "tpu.region"() ({
      %run_scoped3A = tpu.sem_alloc : memref<!tpu.dma_semaphore, #tpu.memory_space<semaphore_mem>>
      %dma_start3A_267 = arith.constant 0 : i32
      %dma_start3A_268 = tpu.memref_slice %arg6[%add3A_37, %dma_start3A_267] : memref<10240x128xf32, #tpu.memory_space<vmem_shared>> -> memref<32x128xf32, #tpu.memory_space<vmem_shared>>
      %dma_start3A_269 = arith.constant 0 : i32
      %dma_start3A_270 = tpu.memref_slice %arg6[%add3A_37, %dma_start3A_269] : memref<10240x128xf32, #tpu.memory_space<vmem_shared>> -> memref<32x128xf32, #tpu.memory_space<vmem_shared>>
      tpu.enqueue_dma source(%arg7 : memref<32x128xf32, #tpu.memory_space<vmem>>) target(%dma_start3A_270 : memref<32x128xf32, #tpu.memory_space<vmem_shared>>) target_semaphore(%run_scoped3A : memref<!tpu.dma_semaphore, #tpu.memory_space<semaphore_mem>>)
      %dma_wait3A_271 = arith.constant 0 : i32
      %dma_wait3A_272 = tpu.memref_slice %arg6[%add3A_37, %dma_wait3A_271] : memref<10240x128xf32, #tpu.memory_space<vmem_shared>> -> memref<32x128xf32, #tpu.memory_space<vmem_shared>>
      %dma_wait3A_273 = arith.constant 0 : i32
      %dma_wait3A_274 = tpu.memref_slice %arg6[%add3A_37, %dma_wait3A_273] : memref<10240x128xf32, #tpu.memory_space<vmem_shared>> -> memref<32x128xf32, #tpu.memory_space<vmem_shared>>
      tpu.wait_dma2 semaphore(%run_scoped3A : memref<!tpu.dma_semaphore, #tpu.memory_space<semaphore_mem>>) src(%arg7 : memref<32x128xf32, #tpu.memory_space<vmem>>) dst(%dma_wait3A_274 : memref<32x128xf32, #tpu.memory_space<vmem_shared>>)
      tpu.yield
    }) : () -> ()
    %add3A_38 = arith.constant 448 : i32
    %add3A_39 = arith.addi %mul3A_9, %add3A_38 : i32
    "tpu.region"() ({
      %run_scoped3A = tpu.sem_alloc : memref<!tpu.dma_semaphore, #tpu.memory_space<semaphore_mem>>
      %dma_start3A_267 = arith.constant 0 : i32
      %dma_start3A_268 = tpu.memref_slice %arg6[%add3A_39, %dma_start3A_267] : memref<10240x128xf32, #tpu.memory_space<vmem_shared>> -> memref<32x128xf32, #tpu.memory_space<vmem_shared>>
      %dma_start3A_269 = arith.constant 0 : i32
      %dma_start3A_270 = tpu.memref_slice %arg6[%add3A_39, %dma_start3A_269] : memref<10240x128xf32, #tpu.memory_space<vmem_shared>> -> memref<32x128xf32, #tpu.memory_space<vmem_shared>>
      tpu.enqueue_dma source(%arg7 : memref<32x128xf32, #tpu.memory_space<vmem>>) target(%dma_start3A_270 : memref<32x128xf32, #tpu.memory_space<vmem_shared>>) target_semaphore(%run_scoped3A : memref<!tpu.dma_semaphore, #tpu.memory_space<semaphore_mem>>)
      %dma_wait3A_271 = arith.constant 0 : i32
      %dma_wait3A_272 = tpu.memref_slice %arg6[%add3A_39, %dma_wait3A_271] : memref<10240x128xf32, #tpu.memory_space<vmem_shared>> -> memref<32x128xf32, #tpu.memory_space<vmem_shared>>
      %dma_wait3A_273 = arith.constant 0 : i32
      %dma_wait3A_274 = tpu.memref_slice %arg6[%add3A_39, %dma_wait3A_273] : memref<10240x128xf32, #tpu.memory_space<vmem_shared>> -> memref<32x128xf32, #tpu.memory_space<vmem_shared>>
      tpu.wait_dma2 semaphore(%run_scoped3A : memref<!tpu.dma_semaphore, #tpu.memory_space<semaphore_mem>>) src(%arg7 : memref<32x128xf32, #tpu.memory_space<vmem>>) dst(%dma_wait3A_274 : memref<32x128xf32, #tpu.memory_space<vmem_shared>>)
      tpu.yield
    }) : () -> ()
    %add3A_40 = arith.constant 480 : i32
    %add3A_41 = arith.addi %mul3A_9, %add3A_40 : i32
    "tpu.region"() ({
      %run_scoped3A = tpu.sem_alloc : memref<!tpu.dma_semaphore, #tpu.memory_space<semaphore_mem>>
      %dma_start3A_267 = arith.constant 0 : i32
      %dma_start3A_268 = tpu.memref_slice %arg6[%add3A_41, %dma_start3A_267] : memref<10240x128xf32, #tpu.memory_space<vmem_shared>> -> memref<32x128xf32, #tpu.memory_space<vmem_shared>>
      %dma_start3A_269 = arith.constant 0 : i32
      %dma_start3A_270 = tpu.memref_slice %arg6[%add3A_41, %dma_start3A_269] : memref<10240x128xf32, #tpu.memory_space<vmem_shared>> -> memref<32x128xf32, #tpu.memory_space<vmem_shared>>
      tpu.enqueue_dma source(%arg7 : memref<32x128xf32, #tpu.memory_space<vmem>>) target(%dma_start3A_270 : memref<32x128xf32, #tpu.memory_space<vmem_shared>>) target_semaphore(%run_scoped3A : memref<!tpu.dma_semaphore, #tpu.memory_space<semaphore_mem>>)
      %dma_wait3A_271 = arith.constant 0 : i32
      %dma_wait3A_272 = tpu.memref_slice %arg6[%add3A_41, %dma_wait3A_271] : memref<10240x128xf32, #tpu.memory_space<vmem_shared>> -> memref<32x128xf32, #tpu.memory_space<vmem_shared>>
      %dma_wait3A_273 = arith.constant 0 : i32
      %dma_wait3A_274 = tpu.memref_slice %arg6[%add3A_41, %dma_wait3A_273] : memref<10240x128xf32, #tpu.memory_space<vmem_shared>> -> memref<32x128xf32, #tpu.memory_space<vmem_shared>>
      tpu.wait_dma2 semaphore(%run_scoped3A : memref<!tpu.dma_semaphore, #tpu.memory_space<semaphore_mem>>) src(%arg7 : memref<32x128xf32, #tpu.memory_space<vmem>>) dst(%dma_wait3A_274 : memref<32x128xf32, #tpu.memory_space<vmem_shared>>)
      tpu.yield
    }) : () -> ()
    %add3A_42 = arith.constant 512 : i32
    %add3A_43 = arith.addi %mul3A_9, %add3A_42 : i32
    "tpu.region"() ({
      %run_scoped3A = tpu.sem_alloc : memref<!tpu.dma_semaphore, #tpu.memory_space<semaphore_mem>>
      %dma_start3A_267 = arith.constant 0 : i32
      %dma_start3A_268 = tpu.memref_slice %arg6[%add3A_43, %dma_start3A_267] : memref<10240x128xf32, #tpu.memory_space<vmem_shared>> -> memref<32x128xf32, #tpu.memory_space<vmem_shared>>
      %dma_start3A_269 = arith.constant 0 : i32
      %dma_start3A_270 = tpu.memref_slice %arg6[%add3A_43, %dma_start3A_269] : memref<10240x128xf32, #tpu.memory_space<vmem_shared>> -> memref<32x128xf32, #tpu.memory_space<vmem_shared>>
      tpu.enqueue_dma source(%arg7 : memref<32x128xf32, #tpu.memory_space<vmem>>) target(%dma_start3A_270 : memref<32x128xf32, #tpu.memory_space<vmem_shared>>) target_semaphore(%run_scoped3A : memref<!tpu.dma_semaphore, #tpu.memory_space<semaphore_mem>>)
      %dma_wait3A_271 = arith.constant 0 : i32
      %dma_wait3A_272 = tpu.memref_slice %arg6[%add3A_43, %dma_wait3A_271] : memref<10240x128xf32, #tpu.memory_space<vmem_shared>> -> memref<32x128xf32, #tpu.memory_space<vmem_shared>>
      %dma_wait3A_273 = arith.constant 0 : i32
      %dma_wait3A_274 = tpu.memref_slice %arg6[%add3A_43, %dma_wait3A_273] : memref<10240x128xf32, #tpu.memory_space<vmem_shared>> -> memref<32x128xf32, #tpu.memory_space<vmem_shared>>
      tpu.wait_dma2 semaphore(%run_scoped3A : memref<!tpu.dma_semaphore, #tpu.memory_space<semaphore_mem>>) src(%arg7 : memref<32x128xf32, #tpu.memory_space<vmem>>) dst(%dma_wait3A_274 : memref<32x128xf32, #tpu.memory_space<vmem_shared>>)
      tpu.yield
    }) : () -> ()
    %add3A_44 = arith.constant 544 : i32
    %add3A_45 = arith.addi %mul3A_9, %add3A_44 : i32
    "tpu.region"() ({
      %run_scoped3A = tpu.sem_alloc : memref<!tpu.dma_semaphore, #tpu.memory_space<semaphore_mem>>
      %dma_start3A_267 = arith.constant 0 : i32
      %dma_start3A_268 = tpu.memref_slice %arg6[%add3A_45, %dma_start3A_267] : memref<10240x128xf32, #tpu.memory_space<vmem_shared>> -> memref<32x128xf32, #tpu.memory_space<vmem_shared>>
      %dma_start3A_269 = arith.constant 0 : i32
      %dma_start3A_270 = tpu.memref_slice %arg6[%add3A_45, %dma_start3A_269] : memref<10240x128xf32, #tpu.memory_space<vmem_shared>> -> memref<32x128xf32, #tpu.memory_space<vmem_shared>>
      tpu.enqueue_dma source(%arg7 : memref<32x128xf32, #tpu.memory_space<vmem>>) target(%dma_start3A_270 : memref<32x128xf32, #tpu.memory_space<vmem_shared>>) target_semaphore(%run_scoped3A : memref<!tpu.dma_semaphore, #tpu.memory_space<semaphore_mem>>)
      %dma_wait3A_271 = arith.constant 0 : i32
      %dma_wait3A_272 = tpu.memref_slice %arg6[%add3A_45, %dma_wait3A_271] : memref<10240x128xf32, #tpu.memory_space<vmem_shared>> -> memref<32x128xf32, #tpu.memory_space<vmem_shared>>
      %dma_wait3A_273 = arith.constant 0 : i32
      %dma_wait3A_274 = tpu.memref_slice %arg6[%add3A_45, %dma_wait3A_273] : memref<10240x128xf32, #tpu.memory_space<vmem_shared>> -> memref<32x128xf32, #tpu.memory_space<vmem_shared>>
      tpu.wait_dma2 semaphore(%run_scoped3A : memref<!tpu.dma_semaphore, #tpu.memory_space<semaphore_mem>>) src(%arg7 : memref<32x128xf32, #tpu.memory_space<vmem>>) dst(%dma_wait3A_274 : memref<32x128xf32, #tpu.memory_space<vmem_shared>>)
      tpu.yield
    }) : () -> ()
    %add3A_46 = arith.constant 576 : i32
    %add3A_47 = arith.addi %mul3A_9, %add3A_46 : i32
    "tpu.region"() ({
      %run_scoped3A = tpu.sem_alloc : memref<!tpu.dma_semaphore, #tpu.memory_space<semaphore_mem>>
      %dma_start3A_267 = arith.constant 0 : i32
      %dma_start3A_268 = tpu.memref_slice %arg6[%add3A_47, %dma_start3A_267] : memref<10240x128xf32, #tpu.memory_space<vmem_shared>> -> memref<32x128xf32, #tpu.memory_space<vmem_shared>>
      %dma_start3A_269 = arith.constant 0 : i32
      %dma_start3A_270 = tpu.memref_slice %arg6[%add3A_47, %dma_start3A_269] : memref<10240x128xf32, #tpu.memory_space<vmem_shared>> -> memref<32x128xf32, #tpu.memory_space<vmem_shared>>
      tpu.enqueue_dma source(%arg7 : memref<32x128xf32, #tpu.memory_space<vmem>>) target(%dma_start3A_270 : memref<32x128xf32, #tpu.memory_space<vmem_shared>>) target_semaphore(%run_scoped3A : memref<!tpu.dma_semaphore, #tpu.memory_space<semaphore_mem>>)
      %dma_wait3A_271 = arith.constant 0 : i32
      %dma_wait3A_272 = tpu.memref_slice %arg6[%add3A_47, %dma_wait3A_271] : memref<10240x128xf32, #tpu.memory_space<vmem_shared>> -> memref<32x128xf32, #tpu.memory_space<vmem_shared>>
      %dma_wait3A_273 = arith.constant 0 : i32
      %dma_wait3A_274 = tpu.memref_slice %arg6[%add3A_47, %dma_wait3A_273] : memref<10240x128xf32, #tpu.memory_space<vmem_shared>> -> memref<32x128xf32, #tpu.memory_space<vmem_shared>>
      tpu.wait_dma2 semaphore(%run_scoped3A : memref<!tpu.dma_semaphore, #tpu.memory_space<semaphore_mem>>) src(%arg7 : memref<32x128xf32, #tpu.memory_space<vmem>>) dst(%dma_wait3A_274 : memref<32x128xf32, #tpu.memory_space<vmem_shared>>)
      tpu.yield
    }) : () -> ()
    %add3A_48 = arith.constant 608 : i32
    %add3A_49 = arith.addi %mul3A_9, %add3A_48 : i32
    "tpu.region"() ({
      %run_scoped3A = tpu.sem_alloc : memref<!tpu.dma_semaphore, #tpu.memory_space<semaphore_mem>>
      %dma_start3A_267 = arith.constant 0 : i32
      %dma_start3A_268 = tpu.memref_slice %arg6[%add3A_49, %dma_start3A_267] : memref<10240x128xf32, #tpu.memory_space<vmem_shared>> -> memref<32x128xf32, #tpu.memory_space<vmem_shared>>
      %dma_start3A_269 = arith.constant 0 : i32
      %dma_start3A_270 = tpu.memref_slice %arg6[%add3A_49, %dma_start3A_269] : memref<10240x128xf32, #tpu.memory_space<vmem_shared>> -> memref<32x128xf32, #tpu.memory_space<vmem_shared>>
      tpu.enqueue_dma source(%arg7 : memref<32x128xf32, #tpu.memory_space<vmem>>) target(%dma_start3A_270 : memref<32x128xf32, #tpu.memory_space<vmem_shared>>) target_semaphore(%run_scoped3A : memref<!tpu.dma_semaphore, #tpu.memory_space<semaphore_mem>>)
      %dma_wait3A_271 = arith.constant 0 : i32
      %dma_wait3A_272 = tpu.memref_slice %arg6[%add3A_49, %dma_wait3A_271] : memref<10240x128xf32, #tpu.memory_space<vmem_shared>> -> memref<32x128xf32, #tpu.memory_space<vmem_shared>>
      %dma_wait3A_273 = arith.constant 0 : i32
      %dma_wait3A_274 = tpu.memref_slice %arg6[%add3A_49, %dma_wait3A_273] : memref<10240x128xf32, #tpu.memory_space<vmem_shared>> -> memref<32x128xf32, #tpu.memory_space<vmem_shared>>
      tpu.wait_dma2 semaphore(%run_scoped3A : memref<!tpu.dma_semaphore, #tpu.memory_space<semaphore_mem>>) src(%arg7 : memref<32x128xf32, #tpu.memory_space<vmem>>) dst(%dma_wait3A_274 : memref<32x128xf32, #tpu.memory_space<vmem_shared>>)
      tpu.yield
    }) : () -> ()
    %barrier3A = arith.constant 0 : index
    tpu.barrier barrier_id(%barrier3A)
    %add3A_50 = arith.constant 0 : i32
    %add3A_51 = arith.addi %mul3A_2, %add3A_50 : i32
    %lt3A = arith.constant 2500 : i32
    %lt3A_52 = arith.cmpi slt, %add3A_51, %lt3A : i32
    %convert_element_type3A = arith.extui %lt3A_52 : i1 to i32
    %cond3A = arith.constant 0 : i32
    %cond3A_53 = arith.cmpi ne, %convert_element_type3A, %cond3A : i32
    scf.if %cond3A_53 {
      %mul3A_267 = arith.constant 128 : i32
      %mul3A_268 = arith.muli %add3A_51, %mul3A_267 : i32
      %dma_start3A_269 = arith.constant 0 : i32
      %dma_start3A_270 = arith.constant 0 : i32
      %dma_start3A_271 = arith.constant 0 : i32
      %dma_start3A_272 = arith.constant 0 : i32
      %dma_start3A_273 = tpu.memref_slice %arg8[%dma_start3A_269, %dma_start3A_271, %dma_start3A_272] : memref<8x2x128xi32, #tpu.memory_space<vmem>> -> memref<1x2x128xi32, #tpu.memory_space<vmem>>
      %dma_start3A_274 = tpu.memref_squeeze %dma_start3A_273 : memref<1x2x128xi32, #tpu.memory_space<vmem>> -> memref<2x128xi32, #tpu.memory_space<vmem>>
      %dma_start3A_275 = arith.constant 0 : i32
      %dma_start3A_276 = tpu.memref_slice %arg3[%dma_start3A_275, %mul3A_268] : memref<2x320000xi32, #tpu.memory_space<hbm>> -> memref<2x128xi32, #tpu.memory_space<hbm>>
      %dma_start3A_277 = tpu.memref_slice %arg10[%dma_start3A_270] : memref<8x!tpu.dma_semaphore, #tpu.memory_space<semaphore_mem>> -> memref<1x!tpu.dma_semaphore, #tpu.memory_space<semaphore_mem>>
      %dma_start3A_278 = tpu.memref_squeeze %dma_start3A_277 : memref<1x!tpu.dma_semaphore, #tpu.memory_space<semaphore_mem>> -> memref<!tpu.dma_semaphore, #tpu.memory_space<semaphore_mem>>
      %dma_start3A_279 = arith.constant 0 : i32
      %dma_start3A_280 = arith.constant 0 : i32
      %dma_start3A_281 = tpu.memref_slice %arg8[%dma_start3A_269, %dma_start3A_279, %dma_start3A_280] : memref<8x2x128xi32, #tpu.memory_space<vmem>> -> memref<1x2x128xi32, #tpu.memory_space<vmem>>
      %dma_start3A_282 = tpu.memref_squeeze %dma_start3A_281 : memref<1x2x128xi32, #tpu.memory_space<vmem>> -> memref<2x128xi32, #tpu.memory_space<vmem>>
      %dma_start3A_283 = arith.constant 0 : i32
      %dma_start3A_284 = tpu.memref_slice %arg3[%dma_start3A_283, %mul3A_268] : memref<2x320000xi32, #tpu.memory_space<hbm>> -> memref<2x128xi32, #tpu.memory_space<hbm>>
      tpu.enqueue_dma source(%dma_start3A_284 : memref<2x128xi32, #tpu.memory_space<hbm>>) target(%dma_start3A_282 : memref<2x128xi32, #tpu.memory_space<vmem>>) target_semaphore(%dma_start3A_278 : memref<!tpu.dma_semaphore, #tpu.memory_space<semaphore_mem>>)
    } else {
    }
    %ge3A = arith.constant 2500 : i32
    %ge3A_54 = arith.cmpi sge, %add3A_51, %ge3A : i32
    %convert_element_type3A_55 = arith.extui %ge3A_54 : i1 to i32
    %cond3A_56 = arith.constant 0 : i32
    %cond3A_57 = arith.cmpi ne, %convert_element_type3A_55, %cond3A_56 : i32
    scf.if %cond3A_57 {
      %sub3A = arith.constant 2500 : i32
      %sub3A_267 = arith.subi %add3A_51, %sub3A : i32
      %dma_start3A_268 = arith.constant 0 : i32
      %dma_start3A_269 = arith.constant 0 : i32
      %dma_start3A_270 = arith.constant 0 : i32
      %dma_start3A_271 = arith.constant 0 : i32
      %dma_start3A_272 = tpu.memref_slice %arg8[%dma_start3A_268, %dma_start3A_270, %dma_start3A_271] : memref<8x2x128xi32, #tpu.memory_space<vmem>> -> memref<1x2x128xi32, #tpu.memory_space<vmem>>
      %dma_start3A_273 = tpu.memref_squeeze %dma_start3A_272 : memref<1x2x128xi32, #tpu.memory_space<vmem>> -> memref<2x128xi32, #tpu.memory_space<vmem>>
      %dma_start3A_274 = arith.constant 0 : i32
      %dma_start3A_275 = arith.constant 0 : i32
      %dma_start3A_276 = tpu.memref_slice %arg4[%sub3A_267, %dma_start3A_274, %dma_start3A_275] : memref<60x2x128xi32, #tpu.memory_space<hbm>> -> memref<1x2x128xi32, #tpu.memory_space<hbm>>
      %dma_start3A_277 = tpu.memref_squeeze %dma_start3A_276 : memref<1x2x128xi32, #tpu.memory_space<hbm>> -> memref<2x128xi32, #tpu.memory_space<hbm>>
      %dma_start3A_278 = tpu.memref_slice %arg10[%dma_start3A_269] : memref<8x!tpu.dma_semaphore, #tpu.memory_space<semaphore_mem>> -> memref<1x!tpu.dma_semaphore, #tpu.memory_space<semaphore_mem>>
      %dma_start3A_279 = tpu.memref_squeeze %dma_start3A_278 : memref<1x!tpu.dma_semaphore, #tpu.memory_space<semaphore_mem>> -> memref<!tpu.dma_semaphore, #tpu.memory_space<semaphore_mem>>
      %dma_start3A_280 = arith.constant 0 : i32
      %dma_start3A_281 = arith.constant 0 : i32
      %dma_start3A_282 = tpu.memref_slice %arg8[%dma_start3A_268, %dma_start3A_280, %dma_start3A_281] : memref<8x2x128xi32, #tpu.memory_space<vmem>> -> memref<1x2x128xi32, #tpu.memory_space<vmem>>
      %dma_start3A_283 = tpu.memref_squeeze %dma_start3A_282 : memref<1x2x128xi32, #tpu.memory_space<vmem>> -> memref<2x128xi32, #tpu.memory_space<vmem>>
      %dma_start3A_284 = arith.constant 0 : i32
      %dma_start3A_285 = arith.constant 0 : i32
      %dma_start3A_286 = tpu.memref_slice %arg4[%sub3A_267, %dma_start3A_284, %dma_start3A_285] : memref<60x2x128xi32, #tpu.memory_space<hbm>> -> memref<1x2x128xi32, #tpu.memory_space<hbm>>
      %dma_start3A_287 = tpu.memref_squeeze %dma_start3A_286 : memref<1x2x128xi32, #tpu.memory_space<hbm>> -> memref<2x128xi32, #tpu.memory_space<hbm>>
      tpu.enqueue_dma source(%dma_start3A_287 : memref<2x128xi32, #tpu.memory_space<hbm>>) target(%dma_start3A_283 : memref<2x128xi32, #tpu.memory_space<vmem>>) target_semaphore(%dma_start3A_279 : memref<!tpu.dma_semaphore, #tpu.memory_space<semaphore_mem>>)
    } else {
    }
    %add3A_58 = arith.constant 1 : i32
    %add3A_59 = arith.addi %mul3A_2, %add3A_58 : i32
    %lt3A_60 = arith.constant 2500 : i32
    %lt3A_61 = arith.cmpi slt, %add3A_59, %lt3A_60 : i32
    %convert_element_type3A_62 = arith.extui %lt3A_61 : i1 to i32
    %cond3A_63 = arith.constant 0 : i32
    %cond3A_64 = arith.cmpi ne, %convert_element_type3A_62, %cond3A_63 : i32
    scf.if %cond3A_64 {
      %mul3A_267 = arith.constant 128 : i32
      %mul3A_268 = arith.muli %add3A_59, %mul3A_267 : i32
      %dma_start3A_269 = arith.constant 1 : i32
      %dma_start3A_270 = arith.constant 1 : i32
      %dma_start3A_271 = arith.constant 0 : i32
      %dma_start3A_272 = arith.constant 0 : i32
      %dma_start3A_273 = tpu.memref_slice %arg8[%dma_start3A_269, %dma_start3A_271, %dma_start3A_272] : memref<8x2x128xi32, #tpu.memory_space<vmem>> -> memref<1x2x128xi32, #tpu.memory_space<vmem>>
      %dma_start3A_274 = tpu.memref_squeeze %dma_start3A_273 : memref<1x2x128xi32, #tpu.memory_space<vmem>> -> memref<2x128xi32, #tpu.memory_space<vmem>>
      %dma_start3A_275 = arith.constant 0 : i32
      %dma_start3A_276 = tpu.memref_slice %arg3[%dma_start3A_275, %mul3A_268] : memref<2x320000xi32, #tpu.memory_space<hbm>> -> memref<2x128xi32, #tpu.memory_space<hbm>>
      %dma_start3A_277 = tpu.memref_slice %arg10[%dma_start3A_270] : memref<8x!tpu.dma_semaphore, #tpu.memory_space<semaphore_mem>> -> memref<1x!tpu.dma_semaphore, #tpu.memory_space<semaphore_mem>>
      %dma_start3A_278 = tpu.memref_squeeze %dma_start3A_277 : memref<1x!tpu.dma_semaphore, #tpu.memory_space<semaphore_mem>> -> memref<!tpu.dma_semaphore, #tpu.memory_space<semaphore_mem>>
      %dma_start3A_279 = arith.constant 0 : i32
      %dma_start3A_280 = arith.constant 0 : i32
      %dma_start3A_281 = tpu.memref_slice %arg8[%dma_start3A_269, %dma_start3A_279, %dma_start3A_280] : memref<8x2x128xi32, #tpu.memory_space<vmem>> -> memref<1x2x128xi32, #tpu.memory_space<vmem>>
      %dma_start3A_282 = tpu.memref_squeeze %dma_start3A_281 : memref<1x2x128xi32, #tpu.memory_space<vmem>> -> memref<2x128xi32, #tpu.memory_space<vmem>>
      %dma_start3A_283 = arith.constant 0 : i32
      %dma_start3A_284 = tpu.memref_slice %arg3[%dma_start3A_283, %mul3A_268] : memref<2x320000xi32, #tpu.memory_space<hbm>> -> memref<2x128xi32, #tpu.memory_space<hbm>>
      tpu.enqueue_dma source(%dma_start3A_284 : memref<2x128xi32, #tpu.memory_space<hbm>>) target(%dma_start3A_282 : memref<2x128xi32, #tpu.memory_space<vmem>>) target_semaphore(%dma_start3A_278 : memref<!tpu.dma_semaphore, #tpu.memory_space<semaphore_mem>>)
    } else {
    }
    %ge3A_65 = arith.constant 2500 : i32
    %ge3A_66 = arith.cmpi sge, %add3A_59, %ge3A_65 : i32
    %convert_element_type3A_67 = arith.extui %ge3A_66 : i1 to i32
    %cond3A_68 = arith.constant 0 : i32
    %cond3A_69 = arith.cmpi ne, %convert_element_type3A_67, %cond3A_68 : i32
    scf.if %cond3A_69 {
      %sub3A = arith.constant 2500 : i32
      %sub3A_267 = arith.subi %add3A_59, %sub3A : i32
      %dma_start3A_268 = arith.constant 1 : i32
      %dma_start3A_269 = arith.constant 1 : i32
      %dma_start3A_270 = arith.constant 0 : i32
      %dma_start3A_271 = arith.constant 0 : i32
      %dma_start3A_272 = tpu.memref_slice %arg8[%dma_start3A_268, %dma_start3A_270, %dma_start3A_271] : memref<8x2x128xi32, #tpu.memory_space<vmem>> -> memref<1x2x128xi32, #tpu.memory_space<vmem>>
      %dma_start3A_273 = tpu.memref_squeeze %dma_start3A_272 : memref<1x2x128xi32, #tpu.memory_space<vmem>> -> memref<2x128xi32, #tpu.memory_space<vmem>>
      %dma_start3A_274 = arith.constant 0 : i32
      %dma_start3A_275 = arith.constant 0 : i32
      %dma_start3A_276 = tpu.memref_slice %arg4[%sub3A_267, %dma_start3A_274, %dma_start3A_275] : memref<60x2x128xi32, #tpu.memory_space<hbm>> -> memref<1x2x128xi32, #tpu.memory_space<hbm>>
      %dma_start3A_277 = tpu.memref_squeeze %dma_start3A_276 : memref<1x2x128xi32, #tpu.memory_space<hbm>> -> memref<2x128xi32, #tpu.memory_space<hbm>>
      %dma_start3A_278 = tpu.memref_slice %arg10[%dma_start3A_269] : memref<8x!tpu.dma_semaphore, #tpu.memory_space<semaphore_mem>> -> memref<1x!tpu.dma_semaphore, #tpu.memory_space<semaphore_mem>>
      %dma_start3A_279 = tpu.memref_squeeze %dma_start3A_278 : memref<1x!tpu.dma_semaphore, #tpu.memory_space<semaphore_mem>> -> memref<!tpu.dma_semaphore, #tpu.memory_space<semaphore_mem>>
      %dma_start3A_280 = arith.constant 0 : i32
      %dma_start3A_281 = arith.constant 0 : i32
      %dma_start3A_282 = tpu.memref_slice %arg8[%dma_start3A_268, %dma_start3A_280, %dma_start3A_281] : memref<8x2x128xi32, #tpu.memory_space<vmem>> -> memref<1x2x128xi32, #tpu.memory_space<vmem>>
      %dma_start3A_283 = tpu.memref_squeeze %dma_start3A_282 : memref<1x2x128xi32, #tpu.memory_space<vmem>> -> memref<2x128xi32, #tpu.memory_space<vmem>>
      %dma_start3A_284 = arith.constant 0 : i32
      %dma_start3A_285 = arith.constant 0 : i32
      %dma_start3A_286 = tpu.memref_slice %arg4[%sub3A_267, %dma_start3A_284, %dma_start3A_285] : memref<60x2x128xi32, #tpu.memory_space<hbm>> -> memref<1x2x128xi32, #tpu.memory_space<hbm>>
      %dma_start3A_287 = tpu.memref_squeeze %dma_start3A_286 : memref<1x2x128xi32, #tpu.memory_space<hbm>> -> memref<2x128xi32, #tpu.memory_space<hbm>>
      tpu.enqueue_dma source(%dma_start3A_287 : memref<2x128xi32, #tpu.memory_space<hbm>>) target(%dma_start3A_283 : memref<2x128xi32, #tpu.memory_space<vmem>>) target_semaphore(%dma_start3A_279 : memref<!tpu.dma_semaphore, #tpu.memory_space<semaphore_mem>>)
    } else {
    }
    %add3A_70 = arith.constant 2 : i32
    %add3A_71 = arith.addi %mul3A_2, %add3A_70 : i32
    %lt3A_72 = arith.constant 2500 : i32
    %lt3A_73 = arith.cmpi slt, %add3A_71, %lt3A_72 : i32
    %convert_element_type3A_74 = arith.extui %lt3A_73 : i1 to i32
    %cond3A_75 = arith.constant 0 : i32
    %cond3A_76 = arith.cmpi ne, %convert_element_type3A_74, %cond3A_75 : i32
    scf.if %cond3A_76 {
      %mul3A_267 = arith.constant 128 : i32
      %mul3A_268 = arith.muli %add3A_71, %mul3A_267 : i32
      %dma_start3A_269 = arith.constant 2 : i32
      %dma_start3A_270 = arith.constant 2 : i32
      %dma_start3A_271 = arith.constant 0 : i32
      %dma_start3A_272 = arith.constant 0 : i32
      %dma_start3A_273 = tpu.memref_slice %arg8[%dma_start3A_269, %dma_start3A_271, %dma_start3A_272] : memref<8x2x128xi32, #tpu.memory_space<vmem>> -> memref<1x2x128xi32, #tpu.memory_space<vmem>>
      %dma_start3A_274 = tpu.memref_squeeze %dma_start3A_273 : memref<1x2x128xi32, #tpu.memory_space<vmem>> -> memref<2x128xi32, #tpu.memory_space<vmem>>
      %dma_start3A_275 = arith.constant 0 : i32
      %dma_start3A_276 = tpu.memref_slice %arg3[%dma_start3A_275, %mul3A_268] : memref<2x320000xi32, #tpu.memory_space<hbm>> -> memref<2x128xi32, #tpu.memory_space<hbm>>
      %dma_start3A_277 = tpu.memref_slice %arg10[%dma_start3A_270] : memref<8x!tpu.dma_semaphore, #tpu.memory_space<semaphore_mem>> -> memref<1x!tpu.dma_semaphore, #tpu.memory_space<semaphore_mem>>
      %dma_start3A_278 = tpu.memref_squeeze %dma_start3A_277 : memref<1x!tpu.dma_semaphore, #tpu.memory_space<semaphore_mem>> -> memref<!tpu.dma_semaphore, #tpu.memory_space<semaphore_mem>>
      %dma_start3A_279 = arith.constant 0 : i32
      %dma_start3A_280 = arith.constant 0 : i32
      %dma_start3A_281 = tpu.memref_slice %arg8[%dma_start3A_269, %dma_start3A_279, %dma_start3A_280] : memref<8x2x128xi32, #tpu.memory_space<vmem>> -> memref<1x2x128xi32, #tpu.memory_space<vmem>>
      %dma_start3A_282 = tpu.memref_squeeze %dma_start3A_281 : memref<1x2x128xi32, #tpu.memory_space<vmem>> -> memref<2x128xi32, #tpu.memory_space<vmem>>
      %dma_start3A_283 = arith.constant 0 : i32
      %dma_start3A_284 = tpu.memref_slice %arg3[%dma_start3A_283, %mul3A_268] : memref<2x320000xi32, #tpu.memory_space<hbm>> -> memref<2x128xi32, #tpu.memory_space<hbm>>
      tpu.enqueue_dma source(%dma_start3A_284 : memref<2x128xi32, #tpu.memory_space<hbm>>) target(%dma_start3A_282 : memref<2x128xi32, #tpu.memory_space<vmem>>) target_semaphore(%dma_start3A_278 : memref<!tpu.dma_semaphore, #tpu.memory_space<semaphore_mem>>)
    } else {
    }
    %ge3A_77 = arith.constant 2500 : i32
    %ge3A_78 = arith.cmpi sge, %add3A_71, %ge3A_77 : i32
    %convert_element_type3A_79 = arith.extui %ge3A_78 : i1 to i32
    %cond3A_80 = arith.constant 0 : i32
    %cond3A_81 = arith.cmpi ne, %convert_element_type3A_79, %cond3A_80 : i32
    scf.if %cond3A_81 {
      %sub3A = arith.constant 2500 : i32
      %sub3A_267 = arith.subi %add3A_71, %sub3A : i32
      %dma_start3A_268 = arith.constant 2 : i32
      %dma_start3A_269 = arith.constant 2 : i32
      %dma_start3A_270 = arith.constant 0 : i32
      %dma_start3A_271 = arith.constant 0 : i32
      %dma_start3A_272 = tpu.memref_slice %arg8[%dma_start3A_268, %dma_start3A_270, %dma_start3A_271] : memref<8x2x128xi32, #tpu.memory_space<vmem>> -> memref<1x2x128xi32, #tpu.memory_space<vmem>>
      %dma_start3A_273 = tpu.memref_squeeze %dma_start3A_272 : memref<1x2x128xi32, #tpu.memory_space<vmem>> -> memref<2x128xi32, #tpu.memory_space<vmem>>
      %dma_start3A_274 = arith.constant 0 : i32
      %dma_start3A_275 = arith.constant 0 : i32
      %dma_start3A_276 = tpu.memref_slice %arg4[%sub3A_267, %dma_start3A_274, %dma_start3A_275] : memref<60x2x128xi32, #tpu.memory_space<hbm>> -> memref<1x2x128xi32, #tpu.memory_space<hbm>>
      %dma_start3A_277 = tpu.memref_squeeze %dma_start3A_276 : memref<1x2x128xi32, #tpu.memory_space<hbm>> -> memref<2x128xi32, #tpu.memory_space<hbm>>
      %dma_start3A_278 = tpu.memref_slice %arg10[%dma_start3A_269] : memref<8x!tpu.dma_semaphore, #tpu.memory_space<semaphore_mem>> -> memref<1x!tpu.dma_semaphore, #tpu.memory_space<semaphore_mem>>
      %dma_start3A_279 = tpu.memref_squeeze %dma_start3A_278 : memref<1x!tpu.dma_semaphore, #tpu.memory_space<semaphore_mem>> -> memref<!tpu.dma_semaphore, #tpu.memory_space<semaphore_mem>>
      %dma_start3A_280 = arith.constant 0 : i32
      %dma_start3A_281 = arith.constant 0 : i32
      %dma_start3A_282 = tpu.memref_slice %arg8[%dma_start3A_268, %dma_start3A_280, %dma_start3A_281] : memref<8x2x128xi32, #tpu.memory_space<vmem>> -> memref<1x2x128xi32, #tpu.memory_space<vmem>>
      %dma_start3A_283 = tpu.memref_squeeze %dma_start3A_282 : memref<1x2x128xi32, #tpu.memory_space<vmem>> -> memref<2x128xi32, #tpu.memory_space<vmem>>
      %dma_start3A_284 = arith.constant 0 : i32
      %dma_start3A_285 = arith.constant 0 : i32
      %dma_start3A_286 = tpu.memref_slice %arg4[%sub3A_267, %dma_start3A_284, %dma_start3A_285] : memref<60x2x128xi32, #tpu.memory_space<hbm>> -> memref<1x2x128xi32, #tpu.memory_space<hbm>>
      %dma_start3A_287 = tpu.memref_squeeze %dma_start3A_286 : memref<1x2x128xi32, #tpu.memory_space<hbm>> -> memref<2x128xi32, #tpu.memory_space<hbm>>
      tpu.enqueue_dma source(%dma_start3A_287 : memref<2x128xi32, #tpu.memory_space<hbm>>) target(%dma_start3A_283 : memref<2x128xi32, #tpu.memory_space<vmem>>) target_semaphore(%dma_start3A_279 : memref<!tpu.dma_semaphore, #tpu.memory_space<semaphore_mem>>)
    } else {
    }
    %add3A_82 = arith.constant 3 : i32
    %add3A_83 = arith.addi %mul3A_2, %add3A_82 : i32
    %lt3A_84 = arith.constant 2500 : i32
    %lt3A_85 = arith.cmpi slt, %add3A_83, %lt3A_84 : i32
    %convert_element_type3A_86 = arith.extui %lt3A_85 : i1 to i32
    %cond3A_87 = arith.constant 0 : i32
    %cond3A_88 = arith.cmpi ne, %convert_element_type3A_86, %cond3A_87 : i32
    scf.if %cond3A_88 {
      %mul3A_267 = arith.constant 128 : i32
      %mul3A_268 = arith.muli %add3A_83, %mul3A_267 : i32
      %dma_start3A_269 = arith.constant 3 : i32
      %dma_start3A_270 = arith.constant 3 : i32
      %dma_start3A_271 = arith.constant 0 : i32
      %dma_start3A_272 = arith.constant 0 : i32
      %dma_start3A_273 = tpu.memref_slice %arg8[%dma_start3A_269, %dma_start3A_271, %dma_start3A_272] : memref<8x2x128xi32, #tpu.memory_space<vmem>> -> memref<1x2x128xi32, #tpu.memory_space<vmem>>
      %dma_start3A_274 = tpu.memref_squeeze %dma_start3A_273 : memref<1x2x128xi32, #tpu.memory_space<vmem>> -> memref<2x128xi32, #tpu.memory_space<vmem>>
      %dma_start3A_275 = arith.constant 0 : i32
      %dma_start3A_276 = tpu.memref_slice %arg3[%dma_start3A_275, %mul3A_268] : memref<2x320000xi32, #tpu.memory_space<hbm>> -> memref<2x128xi32, #tpu.memory_space<hbm>>
      %dma_start3A_277 = tpu.memref_slice %arg10[%dma_start3A_270] : memref<8x!tpu.dma_semaphore, #tpu.memory_space<semaphore_mem>> -> memref<1x!tpu.dma_semaphore, #tpu.memory_space<semaphore_mem>>
      %dma_start3A_278 = tpu.memref_squeeze %dma_start3A_277 : memref<1x!tpu.dma_semaphore, #tpu.memory_space<semaphore_mem>> -> memref<!tpu.dma_semaphore, #tpu.memory_space<semaphore_mem>>
      %dma_start3A_279 = arith.constant 0 : i32
      %dma_start3A_280 = arith.constant 0 : i32
      %dma_start3A_281 = tpu.memref_slice %arg8[%dma_start3A_269, %dma_start3A_279, %dma_start3A_280] : memref<8x2x128xi32, #tpu.memory_space<vmem>> -> memref<1x2x128xi32, #tpu.memory_space<vmem>>
      %dma_start3A_282 = tpu.memref_squeeze %dma_start3A_281 : memref<1x2x128xi32, #tpu.memory_space<vmem>> -> memref<2x128xi32, #tpu.memory_space<vmem>>
      %dma_start3A_283 = arith.constant 0 : i32
      %dma_start3A_284 = tpu.memref_slice %arg3[%dma_start3A_283, %mul3A_268] : memref<2x320000xi32, #tpu.memory_space<hbm>> -> memref<2x128xi32, #tpu.memory_space<hbm>>
      tpu.enqueue_dma source(%dma_start3A_284 : memref<2x128xi32, #tpu.memory_space<hbm>>) target(%dma_start3A_282 : memref<2x128xi32, #tpu.memory_space<vmem>>) target_semaphore(%dma_start3A_278 : memref<!tpu.dma_semaphore, #tpu.memory_space<semaphore_mem>>)
    } else {
    }
    %ge3A_89 = arith.constant 2500 : i32
    %ge3A_90 = arith.cmpi sge, %add3A_83, %ge3A_89 : i32
    %convert_element_type3A_91 = arith.extui %ge3A_90 : i1 to i32
    %cond3A_92 = arith.constant 0 : i32
    %cond3A_93 = arith.cmpi ne, %convert_element_type3A_91, %cond3A_92 : i32
    scf.if %cond3A_93 {
      %sub3A = arith.constant 2500 : i32
      %sub3A_267 = arith.subi %add3A_83, %sub3A : i32
      %dma_start3A_268 = arith.constant 3 : i32
      %dma_start3A_269 = arith.constant 3 : i32
      %dma_start3A_270 = arith.constant 0 : i32
      %dma_start3A_271 = arith.constant 0 : i32
      %dma_start3A_272 = tpu.memref_slice %arg8[%dma_start3A_268, %dma_start3A_270, %dma_start3A_271] : memref<8x2x128xi32, #tpu.memory_space<vmem>> -> memref<1x2x128xi32, #tpu.memory_space<vmem>>
      %dma_start3A_273 = tpu.memref_squeeze %dma_start3A_272 : memref<1x2x128xi32, #tpu.memory_space<vmem>> -> memref<2x128xi32, #tpu.memory_space<vmem>>
      %dma_start3A_274 = arith.constant 0 : i32
      %dma_start3A_275 = arith.constant 0 : i32
      %dma_start3A_276 = tpu.memref_slice %arg4[%sub3A_267, %dma_start3A_274, %dma_start3A_275] : memref<60x2x128xi32, #tpu.memory_space<hbm>> -> memref<1x2x128xi32, #tpu.memory_space<hbm>>
      %dma_start3A_277 = tpu.memref_squeeze %dma_start3A_276 : memref<1x2x128xi32, #tpu.memory_space<hbm>> -> memref<2x128xi32, #tpu.memory_space<hbm>>
      %dma_start3A_278 = tpu.memref_slice %arg10[%dma_start3A_269] : memref<8x!tpu.dma_semaphore, #tpu.memory_space<semaphore_mem>> -> memref<1x!tpu.dma_semaphore, #tpu.memory_space<semaphore_mem>>
      %dma_start3A_279 = tpu.memref_squeeze %dma_start3A_278 : memref<1x!tpu.dma_semaphore, #tpu.memory_space<semaphore_mem>> -> memref<!tpu.dma_semaphore, #tpu.memory_space<semaphore_mem>>
      %dma_start3A_280 = arith.constant 0 : i32
      %dma_start3A_281 = arith.constant 0 : i32
      %dma_start3A_282 = tpu.memref_slice %arg8[%dma_start3A_268, %dma_start3A_280, %dma_start3A_281] : memref<8x2x128xi32, #tpu.memory_space<vmem>> -> memref<1x2x128xi32, #tpu.memory_space<vmem>>
      %dma_start3A_283 = tpu.memref_squeeze %dma_start3A_282 : memref<1x2x128xi32, #tpu.memory_space<vmem>> -> memref<2x128xi32, #tpu.memory_space<vmem>>
      %dma_start3A_284 = arith.constant 0 : i32
      %dma_start3A_285 = arith.constant 0 : i32
      %dma_start3A_286 = tpu.memref_slice %arg4[%sub3A_267, %dma_start3A_284, %dma_start3A_285] : memref<60x2x128xi32, #tpu.memory_space<hbm>> -> memref<1x2x128xi32, #tpu.memory_space<hbm>>
      %dma_start3A_287 = tpu.memref_squeeze %dma_start3A_286 : memref<1x2x128xi32, #tpu.memory_space<hbm>> -> memref<2x128xi32, #tpu.memory_space<hbm>>
      tpu.enqueue_dma source(%dma_start3A_287 : memref<2x128xi32, #tpu.memory_space<hbm>>) target(%dma_start3A_283 : memref<2x128xi32, #tpu.memory_space<vmem>>) target_semaphore(%dma_start3A_279 : memref<!tpu.dma_semaphore, #tpu.memory_space<semaphore_mem>>)
    } else {
    }
    %dma_wait3A = arith.constant 0 : i32
    %dma_wait3A_94 = arith.constant 0 : i32
    %dma_wait3A_95 = arith.constant 0 : i32
    %dma_wait3A_96 = arith.constant 0 : i32
    %dma_wait3A_97 = arith.constant 0 : i32
    %dma_wait3A_98 = tpu.memref_slice %arg8[%dma_wait3A_94, %dma_wait3A_96, %dma_wait3A_97] : memref<8x2x128xi32, #tpu.memory_space<vmem>> -> memref<1x2x128xi32, #tpu.memory_space<vmem>>
    %dma_wait3A_99 = tpu.memref_squeeze %dma_wait3A_98 : memref<1x2x128xi32, #tpu.memory_space<vmem>> -> memref<2x128xi32, #tpu.memory_space<vmem>>
    %dma_wait3A_100 = arith.constant 0 : i32
    %dma_wait3A_101 = arith.constant 0 : i32
    %dma_wait3A_102 = tpu.memref_slice %arg4[%dma_wait3A, %dma_wait3A_100, %dma_wait3A_101] : memref<60x2x128xi32, #tpu.memory_space<hbm>> -> memref<1x2x128xi32, #tpu.memory_space<hbm>>
    %dma_wait3A_103 = tpu.memref_squeeze %dma_wait3A_102 : memref<1x2x128xi32, #tpu.memory_space<hbm>> -> memref<2x128xi32, #tpu.memory_space<hbm>>
    %dma_wait3A_104 = tpu.memref_slice %arg10[%dma_wait3A_95] : memref<8x!tpu.dma_semaphore, #tpu.memory_space<semaphore_mem>> -> memref<1x!tpu.dma_semaphore, #tpu.memory_space<semaphore_mem>>
    %dma_wait3A_105 = tpu.memref_squeeze %dma_wait3A_104 : memref<1x!tpu.dma_semaphore, #tpu.memory_space<semaphore_mem>> -> memref<!tpu.dma_semaphore, #tpu.memory_space<semaphore_mem>>
    %dma_wait3A_106 = arith.constant 0 : i32
    %dma_wait3A_107 = arith.constant 0 : i32
    %dma_wait3A_108 = tpu.memref_slice %arg8[%dma_wait3A_94, %dma_wait3A_106, %dma_wait3A_107] : memref<8x2x128xi32, #tpu.memory_space<vmem>> -> memref<1x2x128xi32, #tpu.memory_space<vmem>>
    %dma_wait3A_109 = tpu.memref_squeeze %dma_wait3A_108 : memref<1x2x128xi32, #tpu.memory_space<vmem>> -> memref<2x128xi32, #tpu.memory_space<vmem>>
    %dma_wait3A_110 = arith.constant 0 : i32
    %dma_wait3A_111 = arith.constant 0 : i32
    %dma_wait3A_112 = tpu.memref_slice %arg4[%dma_wait3A, %dma_wait3A_110, %dma_wait3A_111] : memref<60x2x128xi32, #tpu.memory_space<hbm>> -> memref<1x2x128xi32, #tpu.memory_space<hbm>>
    %dma_wait3A_113 = tpu.memref_squeeze %dma_wait3A_112 : memref<1x2x128xi32, #tpu.memory_space<hbm>> -> memref<2x128xi32, #tpu.memory_space<hbm>>
    tpu.wait_dma2 semaphore(%dma_wait3A_105 : memref<!tpu.dma_semaphore, #tpu.memory_space<semaphore_mem>>) src(%dma_wait3A_113 : memref<2x128xi32, #tpu.memory_space<hbm>>) dst(%dma_wait3A_109 : memref<2x128xi32, #tpu.memory_space<vmem>>)
    %dma_start3A = arith.constant 0 : i32
    %dma_start3A_114 = arith.constant 0 : i32
    %dma_start3A_115 = arith.constant 0 : i32
    %dma_start3A_116 = arith.constant 0 : i32
    %dma_start3A_117 = arith.constant 0 : i32
    %dma_start3A_118 = arith.constant 0 : i32
    %dma_start3A_119 = tpu.memref_slice %arg9[%dma_start3A_115, %dma_start3A_117, %dma_start3A_118] : memref<2x128x128xf32, #tpu.memory_space<vmem>> -> memref<1x128x128xf32, #tpu.memory_space<vmem>>
    %dma_start3A_120 = tpu.memref_squeeze %dma_start3A_119 : memref<1x128x128xf32, #tpu.memory_space<vmem>> -> memref<128x128xf32, #tpu.memory_space<vmem>>
    %dma_start3A_121 = arith.constant 0 : i32
    %dma_start3A_122 = tpu.memref_slice %arg8[%dma_start3A, %dma_start3A_114, %dma_start3A_121] : memref<8x2x128xi32, #tpu.memory_space<vmem>> -> memref<1x1x128xi32, #tpu.memory_space<vmem>>
    %dma_start3A_123 = tpu.memref_squeeze %dma_start3A_122 : memref<1x1x128xi32, #tpu.memory_space<vmem>> -> memref<128xi32, #tpu.memory_space<vmem>>
    %dma_start3A_124 = arith.constant 0 : i32
    %dma_start3A_125 = arith.constant 0 : i32
    %dma_start3A_126 = tpu.memref_slice %arg2[%dma_start3A_124, %dma_start3A_125] : memref<10000x128xf32, #tpu.memory_space<hbm>> -> memref<10000x128xf32, #tpu.memory_space<hbm>>
    %dma_start3A_127 = tpu.memref_slice %arg11[%dma_start3A_116] : memref<2x!tpu.dma_semaphore, #tpu.memory_space<semaphore_mem>> -> memref<1x!tpu.dma_semaphore, #tpu.memory_space<semaphore_mem>>
    %dma_start3A_128 = tpu.memref_squeeze %dma_start3A_127 : memref<1x!tpu.dma_semaphore, #tpu.memory_space<semaphore_mem>> -> memref<!tpu.dma_semaphore, #tpu.memory_space<semaphore_mem>>
    tpu.enqueue_indirect_dma source(%dma_start3A_126 : memref<10000x128xf32, #tpu.memory_space<hbm>>) target(%dma_start3A_120 : memref<128x128xf32, #tpu.memory_space<vmem>>) offsets(%dma_start3A_123 : memref<128xi32, #tpu.memory_space<vmem>>) semaphore(%dma_start3A_128 : memref<!tpu.dma_semaphore, #tpu.memory_space<semaphore_mem>>)
    %scan3A_129 = arith.constant 0 : i32
    %scan3A_130 = arith.constant 10 : i32
    %scan3A_131 = arith.addi %scan3A_129, %scan3A_130 : i32
    %scan3A_132 = arith.constant 1 : i32
    scf.for %scan3A_267 = %scan3A_129 to %scan3A_131 step %scan3A_132  : i32 {
      %mul3A_268 = arith.constant 1 : i32
      %mul3A_269 = arith.muli %scan3A_267, %mul3A_268 : i32
      %add3A_270 = arith.constant 0 : i32
      %add3A_271 = arith.addi %add3A_270, %mul3A_269 : i32
      %mul3A_272 = arith.constant 8 : i32
      %mul3A_273 = arith.muli %add3A_271, %mul3A_272 : i32
      %add3A_274 = arith.constant 0 : i32
      %add3A_275 = arith.addi %mul3A_273, %add3A_274 : i32
      %add3A_276 = arith.constant 4 : i32
      %add3A_277 = arith.addi %add3A_275, %add3A_276 : i32
      %add3A_278 = arith.addi %mul3A_2, %add3A_277 : i32
      %lt3A_279 = arith.constant 2500 : i32
      %lt3A_280 = arith.cmpi slt, %add3A_278, %lt3A_279 : i32
      %convert_element_type3A_281 = arith.extui %lt3A_280 : i1 to i32
      %cond3A_282 = arith.constant 0 : i32
      %cond3A_283 = arith.cmpi ne, %convert_element_type3A_281, %cond3A_282 : i32
      scf.if %cond3A_283 {
        %mul3A_963 = arith.constant 128 : i32
        %mul3A_964 = arith.muli %add3A_278, %mul3A_963 : i32
        %dma_start3A_965 = arith.constant 4 : i32
        %dma_start3A_966 = arith.constant 4 : i32
        %dma_start3A_967 = arith.constant 0 : i32
        %dma_start3A_968 = arith.constant 0 : i32
        %dma_start3A_969 = tpu.memref_slice %arg8[%dma_start3A_965, %dma_start3A_967, %dma_start3A_968] : memref<8x2x128xi32, #tpu.memory_space<vmem>> -> memref<1x2x128xi32, #tpu.memory_space<vmem>>
        %dma_start3A_970 = tpu.memref_squeeze %dma_start3A_969 : memref<1x2x128xi32, #tpu.memory_space<vmem>> -> memref<2x128xi32, #tpu.memory_space<vmem>>
        %dma_start3A_971 = arith.constant 0 : i32
        %dma_start3A_972 = tpu.memref_slice %arg3[%dma_start3A_971, %mul3A_964] : memref<2x320000xi32, #tpu.memory_space<hbm>> -> memref<2x128xi32, #tpu.memory_space<hbm>>
        %dma_start3A_973 = tpu.memref_slice %arg10[%dma_start3A_966] : memref<8x!tpu.dma_semaphore, #tpu.memory_space<semaphore_mem>> -> memref<1x!tpu.dma_semaphore, #tpu.memory_space<semaphore_mem>>
        %dma_start3A_974 = tpu.memref_squeeze %dma_start3A_973 : memref<1x!tpu.dma_semaphore, #tpu.memory_space<semaphore_mem>> -> memref<!tpu.dma_semaphore, #tpu.memory_space<semaphore_mem>>
        %dma_start3A_975 = arith.constant 0 : i32
        %dma_start3A_976 = arith.constant 0 : i32
        %dma_start3A_977 = tpu.memref_slice %arg8[%dma_start3A_965, %dma_start3A_975, %dma_start3A_976] : memref<8x2x128xi32, #tpu.memory_space<vmem>> -> memref<1x2x128xi32, #tpu.memory_space<vmem>>
        %dma_start3A_978 = tpu.memref_squeeze %dma_start3A_977 : memref<1x2x128xi32, #tpu.memory_space<vmem>> -> memref<2x128xi32, #tpu.memory_space<vmem>>
        %dma_start3A_979 = arith.constant 0 : i32
        %dma_start3A_980 = tpu.memref_slice %arg3[%dma_start3A_979, %mul3A_964] : memref<2x320000xi32, #tpu.memory_space<hbm>> -> memref<2x128xi32, #tpu.memory_space<hbm>>
        tpu.enqueue_dma source(%dma_start3A_980 : memref<2x128xi32, #tpu.memory_space<hbm>>) target(%dma_start3A_978 : memref<2x128xi32, #tpu.memory_space<vmem>>) target_semaphore(%dma_start3A_974 : memref<!tpu.dma_semaphore, #tpu.memory_space<semaphore_mem>>)
      } else {
      }
      %ge3A_284 = arith.constant 2500 : i32
      %ge3A_285 = arith.cmpi sge, %add3A_278, %ge3A_284 : i32
      %convert_element_type3A_286 = arith.extui %ge3A_285 : i1 to i32
      %cond3A_287 = arith.constant 0 : i32
      %cond3A_288 = arith.cmpi ne, %convert_element_type3A_286, %cond3A_287 : i32
      scf.if %cond3A_288 {
        %sub3A = arith.constant 2500 : i32
        %sub3A_963 = arith.subi %add3A_278, %sub3A : i32
        %dma_start3A_964 = arith.constant 4 : i32
        %dma_start3A_965 = arith.constant 4 : i32
        %dma_start3A_966 = arith.constant 0 : i32
        %dma_start3A_967 = arith.constant 0 : i32
        %dma_start3A_968 = tpu.memref_slice %arg8[%dma_start3A_964, %dma_start3A_966, %dma_start3A_967] : memref<8x2x128xi32, #tpu.memory_space<vmem>> -> memref<1x2x128xi32, #tpu.memory_space<vmem>>
        %dma_start3A_969 = tpu.memref_squeeze %dma_start3A_968 : memref<1x2x128xi32, #tpu.memory_space<vmem>> -> memref<2x128xi32, #tpu.memory_space<vmem>>
        %dma_start3A_970 = arith.constant 0 : i32
        %dma_start3A_971 = arith.constant 0 : i32
        %dma_start3A_972 = tpu.memref_slice %arg4[%sub3A_963, %dma_start3A_970, %dma_start3A_971] : memref<60x2x128xi32, #tpu.memory_space<hbm>> -> memref<1x2x128xi32, #tpu.memory_space<hbm>>
        %dma_start3A_973 = tpu.memref_squeeze %dma_start3A_972 : memref<1x2x128xi32, #tpu.memory_space<hbm>> -> memref<2x128xi32, #tpu.memory_space<hbm>>
        %dma_start3A_974 = tpu.memref_slice %arg10[%dma_start3A_965] : memref<8x!tpu.dma_semaphore, #tpu.memory_space<semaphore_mem>> -> memref<1x!tpu.dma_semaphore, #tpu.memory_space<semaphore_mem>>
        %dma_start3A_975 = tpu.memref_squeeze %dma_start3A_974 : memref<1x!tpu.dma_semaphore, #tpu.memory_space<semaphore_mem>> -> memref<!tpu.dma_semaphore, #tpu.memory_space<semaphore_mem>>
        %dma_start3A_976 = arith.constant 0 : i32
        %dma_start3A_977 = arith.constant 0 : i32
        %dma_start3A_978 = tpu.memref_slice %arg8[%dma_start3A_964, %dma_start3A_976, %dma_start3A_977] : memref<8x2x128xi32, #tpu.memory_space<vmem>> -> memref<1x2x128xi32, #tpu.memory_space<vmem>>
        %dma_start3A_979 = tpu.memref_squeeze %dma_start3A_978 : memref<1x2x128xi32, #tpu.memory_space<vmem>> -> memref<2x128xi32, #tpu.memory_space<vmem>>
        %dma_start3A_980 = arith.constant 0 : i32
        %dma_start3A_981 = arith.constant 0 : i32
        %dma_start3A_982 = tpu.memref_slice %arg4[%sub3A_963, %dma_start3A_980, %dma_start3A_981] : memref<60x2x128xi32, #tpu.memory_space<hbm>> -> memref<1x2x128xi32, #tpu.memory_space<hbm>>
        %dma_start3A_983 = tpu.memref_squeeze %dma_start3A_982 : memref<1x2x128xi32, #tpu.memory_space<hbm>> -> memref<2x128xi32, #tpu.memory_space<hbm>>
        tpu.enqueue_dma source(%dma_start3A_983 : memref<2x128xi32, #tpu.memory_space<hbm>>) target(%dma_start3A_979 : memref<2x128xi32, #tpu.memory_space<vmem>>) target_semaphore(%dma_start3A_975 : memref<!tpu.dma_semaphore, #tpu.memory_space<semaphore_mem>>)
      } else {
      }
      %eq3A = arith.constant 0 : i32
      %eq3A_289 = arith.cmpi eq, %add3A_271, %eq3A : i32
      %convert_element_type3A_290 = arith.extui %eq3A_289 : i1 to i32
      %cond3A_291 = arith.constant 0 : i32
      %cond3A_292 = arith.cmpi ne, %convert_element_type3A_290, %cond3A_291 : i32
      scf.if %cond3A_292 {
        %dma_wait3A_963 = arith.constant 0 : i32
        %dma_wait3A_964 = arith.constant 1 : i32
        %dma_wait3A_965 = arith.constant 1 : i32
        %dma_wait3A_966 = arith.constant 0 : i32
        %dma_wait3A_967 = arith.constant 0 : i32
        %dma_wait3A_968 = tpu.memref_slice %arg8[%dma_wait3A_964, %dma_wait3A_966, %dma_wait3A_967] : memref<8x2x128xi32, #tpu.memory_space<vmem>> -> memref<1x2x128xi32, #tpu.memory_space<vmem>>
        %dma_wait3A_969 = tpu.memref_squeeze %dma_wait3A_968 : memref<1x2x128xi32, #tpu.memory_space<vmem>> -> memref<2x128xi32, #tpu.memory_space<vmem>>
        %dma_wait3A_970 = arith.constant 0 : i32
        %dma_wait3A_971 = arith.constant 0 : i32
        %dma_wait3A_972 = tpu.memref_slice %arg4[%dma_wait3A_963, %dma_wait3A_970, %dma_wait3A_971] : memref<60x2x128xi32, #tpu.memory_space<hbm>> -> memref<1x2x128xi32, #tpu.memory_space<hbm>>
        %dma_wait3A_973 = tpu.memref_squeeze %dma_wait3A_972 : memref<1x2x128xi32, #tpu.memory_space<hbm>> -> memref<2x128xi32, #tpu.memory_space<hbm>>
        %dma_wait3A_974 = tpu.memref_slice %arg10[%dma_wait3A_965] : memref<8x!tpu.dma_semaphore, #tpu.memory_space<semaphore_mem>> -> memref<1x!tpu.dma_semaphore, #tpu.memory_space<semaphore_mem>>
        %dma_wait3A_975 = tpu.memref_squeeze %dma_wait3A_974 : memref<1x!tpu.dma_semaphore, #tpu.memory_space<semaphore_mem>> -> memref<!tpu.dma_semaphore, #tpu.memory_space<semaphore_mem>>
        %dma_wait3A_976 = arith.constant 0 : i32
        %dma_wait3A_977 = arith.constant 0 : i32
        %dma_wait3A_978 = tpu.memref_slice %arg8[%dma_wait3A_964, %dma_wait3A_976, %dma_wait3A_977] : memref<8x2x128xi32, #tpu.memory_space<vmem>> -> memref<1x2x128xi32, #tpu.memory_space<vmem>>
        %dma_wait3A_979 = tpu.memref_squeeze %dma_wait3A_978 : memref<1x2x128xi32, #tpu.memory_space<vmem>> -> memref<2x128xi32, #tpu.memory_space<vmem>>
        %dma_wait3A_980 = arith.constant 0 : i32
        %dma_wait3A_981 = arith.constant 0 : i32
        %dma_wait3A_982 = tpu.memref_slice %arg4[%dma_wait3A_963, %dma_wait3A_980, %dma_wait3A_981] : memref<60x2x128xi32, #tpu.memory_space<hbm>> -> memref<1x2x128xi32, #tpu.memory_space<hbm>>
        %dma_wait3A_983 = tpu.memref_squeeze %dma_wait3A_982 : memref<1x2x128xi32, #tpu.memory_space<hbm>> -> memref<2x128xi32, #tpu.memory_space<hbm>>
        tpu.wait_dma2 semaphore(%dma_wait3A_975 : memref<!tpu.dma_semaphore, #tpu.memory_space<semaphore_mem>>) src(%dma_wait3A_983 : memref<2x128xi32, #tpu.memory_space<hbm>>) dst(%dma_wait3A_979 : memref<2x128xi32, #tpu.memory_space<vmem>>)
        %dma_start3A_984 = arith.constant 1 : i32
        %dma_start3A_985 = arith.constant 0 : i32
        %dma_start3A_986 = arith.constant 1 : i32
        %dma_start3A_987 = arith.constant 1 : i32
        %dma_start3A_988 = arith.constant 0 : i32
        %dma_start3A_989 = arith.constant 0 : i32
        %dma_start3A_990 = tpu.memref_slice %arg9[%dma_start3A_986, %dma_start3A_988, %dma_start3A_989] : memref<2x128x128xf32, #tpu.memory_space<vmem>> -> memref<1x128x128xf32, #tpu.memory_space<vmem>>
        %dma_start3A_991 = tpu.memref_squeeze %dma_start3A_990 : memref<1x128x128xf32, #tpu.memory_space<vmem>> -> memref<128x128xf32, #tpu.memory_space<vmem>>
        %dma_start3A_992 = arith.constant 0 : i32
        %dma_start3A_993 = tpu.memref_slice %arg8[%dma_start3A_984, %dma_start3A_985, %dma_start3A_992] : memref<8x2x128xi32, #tpu.memory_space<vmem>> -> memref<1x1x128xi32, #tpu.memory_space<vmem>>
        %dma_start3A_994 = tpu.memref_squeeze %dma_start3A_993 : memref<1x1x128xi32, #tpu.memory_space<vmem>> -> memref<128xi32, #tpu.memory_space<vmem>>
        %dma_start3A_995 = arith.constant 0 : i32
        %dma_start3A_996 = arith.constant 0 : i32
        %dma_start3A_997 = tpu.memref_slice %arg2[%dma_start3A_995, %dma_start3A_996] : memref<10000x128xf32, #tpu.memory_space<hbm>> -> memref<10000x128xf32, #tpu.memory_space<hbm>>
        %dma_start3A_998 = tpu.memref_slice %arg11[%dma_start3A_987] : memref<2x!tpu.dma_semaphore, #tpu.memory_space<semaphore_mem>> -> memref<1x!tpu.dma_semaphore, #tpu.memory_space<semaphore_mem>>
        %dma_start3A_999 = tpu.memref_squeeze %dma_start3A_998 : memref<1x!tpu.dma_semaphore, #tpu.memory_space<semaphore_mem>> -> memref<!tpu.dma_semaphore, #tpu.memory_space<semaphore_mem>>
        tpu.enqueue_indirect_dma source(%dma_start3A_997 : memref<10000x128xf32, #tpu.memory_space<hbm>>) target(%dma_start3A_991 : memref<128x128xf32, #tpu.memory_space<vmem>>) offsets(%dma_start3A_994 : memref<128xi32, #tpu.memory_space<vmem>>) semaphore(%dma_start3A_999 : memref<!tpu.dma_semaphore, #tpu.memory_space<semaphore_mem>>)
      } else {
      }
      %gt3A = arith.constant 0 : i32
      %gt3A_293 = arith.cmpi sgt, %add3A_271, %gt3A : i32
      %convert_element_type3A_294 = arith.extui %gt3A_293 : i1 to i32
      %cond3A_295 = arith.constant 0 : i32
      %cond3A_296 = arith.cmpi ne, %convert_element_type3A_294, %cond3A_295 : i32
      scf.if %cond3A_296 {
        %dma_wait3A_963 = arith.constant 0 : i32
        %dma_wait3A_964 = arith.constant 1 : i32
        %dma_wait3A_965 = arith.constant 1 : i32
        %dma_wait3A_966 = arith.constant 0 : i32
        %dma_wait3A_967 = arith.constant 0 : i32
        %dma_wait3A_968 = tpu.memref_slice %arg8[%dma_wait3A_964, %dma_wait3A_966, %dma_wait3A_967] : memref<8x2x128xi32, #tpu.memory_space<vmem>> -> memref<1x2x128xi32, #tpu.memory_space<vmem>>
        %dma_wait3A_969 = tpu.memref_squeeze %dma_wait3A_968 : memref<1x2x128xi32, #tpu.memory_space<vmem>> -> memref<2x128xi32, #tpu.memory_space<vmem>>
        %dma_wait3A_970 = arith.constant 0 : i32
        %dma_wait3A_971 = arith.constant 0 : i32
        %dma_wait3A_972 = tpu.memref_slice %arg4[%dma_wait3A_963, %dma_wait3A_970, %dma_wait3A_971] : memref<60x2x128xi32, #tpu.memory_space<hbm>> -> memref<1x2x128xi32, #tpu.memory_space<hbm>>
        %dma_wait3A_973 = tpu.memref_squeeze %dma_wait3A_972 : memref<1x2x128xi32, #tpu.memory_space<hbm>> -> memref<2x128xi32, #tpu.memory_space<hbm>>
        %dma_wait3A_974 = tpu.memref_slice %arg10[%dma_wait3A_965] : memref<8x!tpu.dma_semaphore, #tpu.memory_space<semaphore_mem>> -> memref<1x!tpu.dma_semaphore, #tpu.memory_space<semaphore_mem>>
        %dma_wait3A_975 = tpu.memref_squeeze %dma_wait3A_974 : memref<1x!tpu.dma_semaphore, #tpu.memory_space<semaphore_mem>> -> memref<!tpu.dma_semaphore, #tpu.memory_space<semaphore_mem>>
        %dma_wait3A_976 = arith.constant 0 : i32
        %dma_wait3A_977 = arith.constant 0 : i32
        %dma_wait3A_978 = tpu.memref_slice %arg8[%dma_wait3A_964, %dma_wait3A_976, %dma_wait3A_977] : memref<8x2x128xi32, #tpu.memory_space<vmem>> -> memref<1x2x128xi32, #tpu.memory_space<vmem>>
        %dma_wait3A_979 = tpu.memref_squeeze %dma_wait3A_978 : memref<1x2x128xi32, #tpu.memory_space<vmem>> -> memref<2x128xi32, #tpu.memory_space<vmem>>
        %dma_wait3A_980 = arith.constant 0 : i32
        %dma_wait3A_981 = arith.constant 0 : i32
        %dma_wait3A_982 = tpu.memref_slice %arg4[%dma_wait3A_963, %dma_wait3A_980, %dma_wait3A_981] : memref<60x2x128xi32, #tpu.memory_space<hbm>> -> memref<1x2x128xi32, #tpu.memory_space<hbm>>
        %dma_wait3A_983 = tpu.memref_squeeze %dma_wait3A_982 : memref<1x2x128xi32, #tpu.memory_space<hbm>> -> memref<2x128xi32, #tpu.memory_space<hbm>>
        tpu.wait_dma2 semaphore(%dma_wait3A_975 : memref<!tpu.dma_semaphore, #tpu.memory_space<semaphore_mem>>) src(%dma_wait3A_983 : memref<2x128xi32, #tpu.memory_space<hbm>>) dst(%dma_wait3A_979 : memref<2x128xi32, #tpu.memory_space<vmem>>)
        %dma_wait3A_984 = arith.constant 1 : i32
        %dma_wait3A_985 = arith.constant 1 : i32
        %dma_wait3A_986 = arith.constant 1 : i32
        %dma_wait3A_987 = arith.constant 1 : i32
        %dma_wait3A_988 = arith.constant 0 : i32
        %dma_wait3A_989 = arith.constant 0 : i32
        %dma_wait3A_990 = tpu.memref_slice %arg9[%dma_wait3A_984, %dma_wait3A_988, %dma_wait3A_989] : memref<2x128x128xf32, #tpu.memory_space<vmem>> -> memref<1x128x128xf32, #tpu.memory_space<vmem>>
        %dma_wait3A_991 = tpu.memref_squeeze %dma_wait3A_990 : memref<1x128x128xf32, #tpu.memory_space<vmem>> -> memref<128x128xf32, #tpu.memory_space<vmem>>
        %dma_wait3A_992 = arith.constant 0 : i32
        %dma_wait3A_993 = tpu.memref_slice %arg8[%dma_wait3A_985, %dma_wait3A_986, %dma_wait3A_992] : memref<8x2x128xi32, #tpu.memory_space<vmem>> -> memref<1x1x128xi32, #tpu.memory_space<vmem>>
        %dma_wait3A_994 = tpu.memref_squeeze %dma_wait3A_993 : memref<1x1x128xi32, #tpu.memory_space<vmem>> -> memref<128xi32, #tpu.memory_space<vmem>>
        %dma_wait3A_995 = arith.constant 0 : i32
        %dma_wait3A_996 = arith.constant 0 : i32
        %dma_wait3A_997 = tpu.memref_slice %arg6[%dma_wait3A_995, %dma_wait3A_996] : memref<10240x128xf32, #tpu.memory_space<vmem_shared>> -> memref<10240x128xf32, #tpu.memory_space<vmem_shared>>
        %dma_wait3A_998 = tpu.memref_slice %arg12[%dma_wait3A_987] : memref<2x!tpu.dma_semaphore, #tpu.memory_space<semaphore_mem>> -> memref<1x!tpu.dma_semaphore, #tpu.memory_space<semaphore_mem>>
        %dma_wait3A_999 = tpu.memref_squeeze %dma_wait3A_998 : memref<1x!tpu.dma_semaphore, #tpu.memory_space<semaphore_mem>> -> memref<!tpu.dma_semaphore, #tpu.memory_space<semaphore_mem>>
        tpu.wait_indirect_dma semaphore(%dma_wait3A_999 : memref<!tpu.dma_semaphore, #tpu.memory_space<semaphore_mem>>) src(%dma_wait3A_991 : memref<128x128xf32, #tpu.memory_space<vmem>>) dst(%dma_wait3A_997 : memref<10240x128xf32, #tpu.memory_space<vmem_shared>>)
        %dma_start3A_1000 = arith.constant 1 : i32
        %dma_start3A_1001 = arith.constant 0 : i32
        %dma_start3A_1002 = arith.constant 1 : i32
        %dma_start3A_1003 = arith.constant 1 : i32
        %dma_start3A_1004 = arith.constant 0 : i32
        %dma_start3A_1005 = arith.constant 0 : i32
        %dma_start3A_1006 = tpu.memref_slice %arg9[%dma_start3A_1002, %dma_start3A_1004, %dma_start3A_1005] : memref<2x128x128xf32, #tpu.memory_space<vmem>> -> memref<1x128x128xf32, #tpu.memory_space<vmem>>
        %dma_start3A_1007 = tpu.memref_squeeze %dma_start3A_1006 : memref<1x128x128xf32, #tpu.memory_space<vmem>> -> memref<128x128xf32, #tpu.memory_space<vmem>>
        %dma_start3A_1008 = arith.constant 0 : i32
        %dma_start3A_1009 = tpu.memref_slice %arg8[%dma_start3A_1000, %dma_start3A_1001, %dma_start3A_1008] : memref<8x2x128xi32, #tpu.memory_space<vmem>> -> memref<1x1x128xi32, #tpu.memory_space<vmem>>
        %dma_start3A_1010 = tpu.memref_squeeze %dma_start3A_1009 : memref<1x1x128xi32, #tpu.memory_space<vmem>> -> memref<128xi32, #tpu.memory_space<vmem>>
        %dma_start3A_1011 = arith.constant 0 : i32
        %dma_start3A_1012 = arith.constant 0 : i32
        %dma_start3A_1013 = tpu.memref_slice %arg2[%dma_start3A_1011, %dma_start3A_1012] : memref<10000x128xf32, #tpu.memory_space<hbm>> -> memref<10000x128xf32, #tpu.memory_space<hbm>>
        %dma_start3A_1014 = tpu.memref_slice %arg11[%dma_start3A_1003] : memref<2x!tpu.dma_semaphore, #tpu.memory_space<semaphore_mem>> -> memref<1x!tpu.dma_semaphore, #tpu.memory_space<semaphore_mem>>
        %dma_start3A_1015 = tpu.memref_squeeze %dma_start3A_1014 : memref<1x!tpu.dma_semaphore, #tpu.memory_space<semaphore_mem>> -> memref<!tpu.dma_semaphore, #tpu.memory_space<semaphore_mem>>
        tpu.enqueue_indirect_dma source(%dma_start3A_1013 : memref<10000x128xf32, #tpu.memory_space<hbm>>) target(%dma_start3A_1007 : memref<128x128xf32, #tpu.memory_space<vmem>>) offsets(%dma_start3A_1010 : memref<128xi32, #tpu.memory_space<vmem>>) semaphore(%dma_start3A_1015 : memref<!tpu.dma_semaphore, #tpu.memory_space<semaphore_mem>>)
      } else {
      }
      %dma_wait3A_297 = arith.constant 0 : i32
      %dma_wait3A_298 = arith.constant 0 : i32
      %dma_wait3A_299 = arith.constant 0 : i32
      %dma_wait3A_300 = arith.constant 0 : i32
      %dma_wait3A_301 = arith.constant 0 : i32
      %dma_wait3A_302 = arith.constant 0 : i32
      %dma_wait3A_303 = tpu.memref_slice %arg9[%dma_wait3A_299, %dma_wait3A_301, %dma_wait3A_302] : memref<2x128x128xf32, #tpu.memory_space<vmem>> -> memref<1x128x128xf32, #tpu.memory_space<vmem>>
      %dma_wait3A_304 = tpu.memref_squeeze %dma_wait3A_303 : memref<1x128x128xf32, #tpu.memory_space<vmem>> -> memref<128x128xf32, #tpu.memory_space<vmem>>
      %dma_wait3A_305 = arith.constant 0 : i32
      %dma_wait3A_306 = tpu.memref_slice %arg8[%dma_wait3A_297, %dma_wait3A_298, %dma_wait3A_305] : memref<8x2x128xi32, #tpu.memory_space<vmem>> -> memref<1x1x128xi32, #tpu.memory_space<vmem>>
      %dma_wait3A_307 = tpu.memref_squeeze %dma_wait3A_306 : memref<1x1x128xi32, #tpu.memory_space<vmem>> -> memref<128xi32, #tpu.memory_space<vmem>>
      %dma_wait3A_308 = arith.constant 0 : i32
      %dma_wait3A_309 = arith.constant 0 : i32
      %dma_wait3A_310 = tpu.memref_slice %arg2[%dma_wait3A_308, %dma_wait3A_309] : memref<10000x128xf32, #tpu.memory_space<hbm>> -> memref<10000x128xf32, #tpu.memory_space<hbm>>
      %dma_wait3A_311 = tpu.memref_slice %arg11[%dma_wait3A_300] : memref<2x!tpu.dma_semaphore, #tpu.memory_space<semaphore_mem>> -> memref<1x!tpu.dma_semaphore, #tpu.memory_space<semaphore_mem>>
      %dma_wait3A_312 = tpu.memref_squeeze %dma_wait3A_311 : memref<1x!tpu.dma_semaphore, #tpu.memory_space<semaphore_mem>> -> memref<!tpu.dma_semaphore, #tpu.memory_space<semaphore_mem>>
      tpu.wait_indirect_dma semaphore(%dma_wait3A_312 : memref<!tpu.dma_semaphore, #tpu.memory_space<semaphore_mem>>) src(%dma_wait3A_310 : memref<10000x128xf32, #tpu.memory_space<hbm>>) dst(%dma_wait3A_304 : memref<128x128xf32, #tpu.memory_space<vmem>>)
      %dma_start3A_313 = arith.constant 0 : i32
      %dma_start3A_314 = arith.constant 0 : i32
      %dma_start3A_315 = arith.constant 1 : i32
      %dma_start3A_316 = arith.constant 0 : i32
      %dma_start3A_317 = arith.constant 0 : i32
      %dma_start3A_318 = arith.constant 0 : i32
      %dma_start3A_319 = tpu.memref_slice %arg9[%dma_start3A_313, %dma_start3A_317, %dma_start3A_318] : memref<2x128x128xf32, #tpu.memory_space<vmem>> -> memref<1x128x128xf32, #tpu.memory_space<vmem>>
      %dma_start3A_320 = tpu.memref_squeeze %dma_start3A_319 : memref<1x128x128xf32, #tpu.memory_space<vmem>> -> memref<128x128xf32, #tpu.memory_space<vmem>>
      %dma_start3A_321 = arith.constant 0 : i32
      %dma_start3A_322 = tpu.memref_slice %arg8[%dma_start3A_314, %dma_start3A_315, %dma_start3A_321] : memref<8x2x128xi32, #tpu.memory_space<vmem>> -> memref<1x1x128xi32, #tpu.memory_space<vmem>>
      %dma_start3A_323 = tpu.memref_squeeze %dma_start3A_322 : memref<1x1x128xi32, #tpu.memory_space<vmem>> -> memref<128xi32, #tpu.memory_space<vmem>>
      %dma_start3A_324 = arith.constant 0 : i32
      %dma_start3A_325 = arith.constant 0 : i32
      %dma_start3A_326 = tpu.memref_slice %arg6[%dma_start3A_324, %dma_start3A_325] : memref<10240x128xf32, #tpu.memory_space<vmem_shared>> -> memref<10240x128xf32, #tpu.memory_space<vmem_shared>>
      %dma_start3A_327 = tpu.memref_slice %arg12[%dma_start3A_316] : memref<2x!tpu.dma_semaphore, #tpu.memory_space<semaphore_mem>> -> memref<1x!tpu.dma_semaphore, #tpu.memory_space<semaphore_mem>>
      %dma_start3A_328 = tpu.memref_squeeze %dma_start3A_327 : memref<1x!tpu.dma_semaphore, #tpu.memory_space<semaphore_mem>> -> memref<!tpu.dma_semaphore, #tpu.memory_space<semaphore_mem>>
      tpu.enqueue_indirect_dma source(%dma_start3A_320 : memref<128x128xf32, #tpu.memory_space<vmem>>) target(%dma_start3A_326 : memref<10240x128xf32, #tpu.memory_space<vmem_shared>>) offsets(%dma_start3A_323 : memref<128xi32, #tpu.memory_space<vmem>>) semaphore(%dma_start3A_328 : memref<!tpu.dma_semaphore, #tpu.memory_space<semaphore_mem>>) {add = true}
      %mul3A_329 = arith.constant 8 : i32
      %mul3A_330 = arith.muli %add3A_271, %mul3A_329 : i32
      %add3A_331 = arith.constant 1 : i32
      %add3A_332 = arith.addi %mul3A_330, %add3A_331 : i32
      %add3A_333 = arith.constant 4 : i32
      %add3A_334 = arith.addi %add3A_332, %add3A_333 : i32
      %add3A_335 = arith.addi %mul3A_2, %add3A_334 : i32
      %lt3A_336 = arith.constant 2500 : i32
      %lt3A_337 = arith.cmpi slt, %add3A_335, %lt3A_336 : i32
      %convert_element_type3A_338 = arith.extui %lt3A_337 : i1 to i32
      %cond3A_339 = arith.constant 0 : i32
      %cond3A_340 = arith.cmpi ne, %convert_element_type3A_338, %cond3A_339 : i32
      scf.if %cond3A_340 {
        %mul3A_963 = arith.constant 128 : i32
        %mul3A_964 = arith.muli %add3A_335, %mul3A_963 : i32
        %dma_start3A_965 = arith.constant 5 : i32
        %dma_start3A_966 = arith.constant 5 : i32
        %dma_start3A_967 = arith.constant 0 : i32
        %dma_start3A_968 = arith.constant 0 : i32
        %dma_start3A_969 = tpu.memref_slice %arg8[%dma_start3A_965, %dma_start3A_967, %dma_start3A_968] : memref<8x2x128xi32, #tpu.memory_space<vmem>> -> memref<1x2x128xi32, #tpu.memory_space<vmem>>
        %dma_start3A_970 = tpu.memref_squeeze %dma_start3A_969 : memref<1x2x128xi32, #tpu.memory_space<vmem>> -> memref<2x128xi32, #tpu.memory_space<vmem>>
        %dma_start3A_971 = arith.constant 0 : i32
        %dma_start3A_972 = tpu.memref_slice %arg3[%dma_start3A_971, %mul3A_964] : memref<2x320000xi32, #tpu.memory_space<hbm>> -> memref<2x128xi32, #tpu.memory_space<hbm>>
        %dma_start3A_973 = tpu.memref_slice %arg10[%dma_start3A_966] : memref<8x!tpu.dma_semaphore, #tpu.memory_space<semaphore_mem>> -> memref<1x!tpu.dma_semaphore, #tpu.memory_space<semaphore_mem>>
        %dma_start3A_974 = tpu.memref_squeeze %dma_start3A_973 : memref<1x!tpu.dma_semaphore, #tpu.memory_space<semaphore_mem>> -> memref<!tpu.dma_semaphore, #tpu.memory_space<semaphore_mem>>
        %dma_start3A_975 = arith.constant 0 : i32
        %dma_start3A_976 = arith.constant 0 : i32
        %dma_start3A_977 = tpu.memref_slice %arg8[%dma_start3A_965, %dma_start3A_975, %dma_start3A_976] : memref<8x2x128xi32, #tpu.memory_space<vmem>> -> memref<1x2x128xi32, #tpu.memory_space<vmem>>
        %dma_start3A_978 = tpu.memref_squeeze %dma_start3A_977 : memref<1x2x128xi32, #tpu.memory_space<vmem>> -> memref<2x128xi32, #tpu.memory_space<vmem>>
        %dma_start3A_979 = arith.constant 0 : i32
        %dma_start3A_980 = tpu.memref_slice %arg3[%dma_start3A_979, %mul3A_964] : memref<2x320000xi32, #tpu.memory_space<hbm>> -> memref<2x128xi32, #tpu.memory_space<hbm>>
        tpu.enqueue_dma source(%dma_start3A_980 : memref<2x128xi32, #tpu.memory_space<hbm>>) target(%dma_start3A_978 : memref<2x128xi32, #tpu.memory_space<vmem>>) target_semaphore(%dma_start3A_974 : memref<!tpu.dma_semaphore, #tpu.memory_space<semaphore_mem>>)
      } else {
      }
      %ge3A_341 = arith.constant 2500 : i32
      %ge3A_342 = arith.cmpi sge, %add3A_335, %ge3A_341 : i32
      %convert_element_type3A_343 = arith.extui %ge3A_342 : i1 to i32
      %cond3A_344 = arith.constant 0 : i32
      %cond3A_345 = arith.cmpi ne, %convert_element_type3A_343, %cond3A_344 : i32
      scf.if %cond3A_345 {
        %sub3A = arith.constant 2500 : i32
        %sub3A_963 = arith.subi %add3A_335, %sub3A : i32
        %dma_start3A_964 = arith.constant 5 : i32
        %dma_start3A_965 = arith.constant 5 : i32
        %dma_start3A_966 = arith.constant 0 : i32
        %dma_start3A_967 = arith.constant 0 : i32
        %dma_start3A_968 = tpu.memref_slice %arg8[%dma_start3A_964, %dma_start3A_966, %dma_start3A_967] : memref<8x2x128xi32, #tpu.memory_space<vmem>> -> memref<1x2x128xi32, #tpu.memory_space<vmem>>
        %dma_start3A_969 = tpu.memref_squeeze %dma_start3A_968 : memref<1x2x128xi32, #tpu.memory_space<vmem>> -> memref<2x128xi32, #tpu.memory_space<vmem>>
        %dma_start3A_970 = arith.constant 0 : i32
        %dma_start3A_971 = arith.constant 0 : i32
        %dma_start3A_972 = tpu.memref_slice %arg4[%sub3A_963, %dma_start3A_970, %dma_start3A_971] : memref<60x2x128xi32, #tpu.memory_space<hbm>> -> memref<1x2x128xi32, #tpu.memory_space<hbm>>
        %dma_start3A_973 = tpu.memref_squeeze %dma_start3A_972 : memref<1x2x128xi32, #tpu.memory_space<hbm>> -> memref<2x128xi32, #tpu.memory_space<hbm>>
        %dma_start3A_974 = tpu.memref_slice %arg10[%dma_start3A_965] : memref<8x!tpu.dma_semaphore, #tpu.memory_space<semaphore_mem>> -> memref<1x!tpu.dma_semaphore, #tpu.memory_space<semaphore_mem>>
        %dma_start3A_975 = tpu.memref_squeeze %dma_start3A_974 : memref<1x!tpu.dma_semaphore, #tpu.memory_space<semaphore_mem>> -> memref<!tpu.dma_semaphore, #tpu.memory_space<semaphore_mem>>
        %dma_start3A_976 = arith.constant 0 : i32
        %dma_start3A_977 = arith.constant 0 : i32
        %dma_start3A_978 = tpu.memref_slice %arg8[%dma_start3A_964, %dma_start3A_976, %dma_start3A_977] : memref<8x2x128xi32, #tpu.memory_space<vmem>> -> memref<1x2x128xi32, #tpu.memory_space<vmem>>
        %dma_start3A_979 = tpu.memref_squeeze %dma_start3A_978 : memref<1x2x128xi32, #tpu.memory_space<vmem>> -> memref<2x128xi32, #tpu.memory_space<vmem>>
        %dma_start3A_980 = arith.constant 0 : i32
        %dma_start3A_981 = arith.constant 0 : i32
        %dma_start3A_982 = tpu.memref_slice %arg4[%sub3A_963, %dma_start3A_980, %dma_start3A_981] : memref<60x2x128xi32, #tpu.memory_space<hbm>> -> memref<1x2x128xi32, #tpu.memory_space<hbm>>
        %dma_start3A_983 = tpu.memref_squeeze %dma_start3A_982 : memref<1x2x128xi32, #tpu.memory_space<hbm>> -> memref<2x128xi32, #tpu.memory_space<hbm>>
        tpu.enqueue_dma source(%dma_start3A_983 : memref<2x128xi32, #tpu.memory_space<hbm>>) target(%dma_start3A_979 : memref<2x128xi32, #tpu.memory_space<vmem>>) target_semaphore(%dma_start3A_975 : memref<!tpu.dma_semaphore, #tpu.memory_space<semaphore_mem>>)
      } else {
      }
      %dma_wait3A_346 = arith.constant 0 : i32
      %dma_wait3A_347 = arith.constant 2 : i32
      %dma_wait3A_348 = arith.constant 2 : i32
      %dma_wait3A_349 = arith.constant 0 : i32
      %dma_wait3A_350 = arith.constant 0 : i32
      %dma_wait3A_351 = tpu.memref_slice %arg8[%dma_wait3A_347, %dma_wait3A_349, %dma_wait3A_350] : memref<8x2x128xi32, #tpu.memory_space<vmem>> -> memref<1x2x128xi32, #tpu.memory_space<vmem>>
      %dma_wait3A_352 = tpu.memref_squeeze %dma_wait3A_351 : memref<1x2x128xi32, #tpu.memory_space<vmem>> -> memref<2x128xi32, #tpu.memory_space<vmem>>
      %dma_wait3A_353 = arith.constant 0 : i32
      %dma_wait3A_354 = arith.constant 0 : i32
      %dma_wait3A_355 = tpu.memref_slice %arg4[%dma_wait3A_346, %dma_wait3A_353, %dma_wait3A_354] : memref<60x2x128xi32, #tpu.memory_space<hbm>> -> memref<1x2x128xi32, #tpu.memory_space<hbm>>
      %dma_wait3A_356 = tpu.memref_squeeze %dma_wait3A_355 : memref<1x2x128xi32, #tpu.memory_space<hbm>> -> memref<2x128xi32, #tpu.memory_space<hbm>>
      %dma_wait3A_357 = tpu.memref_slice %arg10[%dma_wait3A_348] : memref<8x!tpu.dma_semaphore, #tpu.memory_space<semaphore_mem>> -> memref<1x!tpu.dma_semaphore, #tpu.memory_space<semaphore_mem>>
      %dma_wait3A_358 = tpu.memref_squeeze %dma_wait3A_357 : memref<1x!tpu.dma_semaphore, #tpu.memory_space<semaphore_mem>> -> memref<!tpu.dma_semaphore, #tpu.memory_space<semaphore_mem>>
      %dma_wait3A_359 = arith.constant 0 : i32
      %dma_wait3A_360 = arith.constant 0 : i32
      %dma_wait3A_361 = tpu.memref_slice %arg8[%dma_wait3A_347, %dma_wait3A_359, %dma_wait3A_360] : memref<8x2x128xi32, #tpu.memory_space<vmem>> -> memref<1x2x128xi32, #tpu.memory_space<vmem>>
      %dma_wait3A_362 = tpu.memref_squeeze %dma_wait3A_361 : memref<1x2x128xi32, #tpu.memory_space<vmem>> -> memref<2x128xi32, #tpu.memory_space<vmem>>
      %dma_wait3A_363 = arith.constant 0 : i32
      %dma_wait3A_364 = arith.constant 0 : i32
      %dma_wait3A_365 = tpu.memref_slice %arg4[%dma_wait3A_346, %dma_wait3A_363, %dma_wait3A_364] : memref<60x2x128xi32, #tpu.memory_space<hbm>> -> memref<1x2x128xi32, #tpu.memory_space<hbm>>
      %dma_wait3A_366 = tpu.memref_squeeze %dma_wait3A_365 : memref<1x2x128xi32, #tpu.memory_space<hbm>> -> memref<2x128xi32, #tpu.memory_space<hbm>>
      tpu.wait_dma2 semaphore(%dma_wait3A_358 : memref<!tpu.dma_semaphore, #tpu.memory_space<semaphore_mem>>) src(%dma_wait3A_366 : memref<2x128xi32, #tpu.memory_space<hbm>>) dst(%dma_wait3A_362 : memref<2x128xi32, #tpu.memory_space<vmem>>)
      %dma_wait3A_367 = arith.constant 0 : i32
      %dma_wait3A_368 = arith.constant 2 : i32
      %dma_wait3A_369 = arith.constant 1 : i32
      %dma_wait3A_370 = arith.constant 0 : i32
      %dma_wait3A_371 = arith.constant 0 : i32
      %dma_wait3A_372 = arith.constant 0 : i32
      %dma_wait3A_373 = tpu.memref_slice %arg9[%dma_wait3A_367, %dma_wait3A_371, %dma_wait3A_372] : memref<2x128x128xf32, #tpu.memory_space<vmem>> -> memref<1x128x128xf32, #tpu.memory_space<vmem>>
      %dma_wait3A_374 = tpu.memref_squeeze %dma_wait3A_373 : memref<1x128x128xf32, #tpu.memory_space<vmem>> -> memref<128x128xf32, #tpu.memory_space<vmem>>
      %dma_wait3A_375 = arith.constant 0 : i32
      %dma_wait3A_376 = tpu.memref_slice %arg8[%dma_wait3A_368, %dma_wait3A_369, %dma_wait3A_375] : memref<8x2x128xi32, #tpu.memory_space<vmem>> -> memref<1x1x128xi32, #tpu.memory_space<vmem>>
      %dma_wait3A_377 = tpu.memref_squeeze %dma_wait3A_376 : memref<1x1x128xi32, #tpu.memory_space<vmem>> -> memref<128xi32, #tpu.memory_space<vmem>>
      %dma_wait3A_378 = arith.constant 0 : i32
      %dma_wait3A_379 = arith.constant 0 : i32
      %dma_wait3A_380 = tpu.memref_slice %arg6[%dma_wait3A_378, %dma_wait3A_379] : memref<10240x128xf32, #tpu.memory_space<vmem_shared>> -> memref<10240x128xf32, #tpu.memory_space<vmem_shared>>
      %dma_wait3A_381 = tpu.memref_slice %arg12[%dma_wait3A_370] : memref<2x!tpu.dma_semaphore, #tpu.memory_space<semaphore_mem>> -> memref<1x!tpu.dma_semaphore, #tpu.memory_space<semaphore_mem>>
      %dma_wait3A_382 = tpu.memref_squeeze %dma_wait3A_381 : memref<1x!tpu.dma_semaphore, #tpu.memory_space<semaphore_mem>> -> memref<!tpu.dma_semaphore, #tpu.memory_space<semaphore_mem>>
      tpu.wait_indirect_dma semaphore(%dma_wait3A_382 : memref<!tpu.dma_semaphore, #tpu.memory_space<semaphore_mem>>) src(%dma_wait3A_374 : memref<128x128xf32, #tpu.memory_space<vmem>>) dst(%dma_wait3A_380 : memref<10240x128xf32, #tpu.memory_space<vmem_shared>>)
      %dma_start3A_383 = arith.constant 2 : i32
      %dma_start3A_384 = arith.constant 0 : i32
      %dma_start3A_385 = arith.constant 0 : i32
      %dma_start3A_386 = arith.constant 0 : i32
      %dma_start3A_387 = arith.constant 0 : i32
      %dma_start3A_388 = arith.constant 0 : i32
      %dma_start3A_389 = tpu.memref_slice %arg9[%dma_start3A_385, %dma_start3A_387, %dma_start3A_388] : memref<2x128x128xf32, #tpu.memory_space<vmem>> -> memref<1x128x128xf32, #tpu.memory_space<vmem>>
      %dma_start3A_390 = tpu.memref_squeeze %dma_start3A_389 : memref<1x128x128xf32, #tpu.memory_space<vmem>> -> memref<128x128xf32, #tpu.memory_space<vmem>>
      %dma_start3A_391 = arith.constant 0 : i32
      %dma_start3A_392 = tpu.memref_slice %arg8[%dma_start3A_383, %dma_start3A_384, %dma_start3A_391] : memref<8x2x128xi32, #tpu.memory_space<vmem>> -> memref<1x1x128xi32, #tpu.memory_space<vmem>>
      %dma_start3A_393 = tpu.memref_squeeze %dma_start3A_392 : memref<1x1x128xi32, #tpu.memory_space<vmem>> -> memref<128xi32, #tpu.memory_space<vmem>>
      %dma_start3A_394 = arith.constant 0 : i32
      %dma_start3A_395 = arith.constant 0 : i32
      %dma_start3A_396 = tpu.memref_slice %arg2[%dma_start3A_394, %dma_start3A_395] : memref<10000x128xf32, #tpu.memory_space<hbm>> -> memref<10000x128xf32, #tpu.memory_space<hbm>>
      %dma_start3A_397 = tpu.memref_slice %arg11[%dma_start3A_386] : memref<2x!tpu.dma_semaphore, #tpu.memory_space<semaphore_mem>> -> memref<1x!tpu.dma_semaphore, #tpu.memory_space<semaphore_mem>>
      %dma_start3A_398 = tpu.memref_squeeze %dma_start3A_397 : memref<1x!tpu.dma_semaphore, #tpu.memory_space<semaphore_mem>> -> memref<!tpu.dma_semaphore, #tpu.memory_space<semaphore_mem>>
      tpu.enqueue_indirect_dma source(%dma_start3A_396 : memref<10000x128xf32, #tpu.memory_space<hbm>>) target(%dma_start3A_390 : memref<128x128xf32, #tpu.memory_space<vmem>>) offsets(%dma_start3A_393 : memref<128xi32, #tpu.memory_space<vmem>>) semaphore(%dma_start3A_398 : memref<!tpu.dma_semaphore, #tpu.memory_space<semaphore_mem>>)
      %dma_wait3A_399 = arith.constant 1 : i32
      %dma_wait3A_400 = arith.constant 0 : i32
      %dma_wait3A_401 = arith.constant 1 : i32
      %dma_wait3A_402 = arith.constant 1 : i32
      %dma_wait3A_403 = arith.constant 0 : i32
      %dma_wait3A_404 = arith.constant 0 : i32
      %dma_wait3A_405 = tpu.memref_slice %arg9[%dma_wait3A_401, %dma_wait3A_403, %dma_wait3A_404] : memref<2x128x128xf32, #tpu.memory_space<vmem>> -> memref<1x128x128xf32, #tpu.memory_space<vmem>>
      %dma_wait3A_406 = tpu.memref_squeeze %dma_wait3A_405 : memref<1x128x128xf32, #tpu.memory_space<vmem>> -> memref<128x128xf32, #tpu.memory_space<vmem>>
      %dma_wait3A_407 = arith.constant 0 : i32
      %dma_wait3A_408 = tpu.memref_slice %arg8[%dma_wait3A_399, %dma_wait3A_400, %dma_wait3A_407] : memref<8x2x128xi32, #tpu.memory_space<vmem>> -> memref<1x1x128xi32, #tpu.memory_space<vmem>>
      %dma_wait3A_409 = tpu.memref_squeeze %dma_wait3A_408 : memref<1x1x128xi32, #tpu.memory_space<vmem>> -> memref<128xi32, #tpu.memory_space<vmem>>
      %dma_wait3A_410 = arith.constant 0 : i32
      %dma_wait3A_411 = arith.constant 0 : i32
      %dma_wait3A_412 = tpu.memref_slice %arg2[%dma_wait3A_410, %dma_wait3A_411] : memref<10000x128xf32, #tpu.memory_space<hbm>> -> memref<10000x128xf32, #tpu.memory_space<hbm>>
      %dma_wait3A_413 = tpu.memref_slice %arg11[%dma_wait3A_402] : memref<2x!tpu.dma_semaphore, #tpu.memory_space<semaphore_mem>> -> memref<1x!tpu.dma_semaphore, #tpu.memory_space<semaphore_mem>>
      %dma_wait3A_414 = tpu.memref_squeeze %dma_wait3A_413 : memref<1x!tpu.dma_semaphore, #tpu.memory_space<semaphore_mem>> -> memref<!tpu.dma_semaphore, #tpu.memory_space<semaphore_mem>>
      tpu.wait_indirect_dma semaphore(%dma_wait3A_414 : memref<!tpu.dma_semaphore, #tpu.memory_space<semaphore_mem>>) src(%dma_wait3A_412 : memref<10000x128xf32, #tpu.memory_space<hbm>>) dst(%dma_wait3A_406 : memref<128x128xf32, #tpu.memory_space<vmem>>)
      %dma_start3A_415 = arith.constant 1 : i32
      %dma_start3A_416 = arith.constant 1 : i32
      %dma_start3A_417 = arith.constant 1 : i32
      %dma_start3A_418 = arith.constant 1 : i32
      %dma_start3A_419 = arith.constant 0 : i32
      %dma_start3A_420 = arith.constant 0 : i32
      %dma_start3A_421 = tpu.memref_slice %arg9[%dma_start3A_415, %dma_start3A_419, %dma_start3A_420] : memref<2x128x128xf32, #tpu.memory_space<vmem>> -> memref<1x128x128xf32, #tpu.memory_space<vmem>>
      %dma_start3A_422 = tpu.memref_squeeze %dma_start3A_421 : memref<1x128x128xf32, #tpu.memory_space<vmem>> -> memref<128x128xf32, #tpu.memory_space<vmem>>
      %dma_start3A_423 = arith.constant 0 : i32
      %dma_start3A_424 = tpu.memref_slice %arg8[%dma_start3A_416, %dma_start3A_417, %dma_start3A_423] : memref<8x2x128xi32, #tpu.memory_space<vmem>> -> memref<1x1x128xi32, #tpu.memory_space<vmem>>
      %dma_start3A_425 = tpu.memref_squeeze %dma_start3A_424 : memref<1x1x128xi32, #tpu.memory_space<vmem>> -> memref<128xi32, #tpu.memory_space<vmem>>
      %dma_start3A_426 = arith.constant 0 : i32
      %dma_start3A_427 = arith.constant 0 : i32
      %dma_start3A_428 = tpu.memref_slice %arg6[%dma_start3A_426, %dma_start3A_427] : memref<10240x128xf32, #tpu.memory_space<vmem_shared>> -> memref<10240x128xf32, #tpu.memory_space<vmem_shared>>
      %dma_start3A_429 = tpu.memref_slice %arg12[%dma_start3A_418] : memref<2x!tpu.dma_semaphore, #tpu.memory_space<semaphore_mem>> -> memref<1x!tpu.dma_semaphore, #tpu.memory_space<semaphore_mem>>
      %dma_start3A_430 = tpu.memref_squeeze %dma_start3A_429 : memref<1x!tpu.dma_semaphore, #tpu.memory_space<semaphore_mem>> -> memref<!tpu.dma_semaphore, #tpu.memory_space<semaphore_mem>>
      tpu.enqueue_indirect_dma source(%dma_start3A_422 : memref<128x128xf32, #tpu.memory_space<vmem>>) target(%dma_start3A_428 : memref<10240x128xf32, #tpu.memory_space<vmem_shared>>) offsets(%dma_start3A_425 : memref<128xi32, #tpu.memory_space<vmem>>) semaphore(%dma_start3A_430 : memref<!tpu.dma_semaphore, #tpu.memory_space<semaphore_mem>>) {add = true}
      %mul3A_431 = arith.constant 8 : i32
      %mul3A_432 = arith.muli %add3A_271, %mul3A_431 : i32
      %add3A_433 = arith.constant 2 : i32
      %add3A_434 = arith.addi %mul3A_432, %add3A_433 : i32
      %add3A_435 = arith.constant 4 : i32
      %add3A_436 = arith.addi %add3A_434, %add3A_435 : i32
      %add3A_437 = arith.addi %mul3A_2, %add3A_436 : i32
      %lt3A_438 = arith.constant 2500 : i32
      %lt3A_439 = arith.cmpi slt, %add3A_437, %lt3A_438 : i32
      %convert_element_type3A_440 = arith.extui %lt3A_439 : i1 to i32
      %cond3A_441 = arith.constant 0 : i32
      %cond3A_442 = arith.cmpi ne, %convert_element_type3A_440, %cond3A_441 : i32
      scf.if %cond3A_442 {
        %mul3A_963 = arith.constant 128 : i32
        %mul3A_964 = arith.muli %add3A_437, %mul3A_963 : i32
        %dma_start3A_965 = arith.constant 6 : i32
        %dma_start3A_966 = arith.constant 6 : i32
        %dma_start3A_967 = arith.constant 0 : i32
        %dma_start3A_968 = arith.constant 0 : i32
        %dma_start3A_969 = tpu.memref_slice %arg8[%dma_start3A_965, %dma_start3A_967, %dma_start3A_968] : memref<8x2x128xi32, #tpu.memory_space<vmem>> -> memref<1x2x128xi32, #tpu.memory_space<vmem>>
        %dma_start3A_970 = tpu.memref_squeeze %dma_start3A_969 : memref<1x2x128xi32, #tpu.memory_space<vmem>> -> memref<2x128xi32, #tpu.memory_space<vmem>>
        %dma_start3A_971 = arith.constant 0 : i32
        %dma_start3A_972 = tpu.memref_slice %arg3[%dma_start3A_971, %mul3A_964] : memref<2x320000xi32, #tpu.memory_space<hbm>> -> memref<2x128xi32, #tpu.memory_space<hbm>>
        %dma_start3A_973 = tpu.memref_slice %arg10[%dma_start3A_966] : memref<8x!tpu.dma_semaphore, #tpu.memory_space<semaphore_mem>> -> memref<1x!tpu.dma_semaphore, #tpu.memory_space<semaphore_mem>>
        %dma_start3A_974 = tpu.memref_squeeze %dma_start3A_973 : memref<1x!tpu.dma_semaphore, #tpu.memory_space<semaphore_mem>> -> memref<!tpu.dma_semaphore, #tpu.memory_space<semaphore_mem>>
        %dma_start3A_975 = arith.constant 0 : i32
        %dma_start3A_976 = arith.constant 0 : i32
        %dma_start3A_977 = tpu.memref_slice %arg8[%dma_start3A_965, %dma_start3A_975, %dma_start3A_976] : memref<8x2x128xi32, #tpu.memory_space<vmem>> -> memref<1x2x128xi32, #tpu.memory_space<vmem>>
        %dma_start3A_978 = tpu.memref_squeeze %dma_start3A_977 : memref<1x2x128xi32, #tpu.memory_space<vmem>> -> memref<2x128xi32, #tpu.memory_space<vmem>>
        %dma_start3A_979 = arith.constant 0 : i32
        %dma_start3A_980 = tpu.memref_slice %arg3[%dma_start3A_979, %mul3A_964] : memref<2x320000xi32, #tpu.memory_space<hbm>> -> memref<2x128xi32, #tpu.memory_space<hbm>>
        tpu.enqueue_dma source(%dma_start3A_980 : memref<2x128xi32, #tpu.memory_space<hbm>>) target(%dma_start3A_978 : memref<2x128xi32, #tpu.memory_space<vmem>>) target_semaphore(%dma_start3A_974 : memref<!tpu.dma_semaphore, #tpu.memory_space<semaphore_mem>>)
      } else {
      }
      %ge3A_443 = arith.constant 2500 : i32
      %ge3A_444 = arith.cmpi sge, %add3A_437, %ge3A_443 : i32
      %convert_element_type3A_445 = arith.extui %ge3A_444 : i1 to i32
      %cond3A_446 = arith.constant 0 : i32
      %cond3A_447 = arith.cmpi ne, %convert_element_type3A_445, %cond3A_446 : i32
      scf.if %cond3A_447 {
        %sub3A = arith.constant 2500 : i32
        %sub3A_963 = arith.subi %add3A_437, %sub3A : i32
        %dma_start3A_964 = arith.constant 6 : i32
        %dma_start3A_965 = arith.constant 6 : i32
        %dma_start3A_966 = arith.constant 0 : i32
        %dma_start3A_967 = arith.constant 0 : i32
        %dma_start3A_968 = tpu.memref_slice %arg8[%dma_start3A_964, %dma_start3A_966, %dma_start3A_967] : memref<8x2x128xi32, #tpu.memory_space<vmem>> -> memref<1x2x128xi32, #tpu.memory_space<vmem>>
        %dma_start3A_969 = tpu.memref_squeeze %dma_start3A_968 : memref<1x2x128xi32, #tpu.memory_space<vmem>> -> memref<2x128xi32, #tpu.memory_space<vmem>>
        %dma_start3A_970 = arith.constant 0 : i32
        %dma_start3A_971 = arith.constant 0 : i32
        %dma_start3A_972 = tpu.memref_slice %arg4[%sub3A_963, %dma_start3A_970, %dma_start3A_971] : memref<60x2x128xi32, #tpu.memory_space<hbm>> -> memref<1x2x128xi32, #tpu.memory_space<hbm>>
        %dma_start3A_973 = tpu.memref_squeeze %dma_start3A_972 : memref<1x2x128xi32, #tpu.memory_space<hbm>> -> memref<2x128xi32, #tpu.memory_space<hbm>>
        %dma_start3A_974 = tpu.memref_slice %arg10[%dma_start3A_965] : memref<8x!tpu.dma_semaphore, #tpu.memory_space<semaphore_mem>> -> memref<1x!tpu.dma_semaphore, #tpu.memory_space<semaphore_mem>>
        %dma_start3A_975 = tpu.memref_squeeze %dma_start3A_974 : memref<1x!tpu.dma_semaphore, #tpu.memory_space<semaphore_mem>> -> memref<!tpu.dma_semaphore, #tpu.memory_space<semaphore_mem>>
        %dma_start3A_976 = arith.constant 0 : i32
        %dma_start3A_977 = arith.constant 0 : i32
        %dma_start3A_978 = tpu.memref_slice %arg8[%dma_start3A_964, %dma_start3A_976, %dma_start3A_977] : memref<8x2x128xi32, #tpu.memory_space<vmem>> -> memref<1x2x128xi32, #tpu.memory_space<vmem>>
        %dma_start3A_979 = tpu.memref_squeeze %dma_start3A_978 : memref<1x2x128xi32, #tpu.memory_space<vmem>> -> memref<2x128xi32, #tpu.memory_space<vmem>>
        %dma_start3A_980 = arith.constant 0 : i32
        %dma_start3A_981 = arith.constant 0 : i32
        %dma_start3A_982 = tpu.memref_slice %arg4[%sub3A_963, %dma_start3A_980, %dma_start3A_981] : memref<60x2x128xi32, #tpu.memory_space<hbm>> -> memref<1x2x128xi32, #tpu.memory_space<hbm>>
        %dma_start3A_983 = tpu.memref_squeeze %dma_start3A_982 : memref<1x2x128xi32, #tpu.memory_space<hbm>> -> memref<2x128xi32, #tpu.memory_space<hbm>>
        tpu.enqueue_dma source(%dma_start3A_983 : memref<2x128xi32, #tpu.memory_space<hbm>>) target(%dma_start3A_979 : memref<2x128xi32, #tpu.memory_space<vmem>>) target_semaphore(%dma_start3A_975 : memref<!tpu.dma_semaphore, #tpu.memory_space<semaphore_mem>>)
      } else {
      }
      %dma_wait3A_448 = arith.constant 0 : i32
      %dma_wait3A_449 = arith.constant 3 : i32
      %dma_wait3A_450 = arith.constant 3 : i32
      %dma_wait3A_451 = arith.constant 0 : i32
      %dma_wait3A_452 = arith.constant 0 : i32
      %dma_wait3A_453 = tpu.memref_slice %arg8[%dma_wait3A_449, %dma_wait3A_451, %dma_wait3A_452] : memref<8x2x128xi32, #tpu.memory_space<vmem>> -> memref<1x2x128xi32, #tpu.memory_space<vmem>>
      %dma_wait3A_454 = tpu.memref_squeeze %dma_wait3A_453 : memref<1x2x128xi32, #tpu.memory_space<vmem>> -> memref<2x128xi32, #tpu.memory_space<vmem>>
      %dma_wait3A_455 = arith.constant 0 : i32
      %dma_wait3A_456 = arith.constant 0 : i32
      %dma_wait3A_457 = tpu.memref_slice %arg4[%dma_wait3A_448, %dma_wait3A_455, %dma_wait3A_456] : memref<60x2x128xi32, #tpu.memory_space<hbm>> -> memref<1x2x128xi32, #tpu.memory_space<hbm>>
      %dma_wait3A_458 = tpu.memref_squeeze %dma_wait3A_457 : memref<1x2x128xi32, #tpu.memory_space<hbm>> -> memref<2x128xi32, #tpu.memory_space<hbm>>
      %dma_wait3A_459 = tpu.memref_slice %arg10[%dma_wait3A_450] : memref<8x!tpu.dma_semaphore, #tpu.memory_space<semaphore_mem>> -> memref<1x!tpu.dma_semaphore, #tpu.memory_space<semaphore_mem>>
      %dma_wait3A_460 = tpu.memref_squeeze %dma_wait3A_459 : memref<1x!tpu.dma_semaphore, #tpu.memory_space<semaphore_mem>> -> memref<!tpu.dma_semaphore, #tpu.memory_space<semaphore_mem>>
      %dma_wait3A_461 = arith.constant 0 : i32
      %dma_wait3A_462 = arith.constant 0 : i32
      %dma_wait3A_463 = tpu.memref_slice %arg8[%dma_wait3A_449, %dma_wait3A_461, %dma_wait3A_462] : memref<8x2x128xi32, #tpu.memory_space<vmem>> -> memref<1x2x128xi32, #tpu.memory_space<vmem>>
      %dma_wait3A_464 = tpu.memref_squeeze %dma_wait3A_463 : memref<1x2x128xi32, #tpu.memory_space<vmem>> -> memref<2x128xi32, #tpu.memory_space<vmem>>
      %dma_wait3A_465 = arith.constant 0 : i32
      %dma_wait3A_466 = arith.constant 0 : i32
      %dma_wait3A_467 = tpu.memref_slice %arg4[%dma_wait3A_448, %dma_wait3A_465, %dma_wait3A_466] : memref<60x2x128xi32, #tpu.memory_space<hbm>> -> memref<1x2x128xi32, #tpu.memory_space<hbm>>
      %dma_wait3A_468 = tpu.memref_squeeze %dma_wait3A_467 : memref<1x2x128xi32, #tpu.memory_space<hbm>> -> memref<2x128xi32, #tpu.memory_space<hbm>>
      tpu.wait_dma2 semaphore(%dma_wait3A_460 : memref<!tpu.dma_semaphore, #tpu.memory_space<semaphore_mem>>) src(%dma_wait3A_468 : memref<2x128xi32, #tpu.memory_space<hbm>>) dst(%dma_wait3A_464 : memref<2x128xi32, #tpu.memory_space<vmem>>)
      %dma_wait3A_469 = arith.constant 1 : i32
      %dma_wait3A_470 = arith.constant 3 : i32
      %dma_wait3A_471 = arith.constant 1 : i32
      %dma_wait3A_472 = arith.constant 1 : i32
      %dma_wait3A_473 = arith.constant 0 : i32
      %dma_wait3A_474 = arith.constant 0 : i32
      %dma_wait3A_475 = tpu.memref_slice %arg9[%dma_wait3A_469, %dma_wait3A_473, %dma_wait3A_474] : memref<2x128x128xf32, #tpu.memory_space<vmem>> -> memref<1x128x128xf32, #tpu.memory_space<vmem>>
      %dma_wait3A_476 = tpu.memref_squeeze %dma_wait3A_475 : memref<1x128x128xf32, #tpu.memory_space<vmem>> -> memref<128x128xf32, #tpu.memory_space<vmem>>
      %dma_wait3A_477 = arith.constant 0 : i32
      %dma_wait3A_478 = tpu.memref_slice %arg8[%dma_wait3A_470, %dma_wait3A_471, %dma_wait3A_477] : memref<8x2x128xi32, #tpu.memory_space<vmem>> -> memref<1x1x128xi32, #tpu.memory_space<vmem>>
      %dma_wait3A_479 = tpu.memref_squeeze %dma_wait3A_478 : memref<1x1x128xi32, #tpu.memory_space<vmem>> -> memref<128xi32, #tpu.memory_space<vmem>>
      %dma_wait3A_480 = arith.constant 0 : i32
      %dma_wait3A_481 = arith.constant 0 : i32
      %dma_wait3A_482 = tpu.memref_slice %arg6[%dma_wait3A_480, %dma_wait3A_481] : memref<10240x128xf32, #tpu.memory_space<vmem_shared>> -> memref<10240x128xf32, #tpu.memory_space<vmem_shared>>
      %dma_wait3A_483 = tpu.memref_slice %arg12[%dma_wait3A_472] : memref<2x!tpu.dma_semaphore, #tpu.memory_space<semaphore_mem>> -> memref<1x!tpu.dma_semaphore, #tpu.memory_space<semaphore_mem>>
      %dma_wait3A_484 = tpu.memref_squeeze %dma_wait3A_483 : memref<1x!tpu.dma_semaphore, #tpu.memory_space<semaphore_mem>> -> memref<!tpu.dma_semaphore, #tpu.memory_space<semaphore_mem>>
      tpu.wait_indirect_dma semaphore(%dma_wait3A_484 : memref<!tpu.dma_semaphore, #tpu.memory_space<semaphore_mem>>) src(%dma_wait3A_476 : memref<128x128xf32, #tpu.memory_space<vmem>>) dst(%dma_wait3A_482 : memref<10240x128xf32, #tpu.memory_space<vmem_shared>>)
      %dma_start3A_485 = arith.constant 3 : i32
      %dma_start3A_486 = arith.constant 0 : i32
      %dma_start3A_487 = arith.constant 1 : i32
      %dma_start3A_488 = arith.constant 1 : i32
      %dma_start3A_489 = arith.constant 0 : i32
      %dma_start3A_490 = arith.constant 0 : i32
      %dma_start3A_491 = tpu.memref_slice %arg9[%dma_start3A_487, %dma_start3A_489, %dma_start3A_490] : memref<2x128x128xf32, #tpu.memory_space<vmem>> -> memref<1x128x128xf32, #tpu.memory_space<vmem>>
      %dma_start3A_492 = tpu.memref_squeeze %dma_start3A_491 : memref<1x128x128xf32, #tpu.memory_space<vmem>> -> memref<128x128xf32, #tpu.memory_space<vmem>>
      %dma_start3A_493 = arith.constant 0 : i32
      %dma_start3A_494 = tpu.memref_slice %arg8[%dma_start3A_485, %dma_start3A_486, %dma_start3A_493] : memref<8x2x128xi32, #tpu.memory_space<vmem>> -> memref<1x1x128xi32, #tpu.memory_space<vmem>>
      %dma_start3A_495 = tpu.memref_squeeze %dma_start3A_494 : memref<1x1x128xi32, #tpu.memory_space<vmem>> -> memref<128xi32, #tpu.memory_space<vmem>>
      %dma_start3A_496 = arith.constant 0 : i32
      %dma_start3A_497 = arith.constant 0 : i32
      %dma_start3A_498 = tpu.memref_slice %arg2[%dma_start3A_496, %dma_start3A_497] : memref<10000x128xf32, #tpu.memory_space<hbm>> -> memref<10000x128xf32, #tpu.memory_space<hbm>>
      %dma_start3A_499 = tpu.memref_slice %arg11[%dma_start3A_488] : memref<2x!tpu.dma_semaphore, #tpu.memory_space<semaphore_mem>> -> memref<1x!tpu.dma_semaphore, #tpu.memory_space<semaphore_mem>>
      %dma_start3A_500 = tpu.memref_squeeze %dma_start3A_499 : memref<1x!tpu.dma_semaphore, #tpu.memory_space<semaphore_mem>> -> memref<!tpu.dma_semaphore, #tpu.memory_space<semaphore_mem>>
      tpu.enqueue_indirect_dma source(%dma_start3A_498 : memref<10000x128xf32, #tpu.memory_space<hbm>>) target(%dma_start3A_492 : memref<128x128xf32, #tpu.memory_space<vmem>>) offsets(%dma_start3A_495 : memref<128xi32, #tpu.memory_space<vmem>>) semaphore(%dma_start3A_500 : memref<!tpu.dma_semaphore, #tpu.memory_space<semaphore_mem>>)
      %dma_wait3A_501 = arith.constant 2 : i32
      %dma_wait3A_502 = arith.constant 0 : i32
      %dma_wait3A_503 = arith.constant 0 : i32
      %dma_wait3A_504 = arith.constant 0 : i32
      %dma_wait3A_505 = arith.constant 0 : i32
      %dma_wait3A_506 = arith.constant 0 : i32
      %dma_wait3A_507 = tpu.memref_slice %arg9[%dma_wait3A_503, %dma_wait3A_505, %dma_wait3A_506] : memref<2x128x128xf32, #tpu.memory_space<vmem>> -> memref<1x128x128xf32, #tpu.memory_space<vmem>>
      %dma_wait3A_508 = tpu.memref_squeeze %dma_wait3A_507 : memref<1x128x128xf32, #tpu.memory_space<vmem>> -> memref<128x128xf32, #tpu.memory_space<vmem>>
      %dma_wait3A_509 = arith.constant 0 : i32
      %dma_wait3A_510 = tpu.memref_slice %arg8[%dma_wait3A_501, %dma_wait3A_502, %dma_wait3A_509] : memref<8x2x128xi32, #tpu.memory_space<vmem>> -> memref<1x1x128xi32, #tpu.memory_space<vmem>>
      %dma_wait3A_511 = tpu.memref_squeeze %dma_wait3A_510 : memref<1x1x128xi32, #tpu.memory_space<vmem>> -> memref<128xi32, #tpu.memory_space<vmem>>
      %dma_wait3A_512 = arith.constant 0 : i32
      %dma_wait3A_513 = arith.constant 0 : i32
      %dma_wait3A_514 = tpu.memref_slice %arg2[%dma_wait3A_512, %dma_wait3A_513] : memref<10000x128xf32, #tpu.memory_space<hbm>> -> memref<10000x128xf32, #tpu.memory_space<hbm>>
      %dma_wait3A_515 = tpu.memref_slice %arg11[%dma_wait3A_504] : memref<2x!tpu.dma_semaphore, #tpu.memory_space<semaphore_mem>> -> memref<1x!tpu.dma_semaphore, #tpu.memory_space<semaphore_mem>>
      %dma_wait3A_516 = tpu.memref_squeeze %dma_wait3A_515 : memref<1x!tpu.dma_semaphore, #tpu.memory_space<semaphore_mem>> -> memref<!tpu.dma_semaphore, #tpu.memory_space<semaphore_mem>>
      tpu.wait_indirect_dma semaphore(%dma_wait3A_516 : memref<!tpu.dma_semaphore, #tpu.memory_space<semaphore_mem>>) src(%dma_wait3A_514 : memref<10000x128xf32, #tpu.memory_space<hbm>>) dst(%dma_wait3A_508 : memref<128x128xf32, #tpu.memory_space<vmem>>)
      %dma_start3A_517 = arith.constant 0 : i32
      %dma_start3A_518 = arith.constant 2 : i32
      %dma_start3A_519 = arith.constant 1 : i32
      %dma_start3A_520 = arith.constant 0 : i32
      %dma_start3A_521 = arith.constant 0 : i32
      %dma_start3A_522 = arith.constant 0 : i32
      %dma_start3A_523 = tpu.memref_slice %arg9[%dma_start3A_517, %dma_start3A_521, %dma_start3A_522] : memref<2x128x128xf32, #tpu.memory_space<vmem>> -> memref<1x128x128xf32, #tpu.memory_space<vmem>>
      %dma_start3A_524 = tpu.memref_squeeze %dma_start3A_523 : memref<1x128x128xf32, #tpu.memory_space<vmem>> -> memref<128x128xf32, #tpu.memory_space<vmem>>
      %dma_start3A_525 = arith.constant 0 : i32
      %dma_start3A_526 = tpu.memref_slice %arg8[%dma_start3A_518, %dma_start3A_519, %dma_start3A_525] : memref<8x2x128xi32, #tpu.memory_space<vmem>> -> memref<1x1x128xi32, #tpu.memory_space<vmem>>
      %dma_start3A_527 = tpu.memref_squeeze %dma_start3A_526 : memref<1x1x128xi32, #tpu.memory_space<vmem>> -> memref<128xi32, #tpu.memory_space<vmem>>
      %dma_start3A_528 = arith.constant 0 : i32
      %dma_start3A_529 = arith.constant 0 : i32
      %dma_start3A_530 = tpu.memref_slice %arg6[%dma_start3A_528, %dma_start3A_529] : memref<10240x128xf32, #tpu.memory_space<vmem_shared>> -> memref<10240x128xf32, #tpu.memory_space<vmem_shared>>
      %dma_start3A_531 = tpu.memref_slice %arg12[%dma_start3A_520] : memref<2x!tpu.dma_semaphore, #tpu.memory_space<semaphore_mem>> -> memref<1x!tpu.dma_semaphore, #tpu.memory_space<semaphore_mem>>
      %dma_start3A_532 = tpu.memref_squeeze %dma_start3A_531 : memref<1x!tpu.dma_semaphore, #tpu.memory_space<semaphore_mem>> -> memref<!tpu.dma_semaphore, #tpu.memory_space<semaphore_mem>>
      tpu.enqueue_indirect_dma source(%dma_start3A_524 : memref<128x128xf32, #tpu.memory_space<vmem>>) target(%dma_start3A_530 : memref<10240x128xf32, #tpu.memory_space<vmem_shared>>) offsets(%dma_start3A_527 : memref<128xi32, #tpu.memory_space<vmem>>) semaphore(%dma_start3A_532 : memref<!tpu.dma_semaphore, #tpu.memory_space<semaphore_mem>>) {add = true}
      %mul3A_533 = arith.constant 8 : i32
      %mul3A_534 = arith.muli %add3A_271, %mul3A_533 : i32
      %add3A_535 = arith.constant 3 : i32
      %add3A_536 = arith.addi %mul3A_534, %add3A_535 : i32
      %add3A_537 = arith.constant 4 : i32
      %add3A_538 = arith.addi %add3A_536, %add3A_537 : i32
      %add3A_539 = arith.addi %mul3A_2, %add3A_538 : i32
      %lt3A_540 = arith.constant 2500 : i32
      %lt3A_541 = arith.cmpi slt, %add3A_539, %lt3A_540 : i32
      %convert_element_type3A_542 = arith.extui %lt3A_541 : i1 to i32
      %cond3A_543 = arith.constant 0 : i32
      %cond3A_544 = arith.cmpi ne, %convert_element_type3A_542, %cond3A_543 : i32
      scf.if %cond3A_544 {
        %mul3A_963 = arith.constant 128 : i32
        %mul3A_964 = arith.muli %add3A_539, %mul3A_963 : i32
        %dma_start3A_965 = arith.constant 7 : i32
        %dma_start3A_966 = arith.constant 7 : i32
        %dma_start3A_967 = arith.constant 0 : i32
        %dma_start3A_968 = arith.constant 0 : i32
        %dma_start3A_969 = tpu.memref_slice %arg8[%dma_start3A_965, %dma_start3A_967, %dma_start3A_968] : memref<8x2x128xi32, #tpu.memory_space<vmem>> -> memref<1x2x128xi32, #tpu.memory_space<vmem>>
        %dma_start3A_970 = tpu.memref_squeeze %dma_start3A_969 : memref<1x2x128xi32, #tpu.memory_space<vmem>> -> memref<2x128xi32, #tpu.memory_space<vmem>>
        %dma_start3A_971 = arith.constant 0 : i32
        %dma_start3A_972 = tpu.memref_slice %arg3[%dma_start3A_971, %mul3A_964] : memref<2x320000xi32, #tpu.memory_space<hbm>> -> memref<2x128xi32, #tpu.memory_space<hbm>>
        %dma_start3A_973 = tpu.memref_slice %arg10[%dma_start3A_966] : memref<8x!tpu.dma_semaphore, #tpu.memory_space<semaphore_mem>> -> memref<1x!tpu.dma_semaphore, #tpu.memory_space<semaphore_mem>>
        %dma_start3A_974 = tpu.memref_squeeze %dma_start3A_973 : memref<1x!tpu.dma_semaphore, #tpu.memory_space<semaphore_mem>> -> memref<!tpu.dma_semaphore, #tpu.memory_space<semaphore_mem>>
        %dma_start3A_975 = arith.constant 0 : i32
        %dma_start3A_976 = arith.constant 0 : i32
        %dma_start3A_977 = tpu.memref_slice %arg8[%dma_start3A_965, %dma_start3A_975, %dma_start3A_976] : memref<8x2x128xi32, #tpu.memory_space<vmem>> -> memref<1x2x128xi32, #tpu.memory_space<vmem>>
        %dma_start3A_978 = tpu.memref_squeeze %dma_start3A_977 : memref<1x2x128xi32, #tpu.memory_space<vmem>> -> memref<2x128xi32, #tpu.memory_space<vmem>>
        %dma_start3A_979 = arith.constant 0 : i32
        %dma_start3A_980 = tpu.memref_slice %arg3[%dma_start3A_979, %mul3A_964] : memref<2x320000xi32, #tpu.memory_space<hbm>> -> memref<2x128xi32, #tpu.memory_space<hbm>>
        tpu.enqueue_dma source(%dma_start3A_980 : memref<2x128xi32, #tpu.memory_space<hbm>>) target(%dma_start3A_978 : memref<2x128xi32, #tpu.memory_space<vmem>>) target_semaphore(%dma_start3A_974 : memref<!tpu.dma_semaphore, #tpu.memory_space<semaphore_mem>>)
      } else {
      }
      %ge3A_545 = arith.constant 2500 : i32
      %ge3A_546 = arith.cmpi sge, %add3A_539, %ge3A_545 : i32
      %convert_element_type3A_547 = arith.extui %ge3A_546 : i1 to i32
      %cond3A_548 = arith.constant 0 : i32
      %cond3A_549 = arith.cmpi ne, %convert_element_type3A_547, %cond3A_548 : i32
      scf.if %cond3A_549 {
        %sub3A = arith.constant 2500 : i32
        %sub3A_963 = arith.subi %add3A_539, %sub3A : i32
        %dma_start3A_964 = arith.constant 7 : i32
        %dma_start3A_965 = arith.constant 7 : i32
        %dma_start3A_966 = arith.constant 0 : i32
        %dma_start3A_967 = arith.constant 0 : i32
        %dma_start3A_968 = tpu.memref_slice %arg8[%dma_start3A_964, %dma_start3A_966, %dma_start3A_967] : memref<8x2x128xi32, #tpu.memory_space<vmem>> -> memref<1x2x128xi32, #tpu.memory_space<vmem>>
        %dma_start3A_969 = tpu.memref_squeeze %dma_start3A_968 : memref<1x2x128xi32, #tpu.memory_space<vmem>> -> memref<2x128xi32, #tpu.memory_space<vmem>>
        %dma_start3A_970 = arith.constant 0 : i32
        %dma_start3A_971 = arith.constant 0 : i32
        %dma_start3A_972 = tpu.memref_slice %arg4[%sub3A_963, %dma_start3A_970, %dma_start3A_971] : memref<60x2x128xi32, #tpu.memory_space<hbm>> -> memref<1x2x128xi32, #tpu.memory_space<hbm>>
        %dma_start3A_973 = tpu.memref_squeeze %dma_start3A_972 : memref<1x2x128xi32, #tpu.memory_space<hbm>> -> memref<2x128xi32, #tpu.memory_space<hbm>>
        %dma_start3A_974 = tpu.memref_slice %arg10[%dma_start3A_965] : memref<8x!tpu.dma_semaphore, #tpu.memory_space<semaphore_mem>> -> memref<1x!tpu.dma_semaphore, #tpu.memory_space<semaphore_mem>>
        %dma_start3A_975 = tpu.memref_squeeze %dma_start3A_974 : memref<1x!tpu.dma_semaphore, #tpu.memory_space<semaphore_mem>> -> memref<!tpu.dma_semaphore, #tpu.memory_space<semaphore_mem>>
        %dma_start3A_976 = arith.constant 0 : i32
        %dma_start3A_977 = arith.constant 0 : i32
        %dma_start3A_978 = tpu.memref_slice %arg8[%dma_start3A_964, %dma_start3A_976, %dma_start3A_977] : memref<8x2x128xi32, #tpu.memory_space<vmem>> -> memref<1x2x128xi32, #tpu.memory_space<vmem>>
        %dma_start3A_979 = tpu.memref_squeeze %dma_start3A_978 : memref<1x2x128xi32, #tpu.memory_space<vmem>> -> memref<2x128xi32, #tpu.memory_space<vmem>>
        %dma_start3A_980 = arith.constant 0 : i32
        %dma_start3A_981 = arith.constant 0 : i32
        %dma_start3A_982 = tpu.memref_slice %arg4[%sub3A_963, %dma_start3A_980, %dma_start3A_981] : memref<60x2x128xi32, #tpu.memory_space<hbm>> -> memref<1x2x128xi32, #tpu.memory_space<hbm>>
        %dma_start3A_983 = tpu.memref_squeeze %dma_start3A_982 : memref<1x2x128xi32, #tpu.memory_space<hbm>> -> memref<2x128xi32, #tpu.memory_space<hbm>>
        tpu.enqueue_dma source(%dma_start3A_983 : memref<2x128xi32, #tpu.memory_space<hbm>>) target(%dma_start3A_979 : memref<2x128xi32, #tpu.memory_space<vmem>>) target_semaphore(%dma_start3A_975 : memref<!tpu.dma_semaphore, #tpu.memory_space<semaphore_mem>>)
      } else {
      }
      %dma_wait3A_550 = arith.constant 0 : i32
      %dma_wait3A_551 = arith.constant 4 : i32
      %dma_wait3A_552 = arith.constant 4 : i32
      %dma_wait3A_553 = arith.constant 0 : i32
      %dma_wait3A_554 = arith.constant 0 : i32
      %dma_wait3A_555 = tpu.memref_slice %arg8[%dma_wait3A_551, %dma_wait3A_553, %dma_wait3A_554] : memref<8x2x128xi32, #tpu.memory_space<vmem>> -> memref<1x2x128xi32, #tpu.memory_space<vmem>>
      %dma_wait3A_556 = tpu.memref_squeeze %dma_wait3A_555 : memref<1x2x128xi32, #tpu.memory_space<vmem>> -> memref<2x128xi32, #tpu.memory_space<vmem>>
      %dma_wait3A_557 = arith.constant 0 : i32
      %dma_wait3A_558 = arith.constant 0 : i32
      %dma_wait3A_559 = tpu.memref_slice %arg4[%dma_wait3A_550, %dma_wait3A_557, %dma_wait3A_558] : memref<60x2x128xi32, #tpu.memory_space<hbm>> -> memref<1x2x128xi32, #tpu.memory_space<hbm>>
      %dma_wait3A_560 = tpu.memref_squeeze %dma_wait3A_559 : memref<1x2x128xi32, #tpu.memory_space<hbm>> -> memref<2x128xi32, #tpu.memory_space<hbm>>
      %dma_wait3A_561 = tpu.memref_slice %arg10[%dma_wait3A_552] : memref<8x!tpu.dma_semaphore, #tpu.memory_space<semaphore_mem>> -> memref<1x!tpu.dma_semaphore, #tpu.memory_space<semaphore_mem>>
      %dma_wait3A_562 = tpu.memref_squeeze %dma_wait3A_561 : memref<1x!tpu.dma_semaphore, #tpu.memory_space<semaphore_mem>> -> memref<!tpu.dma_semaphore, #tpu.memory_space<semaphore_mem>>
      %dma_wait3A_563 = arith.constant 0 : i32
      %dma_wait3A_564 = arith.constant 0 : i32
      %dma_wait3A_565 = tpu.memref_slice %arg8[%dma_wait3A_551, %dma_wait3A_563, %dma_wait3A_564] : memref<8x2x128xi32, #tpu.memory_space<vmem>> -> memref<1x2x128xi32, #tpu.memory_space<vmem>>
      %dma_wait3A_566 = tpu.memref_squeeze %dma_wait3A_565 : memref<1x2x128xi32, #tpu.memory_space<vmem>> -> memref<2x128xi32, #tpu.memory_space<vmem>>
      %dma_wait3A_567 = arith.constant 0 : i32
      %dma_wait3A_568 = arith.constant 0 : i32
      %dma_wait3A_569 = tpu.memref_slice %arg4[%dma_wait3A_550, %dma_wait3A_567, %dma_wait3A_568] : memref<60x2x128xi32, #tpu.memory_space<hbm>> -> memref<1x2x128xi32, #tpu.memory_space<hbm>>
      %dma_wait3A_570 = tpu.memref_squeeze %dma_wait3A_569 : memref<1x2x128xi32, #tpu.memory_space<hbm>> -> memref<2x128xi32, #tpu.memory_space<hbm>>
      tpu.wait_dma2 semaphore(%dma_wait3A_562 : memref<!tpu.dma_semaphore, #tpu.memory_space<semaphore_mem>>) src(%dma_wait3A_570 : memref<2x128xi32, #tpu.memory_space<hbm>>) dst(%dma_wait3A_566 : memref<2x128xi32, #tpu.memory_space<vmem>>)
      %dma_wait3A_571 = arith.constant 0 : i32
      %dma_wait3A_572 = arith.constant 4 : i32
      %dma_wait3A_573 = arith.constant 1 : i32
      %dma_wait3A_574 = arith.constant 0 : i32
      %dma_wait3A_575 = arith.constant 0 : i32
      %dma_wait3A_576 = arith.constant 0 : i32
      %dma_wait3A_577 = tpu.memref_slice %arg9[%dma_wait3A_571, %dma_wait3A_575, %dma_wait3A_576] : memref<2x128x128xf32, #tpu.memory_space<vmem>> -> memref<1x128x128xf32, #tpu.memory_space<vmem>>
      %dma_wait3A_578 = tpu.memref_squeeze %dma_wait3A_577 : memref<1x128x128xf32, #tpu.memory_space<vmem>> -> memref<128x128xf32, #tpu.memory_space<vmem>>
      %dma_wait3A_579 = arith.constant 0 : i32
      %dma_wait3A_580 = tpu.memref_slice %arg8[%dma_wait3A_572, %dma_wait3A_573, %dma_wait3A_579] : memref<8x2x128xi32, #tpu.memory_space<vmem>> -> memref<1x1x128xi32, #tpu.memory_space<vmem>>
      %dma_wait3A_581 = tpu.memref_squeeze %dma_wait3A_580 : memref<1x1x128xi32, #tpu.memory_space<vmem>> -> memref<128xi32, #tpu.memory_space<vmem>>
      %dma_wait3A_582 = arith.constant 0 : i32
      %dma_wait3A_583 = arith.constant 0 : i32
      %dma_wait3A_584 = tpu.memref_slice %arg6[%dma_wait3A_582, %dma_wait3A_583] : memref<10240x128xf32, #tpu.memory_space<vmem_shared>> -> memref<10240x128xf32, #tpu.memory_space<vmem_shared>>
      %dma_wait3A_585 = tpu.memref_slice %arg12[%dma_wait3A_574] : memref<2x!tpu.dma_semaphore, #tpu.memory_space<semaphore_mem>> -> memref<1x!tpu.dma_semaphore, #tpu.memory_space<semaphore_mem>>
      %dma_wait3A_586 = tpu.memref_squeeze %dma_wait3A_585 : memref<1x!tpu.dma_semaphore, #tpu.memory_space<semaphore_mem>> -> memref<!tpu.dma_semaphore, #tpu.memory_space<semaphore_mem>>
      tpu.wait_indirect_dma semaphore(%dma_wait3A_586 : memref<!tpu.dma_semaphore, #tpu.memory_space<semaphore_mem>>) src(%dma_wait3A_578 : memref<128x128xf32, #tpu.memory_space<vmem>>) dst(%dma_wait3A_584 : memref<10240x128xf32, #tpu.memory_space<vmem_shared>>)
      %dma_start3A_587 = arith.constant 4 : i32
      %dma_start3A_588 = arith.constant 0 : i32
      %dma_start3A_589 = arith.constant 0 : i32
      %dma_start3A_590 = arith.constant 0 : i32
      %dma_start3A_591 = arith.constant 0 : i32
      %dma_start3A_592 = arith.constant 0 : i32
      %dma_start3A_593 = tpu.memref_slice %arg9[%dma_start3A_589, %dma_start3A_591, %dma_start3A_592] : memref<2x128x128xf32, #tpu.memory_space<vmem>> -> memref<1x128x128xf32, #tpu.memory_space<vmem>>
      %dma_start3A_594 = tpu.memref_squeeze %dma_start3A_593 : memref<1x128x128xf32, #tpu.memory_space<vmem>> -> memref<128x128xf32, #tpu.memory_space<vmem>>
      %dma_start3A_595 = arith.constant 0 : i32
      %dma_start3A_596 = tpu.memref_slice %arg8[%dma_start3A_587, %dma_start3A_588, %dma_start3A_595] : memref<8x2x128xi32, #tpu.memory_space<vmem>> -> memref<1x1x128xi32, #tpu.memory_space<vmem>>
      %dma_start3A_597 = tpu.memref_squeeze %dma_start3A_596 : memref<1x1x128xi32, #tpu.memory_space<vmem>> -> memref<128xi32, #tpu.memory_space<vmem>>
      %dma_start3A_598 = arith.constant 0 : i32
      %dma_start3A_599 = arith.constant 0 : i32
      %dma_start3A_600 = tpu.memref_slice %arg2[%dma_start3A_598, %dma_start3A_599] : memref<10000x128xf32, #tpu.memory_space<hbm>> -> memref<10000x128xf32, #tpu.memory_space<hbm>>
      %dma_start3A_601 = tpu.memref_slice %arg11[%dma_start3A_590] : memref<2x!tpu.dma_semaphore, #tpu.memory_space<semaphore_mem>> -> memref<1x!tpu.dma_semaphore, #tpu.memory_space<semaphore_mem>>
      %dma_start3A_602 = tpu.memref_squeeze %dma_start3A_601 : memref<1x!tpu.dma_semaphore, #tpu.memory_space<semaphore_mem>> -> memref<!tpu.dma_semaphore, #tpu.memory_space<semaphore_mem>>
      tpu.enqueue_indirect_dma source(%dma_start3A_600 : memref<10000x128xf32, #tpu.memory_space<hbm>>) target(%dma_start3A_594 : memref<128x128xf32, #tpu.memory_space<vmem>>) offsets(%dma_start3A_597 : memref<128xi32, #tpu.memory_space<vmem>>) semaphore(%dma_start3A_602 : memref<!tpu.dma_semaphore, #tpu.memory_space<semaphore_mem>>)
      %dma_wait3A_603 = arith.constant 3 : i32
      %dma_wait3A_604 = arith.constant 0 : i32
      %dma_wait3A_605 = arith.constant 1 : i32
      %dma_wait3A_606 = arith.constant 1 : i32
      %dma_wait3A_607 = arith.constant 0 : i32
      %dma_wait3A_608 = arith.constant 0 : i32
      %dma_wait3A_609 = tpu.memref_slice %arg9[%dma_wait3A_605, %dma_wait3A_607, %dma_wait3A_608] : memref<2x128x128xf32, #tpu.memory_space<vmem>> -> memref<1x128x128xf32, #tpu.memory_space<vmem>>
      %dma_wait3A_610 = tpu.memref_squeeze %dma_wait3A_609 : memref<1x128x128xf32, #tpu.memory_space<vmem>> -> memref<128x128xf32, #tpu.memory_space<vmem>>
      %dma_wait3A_611 = arith.constant 0 : i32
      %dma_wait3A_612 = tpu.memref_slice %arg8[%dma_wait3A_603, %dma_wait3A_604, %dma_wait3A_611] : memref<8x2x128xi32, #tpu.memory_space<vmem>> -> memref<1x1x128xi32, #tpu.memory_space<vmem>>
      %dma_wait3A_613 = tpu.memref_squeeze %dma_wait3A_612 : memref<1x1x128xi32, #tpu.memory_space<vmem>> -> memref<128xi32, #tpu.memory_space<vmem>>
      %dma_wait3A_614 = arith.constant 0 : i32
      %dma_wait3A_615 = arith.constant 0 : i32
      %dma_wait3A_616 = tpu.memref_slice %arg2[%dma_wait3A_614, %dma_wait3A_615] : memref<10000x128xf32, #tpu.memory_space<hbm>> -> memref<10000x128xf32, #tpu.memory_space<hbm>>
      %dma_wait3A_617 = tpu.memref_slice %arg11[%dma_wait3A_606] : memref<2x!tpu.dma_semaphore, #tpu.memory_space<semaphore_mem>> -> memref<1x!tpu.dma_semaphore, #tpu.memory_space<semaphore_mem>>
      %dma_wait3A_618 = tpu.memref_squeeze %dma_wait3A_617 : memref<1x!tpu.dma_semaphore, #tpu.memory_space<semaphore_mem>> -> memref<!tpu.dma_semaphore, #tpu.memory_space<semaphore_mem>>
      tpu.wait_indirect_dma semaphore(%dma_wait3A_618 : memref<!tpu.dma_semaphore, #tpu.memory_space<semaphore_mem>>) src(%dma_wait3A_616 : memref<10000x128xf32, #tpu.memory_space<hbm>>) dst(%dma_wait3A_610 : memref<128x128xf32, #tpu.memory_space<vmem>>)
      %dma_start3A_619 = arith.constant 1 : i32
      %dma_start3A_620 = arith.constant 3 : i32
      %dma_start3A_621 = arith.constant 1 : i32
      %dma_start3A_622 = arith.constant 1 : i32
      %dma_start3A_623 = arith.constant 0 : i32
      %dma_start3A_624 = arith.constant 0 : i32
      %dma_start3A_625 = tpu.memref_slice %arg9[%dma_start3A_619, %dma_start3A_623, %dma_start3A_624] : memref<2x128x128xf32, #tpu.memory_space<vmem>> -> memref<1x128x128xf32, #tpu.memory_space<vmem>>
      %dma_start3A_626 = tpu.memref_squeeze %dma_start3A_625 : memref<1x128x128xf32, #tpu.memory_space<vmem>> -> memref<128x128xf32, #tpu.memory_space<vmem>>
      %dma_start3A_627 = arith.constant 0 : i32
      %dma_start3A_628 = tpu.memref_slice %arg8[%dma_start3A_620, %dma_start3A_621, %dma_start3A_627] : memref<8x2x128xi32, #tpu.memory_space<vmem>> -> memref<1x1x128xi32, #tpu.memory_space<vmem>>
      %dma_start3A_629 = tpu.memref_squeeze %dma_start3A_628 : memref<1x1x128xi32, #tpu.memory_space<vmem>> -> memref<128xi32, #tpu.memory_space<vmem>>
      %dma_start3A_630 = arith.constant 0 : i32
      %dma_start3A_631 = arith.constant 0 : i32
      %dma_start3A_632 = tpu.memref_slice %arg6[%dma_start3A_630, %dma_start3A_631] : memref<10240x128xf32, #tpu.memory_space<vmem_shared>> -> memref<10240x128xf32, #tpu.memory_space<vmem_shared>>
      %dma_start3A_633 = tpu.memref_slice %arg12[%dma_start3A_622] : memref<2x!tpu.dma_semaphore, #tpu.memory_space<semaphore_mem>> -> memref<1x!tpu.dma_semaphore, #tpu.memory_space<semaphore_mem>>
      %dma_start3A_634 = tpu.memref_squeeze %dma_start3A_633 : memref<1x!tpu.dma_semaphore, #tpu.memory_space<semaphore_mem>> -> memref<!tpu.dma_semaphore, #tpu.memory_space<semaphore_mem>>
      tpu.enqueue_indirect_dma source(%dma_start3A_626 : memref<128x128xf32, #tpu.memory_space<vmem>>) target(%dma_start3A_632 : memref<10240x128xf32, #tpu.memory_space<vmem_shared>>) offsets(%dma_start3A_629 : memref<128xi32, #tpu.memory_space<vmem>>) semaphore(%dma_start3A_634 : memref<!tpu.dma_semaphore, #tpu.memory_space<semaphore_mem>>) {add = true}
      %mul3A_635 = arith.constant 8 : i32
      %mul3A_636 = arith.muli %add3A_271, %mul3A_635 : i32
      %add3A_637 = arith.constant 4 : i32
      %add3A_638 = arith.addi %mul3A_636, %add3A_637 : i32
      %lt3A_639 = arith.constant 9 : i32
      %lt3A_640 = arith.cmpi slt, %add3A_271, %lt3A_639 : i32
      %convert_element_type3A_641 = arith.extui %lt3A_640 : i1 to i32
      %cond3A_642 = arith.constant 0 : i32
      %cond3A_643 = arith.cmpi ne, %convert_element_type3A_641, %cond3A_642 : i32
      scf.if %cond3A_643 {
        %add3A_963 = arith.constant 4 : i32
        %add3A_964 = arith.addi %add3A_638, %add3A_963 : i32
        %add3A_965 = arith.addi %mul3A_2, %add3A_964 : i32
        %lt3A_966 = arith.constant 2500 : i32
        %lt3A_967 = arith.cmpi slt, %add3A_965, %lt3A_966 : i32
        %convert_element_type3A_968 = arith.extui %lt3A_967 : i1 to i32
        %cond3A_969 = arith.constant 0 : i32
        %cond3A_970 = arith.cmpi ne, %convert_element_type3A_968, %cond3A_969 : i32
        scf.if %cond3A_970 {
          %mul3A_976 = arith.constant 128 : i32
          %mul3A_977 = arith.muli %add3A_965, %mul3A_976 : i32
          %dma_start3A_978 = arith.constant 0 : i32
          %dma_start3A_979 = arith.constant 0 : i32
          %dma_start3A_980 = arith.constant 0 : i32
          %dma_start3A_981 = arith.constant 0 : i32
          %dma_start3A_982 = tpu.memref_slice %arg8[%dma_start3A_978, %dma_start3A_980, %dma_start3A_981] : memref<8x2x128xi32, #tpu.memory_space<vmem>> -> memref<1x2x128xi32, #tpu.memory_space<vmem>>
          %dma_start3A_983 = tpu.memref_squeeze %dma_start3A_982 : memref<1x2x128xi32, #tpu.memory_space<vmem>> -> memref<2x128xi32, #tpu.memory_space<vmem>>
          %dma_start3A_984 = arith.constant 0 : i32
          %dma_start3A_985 = tpu.memref_slice %arg3[%dma_start3A_984, %mul3A_977] : memref<2x320000xi32, #tpu.memory_space<hbm>> -> memref<2x128xi32, #tpu.memory_space<hbm>>
          %dma_start3A_986 = tpu.memref_slice %arg10[%dma_start3A_979] : memref<8x!tpu.dma_semaphore, #tpu.memory_space<semaphore_mem>> -> memref<1x!tpu.dma_semaphore, #tpu.memory_space<semaphore_mem>>
          %dma_start3A_987 = tpu.memref_squeeze %dma_start3A_986 : memref<1x!tpu.dma_semaphore, #tpu.memory_space<semaphore_mem>> -> memref<!tpu.dma_semaphore, #tpu.memory_space<semaphore_mem>>
          %dma_start3A_988 = arith.constant 0 : i32
          %dma_start3A_989 = arith.constant 0 : i32
          %dma_start3A_990 = tpu.memref_slice %arg8[%dma_start3A_978, %dma_start3A_988, %dma_start3A_989] : memref<8x2x128xi32, #tpu.memory_space<vmem>> -> memref<1x2x128xi32, #tpu.memory_space<vmem>>
          %dma_start3A_991 = tpu.memref_squeeze %dma_start3A_990 : memref<1x2x128xi32, #tpu.memory_space<vmem>> -> memref<2x128xi32, #tpu.memory_space<vmem>>
          %dma_start3A_992 = arith.constant 0 : i32
          %dma_start3A_993 = tpu.memref_slice %arg3[%dma_start3A_992, %mul3A_977] : memref<2x320000xi32, #tpu.memory_space<hbm>> -> memref<2x128xi32, #tpu.memory_space<hbm>>
          tpu.enqueue_dma source(%dma_start3A_993 : memref<2x128xi32, #tpu.memory_space<hbm>>) target(%dma_start3A_991 : memref<2x128xi32, #tpu.memory_space<vmem>>) target_semaphore(%dma_start3A_987 : memref<!tpu.dma_semaphore, #tpu.memory_space<semaphore_mem>>)
        } else {
        }
        %ge3A_971 = arith.constant 2500 : i32
        %ge3A_972 = arith.cmpi sge, %add3A_965, %ge3A_971 : i32
        %convert_element_type3A_973 = arith.extui %ge3A_972 : i1 to i32
        %cond3A_974 = arith.constant 0 : i32
        %cond3A_975 = arith.cmpi ne, %convert_element_type3A_973, %cond3A_974 : i32
        scf.if %cond3A_975 {
          %sub3A = arith.constant 2500 : i32
          %sub3A_976 = arith.subi %add3A_965, %sub3A : i32
          %dma_start3A_977 = arith.constant 0 : i32
          %dma_start3A_978 = arith.constant 0 : i32
          %dma_start3A_979 = arith.constant 0 : i32
          %dma_start3A_980 = arith.constant 0 : i32
          %dma_start3A_981 = tpu.memref_slice %arg8[%dma_start3A_977, %dma_start3A_979, %dma_start3A_980] : memref<8x2x128xi32, #tpu.memory_space<vmem>> -> memref<1x2x128xi32, #tpu.memory_space<vmem>>
          %dma_start3A_982 = tpu.memref_squeeze %dma_start3A_981 : memref<1x2x128xi32, #tpu.memory_space<vmem>> -> memref<2x128xi32, #tpu.memory_space<vmem>>
          %dma_start3A_983 = arith.constant 0 : i32
          %dma_start3A_984 = arith.constant 0 : i32
          %dma_start3A_985 = tpu.memref_slice %arg4[%sub3A_976, %dma_start3A_983, %dma_start3A_984] : memref<60x2x128xi32, #tpu.memory_space<hbm>> -> memref<1x2x128xi32, #tpu.memory_space<hbm>>
          %dma_start3A_986 = tpu.memref_squeeze %dma_start3A_985 : memref<1x2x128xi32, #tpu.memory_space<hbm>> -> memref<2x128xi32, #tpu.memory_space<hbm>>
          %dma_start3A_987 = tpu.memref_slice %arg10[%dma_start3A_978] : memref<8x!tpu.dma_semaphore, #tpu.memory_space<semaphore_mem>> -> memref<1x!tpu.dma_semaphore, #tpu.memory_space<semaphore_mem>>
          %dma_start3A_988 = tpu.memref_squeeze %dma_start3A_987 : memref<1x!tpu.dma_semaphore, #tpu.memory_space<semaphore_mem>> -> memref<!tpu.dma_semaphore, #tpu.memory_space<semaphore_mem>>
          %dma_start3A_989 = arith.constant 0 : i32
          %dma_start3A_990 = arith.constant 0 : i32
          %dma_start3A_991 = tpu.memref_slice %arg8[%dma_start3A_977, %dma_start3A_989, %dma_start3A_990] : memref<8x2x128xi32, #tpu.memory_space<vmem>> -> memref<1x2x128xi32, #tpu.memory_space<vmem>>
          %dma_start3A_992 = tpu.memref_squeeze %dma_start3A_991 : memref<1x2x128xi32, #tpu.memory_space<vmem>> -> memref<2x128xi32, #tpu.memory_space<vmem>>
          %dma_start3A_993 = arith.constant 0 : i32
          %dma_start3A_994 = arith.constant 0 : i32
          %dma_start3A_995 = tpu.memref_slice %arg4[%sub3A_976, %dma_start3A_993, %dma_start3A_994] : memref<60x2x128xi32, #tpu.memory_space<hbm>> -> memref<1x2x128xi32, #tpu.memory_space<hbm>>
          %dma_start3A_996 = tpu.memref_squeeze %dma_start3A_995 : memref<1x2x128xi32, #tpu.memory_space<hbm>> -> memref<2x128xi32, #tpu.memory_space<hbm>>
          tpu.enqueue_dma source(%dma_start3A_996 : memref<2x128xi32, #tpu.memory_space<hbm>>) target(%dma_start3A_992 : memref<2x128xi32, #tpu.memory_space<vmem>>) target_semaphore(%dma_start3A_988 : memref<!tpu.dma_semaphore, #tpu.memory_space<semaphore_mem>>)
        } else {
        }
      } else {
      }
      %dma_wait3A_644 = arith.constant 0 : i32
      %dma_wait3A_645 = arith.constant 5 : i32
      %dma_wait3A_646 = arith.constant 5 : i32
      %dma_wait3A_647 = arith.constant 0 : i32
      %dma_wait3A_648 = arith.constant 0 : i32
      %dma_wait3A_649 = tpu.memref_slice %arg8[%dma_wait3A_645, %dma_wait3A_647, %dma_wait3A_648] : memref<8x2x128xi32, #tpu.memory_space<vmem>> -> memref<1x2x128xi32, #tpu.memory_space<vmem>>
      %dma_wait3A_650 = tpu.memref_squeeze %dma_wait3A_649 : memref<1x2x128xi32, #tpu.memory_space<vmem>> -> memref<2x128xi32, #tpu.memory_space<vmem>>
      %dma_wait3A_651 = arith.constant 0 : i32
      %dma_wait3A_652 = arith.constant 0 : i32
      %dma_wait3A_653 = tpu.memref_slice %arg4[%dma_wait3A_644, %dma_wait3A_651, %dma_wait3A_652] : memref<60x2x128xi32, #tpu.memory_space<hbm>> -> memref<1x2x128xi32, #tpu.memory_space<hbm>>
      %dma_wait3A_654 = tpu.memref_squeeze %dma_wait3A_653 : memref<1x2x128xi32, #tpu.memory_space<hbm>> -> memref<2x128xi32, #tpu.memory_space<hbm>>
      %dma_wait3A_655 = tpu.memref_slice %arg10[%dma_wait3A_646] : memref<8x!tpu.dma_semaphore, #tpu.memory_space<semaphore_mem>> -> memref<1x!tpu.dma_semaphore, #tpu.memory_space<semaphore_mem>>
      %dma_wait3A_656 = tpu.memref_squeeze %dma_wait3A_655 : memref<1x!tpu.dma_semaphore, #tpu.memory_space<semaphore_mem>> -> memref<!tpu.dma_semaphore, #tpu.memory_space<semaphore_mem>>
      %dma_wait3A_657 = arith.constant 0 : i32
      %dma_wait3A_658 = arith.constant 0 : i32
      %dma_wait3A_659 = tpu.memref_slice %arg8[%dma_wait3A_645, %dma_wait3A_657, %dma_wait3A_658] : memref<8x2x128xi32, #tpu.memory_space<vmem>> -> memref<1x2x128xi32, #tpu.memory_space<vmem>>
      %dma_wait3A_660 = tpu.memref_squeeze %dma_wait3A_659 : memref<1x2x128xi32, #tpu.memory_space<vmem>> -> memref<2x128xi32, #tpu.memory_space<vmem>>
      %dma_wait3A_661 = arith.constant 0 : i32
      %dma_wait3A_662 = arith.constant 0 : i32
      %dma_wait3A_663 = tpu.memref_slice %arg4[%dma_wait3A_644, %dma_wait3A_661, %dma_wait3A_662] : memref<60x2x128xi32, #tpu.memory_space<hbm>> -> memref<1x2x128xi32, #tpu.memory_space<hbm>>
      %dma_wait3A_664 = tpu.memref_squeeze %dma_wait3A_663 : memref<1x2x128xi32, #tpu.memory_space<hbm>> -> memref<2x128xi32, #tpu.memory_space<hbm>>
      tpu.wait_dma2 semaphore(%dma_wait3A_656 : memref<!tpu.dma_semaphore, #tpu.memory_space<semaphore_mem>>) src(%dma_wait3A_664 : memref<2x128xi32, #tpu.memory_space<hbm>>) dst(%dma_wait3A_660 : memref<2x128xi32, #tpu.memory_space<vmem>>)
      %dma_wait3A_665 = arith.constant 1 : i32
      %dma_wait3A_666 = arith.constant 5 : i32
      %dma_wait3A_667 = arith.constant 1 : i32
      %dma_wait3A_668 = arith.constant 1 : i32
      %dma_wait3A_669 = arith.constant 0 : i32
      %dma_wait3A_670 = arith.constant 0 : i32
      %dma_wait3A_671 = tpu.memref_slice %arg9[%dma_wait3A_665, %dma_wait3A_669, %dma_wait3A_670] : memref<2x128x128xf32, #tpu.memory_space<vmem>> -> memref<1x128x128xf32, #tpu.memory_space<vmem>>
      %dma_wait3A_672 = tpu.memref_squeeze %dma_wait3A_671 : memref<1x128x128xf32, #tpu.memory_space<vmem>> -> memref<128x128xf32, #tpu.memory_space<vmem>>
      %dma_wait3A_673 = arith.constant 0 : i32
      %dma_wait3A_674 = tpu.memref_slice %arg8[%dma_wait3A_666, %dma_wait3A_667, %dma_wait3A_673] : memref<8x2x128xi32, #tpu.memory_space<vmem>> -> memref<1x1x128xi32, #tpu.memory_space<vmem>>
      %dma_wait3A_675 = tpu.memref_squeeze %dma_wait3A_674 : memref<1x1x128xi32, #tpu.memory_space<vmem>> -> memref<128xi32, #tpu.memory_space<vmem>>
      %dma_wait3A_676 = arith.constant 0 : i32
      %dma_wait3A_677 = arith.constant 0 : i32
      %dma_wait3A_678 = tpu.memref_slice %arg6[%dma_wait3A_676, %dma_wait3A_677] : memref<10240x128xf32, #tpu.memory_space<vmem_shared>> -> memref<10240x128xf32, #tpu.memory_space<vmem_shared>>
      %dma_wait3A_679 = tpu.memref_slice %arg12[%dma_wait3A_668] : memref<2x!tpu.dma_semaphore, #tpu.memory_space<semaphore_mem>> -> memref<1x!tpu.dma_semaphore, #tpu.memory_space<semaphore_mem>>
      %dma_wait3A_680 = tpu.memref_squeeze %dma_wait3A_679 : memref<1x!tpu.dma_semaphore, #tpu.memory_space<semaphore_mem>> -> memref<!tpu.dma_semaphore, #tpu.memory_space<semaphore_mem>>
      tpu.wait_indirect_dma semaphore(%dma_wait3A_680 : memref<!tpu.dma_semaphore, #tpu.memory_space<semaphore_mem>>) src(%dma_wait3A_672 : memref<128x128xf32, #tpu.memory_space<vmem>>) dst(%dma_wait3A_678 : memref<10240x128xf32, #tpu.memory_space<vmem_shared>>)
      %dma_start3A_681 = arith.constant 5 : i32
      %dma_start3A_682 = arith.constant 0 : i32
      %dma_start3A_683 = arith.constant 1 : i32
      %dma_start3A_684 = arith.constant 1 : i32
      %dma_start3A_685 = arith.constant 0 : i32
      %dma_start3A_686 = arith.constant 0 : i32
      %dma_start3A_687 = tpu.memref_slice %arg9[%dma_start3A_683, %dma_start3A_685, %dma_start3A_686] : memref<2x128x128xf32, #tpu.memory_space<vmem>> -> memref<1x128x128xf32, #tpu.memory_space<vmem>>
      %dma_start3A_688 = tpu.memref_squeeze %dma_start3A_687 : memref<1x128x128xf32, #tpu.memory_space<vmem>> -> memref<128x128xf32, #tpu.memory_space<vmem>>
      %dma_start3A_689 = arith.constant 0 : i32
      %dma_start3A_690 = tpu.memref_slice %arg8[%dma_start3A_681, %dma_start3A_682, %dma_start3A_689] : memref<8x2x128xi32, #tpu.memory_space<vmem>> -> memref<1x1x128xi32, #tpu.memory_space<vmem>>
      %dma_start3A_691 = tpu.memref_squeeze %dma_start3A_690 : memref<1x1x128xi32, #tpu.memory_space<vmem>> -> memref<128xi32, #tpu.memory_space<vmem>>
      %dma_start3A_692 = arith.constant 0 : i32
      %dma_start3A_693 = arith.constant 0 : i32
      %dma_start3A_694 = tpu.memref_slice %arg2[%dma_start3A_692, %dma_start3A_693] : memref<10000x128xf32, #tpu.memory_space<hbm>> -> memref<10000x128xf32, #tpu.memory_space<hbm>>
      %dma_start3A_695 = tpu.memref_slice %arg11[%dma_start3A_684] : memref<2x!tpu.dma_semaphore, #tpu.memory_space<semaphore_mem>> -> memref<1x!tpu.dma_semaphore, #tpu.memory_space<semaphore_mem>>
      %dma_start3A_696 = tpu.memref_squeeze %dma_start3A_695 : memref<1x!tpu.dma_semaphore, #tpu.memory_space<semaphore_mem>> -> memref<!tpu.dma_semaphore, #tpu.memory_space<semaphore_mem>>
      tpu.enqueue_indirect_dma source(%dma_start3A_694 : memref<10000x128xf32, #tpu.memory_space<hbm>>) target(%dma_start3A_688 : memref<128x128xf32, #tpu.memory_space<vmem>>) offsets(%dma_start3A_691 : memref<128xi32, #tpu.memory_space<vmem>>) semaphore(%dma_start3A_696 : memref<!tpu.dma_semaphore, #tpu.memory_space<semaphore_mem>>)
      %dma_wait3A_697 = arith.constant 4 : i32
      %dma_wait3A_698 = arith.constant 0 : i32
      %dma_wait3A_699 = arith.constant 0 : i32
      %dma_wait3A_700 = arith.constant 0 : i32
      %dma_wait3A_701 = arith.constant 0 : i32
      %dma_wait3A_702 = arith.constant 0 : i32
      %dma_wait3A_703 = tpu.memref_slice %arg9[%dma_wait3A_699, %dma_wait3A_701, %dma_wait3A_702] : memref<2x128x128xf32, #tpu.memory_space<vmem>> -> memref<1x128x128xf32, #tpu.memory_space<vmem>>
      %dma_wait3A_704 = tpu.memref_squeeze %dma_wait3A_703 : memref<1x128x128xf32, #tpu.memory_space<vmem>> -> memref<128x128xf32, #tpu.memory_space<vmem>>
      %dma_wait3A_705 = arith.constant 0 : i32
      %dma_wait3A_706 = tpu.memref_slice %arg8[%dma_wait3A_697, %dma_wait3A_698, %dma_wait3A_705] : memref<8x2x128xi32, #tpu.memory_space<vmem>> -> memref<1x1x128xi32, #tpu.memory_space<vmem>>
      %dma_wait3A_707 = tpu.memref_squeeze %dma_wait3A_706 : memref<1x1x128xi32, #tpu.memory_space<vmem>> -> memref<128xi32, #tpu.memory_space<vmem>>
      %dma_wait3A_708 = arith.constant 0 : i32
      %dma_wait3A_709 = arith.constant 0 : i32
      %dma_wait3A_710 = tpu.memref_slice %arg2[%dma_wait3A_708, %dma_wait3A_709] : memref<10000x128xf32, #tpu.memory_space<hbm>> -> memref<10000x128xf32, #tpu.memory_space<hbm>>
      %dma_wait3A_711 = tpu.memref_slice %arg11[%dma_wait3A_700] : memref<2x!tpu.dma_semaphore, #tpu.memory_space<semaphore_mem>> -> memref<1x!tpu.dma_semaphore, #tpu.memory_space<semaphore_mem>>
      %dma_wait3A_712 = tpu.memref_squeeze %dma_wait3A_711 : memref<1x!tpu.dma_semaphore, #tpu.memory_space<semaphore_mem>> -> memref<!tpu.dma_semaphore, #tpu.memory_space<semaphore_mem>>
      tpu.wait_indirect_dma semaphore(%dma_wait3A_712 : memref<!tpu.dma_semaphore, #tpu.memory_space<semaphore_mem>>) src(%dma_wait3A_710 : memref<10000x128xf32, #tpu.memory_space<hbm>>) dst(%dma_wait3A_704 : memref<128x128xf32, #tpu.memory_space<vmem>>)
      %dma_start3A_713 = arith.constant 0 : i32
      %dma_start3A_714 = arith.constant 4 : i32
      %dma_start3A_715 = arith.constant 1 : i32
      %dma_start3A_716 = arith.constant 0 : i32
      %dma_start3A_717 = arith.constant 0 : i32
      %dma_start3A_718 = arith.constant 0 : i32
      %dma_start3A_719 = tpu.memref_slice %arg9[%dma_start3A_713, %dma_start3A_717, %dma_start3A_718] : memref<2x128x128xf32, #tpu.memory_space<vmem>> -> memref<1x128x128xf32, #tpu.memory_space<vmem>>
      %dma_start3A_720 = tpu.memref_squeeze %dma_start3A_719 : memref<1x128x128xf32, #tpu.memory_space<vmem>> -> memref<128x128xf32, #tpu.memory_space<vmem>>
      %dma_start3A_721 = arith.constant 0 : i32
      %dma_start3A_722 = tpu.memref_slice %arg8[%dma_start3A_714, %dma_start3A_715, %dma_start3A_721] : memref<8x2x128xi32, #tpu.memory_space<vmem>> -> memref<1x1x128xi32, #tpu.memory_space<vmem>>
      %dma_start3A_723 = tpu.memref_squeeze %dma_start3A_722 : memref<1x1x128xi32, #tpu.memory_space<vmem>> -> memref<128xi32, #tpu.memory_space<vmem>>
      %dma_start3A_724 = arith.constant 0 : i32
      %dma_start3A_725 = arith.constant 0 : i32
      %dma_start3A_726 = tpu.memref_slice %arg6[%dma_start3A_724, %dma_start3A_725] : memref<10240x128xf32, #tpu.memory_space<vmem_shared>> -> memref<10240x128xf32, #tpu.memory_space<vmem_shared>>
      %dma_start3A_727 = tpu.memref_slice %arg12[%dma_start3A_716] : memref<2x!tpu.dma_semaphore, #tpu.memory_space<semaphore_mem>> -> memref<1x!tpu.dma_semaphore, #tpu.memory_space<semaphore_mem>>
      %dma_start3A_728 = tpu.memref_squeeze %dma_start3A_727 : memref<1x!tpu.dma_semaphore, #tpu.memory_space<semaphore_mem>> -> memref<!tpu.dma_semaphore, #tpu.memory_space<semaphore_mem>>
      tpu.enqueue_indirect_dma source(%dma_start3A_720 : memref<128x128xf32, #tpu.memory_space<vmem>>) target(%dma_start3A_726 : memref<10240x128xf32, #tpu.memory_space<vmem_shared>>) offsets(%dma_start3A_723 : memref<128xi32, #tpu.memory_space<vmem>>) semaphore(%dma_start3A_728 : memref<!tpu.dma_semaphore, #tpu.memory_space<semaphore_mem>>) {add = true}
      %mul3A_729 = arith.constant 8 : i32
      %mul3A_730 = arith.muli %add3A_271, %mul3A_729 : i32
      %add3A_731 = arith.constant 5 : i32
      %add3A_732 = arith.addi %mul3A_730, %add3A_731 : i32
      %lt3A_733 = arith.constant 9 : i32
      %lt3A_734 = arith.cmpi slt, %add3A_271, %lt3A_733 : i32
      %convert_element_type3A_735 = arith.extui %lt3A_734 : i1 to i32
      %cond3A_736 = arith.constant 0 : i32
      %cond3A_737 = arith.cmpi ne, %convert_element_type3A_735, %cond3A_736 : i32
      scf.if %cond3A_737 {
        %add3A_963 = arith.constant 4 : i32
        %add3A_964 = arith.addi %add3A_732, %add3A_963 : i32
        %add3A_965 = arith.addi %mul3A_2, %add3A_964 : i32
        %lt3A_966 = arith.constant 2500 : i32
        %lt3A_967 = arith.cmpi slt, %add3A_965, %lt3A_966 : i32
        %convert_element_type3A_968 = arith.extui %lt3A_967 : i1 to i32
        %cond3A_969 = arith.constant 0 : i32
        %cond3A_970 = arith.cmpi ne, %convert_element_type3A_968, %cond3A_969 : i32
        scf.if %cond3A_970 {
          %mul3A_976 = arith.constant 128 : i32
          %mul3A_977 = arith.muli %add3A_965, %mul3A_976 : i32
          %dma_start3A_978 = arith.constant 1 : i32
          %dma_start3A_979 = arith.constant 1 : i32
          %dma_start3A_980 = arith.constant 0 : i32
          %dma_start3A_981 = arith.constant 0 : i32
          %dma_start3A_982 = tpu.memref_slice %arg8[%dma_start3A_978, %dma_start3A_980, %dma_start3A_981] : memref<8x2x128xi32, #tpu.memory_space<vmem>> -> memref<1x2x128xi32, #tpu.memory_space<vmem>>
          %dma_start3A_983 = tpu.memref_squeeze %dma_start3A_982 : memref<1x2x128xi32, #tpu.memory_space<vmem>> -> memref<2x128xi32, #tpu.memory_space<vmem>>
          %dma_start3A_984 = arith.constant 0 : i32
          %dma_start3A_985 = tpu.memref_slice %arg3[%dma_start3A_984, %mul3A_977] : memref<2x320000xi32, #tpu.memory_space<hbm>> -> memref<2x128xi32, #tpu.memory_space<hbm>>
          %dma_start3A_986 = tpu.memref_slice %arg10[%dma_start3A_979] : memref<8x!tpu.dma_semaphore, #tpu.memory_space<semaphore_mem>> -> memref<1x!tpu.dma_semaphore, #tpu.memory_space<semaphore_mem>>
          %dma_start3A_987 = tpu.memref_squeeze %dma_start3A_986 : memref<1x!tpu.dma_semaphore, #tpu.memory_space<semaphore_mem>> -> memref<!tpu.dma_semaphore, #tpu.memory_space<semaphore_mem>>
          %dma_start3A_988 = arith.constant 0 : i32
          %dma_start3A_989 = arith.constant 0 : i32
          %dma_start3A_990 = tpu.memref_slice %arg8[%dma_start3A_978, %dma_start3A_988, %dma_start3A_989] : memref<8x2x128xi32, #tpu.memory_space<vmem>> -> memref<1x2x128xi32, #tpu.memory_space<vmem>>
          %dma_start3A_991 = tpu.memref_squeeze %dma_start3A_990 : memref<1x2x128xi32, #tpu.memory_space<vmem>> -> memref<2x128xi32, #tpu.memory_space<vmem>>
          %dma_start3A_992 = arith.constant 0 : i32
          %dma_start3A_993 = tpu.memref_slice %arg3[%dma_start3A_992, %mul3A_977] : memref<2x320000xi32, #tpu.memory_space<hbm>> -> memref<2x128xi32, #tpu.memory_space<hbm>>
          tpu.enqueue_dma source(%dma_start3A_993 : memref<2x128xi32, #tpu.memory_space<hbm>>) target(%dma_start3A_991 : memref<2x128xi32, #tpu.memory_space<vmem>>) target_semaphore(%dma_start3A_987 : memref<!tpu.dma_semaphore, #tpu.memory_space<semaphore_mem>>)
        } else {
        }
        %ge3A_971 = arith.constant 2500 : i32
        %ge3A_972 = arith.cmpi sge, %add3A_965, %ge3A_971 : i32
        %convert_element_type3A_973 = arith.extui %ge3A_972 : i1 to i32
        %cond3A_974 = arith.constant 0 : i32
        %cond3A_975 = arith.cmpi ne, %convert_element_type3A_973, %cond3A_974 : i32
        scf.if %cond3A_975 {
          %sub3A = arith.constant 2500 : i32
          %sub3A_976 = arith.subi %add3A_965, %sub3A : i32
          %dma_start3A_977 = arith.constant 1 : i32
          %dma_start3A_978 = arith.constant 1 : i32
          %dma_start3A_979 = arith.constant 0 : i32
          %dma_start3A_980 = arith.constant 0 : i32
          %dma_start3A_981 = tpu.memref_slice %arg8[%dma_start3A_977, %dma_start3A_979, %dma_start3A_980] : memref<8x2x128xi32, #tpu.memory_space<vmem>> -> memref<1x2x128xi32, #tpu.memory_space<vmem>>
          %dma_start3A_982 = tpu.memref_squeeze %dma_start3A_981 : memref<1x2x128xi32, #tpu.memory_space<vmem>> -> memref<2x128xi32, #tpu.memory_space<vmem>>
          %dma_start3A_983 = arith.constant 0 : i32
          %dma_start3A_984 = arith.constant 0 : i32
          %dma_start3A_985 = tpu.memref_slice %arg4[%sub3A_976, %dma_start3A_983, %dma_start3A_984] : memref<60x2x128xi32, #tpu.memory_space<hbm>> -> memref<1x2x128xi32, #tpu.memory_space<hbm>>
          %dma_start3A_986 = tpu.memref_squeeze %dma_start3A_985 : memref<1x2x128xi32, #tpu.memory_space<hbm>> -> memref<2x128xi32, #tpu.memory_space<hbm>>
          %dma_start3A_987 = tpu.memref_slice %arg10[%dma_start3A_978] : memref<8x!tpu.dma_semaphore, #tpu.memory_space<semaphore_mem>> -> memref<1x!tpu.dma_semaphore, #tpu.memory_space<semaphore_mem>>
          %dma_start3A_988 = tpu.memref_squeeze %dma_start3A_987 : memref<1x!tpu.dma_semaphore, #tpu.memory_space<semaphore_mem>> -> memref<!tpu.dma_semaphore, #tpu.memory_space<semaphore_mem>>
          %dma_start3A_989 = arith.constant 0 : i32
          %dma_start3A_990 = arith.constant 0 : i32
          %dma_start3A_991 = tpu.memref_slice %arg8[%dma_start3A_977, %dma_start3A_989, %dma_start3A_990] : memref<8x2x128xi32, #tpu.memory_space<vmem>> -> memref<1x2x128xi32, #tpu.memory_space<vmem>>
          %dma_start3A_992 = tpu.memref_squeeze %dma_start3A_991 : memref<1x2x128xi32, #tpu.memory_space<vmem>> -> memref<2x128xi32, #tpu.memory_space<vmem>>
          %dma_start3A_993 = arith.constant 0 : i32
          %dma_start3A_994 = arith.constant 0 : i32
          %dma_start3A_995 = tpu.memref_slice %arg4[%sub3A_976, %dma_start3A_993, %dma_start3A_994] : memref<60x2x128xi32, #tpu.memory_space<hbm>> -> memref<1x2x128xi32, #tpu.memory_space<hbm>>
          %dma_start3A_996 = tpu.memref_squeeze %dma_start3A_995 : memref<1x2x128xi32, #tpu.memory_space<hbm>> -> memref<2x128xi32, #tpu.memory_space<hbm>>
          tpu.enqueue_dma source(%dma_start3A_996 : memref<2x128xi32, #tpu.memory_space<hbm>>) target(%dma_start3A_992 : memref<2x128xi32, #tpu.memory_space<vmem>>) target_semaphore(%dma_start3A_988 : memref<!tpu.dma_semaphore, #tpu.memory_space<semaphore_mem>>)
        } else {
        }
      } else {
      }
      %dma_wait3A_738 = arith.constant 0 : i32
      %dma_wait3A_739 = arith.constant 6 : i32
      %dma_wait3A_740 = arith.constant 6 : i32
      %dma_wait3A_741 = arith.constant 0 : i32
      %dma_wait3A_742 = arith.constant 0 : i32
      %dma_wait3A_743 = tpu.memref_slice %arg8[%dma_wait3A_739, %dma_wait3A_741, %dma_wait3A_742] : memref<8x2x128xi32, #tpu.memory_space<vmem>> -> memref<1x2x128xi32, #tpu.memory_space<vmem>>
      %dma_wait3A_744 = tpu.memref_squeeze %dma_wait3A_743 : memref<1x2x128xi32, #tpu.memory_space<vmem>> -> memref<2x128xi32, #tpu.memory_space<vmem>>
      %dma_wait3A_745 = arith.constant 0 : i32
      %dma_wait3A_746 = arith.constant 0 : i32
      %dma_wait3A_747 = tpu.memref_slice %arg4[%dma_wait3A_738, %dma_wait3A_745, %dma_wait3A_746] : memref<60x2x128xi32, #tpu.memory_space<hbm>> -> memref<1x2x128xi32, #tpu.memory_space<hbm>>
      %dma_wait3A_748 = tpu.memref_squeeze %dma_wait3A_747 : memref<1x2x128xi32, #tpu.memory_space<hbm>> -> memref<2x128xi32, #tpu.memory_space<hbm>>
      %dma_wait3A_749 = tpu.memref_slice %arg10[%dma_wait3A_740] : memref<8x!tpu.dma_semaphore, #tpu.memory_space<semaphore_mem>> -> memref<1x!tpu.dma_semaphore, #tpu.memory_space<semaphore_mem>>
      %dma_wait3A_750 = tpu.memref_squeeze %dma_wait3A_749 : memref<1x!tpu.dma_semaphore, #tpu.memory_space<semaphore_mem>> -> memref<!tpu.dma_semaphore, #tpu.memory_space<semaphore_mem>>
      %dma_wait3A_751 = arith.constant 0 : i32
      %dma_wait3A_752 = arith.constant 0 : i32
      %dma_wait3A_753 = tpu.memref_slice %arg8[%dma_wait3A_739, %dma_wait3A_751, %dma_wait3A_752] : memref<8x2x128xi32, #tpu.memory_space<vmem>> -> memref<1x2x128xi32, #tpu.memory_space<vmem>>
      %dma_wait3A_754 = tpu.memref_squeeze %dma_wait3A_753 : memref<1x2x128xi32, #tpu.memory_space<vmem>> -> memref<2x128xi32, #tpu.memory_space<vmem>>
      %dma_wait3A_755 = arith.constant 0 : i32
      %dma_wait3A_756 = arith.constant 0 : i32
      %dma_wait3A_757 = tpu.memref_slice %arg4[%dma_wait3A_738, %dma_wait3A_755, %dma_wait3A_756] : memref<60x2x128xi32, #tpu.memory_space<hbm>> -> memref<1x2x128xi32, #tpu.memory_space<hbm>>
      %dma_wait3A_758 = tpu.memref_squeeze %dma_wait3A_757 : memref<1x2x128xi32, #tpu.memory_space<hbm>> -> memref<2x128xi32, #tpu.memory_space<hbm>>
      tpu.wait_dma2 semaphore(%dma_wait3A_750 : memref<!tpu.dma_semaphore, #tpu.memory_space<semaphore_mem>>) src(%dma_wait3A_758 : memref<2x128xi32, #tpu.memory_space<hbm>>) dst(%dma_wait3A_754 : memref<2x128xi32, #tpu.memory_space<vmem>>)
      %dma_wait3A_759 = arith.constant 0 : i32
      %dma_wait3A_760 = arith.constant 6 : i32
      %dma_wait3A_761 = arith.constant 1 : i32
      %dma_wait3A_762 = arith.constant 0 : i32
      %dma_wait3A_763 = arith.constant 0 : i32
      %dma_wait3A_764 = arith.constant 0 : i32
      %dma_wait3A_765 = tpu.memref_slice %arg9[%dma_wait3A_759, %dma_wait3A_763, %dma_wait3A_764] : memref<2x128x128xf32, #tpu.memory_space<vmem>> -> memref<1x128x128xf32, #tpu.memory_space<vmem>>
      %dma_wait3A_766 = tpu.memref_squeeze %dma_wait3A_765 : memref<1x128x128xf32, #tpu.memory_space<vmem>> -> memref<128x128xf32, #tpu.memory_space<vmem>>
      %dma_wait3A_767 = arith.constant 0 : i32
      %dma_wait3A_768 = tpu.memref_slice %arg8[%dma_wait3A_760, %dma_wait3A_761, %dma_wait3A_767] : memref<8x2x128xi32, #tpu.memory_space<vmem>> -> memref<1x1x128xi32, #tpu.memory_space<vmem>>
      %dma_wait3A_769 = tpu.memref_squeeze %dma_wait3A_768 : memref<1x1x128xi32, #tpu.memory_space<vmem>> -> memref<128xi32, #tpu.memory_space<vmem>>
      %dma_wait3A_770 = arith.constant 0 : i32
      %dma_wait3A_771 = arith.constant 0 : i32
      %dma_wait3A_772 = tpu.memref_slice %arg6[%dma_wait3A_770, %dma_wait3A_771] : memref<10240x128xf32, #tpu.memory_space<vmem_shared>> -> memref<10240x128xf32, #tpu.memory_space<vmem_shared>>
      %dma_wait3A_773 = tpu.memref_slice %arg12[%dma_wait3A_762] : memref<2x!tpu.dma_semaphore, #tpu.memory_space<semaphore_mem>> -> memref<1x!tpu.dma_semaphore, #tpu.memory_space<semaphore_mem>>
      %dma_wait3A_774 = tpu.memref_squeeze %dma_wait3A_773 : memref<1x!tpu.dma_semaphore, #tpu.memory_space<semaphore_mem>> -> memref<!tpu.dma_semaphore, #tpu.memory_space<semaphore_mem>>
      tpu.wait_indirect_dma semaphore(%dma_wait3A_774 : memref<!tpu.dma_semaphore, #tpu.memory_space<semaphore_mem>>) src(%dma_wait3A_766 : memref<128x128xf32, #tpu.memory_space<vmem>>) dst(%dma_wait3A_772 : memref<10240x128xf32, #tpu.memory_space<vmem_shared>>)
      %dma_start3A_775 = arith.constant 6 : i32
      %dma_start3A_776 = arith.constant 0 : i32
      %dma_start3A_777 = arith.constant 0 : i32
      %dma_start3A_778 = arith.constant 0 : i32
      %dma_start3A_779 = arith.constant 0 : i32
      %dma_start3A_780 = arith.constant 0 : i32
      %dma_start3A_781 = tpu.memref_slice %arg9[%dma_start3A_777, %dma_start3A_779, %dma_start3A_780] : memref<2x128x128xf32, #tpu.memory_space<vmem>> -> memref<1x128x128xf32, #tpu.memory_space<vmem>>
      %dma_start3A_782 = tpu.memref_squeeze %dma_start3A_781 : memref<1x128x128xf32, #tpu.memory_space<vmem>> -> memref<128x128xf32, #tpu.memory_space<vmem>>
      %dma_start3A_783 = arith.constant 0 : i32
      %dma_start3A_784 = tpu.memref_slice %arg8[%dma_start3A_775, %dma_start3A_776, %dma_start3A_783] : memref<8x2x128xi32, #tpu.memory_space<vmem>> -> memref<1x1x128xi32, #tpu.memory_space<vmem>>
      %dma_start3A_785 = tpu.memref_squeeze %dma_start3A_784 : memref<1x1x128xi32, #tpu.memory_space<vmem>> -> memref<128xi32, #tpu.memory_space<vmem>>
      %dma_start3A_786 = arith.constant 0 : i32
      %dma_start3A_787 = arith.constant 0 : i32
      %dma_start3A_788 = tpu.memref_slice %arg2[%dma_start3A_786, %dma_start3A_787] : memref<10000x128xf32, #tpu.memory_space<hbm>> -> memref<10000x128xf32, #tpu.memory_space<hbm>>
      %dma_start3A_789 = tpu.memref_slice %arg11[%dma_start3A_778] : memref<2x!tpu.dma_semaphore, #tpu.memory_space<semaphore_mem>> -> memref<1x!tpu.dma_semaphore, #tpu.memory_space<semaphore_mem>>
      %dma_start3A_790 = tpu.memref_squeeze %dma_start3A_789 : memref<1x!tpu.dma_semaphore, #tpu.memory_space<semaphore_mem>> -> memref<!tpu.dma_semaphore, #tpu.memory_space<semaphore_mem>>
      tpu.enqueue_indirect_dma source(%dma_start3A_788 : memref<10000x128xf32, #tpu.memory_space<hbm>>) target(%dma_start3A_782 : memref<128x128xf32, #tpu.memory_space<vmem>>) offsets(%dma_start3A_785 : memref<128xi32, #tpu.memory_space<vmem>>) semaphore(%dma_start3A_790 : memref<!tpu.dma_semaphore, #tpu.memory_space<semaphore_mem>>)
      %dma_wait3A_791 = arith.constant 5 : i32
      %dma_wait3A_792 = arith.constant 0 : i32
      %dma_wait3A_793 = arith.constant 1 : i32
      %dma_wait3A_794 = arith.constant 1 : i32
      %dma_wait3A_795 = arith.constant 0 : i32
      %dma_wait3A_796 = arith.constant 0 : i32
      %dma_wait3A_797 = tpu.memref_slice %arg9[%dma_wait3A_793, %dma_wait3A_795, %dma_wait3A_796] : memref<2x128x128xf32, #tpu.memory_space<vmem>> -> memref<1x128x128xf32, #tpu.memory_space<vmem>>
      %dma_wait3A_798 = tpu.memref_squeeze %dma_wait3A_797 : memref<1x128x128xf32, #tpu.memory_space<vmem>> -> memref<128x128xf32, #tpu.memory_space<vmem>>
      %dma_wait3A_799 = arith.constant 0 : i32
      %dma_wait3A_800 = tpu.memref_slice %arg8[%dma_wait3A_791, %dma_wait3A_792, %dma_wait3A_799] : memref<8x2x128xi32, #tpu.memory_space<vmem>> -> memref<1x1x128xi32, #tpu.memory_space<vmem>>
      %dma_wait3A_801 = tpu.memref_squeeze %dma_wait3A_800 : memref<1x1x128xi32, #tpu.memory_space<vmem>> -> memref<128xi32, #tpu.memory_space<vmem>>
      %dma_wait3A_802 = arith.constant 0 : i32
      %dma_wait3A_803 = arith.constant 0 : i32
      %dma_wait3A_804 = tpu.memref_slice %arg2[%dma_wait3A_802, %dma_wait3A_803] : memref<10000x128xf32, #tpu.memory_space<hbm>> -> memref<10000x128xf32, #tpu.memory_space<hbm>>
      %dma_wait3A_805 = tpu.memref_slice %arg11[%dma_wait3A_794] : memref<2x!tpu.dma_semaphore, #tpu.memory_space<semaphore_mem>> -> memref<1x!tpu.dma_semaphore, #tpu.memory_space<semaphore_mem>>
      %dma_wait3A_806 = tpu.memref_squeeze %dma_wait3A_805 : memref<1x!tpu.dma_semaphore, #tpu.memory_space<semaphore_mem>> -> memref<!tpu.dma_semaphore, #tpu.memory_space<semaphore_mem>>
      tpu.wait_indirect_dma semaphore(%dma_wait3A_806 : memref<!tpu.dma_semaphore, #tpu.memory_space<semaphore_mem>>) src(%dma_wait3A_804 : memref<10000x128xf32, #tpu.memory_space<hbm>>) dst(%dma_wait3A_798 : memref<128x128xf32, #tpu.memory_space<vmem>>)
      %dma_start3A_807 = arith.constant 1 : i32
      %dma_start3A_808 = arith.constant 5 : i32
      %dma_start3A_809 = arith.constant 1 : i32
      %dma_start3A_810 = arith.constant 1 : i32
      %dma_start3A_811 = arith.constant 0 : i32
      %dma_start3A_812 = arith.constant 0 : i32
      %dma_start3A_813 = tpu.memref_slice %arg9[%dma_start3A_807, %dma_start3A_811, %dma_start3A_812] : memref<2x128x128xf32, #tpu.memory_space<vmem>> -> memref<1x128x128xf32, #tpu.memory_space<vmem>>
      %dma_start3A_814 = tpu.memref_squeeze %dma_start3A_813 : memref<1x128x128xf32, #tpu.memory_space<vmem>> -> memref<128x128xf32, #tpu.memory_space<vmem>>
      %dma_start3A_815 = arith.constant 0 : i32
      %dma_start3A_816 = tpu.memref_slice %arg8[%dma_start3A_808, %dma_start3A_809, %dma_start3A_815] : memref<8x2x128xi32, #tpu.memory_space<vmem>> -> memref<1x1x128xi32, #tpu.memory_space<vmem>>
      %dma_start3A_817 = tpu.memref_squeeze %dma_start3A_816 : memref<1x1x128xi32, #tpu.memory_space<vmem>> -> memref<128xi32, #tpu.memory_space<vmem>>
      %dma_start3A_818 = arith.constant 0 : i32
      %dma_start3A_819 = arith.constant 0 : i32
      %dma_start3A_820 = tpu.memref_slice %arg6[%dma_start3A_818, %dma_start3A_819] : memref<10240x128xf32, #tpu.memory_space<vmem_shared>> -> memref<10240x128xf32, #tpu.memory_space<vmem_shared>>
      %dma_start3A_821 = tpu.memref_slice %arg12[%dma_start3A_810] : memref<2x!tpu.dma_semaphore, #tpu.memory_space<semaphore_mem>> -> memref<1x!tpu.dma_semaphore, #tpu.memory_space<semaphore_mem>>
      %dma_start3A_822 = tpu.memref_squeeze %dma_start3A_821 : memref<1x!tpu.dma_semaphore, #tpu.memory_space<semaphore_mem>> -> memref<!tpu.dma_semaphore, #tpu.memory_space<semaphore_mem>>
      tpu.enqueue_indirect_dma source(%dma_start3A_814 : memref<128x128xf32, #tpu.memory_space<vmem>>) target(%dma_start3A_820 : memref<10240x128xf32, #tpu.memory_space<vmem_shared>>) offsets(%dma_start3A_817 : memref<128xi32, #tpu.memory_space<vmem>>) semaphore(%dma_start3A_822 : memref<!tpu.dma_semaphore, #tpu.memory_space<semaphore_mem>>) {add = true}
      %mul3A_823 = arith.constant 8 : i32
      %mul3A_824 = arith.muli %add3A_271, %mul3A_823 : i32
      %add3A_825 = arith.constant 6 : i32
      %add3A_826 = arith.addi %mul3A_824, %add3A_825 : i32
      %lt3A_827 = arith.constant 9 : i32
      %lt3A_828 = arith.cmpi slt, %add3A_271, %lt3A_827 : i32
      %convert_element_type3A_829 = arith.extui %lt3A_828 : i1 to i32
      %cond3A_830 = arith.constant 0 : i32
      %cond3A_831 = arith.cmpi ne, %convert_element_type3A_829, %cond3A_830 : i32
      scf.if %cond3A_831 {
        %add3A_963 = arith.constant 4 : i32
        %add3A_964 = arith.addi %add3A_826, %add3A_963 : i32
        %add3A_965 = arith.addi %mul3A_2, %add3A_964 : i32
        %lt3A_966 = arith.constant 2500 : i32
        %lt3A_967 = arith.cmpi slt, %add3A_965, %lt3A_966 : i32
        %convert_element_type3A_968 = arith.extui %lt3A_967 : i1 to i32
        %cond3A_969 = arith.constant 0 : i32
        %cond3A_970 = arith.cmpi ne, %convert_element_type3A_968, %cond3A_969 : i32
        scf.if %cond3A_970 {
          %mul3A_976 = arith.constant 128 : i32
          %mul3A_977 = arith.muli %add3A_965, %mul3A_976 : i32
          %dma_start3A_978 = arith.constant 2 : i32
          %dma_start3A_979 = arith.constant 2 : i32
          %dma_start3A_980 = arith.constant 0 : i32
          %dma_start3A_981 = arith.constant 0 : i32
          %dma_start3A_982 = tpu.memref_slice %arg8[%dma_start3A_978, %dma_start3A_980, %dma_start3A_981] : memref<8x2x128xi32, #tpu.memory_space<vmem>> -> memref<1x2x128xi32, #tpu.memory_space<vmem>>
          %dma_start3A_983 = tpu.memref_squeeze %dma_start3A_982 : memref<1x2x128xi32, #tpu.memory_space<vmem>> -> memref<2x128xi32, #tpu.memory_space<vmem>>
          %dma_start3A_984 = arith.constant 0 : i32
          %dma_start3A_985 = tpu.memref_slice %arg3[%dma_start3A_984, %mul3A_977] : memref<2x320000xi32, #tpu.memory_space<hbm>> -> memref<2x128xi32, #tpu.memory_space<hbm>>
          %dma_start3A_986 = tpu.memref_slice %arg10[%dma_start3A_979] : memref<8x!tpu.dma_semaphore, #tpu.memory_space<semaphore_mem>> -> memref<1x!tpu.dma_semaphore, #tpu.memory_space<semaphore_mem>>
          %dma_start3A_987 = tpu.memref_squeeze %dma_start3A_986 : memref<1x!tpu.dma_semaphore, #tpu.memory_space<semaphore_mem>> -> memref<!tpu.dma_semaphore, #tpu.memory_space<semaphore_mem>>
          %dma_start3A_988 = arith.constant 0 : i32
          %dma_start3A_989 = arith.constant 0 : i32
          %dma_start3A_990 = tpu.memref_slice %arg8[%dma_start3A_978, %dma_start3A_988, %dma_start3A_989] : memref<8x2x128xi32, #tpu.memory_space<vmem>> -> memref<1x2x128xi32, #tpu.memory_space<vmem>>
          %dma_start3A_991 = tpu.memref_squeeze %dma_start3A_990 : memref<1x2x128xi32, #tpu.memory_space<vmem>> -> memref<2x128xi32, #tpu.memory_space<vmem>>
          %dma_start3A_992 = arith.constant 0 : i32
          %dma_start3A_993 = tpu.memref_slice %arg3[%dma_start3A_992, %mul3A_977] : memref<2x320000xi32, #tpu.memory_space<hbm>> -> memref<2x128xi32, #tpu.memory_space<hbm>>
          tpu.enqueue_dma source(%dma_start3A_993 : memref<2x128xi32, #tpu.memory_space<hbm>>) target(%dma_start3A_991 : memref<2x128xi32, #tpu.memory_space<vmem>>) target_semaphore(%dma_start3A_987 : memref<!tpu.dma_semaphore, #tpu.memory_space<semaphore_mem>>)
        } else {
        }
        %ge3A_971 = arith.constant 2500 : i32
        %ge3A_972 = arith.cmpi sge, %add3A_965, %ge3A_971 : i32
        %convert_element_type3A_973 = arith.extui %ge3A_972 : i1 to i32
        %cond3A_974 = arith.constant 0 : i32
        %cond3A_975 = arith.cmpi ne, %convert_element_type3A_973, %cond3A_974 : i32
        scf.if %cond3A_975 {
          %sub3A = arith.constant 2500 : i32
          %sub3A_976 = arith.subi %add3A_965, %sub3A : i32
          %dma_start3A_977 = arith.constant 2 : i32
          %dma_start3A_978 = arith.constant 2 : i32
          %dma_start3A_979 = arith.constant 0 : i32
          %dma_start3A_980 = arith.constant 0 : i32
          %dma_start3A_981 = tpu.memref_slice %arg8[%dma_start3A_977, %dma_start3A_979, %dma_start3A_980] : memref<8x2x128xi32, #tpu.memory_space<vmem>> -> memref<1x2x128xi32, #tpu.memory_space<vmem>>
          %dma_start3A_982 = tpu.memref_squeeze %dma_start3A_981 : memref<1x2x128xi32, #tpu.memory_space<vmem>> -> memref<2x128xi32, #tpu.memory_space<vmem>>
          %dma_start3A_983 = arith.constant 0 : i32
          %dma_start3A_984 = arith.constant 0 : i32
          %dma_start3A_985 = tpu.memref_slice %arg4[%sub3A_976, %dma_start3A_983, %dma_start3A_984] : memref<60x2x128xi32, #tpu.memory_space<hbm>> -> memref<1x2x128xi32, #tpu.memory_space<hbm>>
          %dma_start3A_986 = tpu.memref_squeeze %dma_start3A_985 : memref<1x2x128xi32, #tpu.memory_space<hbm>> -> memref<2x128xi32, #tpu.memory_space<hbm>>
          %dma_start3A_987 = tpu.memref_slice %arg10[%dma_start3A_978] : memref<8x!tpu.dma_semaphore, #tpu.memory_space<semaphore_mem>> -> memref<1x!tpu.dma_semaphore, #tpu.memory_space<semaphore_mem>>
          %dma_start3A_988 = tpu.memref_squeeze %dma_start3A_987 : memref<1x!tpu.dma_semaphore, #tpu.memory_space<semaphore_mem>> -> memref<!tpu.dma_semaphore, #tpu.memory_space<semaphore_mem>>
          %dma_start3A_989 = arith.constant 0 : i32
          %dma_start3A_990 = arith.constant 0 : i32
          %dma_start3A_991 = tpu.memref_slice %arg8[%dma_start3A_977, %dma_start3A_989, %dma_start3A_990] : memref<8x2x128xi32, #tpu.memory_space<vmem>> -> memref<1x2x128xi32, #tpu.memory_space<vmem>>
          %dma_start3A_992 = tpu.memref_squeeze %dma_start3A_991 : memref<1x2x128xi32, #tpu.memory_space<vmem>> -> memref<2x128xi32, #tpu.memory_space<vmem>>
          %dma_start3A_993 = arith.constant 0 : i32
          %dma_start3A_994 = arith.constant 0 : i32
          %dma_start3A_995 = tpu.memref_slice %arg4[%sub3A_976, %dma_start3A_993, %dma_start3A_994] : memref<60x2x128xi32, #tpu.memory_space<hbm>> -> memref<1x2x128xi32, #tpu.memory_space<hbm>>
          %dma_start3A_996 = tpu.memref_squeeze %dma_start3A_995 : memref<1x2x128xi32, #tpu.memory_space<hbm>> -> memref<2x128xi32, #tpu.memory_space<hbm>>
          tpu.enqueue_dma source(%dma_start3A_996 : memref<2x128xi32, #tpu.memory_space<hbm>>) target(%dma_start3A_992 : memref<2x128xi32, #tpu.memory_space<vmem>>) target_semaphore(%dma_start3A_988 : memref<!tpu.dma_semaphore, #tpu.memory_space<semaphore_mem>>)
        } else {
        }
      } else {
      }
      %dma_wait3A_832 = arith.constant 0 : i32
      %dma_wait3A_833 = arith.constant 7 : i32
      %dma_wait3A_834 = arith.constant 7 : i32
      %dma_wait3A_835 = arith.constant 0 : i32
      %dma_wait3A_836 = arith.constant 0 : i32
      %dma_wait3A_837 = tpu.memref_slice %arg8[%dma_wait3A_833, %dma_wait3A_835, %dma_wait3A_836] : memref<8x2x128xi32, #tpu.memory_space<vmem>> -> memref<1x2x128xi32, #tpu.memory_space<vmem>>
      %dma_wait3A_838 = tpu.memref_squeeze %dma_wait3A_837 : memref<1x2x128xi32, #tpu.memory_space<vmem>> -> memref<2x128xi32, #tpu.memory_space<vmem>>
      %dma_wait3A_839 = arith.constant 0 : i32
      %dma_wait3A_840 = arith.constant 0 : i32
      %dma_wait3A_841 = tpu.memref_slice %arg4[%dma_wait3A_832, %dma_wait3A_839, %dma_wait3A_840] : memref<60x2x128xi32, #tpu.memory_space<hbm>> -> memref<1x2x128xi32, #tpu.memory_space<hbm>>
      %dma_wait3A_842 = tpu.memref_squeeze %dma_wait3A_841 : memref<1x2x128xi32, #tpu.memory_space<hbm>> -> memref<2x128xi32, #tpu.memory_space<hbm>>
      %dma_wait3A_843 = tpu.memref_slice %arg10[%dma_wait3A_834] : memref<8x!tpu.dma_semaphore, #tpu.memory_space<semaphore_mem>> -> memref<1x!tpu.dma_semaphore, #tpu.memory_space<semaphore_mem>>
      %dma_wait3A_844 = tpu.memref_squeeze %dma_wait3A_843 : memref<1x!tpu.dma_semaphore, #tpu.memory_space<semaphore_mem>> -> memref<!tpu.dma_semaphore, #tpu.memory_space<semaphore_mem>>
      %dma_wait3A_845 = arith.constant 0 : i32
      %dma_wait3A_846 = arith.constant 0 : i32
      %dma_wait3A_847 = tpu.memref_slice %arg8[%dma_wait3A_833, %dma_wait3A_845, %dma_wait3A_846] : memref<8x2x128xi32, #tpu.memory_space<vmem>> -> memref<1x2x128xi32, #tpu.memory_space<vmem>>
      %dma_wait3A_848 = tpu.memref_squeeze %dma_wait3A_847 : memref<1x2x128xi32, #tpu.memory_space<vmem>> -> memref<2x128xi32, #tpu.memory_space<vmem>>
      %dma_wait3A_849 = arith.constant 0 : i32
      %dma_wait3A_850 = arith.constant 0 : i32
      %dma_wait3A_851 = tpu.memref_slice %arg4[%dma_wait3A_832, %dma_wait3A_849, %dma_wait3A_850] : memref<60x2x128xi32, #tpu.memory_space<hbm>> -> memref<1x2x128xi32, #tpu.memory_space<hbm>>
      %dma_wait3A_852 = tpu.memref_squeeze %dma_wait3A_851 : memref<1x2x128xi32, #tpu.memory_space<hbm>> -> memref<2x128xi32, #tpu.memory_space<hbm>>
      tpu.wait_dma2 semaphore(%dma_wait3A_844 : memref<!tpu.dma_semaphore, #tpu.memory_space<semaphore_mem>>) src(%dma_wait3A_852 : memref<2x128xi32, #tpu.memory_space<hbm>>) dst(%dma_wait3A_848 : memref<2x128xi32, #tpu.memory_space<vmem>>)
      %dma_wait3A_853 = arith.constant 1 : i32
      %dma_wait3A_854 = arith.constant 7 : i32
      %dma_wait3A_855 = arith.constant 1 : i32
      %dma_wait3A_856 = arith.constant 1 : i32
      %dma_wait3A_857 = arith.constant 0 : i32
      %dma_wait3A_858 = arith.constant 0 : i32
      %dma_wait3A_859 = tpu.memref_slice %arg9[%dma_wait3A_853, %dma_wait3A_857, %dma_wait3A_858] : memref<2x128x128xf32, #tpu.memory_space<vmem>> -> memref<1x128x128xf32, #tpu.memory_space<vmem>>
      %dma_wait3A_860 = tpu.memref_squeeze %dma_wait3A_859 : memref<1x128x128xf32, #tpu.memory_space<vmem>> -> memref<128x128xf32, #tpu.memory_space<vmem>>
      %dma_wait3A_861 = arith.constant 0 : i32
      %dma_wait3A_862 = tpu.memref_slice %arg8[%dma_wait3A_854, %dma_wait3A_855, %dma_wait3A_861] : memref<8x2x128xi32, #tpu.memory_space<vmem>> -> memref<1x1x128xi32, #tpu.memory_space<vmem>>
      %dma_wait3A_863 = tpu.memref_squeeze %dma_wait3A_862 : memref<1x1x128xi32, #tpu.memory_space<vmem>> -> memref<128xi32, #tpu.memory_space<vmem>>
      %dma_wait3A_864 = arith.constant 0 : i32
      %dma_wait3A_865 = arith.constant 0 : i32
      %dma_wait3A_866 = tpu.memref_slice %arg6[%dma_wait3A_864, %dma_wait3A_865] : memref<10240x128xf32, #tpu.memory_space<vmem_shared>> -> memref<10240x128xf32, #tpu.memory_space<vmem_shared>>
      %dma_wait3A_867 = tpu.memref_slice %arg12[%dma_wait3A_856] : memref<2x!tpu.dma_semaphore, #tpu.memory_space<semaphore_mem>> -> memref<1x!tpu.dma_semaphore, #tpu.memory_space<semaphore_mem>>
      %dma_wait3A_868 = tpu.memref_squeeze %dma_wait3A_867 : memref<1x!tpu.dma_semaphore, #tpu.memory_space<semaphore_mem>> -> memref<!tpu.dma_semaphore, #tpu.memory_space<semaphore_mem>>
      tpu.wait_indirect_dma semaphore(%dma_wait3A_868 : memref<!tpu.dma_semaphore, #tpu.memory_space<semaphore_mem>>) src(%dma_wait3A_860 : memref<128x128xf32, #tpu.memory_space<vmem>>) dst(%dma_wait3A_866 : memref<10240x128xf32, #tpu.memory_space<vmem_shared>>)
      %dma_start3A_869 = arith.constant 7 : i32
      %dma_start3A_870 = arith.constant 0 : i32
      %dma_start3A_871 = arith.constant 1 : i32
      %dma_start3A_872 = arith.constant 1 : i32
      %dma_start3A_873 = arith.constant 0 : i32
      %dma_start3A_874 = arith.constant 0 : i32
      %dma_start3A_875 = tpu.memref_slice %arg9[%dma_start3A_871, %dma_start3A_873, %dma_start3A_874] : memref<2x128x128xf32, #tpu.memory_space<vmem>> -> memref<1x128x128xf32, #tpu.memory_space<vmem>>
      %dma_start3A_876 = tpu.memref_squeeze %dma_start3A_875 : memref<1x128x128xf32, #tpu.memory_space<vmem>> -> memref<128x128xf32, #tpu.memory_space<vmem>>
      %dma_start3A_877 = arith.constant 0 : i32
      %dma_start3A_878 = tpu.memref_slice %arg8[%dma_start3A_869, %dma_start3A_870, %dma_start3A_877] : memref<8x2x128xi32, #tpu.memory_space<vmem>> -> memref<1x1x128xi32, #tpu.memory_space<vmem>>
      %dma_start3A_879 = tpu.memref_squeeze %dma_start3A_878 : memref<1x1x128xi32, #tpu.memory_space<vmem>> -> memref<128xi32, #tpu.memory_space<vmem>>
      %dma_start3A_880 = arith.constant 0 : i32
      %dma_start3A_881 = arith.constant 0 : i32
      %dma_start3A_882 = tpu.memref_slice %arg2[%dma_start3A_880, %dma_start3A_881] : memref<10000x128xf32, #tpu.memory_space<hbm>> -> memref<10000x128xf32, #tpu.memory_space<hbm>>
      %dma_start3A_883 = tpu.memref_slice %arg11[%dma_start3A_872] : memref<2x!tpu.dma_semaphore, #tpu.memory_space<semaphore_mem>> -> memref<1x!tpu.dma_semaphore, #tpu.memory_space<semaphore_mem>>
      %dma_start3A_884 = tpu.memref_squeeze %dma_start3A_883 : memref<1x!tpu.dma_semaphore, #tpu.memory_space<semaphore_mem>> -> memref<!tpu.dma_semaphore, #tpu.memory_space<semaphore_mem>>
      tpu.enqueue_indirect_dma source(%dma_start3A_882 : memref<10000x128xf32, #tpu.memory_space<hbm>>) target(%dma_start3A_876 : memref<128x128xf32, #tpu.memory_space<vmem>>) offsets(%dma_start3A_879 : memref<128xi32, #tpu.memory_space<vmem>>) semaphore(%dma_start3A_884 : memref<!tpu.dma_semaphore, #tpu.memory_space<semaphore_mem>>)
      %dma_wait3A_885 = arith.constant 6 : i32
      %dma_wait3A_886 = arith.constant 0 : i32
      %dma_wait3A_887 = arith.constant 0 : i32
      %dma_wait3A_888 = arith.constant 0 : i32
      %dma_wait3A_889 = arith.constant 0 : i32
      %dma_wait3A_890 = arith.constant 0 : i32
      %dma_wait3A_891 = tpu.memref_slice %arg9[%dma_wait3A_887, %dma_wait3A_889, %dma_wait3A_890] : memref<2x128x128xf32, #tpu.memory_space<vmem>> -> memref<1x128x128xf32, #tpu.memory_space<vmem>>
      %dma_wait3A_892 = tpu.memref_squeeze %dma_wait3A_891 : memref<1x128x128xf32, #tpu.memory_space<vmem>> -> memref<128x128xf32, #tpu.memory_space<vmem>>
      %dma_wait3A_893 = arith.constant 0 : i32
      %dma_wait3A_894 = tpu.memref_slice %arg8[%dma_wait3A_885, %dma_wait3A_886, %dma_wait3A_893] : memref<8x2x128xi32, #tpu.memory_space<vmem>> -> memref<1x1x128xi32, #tpu.memory_space<vmem>>
      %dma_wait3A_895 = tpu.memref_squeeze %dma_wait3A_894 : memref<1x1x128xi32, #tpu.memory_space<vmem>> -> memref<128xi32, #tpu.memory_space<vmem>>
      %dma_wait3A_896 = arith.constant 0 : i32
      %dma_wait3A_897 = arith.constant 0 : i32
      %dma_wait3A_898 = tpu.memref_slice %arg2[%dma_wait3A_896, %dma_wait3A_897] : memref<10000x128xf32, #tpu.memory_space<hbm>> -> memref<10000x128xf32, #tpu.memory_space<hbm>>
      %dma_wait3A_899 = tpu.memref_slice %arg11[%dma_wait3A_888] : memref<2x!tpu.dma_semaphore, #tpu.memory_space<semaphore_mem>> -> memref<1x!tpu.dma_semaphore, #tpu.memory_space<semaphore_mem>>
      %dma_wait3A_900 = tpu.memref_squeeze %dma_wait3A_899 : memref<1x!tpu.dma_semaphore, #tpu.memory_space<semaphore_mem>> -> memref<!tpu.dma_semaphore, #tpu.memory_space<semaphore_mem>>
      tpu.wait_indirect_dma semaphore(%dma_wait3A_900 : memref<!tpu.dma_semaphore, #tpu.memory_space<semaphore_mem>>) src(%dma_wait3A_898 : memref<10000x128xf32, #tpu.memory_space<hbm>>) dst(%dma_wait3A_892 : memref<128x128xf32, #tpu.memory_space<vmem>>)
      %dma_start3A_901 = arith.constant 0 : i32
      %dma_start3A_902 = arith.constant 6 : i32
      %dma_start3A_903 = arith.constant 1 : i32
      %dma_start3A_904 = arith.constant 0 : i32
      %dma_start3A_905 = arith.constant 0 : i32
      %dma_start3A_906 = arith.constant 0 : i32
      %dma_start3A_907 = tpu.memref_slice %arg9[%dma_start3A_901, %dma_start3A_905, %dma_start3A_906] : memref<2x128x128xf32, #tpu.memory_space<vmem>> -> memref<1x128x128xf32, #tpu.memory_space<vmem>>
      %dma_start3A_908 = tpu.memref_squeeze %dma_start3A_907 : memref<1x128x128xf32, #tpu.memory_space<vmem>> -> memref<128x128xf32, #tpu.memory_space<vmem>>
      %dma_start3A_909 = arith.constant 0 : i32
      %dma_start3A_910 = tpu.memref_slice %arg8[%dma_start3A_902, %dma_start3A_903, %dma_start3A_909] : memref<8x2x128xi32, #tpu.memory_space<vmem>> -> memref<1x1x128xi32, #tpu.memory_space<vmem>>
      %dma_start3A_911 = tpu.memref_squeeze %dma_start3A_910 : memref<1x1x128xi32, #tpu.memory_space<vmem>> -> memref<128xi32, #tpu.memory_space<vmem>>
      %dma_start3A_912 = arith.constant 0 : i32
      %dma_start3A_913 = arith.constant 0 : i32
      %dma_start3A_914 = tpu.memref_slice %arg6[%dma_start3A_912, %dma_start3A_913] : memref<10240x128xf32, #tpu.memory_space<vmem_shared>> -> memref<10240x128xf32, #tpu.memory_space<vmem_shared>>
      %dma_start3A_915 = tpu.memref_slice %arg12[%dma_start3A_904] : memref<2x!tpu.dma_semaphore, #tpu.memory_space<semaphore_mem>> -> memref<1x!tpu.dma_semaphore, #tpu.memory_space<semaphore_mem>>
      %dma_start3A_916 = tpu.memref_squeeze %dma_start3A_915 : memref<1x!tpu.dma_semaphore, #tpu.memory_space<semaphore_mem>> -> memref<!tpu.dma_semaphore, #tpu.memory_space<semaphore_mem>>
      tpu.enqueue_indirect_dma source(%dma_start3A_908 : memref<128x128xf32, #tpu.memory_space<vmem>>) target(%dma_start3A_914 : memref<10240x128xf32, #tpu.memory_space<vmem_shared>>) offsets(%dma_start3A_911 : memref<128xi32, #tpu.memory_space<vmem>>) semaphore(%dma_start3A_916 : memref<!tpu.dma_semaphore, #tpu.memory_space<semaphore_mem>>) {add = true}
      %mul3A_917 = arith.constant 8 : i32
      %mul3A_918 = arith.muli %add3A_271, %mul3A_917 : i32
      %add3A_919 = arith.constant 7 : i32
      %add3A_920 = arith.addi %mul3A_918, %add3A_919 : i32
      %lt3A_921 = arith.constant 9 : i32
      %lt3A_922 = arith.cmpi slt, %add3A_271, %lt3A_921 : i32
      %convert_element_type3A_923 = arith.extui %lt3A_922 : i1 to i32
      %cond3A_924 = arith.constant 0 : i32
      %cond3A_925 = arith.cmpi ne, %convert_element_type3A_923, %cond3A_924 : i32
      scf.if %cond3A_925 {
        %add3A_963 = arith.constant 4 : i32
        %add3A_964 = arith.addi %add3A_920, %add3A_963 : i32
        %add3A_965 = arith.addi %mul3A_2, %add3A_964 : i32
        %lt3A_966 = arith.constant 2500 : i32
        %lt3A_967 = arith.cmpi slt, %add3A_965, %lt3A_966 : i32
        %convert_element_type3A_968 = arith.extui %lt3A_967 : i1 to i32
        %cond3A_969 = arith.constant 0 : i32
        %cond3A_970 = arith.cmpi ne, %convert_element_type3A_968, %cond3A_969 : i32
        scf.if %cond3A_970 {
          %mul3A_976 = arith.constant 128 : i32
          %mul3A_977 = arith.muli %add3A_965, %mul3A_976 : i32
          %dma_start3A_978 = arith.constant 3 : i32
          %dma_start3A_979 = arith.constant 3 : i32
          %dma_start3A_980 = arith.constant 0 : i32
          %dma_start3A_981 = arith.constant 0 : i32
          %dma_start3A_982 = tpu.memref_slice %arg8[%dma_start3A_978, %dma_start3A_980, %dma_start3A_981] : memref<8x2x128xi32, #tpu.memory_space<vmem>> -> memref<1x2x128xi32, #tpu.memory_space<vmem>>
          %dma_start3A_983 = tpu.memref_squeeze %dma_start3A_982 : memref<1x2x128xi32, #tpu.memory_space<vmem>> -> memref<2x128xi32, #tpu.memory_space<vmem>>
          %dma_start3A_984 = arith.constant 0 : i32
          %dma_start3A_985 = tpu.memref_slice %arg3[%dma_start3A_984, %mul3A_977] : memref<2x320000xi32, #tpu.memory_space<hbm>> -> memref<2x128xi32, #tpu.memory_space<hbm>>
          %dma_start3A_986 = tpu.memref_slice %arg10[%dma_start3A_979] : memref<8x!tpu.dma_semaphore, #tpu.memory_space<semaphore_mem>> -> memref<1x!tpu.dma_semaphore, #tpu.memory_space<semaphore_mem>>
          %dma_start3A_987 = tpu.memref_squeeze %dma_start3A_986 : memref<1x!tpu.dma_semaphore, #tpu.memory_space<semaphore_mem>> -> memref<!tpu.dma_semaphore, #tpu.memory_space<semaphore_mem>>
          %dma_start3A_988 = arith.constant 0 : i32
          %dma_start3A_989 = arith.constant 0 : i32
          %dma_start3A_990 = tpu.memref_slice %arg8[%dma_start3A_978, %dma_start3A_988, %dma_start3A_989] : memref<8x2x128xi32, #tpu.memory_space<vmem>> -> memref<1x2x128xi32, #tpu.memory_space<vmem>>
          %dma_start3A_991 = tpu.memref_squeeze %dma_start3A_990 : memref<1x2x128xi32, #tpu.memory_space<vmem>> -> memref<2x128xi32, #tpu.memory_space<vmem>>
          %dma_start3A_992 = arith.constant 0 : i32
          %dma_start3A_993 = tpu.memref_slice %arg3[%dma_start3A_992, %mul3A_977] : memref<2x320000xi32, #tpu.memory_space<hbm>> -> memref<2x128xi32, #tpu.memory_space<hbm>>
          tpu.enqueue_dma source(%dma_start3A_993 : memref<2x128xi32, #tpu.memory_space<hbm>>) target(%dma_start3A_991 : memref<2x128xi32, #tpu.memory_space<vmem>>) target_semaphore(%dma_start3A_987 : memref<!tpu.dma_semaphore, #tpu.memory_space<semaphore_mem>>)
        } else {
        }
        %ge3A_971 = arith.constant 2500 : i32
        %ge3A_972 = arith.cmpi sge, %add3A_965, %ge3A_971 : i32
        %convert_element_type3A_973 = arith.extui %ge3A_972 : i1 to i32
        %cond3A_974 = arith.constant 0 : i32
        %cond3A_975 = arith.cmpi ne, %convert_element_type3A_973, %cond3A_974 : i32
        scf.if %cond3A_975 {
          %sub3A = arith.constant 2500 : i32
          %sub3A_976 = arith.subi %add3A_965, %sub3A : i32
          %dma_start3A_977 = arith.constant 3 : i32
          %dma_start3A_978 = arith.constant 3 : i32
          %dma_start3A_979 = arith.constant 0 : i32
          %dma_start3A_980 = arith.constant 0 : i32
          %dma_start3A_981 = tpu.memref_slice %arg8[%dma_start3A_977, %dma_start3A_979, %dma_start3A_980] : memref<8x2x128xi32, #tpu.memory_space<vmem>> -> memref<1x2x128xi32, #tpu.memory_space<vmem>>
          %dma_start3A_982 = tpu.memref_squeeze %dma_start3A_981 : memref<1x2x128xi32, #tpu.memory_space<vmem>> -> memref<2x128xi32, #tpu.memory_space<vmem>>
          %dma_start3A_983 = arith.constant 0 : i32
          %dma_start3A_984 = arith.constant 0 : i32
          %dma_start3A_985 = tpu.memref_slice %arg4[%sub3A_976, %dma_start3A_983, %dma_start3A_984] : memref<60x2x128xi32, #tpu.memory_space<hbm>> -> memref<1x2x128xi32, #tpu.memory_space<hbm>>
          %dma_start3A_986 = tpu.memref_squeeze %dma_start3A_985 : memref<1x2x128xi32, #tpu.memory_space<hbm>> -> memref<2x128xi32, #tpu.memory_space<hbm>>
          %dma_start3A_987 = tpu.memref_slice %arg10[%dma_start3A_978] : memref<8x!tpu.dma_semaphore, #tpu.memory_space<semaphore_mem>> -> memref<1x!tpu.dma_semaphore, #tpu.memory_space<semaphore_mem>>
          %dma_start3A_988 = tpu.memref_squeeze %dma_start3A_987 : memref<1x!tpu.dma_semaphore, #tpu.memory_space<semaphore_mem>> -> memref<!tpu.dma_semaphore, #tpu.memory_space<semaphore_mem>>
          %dma_start3A_989 = arith.constant 0 : i32
          %dma_start3A_990 = arith.constant 0 : i32
          %dma_start3A_991 = tpu.memref_slice %arg8[%dma_start3A_977, %dma_start3A_989, %dma_start3A_990] : memref<8x2x128xi32, #tpu.memory_space<vmem>> -> memref<1x2x128xi32, #tpu.memory_space<vmem>>
          %dma_start3A_992 = tpu.memref_squeeze %dma_start3A_991 : memref<1x2x128xi32, #tpu.memory_space<vmem>> -> memref<2x128xi32, #tpu.memory_space<vmem>>
          %dma_start3A_993 = arith.constant 0 : i32
          %dma_start3A_994 = arith.constant 0 : i32
          %dma_start3A_995 = tpu.memref_slice %arg4[%sub3A_976, %dma_start3A_993, %dma_start3A_994] : memref<60x2x128xi32, #tpu.memory_space<hbm>> -> memref<1x2x128xi32, #tpu.memory_space<hbm>>
          %dma_start3A_996 = tpu.memref_squeeze %dma_start3A_995 : memref<1x2x128xi32, #tpu.memory_space<hbm>> -> memref<2x128xi32, #tpu.memory_space<hbm>>
          tpu.enqueue_dma source(%dma_start3A_996 : memref<2x128xi32, #tpu.memory_space<hbm>>) target(%dma_start3A_992 : memref<2x128xi32, #tpu.memory_space<vmem>>) target_semaphore(%dma_start3A_988 : memref<!tpu.dma_semaphore, #tpu.memory_space<semaphore_mem>>)
        } else {
        }
      } else {
      }
      %lt3A_926 = arith.constant 9 : i32
      %lt3A_927 = arith.cmpi slt, %add3A_271, %lt3A_926 : i32
      %convert_element_type3A_928 = arith.extui %lt3A_927 : i1 to i32
      %cond3A_929 = arith.constant 0 : i32
      %cond3A_930 = arith.cmpi ne, %convert_element_type3A_928, %cond3A_929 : i32
      scf.if %cond3A_930 {
        %dma_wait3A_963 = arith.constant 0 : i32
        %dma_wait3A_964 = arith.constant 0 : i32
        %dma_wait3A_965 = arith.constant 0 : i32
        %dma_wait3A_966 = arith.constant 0 : i32
        %dma_wait3A_967 = arith.constant 0 : i32
        %dma_wait3A_968 = tpu.memref_slice %arg8[%dma_wait3A_964, %dma_wait3A_966, %dma_wait3A_967] : memref<8x2x128xi32, #tpu.memory_space<vmem>> -> memref<1x2x128xi32, #tpu.memory_space<vmem>>
        %dma_wait3A_969 = tpu.memref_squeeze %dma_wait3A_968 : memref<1x2x128xi32, #tpu.memory_space<vmem>> -> memref<2x128xi32, #tpu.memory_space<vmem>>
        %dma_wait3A_970 = arith.constant 0 : i32
        %dma_wait3A_971 = arith.constant 0 : i32
        %dma_wait3A_972 = tpu.memref_slice %arg4[%dma_wait3A_963, %dma_wait3A_970, %dma_wait3A_971] : memref<60x2x128xi32, #tpu.memory_space<hbm>> -> memref<1x2x128xi32, #tpu.memory_space<hbm>>
        %dma_wait3A_973 = tpu.memref_squeeze %dma_wait3A_972 : memref<1x2x128xi32, #tpu.memory_space<hbm>> -> memref<2x128xi32, #tpu.memory_space<hbm>>
        %dma_wait3A_974 = tpu.memref_slice %arg10[%dma_wait3A_965] : memref<8x!tpu.dma_semaphore, #tpu.memory_space<semaphore_mem>> -> memref<1x!tpu.dma_semaphore, #tpu.memory_space<semaphore_mem>>
        %dma_wait3A_975 = tpu.memref_squeeze %dma_wait3A_974 : memref<1x!tpu.dma_semaphore, #tpu.memory_space<semaphore_mem>> -> memref<!tpu.dma_semaphore, #tpu.memory_space<semaphore_mem>>
        %dma_wait3A_976 = arith.constant 0 : i32
        %dma_wait3A_977 = arith.constant 0 : i32
        %dma_wait3A_978 = tpu.memref_slice %arg8[%dma_wait3A_964, %dma_wait3A_976, %dma_wait3A_977] : memref<8x2x128xi32, #tpu.memory_space<vmem>> -> memref<1x2x128xi32, #tpu.memory_space<vmem>>
        %dma_wait3A_979 = tpu.memref_squeeze %dma_wait3A_978 : memref<1x2x128xi32, #tpu.memory_space<vmem>> -> memref<2x128xi32, #tpu.memory_space<vmem>>
        %dma_wait3A_980 = arith.constant 0 : i32
        %dma_wait3A_981 = arith.constant 0 : i32
        %dma_wait3A_982 = tpu.memref_slice %arg4[%dma_wait3A_963, %dma_wait3A_980, %dma_wait3A_981] : memref<60x2x128xi32, #tpu.memory_space<hbm>> -> memref<1x2x128xi32, #tpu.memory_space<hbm>>
        %dma_wait3A_983 = tpu.memref_squeeze %dma_wait3A_982 : memref<1x2x128xi32, #tpu.memory_space<hbm>> -> memref<2x128xi32, #tpu.memory_space<hbm>>
        tpu.wait_dma2 semaphore(%dma_wait3A_975 : memref<!tpu.dma_semaphore, #tpu.memory_space<semaphore_mem>>) src(%dma_wait3A_983 : memref<2x128xi32, #tpu.memory_space<hbm>>) dst(%dma_wait3A_979 : memref<2x128xi32, #tpu.memory_space<vmem>>)
        %dma_wait3A_984 = arith.constant 0 : i32
        %dma_wait3A_985 = arith.constant 0 : i32
        %dma_wait3A_986 = arith.constant 1 : i32
        %dma_wait3A_987 = arith.constant 0 : i32
        %dma_wait3A_988 = arith.constant 0 : i32
        %dma_wait3A_989 = arith.constant 0 : i32
        %dma_wait3A_990 = tpu.memref_slice %arg9[%dma_wait3A_984, %dma_wait3A_988, %dma_wait3A_989] : memref<2x128x128xf32, #tpu.memory_space<vmem>> -> memref<1x128x128xf32, #tpu.memory_space<vmem>>
        %dma_wait3A_991 = tpu.memref_squeeze %dma_wait3A_990 : memref<1x128x128xf32, #tpu.memory_space<vmem>> -> memref<128x128xf32, #tpu.memory_space<vmem>>
        %dma_wait3A_992 = arith.constant 0 : i32
        %dma_wait3A_993 = tpu.memref_slice %arg8[%dma_wait3A_985, %dma_wait3A_986, %dma_wait3A_992] : memref<8x2x128xi32, #tpu.memory_space<vmem>> -> memref<1x1x128xi32, #tpu.memory_space<vmem>>
        %dma_wait3A_994 = tpu.memref_squeeze %dma_wait3A_993 : memref<1x1x128xi32, #tpu.memory_space<vmem>> -> memref<128xi32, #tpu.memory_space<vmem>>
        %dma_wait3A_995 = arith.constant 0 : i32
        %dma_wait3A_996 = arith.constant 0 : i32
        %dma_wait3A_997 = tpu.memref_slice %arg6[%dma_wait3A_995, %dma_wait3A_996] : memref<10240x128xf32, #tpu.memory_space<vmem_shared>> -> memref<10240x128xf32, #tpu.memory_space<vmem_shared>>
        %dma_wait3A_998 = tpu.memref_slice %arg12[%dma_wait3A_987] : memref<2x!tpu.dma_semaphore, #tpu.memory_space<semaphore_mem>> -> memref<1x!tpu.dma_semaphore, #tpu.memory_space<semaphore_mem>>
        %dma_wait3A_999 = tpu.memref_squeeze %dma_wait3A_998 : memref<1x!tpu.dma_semaphore, #tpu.memory_space<semaphore_mem>> -> memref<!tpu.dma_semaphore, #tpu.memory_space<semaphore_mem>>
        tpu.wait_indirect_dma semaphore(%dma_wait3A_999 : memref<!tpu.dma_semaphore, #tpu.memory_space<semaphore_mem>>) src(%dma_wait3A_991 : memref<128x128xf32, #tpu.memory_space<vmem>>) dst(%dma_wait3A_997 : memref<10240x128xf32, #tpu.memory_space<vmem_shared>>)
        %dma_start3A_1000 = arith.constant 0 : i32
        %dma_start3A_1001 = arith.constant 0 : i32
        %dma_start3A_1002 = arith.constant 0 : i32
        %dma_start3A_1003 = arith.constant 0 : i32
        %dma_start3A_1004 = arith.constant 0 : i32
        %dma_start3A_1005 = arith.constant 0 : i32
        %dma_start3A_1006 = tpu.memref_slice %arg9[%dma_start3A_1002, %dma_start3A_1004, %dma_start3A_1005] : memref<2x128x128xf32, #tpu.memory_space<vmem>> -> memref<1x128x128xf32, #tpu.memory_space<vmem>>
        %dma_start3A_1007 = tpu.memref_squeeze %dma_start3A_1006 : memref<1x128x128xf32, #tpu.memory_space<vmem>> -> memref<128x128xf32, #tpu.memory_space<vmem>>
        %dma_start3A_1008 = arith.constant 0 : i32
        %dma_start3A_1009 = tpu.memref_slice %arg8[%dma_start3A_1000, %dma_start3A_1001, %dma_start3A_1008] : memref<8x2x128xi32, #tpu.memory_space<vmem>> -> memref<1x1x128xi32, #tpu.memory_space<vmem>>
        %dma_start3A_1010 = tpu.memref_squeeze %dma_start3A_1009 : memref<1x1x128xi32, #tpu.memory_space<vmem>> -> memref<128xi32, #tpu.memory_space<vmem>>
        %dma_start3A_1011 = arith.constant 0 : i32
        %dma_start3A_1012 = arith.constant 0 : i32
        %dma_start3A_1013 = tpu.memref_slice %arg2[%dma_start3A_1011, %dma_start3A_1012] : memref<10000x128xf32, #tpu.memory_space<hbm>> -> memref<10000x128xf32, #tpu.memory_space<hbm>>
        %dma_start3A_1014 = tpu.memref_slice %arg11[%dma_start3A_1003] : memref<2x!tpu.dma_semaphore, #tpu.memory_space<semaphore_mem>> -> memref<1x!tpu.dma_semaphore, #tpu.memory_space<semaphore_mem>>
        %dma_start3A_1015 = tpu.memref_squeeze %dma_start3A_1014 : memref<1x!tpu.dma_semaphore, #tpu.memory_space<semaphore_mem>> -> memref<!tpu.dma_semaphore, #tpu.memory_space<semaphore_mem>>
        tpu.enqueue_indirect_dma source(%dma_start3A_1013 : memref<10000x128xf32, #tpu.memory_space<hbm>>) target(%dma_start3A_1007 : memref<128x128xf32, #tpu.memory_space<vmem>>) offsets(%dma_start3A_1010 : memref<128xi32, #tpu.memory_space<vmem>>) semaphore(%dma_start3A_1015 : memref<!tpu.dma_semaphore, #tpu.memory_space<semaphore_mem>>)
      } else {
      }
      %dma_wait3A_931 = arith.constant 7 : i32
      %dma_wait3A_932 = arith.constant 0 : i32
      %dma_wait3A_933 = arith.constant 1 : i32
      %dma_wait3A_934 = arith.constant 1 : i32
      %dma_wait3A_935 = arith.constant 0 : i32
      %dma_wait3A_936 = arith.constant 0 : i32
      %dma_wait3A_937 = tpu.memref_slice %arg9[%dma_wait3A_933, %dma_wait3A_935, %dma_wait3A_936] : memref<2x128x128xf32, #tpu.memory_space<vmem>> -> memref<1x128x128xf32, #tpu.memory_space<vmem>>
      %dma_wait3A_938 = tpu.memref_squeeze %dma_wait3A_937 : memref<1x128x128xf32, #tpu.memory_space<vmem>> -> memref<128x128xf32, #tpu.memory_space<vmem>>
      %dma_wait3A_939 = arith.constant 0 : i32
      %dma_wait3A_940 = tpu.memref_slice %arg8[%dma_wait3A_931, %dma_wait3A_932, %dma_wait3A_939] : memref<8x2x128xi32, #tpu.memory_space<vmem>> -> memref<1x1x128xi32, #tpu.memory_space<vmem>>
      %dma_wait3A_941 = tpu.memref_squeeze %dma_wait3A_940 : memref<1x1x128xi32, #tpu.memory_space<vmem>> -> memref<128xi32, #tpu.memory_space<vmem>>
      %dma_wait3A_942 = arith.constant 0 : i32
      %dma_wait3A_943 = arith.constant 0 : i32
      %dma_wait3A_944 = tpu.memref_slice %arg2[%dma_wait3A_942, %dma_wait3A_943] : memref<10000x128xf32, #tpu.memory_space<hbm>> -> memref<10000x128xf32, #tpu.memory_space<hbm>>
      %dma_wait3A_945 = tpu.memref_slice %arg11[%dma_wait3A_934] : memref<2x!tpu.dma_semaphore, #tpu.memory_space<semaphore_mem>> -> memref<1x!tpu.dma_semaphore, #tpu.memory_space<semaphore_mem>>
      %dma_wait3A_946 = tpu.memref_squeeze %dma_wait3A_945 : memref<1x!tpu.dma_semaphore, #tpu.memory_space<semaphore_mem>> -> memref<!tpu.dma_semaphore, #tpu.memory_space<semaphore_mem>>
      tpu.wait_indirect_dma semaphore(%dma_wait3A_946 : memref<!tpu.dma_semaphore, #tpu.memory_space<semaphore_mem>>) src(%dma_wait3A_944 : memref<10000x128xf32, #tpu.memory_space<hbm>>) dst(%dma_wait3A_938 : memref<128x128xf32, #tpu.memory_space<vmem>>)
      %dma_start3A_947 = arith.constant 1 : i32
      %dma_start3A_948 = arith.constant 7 : i32
      %dma_start3A_949 = arith.constant 1 : i32
      %dma_start3A_950 = arith.constant 1 : i32
      %dma_start3A_951 = arith.constant 0 : i32
      %dma_start3A_952 = arith.constant 0 : i32
      %dma_start3A_953 = tpu.memref_slice %arg9[%dma_start3A_947, %dma_start3A_951, %dma_start3A_952] : memref<2x128x128xf32, #tpu.memory_space<vmem>> -> memref<1x128x128xf32, #tpu.memory_space<vmem>>
      %dma_start3A_954 = tpu.memref_squeeze %dma_start3A_953 : memref<1x128x128xf32, #tpu.memory_space<vmem>> -> memref<128x128xf32, #tpu.memory_space<vmem>>
      %dma_start3A_955 = arith.constant 0 : i32
      %dma_start3A_956 = tpu.memref_slice %arg8[%dma_start3A_948, %dma_start3A_949, %dma_start3A_955] : memref<8x2x128xi32, #tpu.memory_space<vmem>> -> memref<1x1x128xi32, #tpu.memory_space<vmem>>
      %dma_start3A_957 = tpu.memref_squeeze %dma_start3A_956 : memref<1x1x128xi32, #tpu.memory_space<vmem>> -> memref<128xi32, #tpu.memory_space<vmem>>
      %dma_start3A_958 = arith.constant 0 : i32
      %dma_start3A_959 = arith.constant 0 : i32
      %dma_start3A_960 = tpu.memref_slice %arg6[%dma_start3A_958, %dma_start3A_959] : memref<10240x128xf32, #tpu.memory_space<vmem_shared>> -> memref<10240x128xf32, #tpu.memory_space<vmem_shared>>
      %dma_start3A_961 = tpu.memref_slice %arg12[%dma_start3A_950] : memref<2x!tpu.dma_semaphore, #tpu.memory_space<semaphore_mem>> -> memref<1x!tpu.dma_semaphore, #tpu.memory_space<semaphore_mem>>
      %dma_start3A_962 = tpu.memref_squeeze %dma_start3A_961 : memref<1x!tpu.dma_semaphore, #tpu.memory_space<semaphore_mem>> -> memref<!tpu.dma_semaphore, #tpu.memory_space<semaphore_mem>>
      tpu.enqueue_indirect_dma source(%dma_start3A_954 : memref<128x128xf32, #tpu.memory_space<vmem>>) target(%dma_start3A_960 : memref<10240x128xf32, #tpu.memory_space<vmem_shared>>) offsets(%dma_start3A_957 : memref<128xi32, #tpu.memory_space<vmem>>) semaphore(%dma_start3A_962 : memref<!tpu.dma_semaphore, #tpu.memory_space<semaphore_mem>>) {add = true}
    }
    %scan3A_133 = arith.constant 10 : i32
    %dma_wait3A_134 = arith.constant 0 : i32
    %dma_wait3A_135 = arith.constant 6 : i32
    %dma_wait3A_136 = arith.constant 1 : i32
    %dma_wait3A_137 = arith.constant 0 : i32
    %dma_wait3A_138 = arith.constant 0 : i32
    %dma_wait3A_139 = arith.constant 0 : i32
    %dma_wait3A_140 = tpu.memref_slice %arg9[%dma_wait3A_134, %dma_wait3A_138, %dma_wait3A_139] : memref<2x128x128xf32, #tpu.memory_space<vmem>> -> memref<1x128x128xf32, #tpu.memory_space<vmem>>
    %dma_wait3A_141 = tpu.memref_squeeze %dma_wait3A_140 : memref<1x128x128xf32, #tpu.memory_space<vmem>> -> memref<128x128xf32, #tpu.memory_space<vmem>>
    %dma_wait3A_142 = arith.constant 0 : i32
    %dma_wait3A_143 = tpu.memref_slice %arg8[%dma_wait3A_135, %dma_wait3A_136, %dma_wait3A_142] : memref<8x2x128xi32, #tpu.memory_space<vmem>> -> memref<1x1x128xi32, #tpu.memory_space<vmem>>
    %dma_wait3A_144 = tpu.memref_squeeze %dma_wait3A_143 : memref<1x1x128xi32, #tpu.memory_space<vmem>> -> memref<128xi32, #tpu.memory_space<vmem>>
    %dma_wait3A_145 = arith.constant 0 : i32
    %dma_wait3A_146 = arith.constant 0 : i32
    %dma_wait3A_147 = tpu.memref_slice %arg6[%dma_wait3A_145, %dma_wait3A_146] : memref<10240x128xf32, #tpu.memory_space<vmem_shared>> -> memref<10240x128xf32, #tpu.memory_space<vmem_shared>>
    %dma_wait3A_148 = tpu.memref_slice %arg12[%dma_wait3A_137] : memref<2x!tpu.dma_semaphore, #tpu.memory_space<semaphore_mem>> -> memref<1x!tpu.dma_semaphore, #tpu.memory_space<semaphore_mem>>
    %dma_wait3A_149 = tpu.memref_squeeze %dma_wait3A_148 : memref<1x!tpu.dma_semaphore, #tpu.memory_space<semaphore_mem>> -> memref<!tpu.dma_semaphore, #tpu.memory_space<semaphore_mem>>
    tpu.wait_indirect_dma semaphore(%dma_wait3A_149 : memref<!tpu.dma_semaphore, #tpu.memory_space<semaphore_mem>>) src(%dma_wait3A_141 : memref<128x128xf32, #tpu.memory_space<vmem>>) dst(%dma_wait3A_147 : memref<10240x128xf32, #tpu.memory_space<vmem_shared>>)
    %dma_wait3A_150 = arith.constant 1 : i32
    %dma_wait3A_151 = arith.constant 7 : i32
    %dma_wait3A_152 = arith.constant 1 : i32
    %dma_wait3A_153 = arith.constant 1 : i32
    %dma_wait3A_154 = arith.constant 0 : i32
    %dma_wait3A_155 = arith.constant 0 : i32
    %dma_wait3A_156 = tpu.memref_slice %arg9[%dma_wait3A_150, %dma_wait3A_154, %dma_wait3A_155] : memref<2x128x128xf32, #tpu.memory_space<vmem>> -> memref<1x128x128xf32, #tpu.memory_space<vmem>>
    %dma_wait3A_157 = tpu.memref_squeeze %dma_wait3A_156 : memref<1x128x128xf32, #tpu.memory_space<vmem>> -> memref<128x128xf32, #tpu.memory_space<vmem>>
    %dma_wait3A_158 = arith.constant 0 : i32
    %dma_wait3A_159 = tpu.memref_slice %arg8[%dma_wait3A_151, %dma_wait3A_152, %dma_wait3A_158] : memref<8x2x128xi32, #tpu.memory_space<vmem>> -> memref<1x1x128xi32, #tpu.memory_space<vmem>>
    %dma_wait3A_160 = tpu.memref_squeeze %dma_wait3A_159 : memref<1x1x128xi32, #tpu.memory_space<vmem>> -> memref<128xi32, #tpu.memory_space<vmem>>
    %dma_wait3A_161 = arith.constant 0 : i32
    %dma_wait3A_162 = arith.constant 0 : i32
    %dma_wait3A_163 = tpu.memref_slice %arg6[%dma_wait3A_161, %dma_wait3A_162] : memref<10240x128xf32, #tpu.memory_space<vmem_shared>> -> memref<10240x128xf32, #tpu.memory_space<vmem_shared>>
    %dma_wait3A_164 = tpu.memref_slice %arg12[%dma_wait3A_153] : memref<2x!tpu.dma_semaphore, #tpu.memory_space<semaphore_mem>> -> memref<1x!tpu.dma_semaphore, #tpu.memory_space<semaphore_mem>>
    %dma_wait3A_165 = tpu.memref_squeeze %dma_wait3A_164 : memref<1x!tpu.dma_semaphore, #tpu.memory_space<semaphore_mem>> -> memref<!tpu.dma_semaphore, #tpu.memory_space<semaphore_mem>>
    tpu.wait_indirect_dma semaphore(%dma_wait3A_165 : memref<!tpu.dma_semaphore, #tpu.memory_space<semaphore_mem>>) src(%dma_wait3A_157 : memref<128x128xf32, #tpu.memory_space<vmem>>) dst(%dma_wait3A_163 : memref<10240x128xf32, #tpu.memory_space<vmem_shared>>)
    %barrier3A_166 = arith.constant 0 : index
    tpu.barrier barrier_id(%barrier3A_166)
    %add3A_167 = arith.constant 0 : i32
    %add3A_168 = arith.addi %mul3A_9, %add3A_167 : i32
    %mul3A_169 = arith.constant 10240 : i32
    %mul3A_170 = arith.muli %arg0, %mul3A_169 : i32
    %add3A_171 = arith.addi %mul3A_170, %add3A_168 : i32
    "tpu.region"() ({
      %run_scoped3A = tpu.sem_alloc : memref<!tpu.dma_semaphore, #tpu.memory_space<semaphore_mem>>
      %dma_start3A_267 = arith.constant 0 : i32
      %dma_start3A_268 = tpu.memref_slice %arg5[%add3A_171, %dma_start3A_267] : memref<20480x128xf32, #tpu.memory_space<hbm>> -> memref<32x128xf32, #tpu.memory_space<hbm>>
      %dma_start3A_269 = arith.constant 0 : i32
      %dma_start3A_270 = tpu.memref_slice %arg6[%add3A_168, %dma_start3A_269] : memref<10240x128xf32, #tpu.memory_space<vmem_shared>> -> memref<32x128xf32, #tpu.memory_space<vmem_shared>>
      tpu.enqueue_dma source(%dma_start3A_270 : memref<32x128xf32, #tpu.memory_space<vmem_shared>>) target(%dma_start3A_268 : memref<32x128xf32, #tpu.memory_space<hbm>>) target_semaphore(%run_scoped3A : memref<!tpu.dma_semaphore, #tpu.memory_space<semaphore_mem>>)
      %dma_wait3A_271 = arith.constant 0 : i32
      %dma_wait3A_272 = tpu.memref_slice %arg5[%add3A_171, %dma_wait3A_271] : memref<20480x128xf32, #tpu.memory_space<hbm>> -> memref<32x128xf32, #tpu.memory_space<hbm>>
      %dma_wait3A_273 = arith.constant 0 : i32
      %dma_wait3A_274 = tpu.memref_slice %arg6[%add3A_168, %dma_wait3A_273] : memref<10240x128xf32, #tpu.memory_space<vmem_shared>> -> memref<32x128xf32, #tpu.memory_space<vmem_shared>>
      tpu.wait_dma2 semaphore(%run_scoped3A : memref<!tpu.dma_semaphore, #tpu.memory_space<semaphore_mem>>) src(%dma_wait3A_274 : memref<32x128xf32, #tpu.memory_space<vmem_shared>>) dst(%dma_wait3A_272 : memref<32x128xf32, #tpu.memory_space<hbm>>)
      tpu.yield
    }) : () -> ()
    %add3A_172 = arith.constant 32 : i32
    %add3A_173 = arith.addi %mul3A_9, %add3A_172 : i32
    %mul3A_174 = arith.constant 10240 : i32
    %mul3A_175 = arith.muli %arg0, %mul3A_174 : i32
    %add3A_176 = arith.addi %mul3A_175, %add3A_173 : i32
    "tpu.region"() ({
      %run_scoped3A = tpu.sem_alloc : memref<!tpu.dma_semaphore, #tpu.memory_space<semaphore_mem>>
      %dma_start3A_267 = arith.constant 0 : i32
      %dma_start3A_268 = tpu.memref_slice %arg5[%add3A_176, %dma_start3A_267] : memref<20480x128xf32, #tpu.memory_space<hbm>> -> memref<32x128xf32, #tpu.memory_space<hbm>>
      %dma_start3A_269 = arith.constant 0 : i32
      %dma_start3A_270 = tpu.memref_slice %arg6[%add3A_173, %dma_start3A_269] : memref<10240x128xf32, #tpu.memory_space<vmem_shared>> -> memref<32x128xf32, #tpu.memory_space<vmem_shared>>
      tpu.enqueue_dma source(%dma_start3A_270 : memref<32x128xf32, #tpu.memory_space<vmem_shared>>) target(%dma_start3A_268 : memref<32x128xf32, #tpu.memory_space<hbm>>) target_semaphore(%run_scoped3A : memref<!tpu.dma_semaphore, #tpu.memory_space<semaphore_mem>>)
      %dma_wait3A_271 = arith.constant 0 : i32
      %dma_wait3A_272 = tpu.memref_slice %arg5[%add3A_176, %dma_wait3A_271] : memref<20480x128xf32, #tpu.memory_space<hbm>> -> memref<32x128xf32, #tpu.memory_space<hbm>>
      %dma_wait3A_273 = arith.constant 0 : i32
      %dma_wait3A_274 = tpu.memref_slice %arg6[%add3A_173, %dma_wait3A_273] : memref<10240x128xf32, #tpu.memory_space<vmem_shared>> -> memref<32x128xf32, #tpu.memory_space<vmem_shared>>
      tpu.wait_dma2 semaphore(%run_scoped3A : memref<!tpu.dma_semaphore, #tpu.memory_space<semaphore_mem>>) src(%dma_wait3A_274 : memref<32x128xf32, #tpu.memory_space<vmem_shared>>) dst(%dma_wait3A_272 : memref<32x128xf32, #tpu.memory_space<hbm>>)
      tpu.yield
    }) : () -> ()
    %add3A_177 = arith.constant 64 : i32
    %add3A_178 = arith.addi %mul3A_9, %add3A_177 : i32
    %mul3A_179 = arith.constant 10240 : i32
    %mul3A_180 = arith.muli %arg0, %mul3A_179 : i32
    %add3A_181 = arith.addi %mul3A_180, %add3A_178 : i32
    "tpu.region"() ({
      %run_scoped3A = tpu.sem_alloc : memref<!tpu.dma_semaphore, #tpu.memory_space<semaphore_mem>>
      %dma_start3A_267 = arith.constant 0 : i32
      %dma_start3A_268 = tpu.memref_slice %arg5[%add3A_181, %dma_start3A_267] : memref<20480x128xf32, #tpu.memory_space<hbm>> -> memref<32x128xf32, #tpu.memory_space<hbm>>
      %dma_start3A_269 = arith.constant 0 : i32
      %dma_start3A_270 = tpu.memref_slice %arg6[%add3A_178, %dma_start3A_269] : memref<10240x128xf32, #tpu.memory_space<vmem_shared>> -> memref<32x128xf32, #tpu.memory_space<vmem_shared>>
      tpu.enqueue_dma source(%dma_start3A_270 : memref<32x128xf32, #tpu.memory_space<vmem_shared>>) target(%dma_start3A_268 : memref<32x128xf32, #tpu.memory_space<hbm>>) target_semaphore(%run_scoped3A : memref<!tpu.dma_semaphore, #tpu.memory_space<semaphore_mem>>)
      %dma_wait3A_271 = arith.constant 0 : i32
      %dma_wait3A_272 = tpu.memref_slice %arg5[%add3A_181, %dma_wait3A_271] : memref<20480x128xf32, #tpu.memory_space<hbm>> -> memref<32x128xf32, #tpu.memory_space<hbm>>
      %dma_wait3A_273 = arith.constant 0 : i32
      %dma_wait3A_274 = tpu.memref_slice %arg6[%add3A_178, %dma_wait3A_273] : memref<10240x128xf32, #tpu.memory_space<vmem_shared>> -> memref<32x128xf32, #tpu.memory_space<vmem_shared>>
      tpu.wait_dma2 semaphore(%run_scoped3A : memref<!tpu.dma_semaphore, #tpu.memory_space<semaphore_mem>>) src(%dma_wait3A_274 : memref<32x128xf32, #tpu.memory_space<vmem_shared>>) dst(%dma_wait3A_272 : memref<32x128xf32, #tpu.memory_space<hbm>>)
      tpu.yield
    }) : () -> ()
    %add3A_182 = arith.constant 96 : i32
    %add3A_183 = arith.addi %mul3A_9, %add3A_182 : i32
    %mul3A_184 = arith.constant 10240 : i32
    %mul3A_185 = arith.muli %arg0, %mul3A_184 : i32
    %add3A_186 = arith.addi %mul3A_185, %add3A_183 : i32
    "tpu.region"() ({
      %run_scoped3A = tpu.sem_alloc : memref<!tpu.dma_semaphore, #tpu.memory_space<semaphore_mem>>
      %dma_start3A_267 = arith.constant 0 : i32
      %dma_start3A_268 = tpu.memref_slice %arg5[%add3A_186, %dma_start3A_267] : memref<20480x128xf32, #tpu.memory_space<hbm>> -> memref<32x128xf32, #tpu.memory_space<hbm>>
      %dma_start3A_269 = arith.constant 0 : i32
      %dma_start3A_270 = tpu.memref_slice %arg6[%add3A_183, %dma_start3A_269] : memref<10240x128xf32, #tpu.memory_space<vmem_shared>> -> memref<32x128xf32, #tpu.memory_space<vmem_shared>>
      tpu.enqueue_dma source(%dma_start3A_270 : memref<32x128xf32, #tpu.memory_space<vmem_shared>>) target(%dma_start3A_268 : memref<32x128xf32, #tpu.memory_space<hbm>>) target_semaphore(%run_scoped3A : memref<!tpu.dma_semaphore, #tpu.memory_space<semaphore_mem>>)
      %dma_wait3A_271 = arith.constant 0 : i32
      %dma_wait3A_272 = tpu.memref_slice %arg5[%add3A_186, %dma_wait3A_271] : memref<20480x128xf32, #tpu.memory_space<hbm>> -> memref<32x128xf32, #tpu.memory_space<hbm>>
      %dma_wait3A_273 = arith.constant 0 : i32
      %dma_wait3A_274 = tpu.memref_slice %arg6[%add3A_183, %dma_wait3A_273] : memref<10240x128xf32, #tpu.memory_space<vmem_shared>> -> memref<32x128xf32, #tpu.memory_space<vmem_shared>>
      tpu.wait_dma2 semaphore(%run_scoped3A : memref<!tpu.dma_semaphore, #tpu.memory_space<semaphore_mem>>) src(%dma_wait3A_274 : memref<32x128xf32, #tpu.memory_space<vmem_shared>>) dst(%dma_wait3A_272 : memref<32x128xf32, #tpu.memory_space<hbm>>)
      tpu.yield
    }) : () -> ()
    %add3A_187 = arith.constant 128 : i32
    %add3A_188 = arith.addi %mul3A_9, %add3A_187 : i32
    %mul3A_189 = arith.constant 10240 : i32
    %mul3A_190 = arith.muli %arg0, %mul3A_189 : i32
    %add3A_191 = arith.addi %mul3A_190, %add3A_188 : i32
    "tpu.region"() ({
      %run_scoped3A = tpu.sem_alloc : memref<!tpu.dma_semaphore, #tpu.memory_space<semaphore_mem>>
      %dma_start3A_267 = arith.constant 0 : i32
      %dma_start3A_268 = tpu.memref_slice %arg5[%add3A_191, %dma_start3A_267] : memref<20480x128xf32, #tpu.memory_space<hbm>> -> memref<32x128xf32, #tpu.memory_space<hbm>>
      %dma_start3A_269 = arith.constant 0 : i32
      %dma_start3A_270 = tpu.memref_slice %arg6[%add3A_188, %dma_start3A_269] : memref<10240x128xf32, #tpu.memory_space<vmem_shared>> -> memref<32x128xf32, #tpu.memory_space<vmem_shared>>
      tpu.enqueue_dma source(%dma_start3A_270 : memref<32x128xf32, #tpu.memory_space<vmem_shared>>) target(%dma_start3A_268 : memref<32x128xf32, #tpu.memory_space<hbm>>) target_semaphore(%run_scoped3A : memref<!tpu.dma_semaphore, #tpu.memory_space<semaphore_mem>>)
      %dma_wait3A_271 = arith.constant 0 : i32
      %dma_wait3A_272 = tpu.memref_slice %arg5[%add3A_191, %dma_wait3A_271] : memref<20480x128xf32, #tpu.memory_space<hbm>> -> memref<32x128xf32, #tpu.memory_space<hbm>>
      %dma_wait3A_273 = arith.constant 0 : i32
      %dma_wait3A_274 = tpu.memref_slice %arg6[%add3A_188, %dma_wait3A_273] : memref<10240x128xf32, #tpu.memory_space<vmem_shared>> -> memref<32x128xf32, #tpu.memory_space<vmem_shared>>
      tpu.wait_dma2 semaphore(%run_scoped3A : memref<!tpu.dma_semaphore, #tpu.memory_space<semaphore_mem>>) src(%dma_wait3A_274 : memref<32x128xf32, #tpu.memory_space<vmem_shared>>) dst(%dma_wait3A_272 : memref<32x128xf32, #tpu.memory_space<hbm>>)
      tpu.yield
    }) : () -> ()
    %add3A_192 = arith.constant 160 : i32
    %add3A_193 = arith.addi %mul3A_9, %add3A_192 : i32
    %mul3A_194 = arith.constant 10240 : i32
    %mul3A_195 = arith.muli %arg0, %mul3A_194 : i32
    %add3A_196 = arith.addi %mul3A_195, %add3A_193 : i32
    "tpu.region"() ({
      %run_scoped3A = tpu.sem_alloc : memref<!tpu.dma_semaphore, #tpu.memory_space<semaphore_mem>>
      %dma_start3A_267 = arith.constant 0 : i32
      %dma_start3A_268 = tpu.memref_slice %arg5[%add3A_196, %dma_start3A_267] : memref<20480x128xf32, #tpu.memory_space<hbm>> -> memref<32x128xf32, #tpu.memory_space<hbm>>
      %dma_start3A_269 = arith.constant 0 : i32
      %dma_start3A_270 = tpu.memref_slice %arg6[%add3A_193, %dma_start3A_269] : memref<10240x128xf32, #tpu.memory_space<vmem_shared>> -> memref<32x128xf32, #tpu.memory_space<vmem_shared>>
      tpu.enqueue_dma source(%dma_start3A_270 : memref<32x128xf32, #tpu.memory_space<vmem_shared>>) target(%dma_start3A_268 : memref<32x128xf32, #tpu.memory_space<hbm>>) target_semaphore(%run_scoped3A : memref<!tpu.dma_semaphore, #tpu.memory_space<semaphore_mem>>)
      %dma_wait3A_271 = arith.constant 0 : i32
      %dma_wait3A_272 = tpu.memref_slice %arg5[%add3A_196, %dma_wait3A_271] : memref<20480x128xf32, #tpu.memory_space<hbm>> -> memref<32x128xf32, #tpu.memory_space<hbm>>
      %dma_wait3A_273 = arith.constant 0 : i32
      %dma_wait3A_274 = tpu.memref_slice %arg6[%add3A_193, %dma_wait3A_273] : memref<10240x128xf32, #tpu.memory_space<vmem_shared>> -> memref<32x128xf32, #tpu.memory_space<vmem_shared>>
      tpu.wait_dma2 semaphore(%run_scoped3A : memref<!tpu.dma_semaphore, #tpu.memory_space<semaphore_mem>>) src(%dma_wait3A_274 : memref<32x128xf32, #tpu.memory_space<vmem_shared>>) dst(%dma_wait3A_272 : memref<32x128xf32, #tpu.memory_space<hbm>>)
      tpu.yield
    }) : () -> ()
    %add3A_197 = arith.constant 192 : i32
    %add3A_198 = arith.addi %mul3A_9, %add3A_197 : i32
    %mul3A_199 = arith.constant 10240 : i32
    %mul3A_200 = arith.muli %arg0, %mul3A_199 : i32
    %add3A_201 = arith.addi %mul3A_200, %add3A_198 : i32
    "tpu.region"() ({
      %run_scoped3A = tpu.sem_alloc : memref<!tpu.dma_semaphore, #tpu.memory_space<semaphore_mem>>
      %dma_start3A_267 = arith.constant 0 : i32
      %dma_start3A_268 = tpu.memref_slice %arg5[%add3A_201, %dma_start3A_267] : memref<20480x128xf32, #tpu.memory_space<hbm>> -> memref<32x128xf32, #tpu.memory_space<hbm>>
      %dma_start3A_269 = arith.constant 0 : i32
      %dma_start3A_270 = tpu.memref_slice %arg6[%add3A_198, %dma_start3A_269] : memref<10240x128xf32, #tpu.memory_space<vmem_shared>> -> memref<32x128xf32, #tpu.memory_space<vmem_shared>>
      tpu.enqueue_dma source(%dma_start3A_270 : memref<32x128xf32, #tpu.memory_space<vmem_shared>>) target(%dma_start3A_268 : memref<32x128xf32, #tpu.memory_space<hbm>>) target_semaphore(%run_scoped3A : memref<!tpu.dma_semaphore, #tpu.memory_space<semaphore_mem>>)
      %dma_wait3A_271 = arith.constant 0 : i32
      %dma_wait3A_272 = tpu.memref_slice %arg5[%add3A_201, %dma_wait3A_271] : memref<20480x128xf32, #tpu.memory_space<hbm>> -> memref<32x128xf32, #tpu.memory_space<hbm>>
      %dma_wait3A_273 = arith.constant 0 : i32
      %dma_wait3A_274 = tpu.memref_slice %arg6[%add3A_198, %dma_wait3A_273] : memref<10240x128xf32, #tpu.memory_space<vmem_shared>> -> memref<32x128xf32, #tpu.memory_space<vmem_shared>>
      tpu.wait_dma2 semaphore(%run_scoped3A : memref<!tpu.dma_semaphore, #tpu.memory_space<semaphore_mem>>) src(%dma_wait3A_274 : memref<32x128xf32, #tpu.memory_space<vmem_shared>>) dst(%dma_wait3A_272 : memref<32x128xf32, #tpu.memory_space<hbm>>)
      tpu.yield
    }) : () -> ()
    %add3A_202 = arith.constant 224 : i32
    %add3A_203 = arith.addi %mul3A_9, %add3A_202 : i32
    %mul3A_204 = arith.constant 10240 : i32
    %mul3A_205 = arith.muli %arg0, %mul3A_204 : i32
    %add3A_206 = arith.addi %mul3A_205, %add3A_203 : i32
    "tpu.region"() ({
      %run_scoped3A = tpu.sem_alloc : memref<!tpu.dma_semaphore, #tpu.memory_space<semaphore_mem>>
      %dma_start3A_267 = arith.constant 0 : i32
      %dma_start3A_268 = tpu.memref_slice %arg5[%add3A_206, %dma_start3A_267] : memref<20480x128xf32, #tpu.memory_space<hbm>> -> memref<32x128xf32, #tpu.memory_space<hbm>>
      %dma_start3A_269 = arith.constant 0 : i32
      %dma_start3A_270 = tpu.memref_slice %arg6[%add3A_203, %dma_start3A_269] : memref<10240x128xf32, #tpu.memory_space<vmem_shared>> -> memref<32x128xf32, #tpu.memory_space<vmem_shared>>
      tpu.enqueue_dma source(%dma_start3A_270 : memref<32x128xf32, #tpu.memory_space<vmem_shared>>) target(%dma_start3A_268 : memref<32x128xf32, #tpu.memory_space<hbm>>) target_semaphore(%run_scoped3A : memref<!tpu.dma_semaphore, #tpu.memory_space<semaphore_mem>>)
      %dma_wait3A_271 = arith.constant 0 : i32
      %dma_wait3A_272 = tpu.memref_slice %arg5[%add3A_206, %dma_wait3A_271] : memref<20480x128xf32, #tpu.memory_space<hbm>> -> memref<32x128xf32, #tpu.memory_space<hbm>>
      %dma_wait3A_273 = arith.constant 0 : i32
      %dma_wait3A_274 = tpu.memref_slice %arg6[%add3A_203, %dma_wait3A_273] : memref<10240x128xf32, #tpu.memory_space<vmem_shared>> -> memref<32x128xf32, #tpu.memory_space<vmem_shared>>
      tpu.wait_dma2 semaphore(%run_scoped3A : memref<!tpu.dma_semaphore, #tpu.memory_space<semaphore_mem>>) src(%dma_wait3A_274 : memref<32x128xf32, #tpu.memory_space<vmem_shared>>) dst(%dma_wait3A_272 : memref<32x128xf32, #tpu.memory_space<hbm>>)
      tpu.yield
    }) : () -> ()
    %add3A_207 = arith.constant 256 : i32
    %add3A_208 = arith.addi %mul3A_9, %add3A_207 : i32
    %mul3A_209 = arith.constant 10240 : i32
    %mul3A_210 = arith.muli %arg0, %mul3A_209 : i32
    %add3A_211 = arith.addi %mul3A_210, %add3A_208 : i32
    "tpu.region"() ({
      %run_scoped3A = tpu.sem_alloc : memref<!tpu.dma_semaphore, #tpu.memory_space<semaphore_mem>>
      %dma_start3A_267 = arith.constant 0 : i32
      %dma_start3A_268 = tpu.memref_slice %arg5[%add3A_211, %dma_start3A_267] : memref<20480x128xf32, #tpu.memory_space<hbm>> -> memref<32x128xf32, #tpu.memory_space<hbm>>
      %dma_start3A_269 = arith.constant 0 : i32
      %dma_start3A_270 = tpu.memref_slice %arg6[%add3A_208, %dma_start3A_269] : memref<10240x128xf32, #tpu.memory_space<vmem_shared>> -> memref<32x128xf32, #tpu.memory_space<vmem_shared>>
      tpu.enqueue_dma source(%dma_start3A_270 : memref<32x128xf32, #tpu.memory_space<vmem_shared>>) target(%dma_start3A_268 : memref<32x128xf32, #tpu.memory_space<hbm>>) target_semaphore(%run_scoped3A : memref<!tpu.dma_semaphore, #tpu.memory_space<semaphore_mem>>)
      %dma_wait3A_271 = arith.constant 0 : i32
      %dma_wait3A_272 = tpu.memref_slice %arg5[%add3A_211, %dma_wait3A_271] : memref<20480x128xf32, #tpu.memory_space<hbm>> -> memref<32x128xf32, #tpu.memory_space<hbm>>
      %dma_wait3A_273 = arith.constant 0 : i32
      %dma_wait3A_274 = tpu.memref_slice %arg6[%add3A_208, %dma_wait3A_273] : memref<10240x128xf32, #tpu.memory_space<vmem_shared>> -> memref<32x128xf32, #tpu.memory_space<vmem_shared>>
      tpu.wait_dma2 semaphore(%run_scoped3A : memref<!tpu.dma_semaphore, #tpu.memory_space<semaphore_mem>>) src(%dma_wait3A_274 : memref<32x128xf32, #tpu.memory_space<vmem_shared>>) dst(%dma_wait3A_272 : memref<32x128xf32, #tpu.memory_space<hbm>>)
      tpu.yield
    }) : () -> ()
    %add3A_212 = arith.constant 288 : i32
    %add3A_213 = arith.addi %mul3A_9, %add3A_212 : i32
    %mul3A_214 = arith.constant 10240 : i32
    %mul3A_215 = arith.muli %arg0, %mul3A_214 : i32
    %add3A_216 = arith.addi %mul3A_215, %add3A_213 : i32
    "tpu.region"() ({
      %run_scoped3A = tpu.sem_alloc : memref<!tpu.dma_semaphore, #tpu.memory_space<semaphore_mem>>
      %dma_start3A_267 = arith.constant 0 : i32
      %dma_start3A_268 = tpu.memref_slice %arg5[%add3A_216, %dma_start3A_267] : memref<20480x128xf32, #tpu.memory_space<hbm>> -> memref<32x128xf32, #tpu.memory_space<hbm>>
      %dma_start3A_269 = arith.constant 0 : i32
      %dma_start3A_270 = tpu.memref_slice %arg6[%add3A_213, %dma_start3A_269] : memref<10240x128xf32, #tpu.memory_space<vmem_shared>> -> memref<32x128xf32, #tpu.memory_space<vmem_shared>>
      tpu.enqueue_dma source(%dma_start3A_270 : memref<32x128xf32, #tpu.memory_space<vmem_shared>>) target(%dma_start3A_268 : memref<32x128xf32, #tpu.memory_space<hbm>>) target_semaphore(%run_scoped3A : memref<!tpu.dma_semaphore, #tpu.memory_space<semaphore_mem>>)
      %dma_wait3A_271 = arith.constant 0 : i32
      %dma_wait3A_272 = tpu.memref_slice %arg5[%add3A_216, %dma_wait3A_271] : memref<20480x128xf32, #tpu.memory_space<hbm>> -> memref<32x128xf32, #tpu.memory_space<hbm>>
      %dma_wait3A_273 = arith.constant 0 : i32
      %dma_wait3A_274 = tpu.memref_slice %arg6[%add3A_213, %dma_wait3A_273] : memref<10240x128xf32, #tpu.memory_space<vmem_shared>> -> memref<32x128xf32, #tpu.memory_space<vmem_shared>>
      tpu.wait_dma2 semaphore(%run_scoped3A : memref<!tpu.dma_semaphore, #tpu.memory_space<semaphore_mem>>) src(%dma_wait3A_274 : memref<32x128xf32, #tpu.memory_space<vmem_shared>>) dst(%dma_wait3A_272 : memref<32x128xf32, #tpu.memory_space<hbm>>)
      tpu.yield
    }) : () -> ()
    %add3A_217 = arith.constant 320 : i32
    %add3A_218 = arith.addi %mul3A_9, %add3A_217 : i32
    %mul3A_219 = arith.constant 10240 : i32
    %mul3A_220 = arith.muli %arg0, %mul3A_219 : i32
    %add3A_221 = arith.addi %mul3A_220, %add3A_218 : i32
    "tpu.region"() ({
      %run_scoped3A = tpu.sem_alloc : memref<!tpu.dma_semaphore, #tpu.memory_space<semaphore_mem>>
      %dma_start3A_267 = arith.constant 0 : i32
      %dma_start3A_268 = tpu.memref_slice %arg5[%add3A_221, %dma_start3A_267] : memref<20480x128xf32, #tpu.memory_space<hbm>> -> memref<32x128xf32, #tpu.memory_space<hbm>>
      %dma_start3A_269 = arith.constant 0 : i32
      %dma_start3A_270 = tpu.memref_slice %arg6[%add3A_218, %dma_start3A_269] : memref<10240x128xf32, #tpu.memory_space<vmem_shared>> -> memref<32x128xf32, #tpu.memory_space<vmem_shared>>
      tpu.enqueue_dma source(%dma_start3A_270 : memref<32x128xf32, #tpu.memory_space<vmem_shared>>) target(%dma_start3A_268 : memref<32x128xf32, #tpu.memory_space<hbm>>) target_semaphore(%run_scoped3A : memref<!tpu.dma_semaphore, #tpu.memory_space<semaphore_mem>>)
      %dma_wait3A_271 = arith.constant 0 : i32
      %dma_wait3A_272 = tpu.memref_slice %arg5[%add3A_221, %dma_wait3A_271] : memref<20480x128xf32, #tpu.memory_space<hbm>> -> memref<32x128xf32, #tpu.memory_space<hbm>>
      %dma_wait3A_273 = arith.constant 0 : i32
      %dma_wait3A_274 = tpu.memref_slice %arg6[%add3A_218, %dma_wait3A_273] : memref<10240x128xf32, #tpu.memory_space<vmem_shared>> -> memref<32x128xf32, #tpu.memory_space<vmem_shared>>
      tpu.wait_dma2 semaphore(%run_scoped3A : memref<!tpu.dma_semaphore, #tpu.memory_space<semaphore_mem>>) src(%dma_wait3A_274 : memref<32x128xf32, #tpu.memory_space<vmem_shared>>) dst(%dma_wait3A_272 : memref<32x128xf32, #tpu.memory_space<hbm>>)
      tpu.yield
    }) : () -> ()
    %add3A_222 = arith.constant 352 : i32
    %add3A_223 = arith.addi %mul3A_9, %add3A_222 : i32
    %mul3A_224 = arith.constant 10240 : i32
    %mul3A_225 = arith.muli %arg0, %mul3A_224 : i32
    %add3A_226 = arith.addi %mul3A_225, %add3A_223 : i32
    "tpu.region"() ({
      %run_scoped3A = tpu.sem_alloc : memref<!tpu.dma_semaphore, #tpu.memory_space<semaphore_mem>>
      %dma_start3A_267 = arith.constant 0 : i32
      %dma_start3A_268 = tpu.memref_slice %arg5[%add3A_226, %dma_start3A_267] : memref<20480x128xf32, #tpu.memory_space<hbm>> -> memref<32x128xf32, #tpu.memory_space<hbm>>
      %dma_start3A_269 = arith.constant 0 : i32
      %dma_start3A_270 = tpu.memref_slice %arg6[%add3A_223, %dma_start3A_269] : memref<10240x128xf32, #tpu.memory_space<vmem_shared>> -> memref<32x128xf32, #tpu.memory_space<vmem_shared>>
      tpu.enqueue_dma source(%dma_start3A_270 : memref<32x128xf32, #tpu.memory_space<vmem_shared>>) target(%dma_start3A_268 : memref<32x128xf32, #tpu.memory_space<hbm>>) target_semaphore(%run_scoped3A : memref<!tpu.dma_semaphore, #tpu.memory_space<semaphore_mem>>)
      %dma_wait3A_271 = arith.constant 0 : i32
      %dma_wait3A_272 = tpu.memref_slice %arg5[%add3A_226, %dma_wait3A_271] : memref<20480x128xf32, #tpu.memory_space<hbm>> -> memref<32x128xf32, #tpu.memory_space<hbm>>
      %dma_wait3A_273 = arith.constant 0 : i32
      %dma_wait3A_274 = tpu.memref_slice %arg6[%add3A_223, %dma_wait3A_273] : memref<10240x128xf32, #tpu.memory_space<vmem_shared>> -> memref<32x128xf32, #tpu.memory_space<vmem_shared>>
      tpu.wait_dma2 semaphore(%run_scoped3A : memref<!tpu.dma_semaphore, #tpu.memory_space<semaphore_mem>>) src(%dma_wait3A_274 : memref<32x128xf32, #tpu.memory_space<vmem_shared>>) dst(%dma_wait3A_272 : memref<32x128xf32, #tpu.memory_space<hbm>>)
      tpu.yield
    }) : () -> ()
    %add3A_227 = arith.constant 384 : i32
    %add3A_228 = arith.addi %mul3A_9, %add3A_227 : i32
    %mul3A_229 = arith.constant 10240 : i32
    %mul3A_230 = arith.muli %arg0, %mul3A_229 : i32
    %add3A_231 = arith.addi %mul3A_230, %add3A_228 : i32
    "tpu.region"() ({
      %run_scoped3A = tpu.sem_alloc : memref<!tpu.dma_semaphore, #tpu.memory_space<semaphore_mem>>
      %dma_start3A_267 = arith.constant 0 : i32
      %dma_start3A_268 = tpu.memref_slice %arg5[%add3A_231, %dma_start3A_267] : memref<20480x128xf32, #tpu.memory_space<hbm>> -> memref<32x128xf32, #tpu.memory_space<hbm>>
      %dma_start3A_269 = arith.constant 0 : i32
      %dma_start3A_270 = tpu.memref_slice %arg6[%add3A_228, %dma_start3A_269] : memref<10240x128xf32, #tpu.memory_space<vmem_shared>> -> memref<32x128xf32, #tpu.memory_space<vmem_shared>>
      tpu.enqueue_dma source(%dma_start3A_270 : memref<32x128xf32, #tpu.memory_space<vmem_shared>>) target(%dma_start3A_268 : memref<32x128xf32, #tpu.memory_space<hbm>>) target_semaphore(%run_scoped3A : memref<!tpu.dma_semaphore, #tpu.memory_space<semaphore_mem>>)
      %dma_wait3A_271 = arith.constant 0 : i32
      %dma_wait3A_272 = tpu.memref_slice %arg5[%add3A_231, %dma_wait3A_271] : memref<20480x128xf32, #tpu.memory_space<hbm>> -> memref<32x128xf32, #tpu.memory_space<hbm>>
      %dma_wait3A_273 = arith.constant 0 : i32
      %dma_wait3A_274 = tpu.memref_slice %arg6[%add3A_228, %dma_wait3A_273] : memref<10240x128xf32, #tpu.memory_space<vmem_shared>> -> memref<32x128xf32, #tpu.memory_space<vmem_shared>>
      tpu.wait_dma2 semaphore(%run_scoped3A : memref<!tpu.dma_semaphore, #tpu.memory_space<semaphore_mem>>) src(%dma_wait3A_274 : memref<32x128xf32, #tpu.memory_space<vmem_shared>>) dst(%dma_wait3A_272 : memref<32x128xf32, #tpu.memory_space<hbm>>)
      tpu.yield
    }) : () -> ()
    %add3A_232 = arith.constant 416 : i32
    %add3A_233 = arith.addi %mul3A_9, %add3A_232 : i32
    %mul3A_234 = arith.constant 10240 : i32
    %mul3A_235 = arith.muli %arg0, %mul3A_234 : i32
    %add3A_236 = arith.addi %mul3A_235, %add3A_233 : i32
    "tpu.region"() ({
      %run_scoped3A = tpu.sem_alloc : memref<!tpu.dma_semaphore, #tpu.memory_space<semaphore_mem>>
      %dma_start3A_267 = arith.constant 0 : i32
      %dma_start3A_268 = tpu.memref_slice %arg5[%add3A_236, %dma_start3A_267] : memref<20480x128xf32, #tpu.memory_space<hbm>> -> memref<32x128xf32, #tpu.memory_space<hbm>>
      %dma_start3A_269 = arith.constant 0 : i32
      %dma_start3A_270 = tpu.memref_slice %arg6[%add3A_233, %dma_start3A_269] : memref<10240x128xf32, #tpu.memory_space<vmem_shared>> -> memref<32x128xf32, #tpu.memory_space<vmem_shared>>
      tpu.enqueue_dma source(%dma_start3A_270 : memref<32x128xf32, #tpu.memory_space<vmem_shared>>) target(%dma_start3A_268 : memref<32x128xf32, #tpu.memory_space<hbm>>) target_semaphore(%run_scoped3A : memref<!tpu.dma_semaphore, #tpu.memory_space<semaphore_mem>>)
      %dma_wait3A_271 = arith.constant 0 : i32
      %dma_wait3A_272 = tpu.memref_slice %arg5[%add3A_236, %dma_wait3A_271] : memref<20480x128xf32, #tpu.memory_space<hbm>> -> memref<32x128xf32, #tpu.memory_space<hbm>>
      %dma_wait3A_273 = arith.constant 0 : i32
      %dma_wait3A_274 = tpu.memref_slice %arg6[%add3A_233, %dma_wait3A_273] : memref<10240x128xf32, #tpu.memory_space<vmem_shared>> -> memref<32x128xf32, #tpu.memory_space<vmem_shared>>
      tpu.wait_dma2 semaphore(%run_scoped3A : memref<!tpu.dma_semaphore, #tpu.memory_space<semaphore_mem>>) src(%dma_wait3A_274 : memref<32x128xf32, #tpu.memory_space<vmem_shared>>) dst(%dma_wait3A_272 : memref<32x128xf32, #tpu.memory_space<hbm>>)
      tpu.yield
    }) : () -> ()
    %add3A_237 = arith.constant 448 : i32
    %add3A_238 = arith.addi %mul3A_9, %add3A_237 : i32
    %mul3A_239 = arith.constant 10240 : i32
    %mul3A_240 = arith.muli %arg0, %mul3A_239 : i32
    %add3A_241 = arith.addi %mul3A_240, %add3A_238 : i32
    "tpu.region"() ({
      %run_scoped3A = tpu.sem_alloc : memref<!tpu.dma_semaphore, #tpu.memory_space<semaphore_mem>>
      %dma_start3A_267 = arith.constant 0 : i32
      %dma_start3A_268 = tpu.memref_slice %arg5[%add3A_241, %dma_start3A_267] : memref<20480x128xf32, #tpu.memory_space<hbm>> -> memref<32x128xf32, #tpu.memory_space<hbm>>
      %dma_start3A_269 = arith.constant 0 : i32
      %dma_start3A_270 = tpu.memref_slice %arg6[%add3A_238, %dma_start3A_269] : memref<10240x128xf32, #tpu.memory_space<vmem_shared>> -> memref<32x128xf32, #tpu.memory_space<vmem_shared>>
      tpu.enqueue_dma source(%dma_start3A_270 : memref<32x128xf32, #tpu.memory_space<vmem_shared>>) target(%dma_start3A_268 : memref<32x128xf32, #tpu.memory_space<hbm>>) target_semaphore(%run_scoped3A : memref<!tpu.dma_semaphore, #tpu.memory_space<semaphore_mem>>)
      %dma_wait3A_271 = arith.constant 0 : i32
      %dma_wait3A_272 = tpu.memref_slice %arg5[%add3A_241, %dma_wait3A_271] : memref<20480x128xf32, #tpu.memory_space<hbm>> -> memref<32x128xf32, #tpu.memory_space<hbm>>
      %dma_wait3A_273 = arith.constant 0 : i32
      %dma_wait3A_274 = tpu.memref_slice %arg6[%add3A_238, %dma_wait3A_273] : memref<10240x128xf32, #tpu.memory_space<vmem_shared>> -> memref<32x128xf32, #tpu.memory_space<vmem_shared>>
      tpu.wait_dma2 semaphore(%run_scoped3A : memref<!tpu.dma_semaphore, #tpu.memory_space<semaphore_mem>>) src(%dma_wait3A_274 : memref<32x128xf32, #tpu.memory_space<vmem_shared>>) dst(%dma_wait3A_272 : memref<32x128xf32, #tpu.memory_space<hbm>>)
      tpu.yield
    }) : () -> ()
    %add3A_242 = arith.constant 480 : i32
    %add3A_243 = arith.addi %mul3A_9, %add3A_242 : i32
    %mul3A_244 = arith.constant 10240 : i32
    %mul3A_245 = arith.muli %arg0, %mul3A_244 : i32
    %add3A_246 = arith.addi %mul3A_245, %add3A_243 : i32
    "tpu.region"() ({
      %run_scoped3A = tpu.sem_alloc : memref<!tpu.dma_semaphore, #tpu.memory_space<semaphore_mem>>
      %dma_start3A_267 = arith.constant 0 : i32
      %dma_start3A_268 = tpu.memref_slice %arg5[%add3A_246, %dma_start3A_267] : memref<20480x128xf32, #tpu.memory_space<hbm>> -> memref<32x128xf32, #tpu.memory_space<hbm>>
      %dma_start3A_269 = arith.constant 0 : i32
      %dma_start3A_270 = tpu.memref_slice %arg6[%add3A_243, %dma_start3A_269] : memref<10240x128xf32, #tpu.memory_space<vmem_shared>> -> memref<32x128xf32, #tpu.memory_space<vmem_shared>>
      tpu.enqueue_dma source(%dma_start3A_270 : memref<32x128xf32, #tpu.memory_space<vmem_shared>>) target(%dma_start3A_268 : memref<32x128xf32, #tpu.memory_space<hbm>>) target_semaphore(%run_scoped3A : memref<!tpu.dma_semaphore, #tpu.memory_space<semaphore_mem>>)
      %dma_wait3A_271 = arith.constant 0 : i32
      %dma_wait3A_272 = tpu.memref_slice %arg5[%add3A_246, %dma_wait3A_271] : memref<20480x128xf32, #tpu.memory_space<hbm>> -> memref<32x128xf32, #tpu.memory_space<hbm>>
      %dma_wait3A_273 = arith.constant 0 : i32
      %dma_wait3A_274 = tpu.memref_slice %arg6[%add3A_243, %dma_wait3A_273] : memref<10240x128xf32, #tpu.memory_space<vmem_shared>> -> memref<32x128xf32, #tpu.memory_space<vmem_shared>>
      tpu.wait_dma2 semaphore(%run_scoped3A : memref<!tpu.dma_semaphore, #tpu.memory_space<semaphore_mem>>) src(%dma_wait3A_274 : memref<32x128xf32, #tpu.memory_space<vmem_shared>>) dst(%dma_wait3A_272 : memref<32x128xf32, #tpu.memory_space<hbm>>)
      tpu.yield
    }) : () -> ()
    %add3A_247 = arith.constant 512 : i32
    %add3A_248 = arith.addi %mul3A_9, %add3A_247 : i32
    %mul3A_249 = arith.constant 10240 : i32
    %mul3A_250 = arith.muli %arg0, %mul3A_249 : i32
    %add3A_251 = arith.addi %mul3A_250, %add3A_248 : i32
    "tpu.region"() ({
      %run_scoped3A = tpu.sem_alloc : memref<!tpu.dma_semaphore, #tpu.memory_space<semaphore_mem>>
      %dma_start3A_267 = arith.constant 0 : i32
      %dma_start3A_268 = tpu.memref_slice %arg5[%add3A_251, %dma_start3A_267] : memref<20480x128xf32, #tpu.memory_space<hbm>> -> memref<32x128xf32, #tpu.memory_space<hbm>>
      %dma_start3A_269 = arith.constant 0 : i32
      %dma_start3A_270 = tpu.memref_slice %arg6[%add3A_248, %dma_start3A_269] : memref<10240x128xf32, #tpu.memory_space<vmem_shared>> -> memref<32x128xf32, #tpu.memory_space<vmem_shared>>
      tpu.enqueue_dma source(%dma_start3A_270 : memref<32x128xf32, #tpu.memory_space<vmem_shared>>) target(%dma_start3A_268 : memref<32x128xf32, #tpu.memory_space<hbm>>) target_semaphore(%run_scoped3A : memref<!tpu.dma_semaphore, #tpu.memory_space<semaphore_mem>>)
      %dma_wait3A_271 = arith.constant 0 : i32
      %dma_wait3A_272 = tpu.memref_slice %arg5[%add3A_251, %dma_wait3A_271] : memref<20480x128xf32, #tpu.memory_space<hbm>> -> memref<32x128xf32, #tpu.memory_space<hbm>>
      %dma_wait3A_273 = arith.constant 0 : i32
      %dma_wait3A_274 = tpu.memref_slice %arg6[%add3A_248, %dma_wait3A_273] : memref<10240x128xf32, #tpu.memory_space<vmem_shared>> -> memref<32x128xf32, #tpu.memory_space<vmem_shared>>
      tpu.wait_dma2 semaphore(%run_scoped3A : memref<!tpu.dma_semaphore, #tpu.memory_space<semaphore_mem>>) src(%dma_wait3A_274 : memref<32x128xf32, #tpu.memory_space<vmem_shared>>) dst(%dma_wait3A_272 : memref<32x128xf32, #tpu.memory_space<hbm>>)
      tpu.yield
    }) : () -> ()
    %add3A_252 = arith.constant 544 : i32
    %add3A_253 = arith.addi %mul3A_9, %add3A_252 : i32
    %mul3A_254 = arith.constant 10240 : i32
    %mul3A_255 = arith.muli %arg0, %mul3A_254 : i32
    %add3A_256 = arith.addi %mul3A_255, %add3A_253 : i32
    "tpu.region"() ({
      %run_scoped3A = tpu.sem_alloc : memref<!tpu.dma_semaphore, #tpu.memory_space<semaphore_mem>>
      %dma_start3A_267 = arith.constant 0 : i32
      %dma_start3A_268 = tpu.memref_slice %arg5[%add3A_256, %dma_start3A_267] : memref<20480x128xf32, #tpu.memory_space<hbm>> -> memref<32x128xf32, #tpu.memory_space<hbm>>
      %dma_start3A_269 = arith.constant 0 : i32
      %dma_start3A_270 = tpu.memref_slice %arg6[%add3A_253, %dma_start3A_269] : memref<10240x128xf32, #tpu.memory_space<vmem_shared>> -> memref<32x128xf32, #tpu.memory_space<vmem_shared>>
      tpu.enqueue_dma source(%dma_start3A_270 : memref<32x128xf32, #tpu.memory_space<vmem_shared>>) target(%dma_start3A_268 : memref<32x128xf32, #tpu.memory_space<hbm>>) target_semaphore(%run_scoped3A : memref<!tpu.dma_semaphore, #tpu.memory_space<semaphore_mem>>)
      %dma_wait3A_271 = arith.constant 0 : i32
      %dma_wait3A_272 = tpu.memref_slice %arg5[%add3A_256, %dma_wait3A_271] : memref<20480x128xf32, #tpu.memory_space<hbm>> -> memref<32x128xf32, #tpu.memory_space<hbm>>
      %dma_wait3A_273 = arith.constant 0 : i32
      %dma_wait3A_274 = tpu.memref_slice %arg6[%add3A_253, %dma_wait3A_273] : memref<10240x128xf32, #tpu.memory_space<vmem_shared>> -> memref<32x128xf32, #tpu.memory_space<vmem_shared>>
      tpu.wait_dma2 semaphore(%run_scoped3A : memref<!tpu.dma_semaphore, #tpu.memory_space<semaphore_mem>>) src(%dma_wait3A_274 : memref<32x128xf32, #tpu.memory_space<vmem_shared>>) dst(%dma_wait3A_272 : memref<32x128xf32, #tpu.memory_space<hbm>>)
      tpu.yield
    }) : () -> ()
    %add3A_257 = arith.constant 576 : i32
    %add3A_258 = arith.addi %mul3A_9, %add3A_257 : i32
    %mul3A_259 = arith.constant 10240 : i32
    %mul3A_260 = arith.muli %arg0, %mul3A_259 : i32
    %add3A_261 = arith.addi %mul3A_260, %add3A_258 : i32
    "tpu.region"() ({
      %run_scoped3A = tpu.sem_alloc : memref<!tpu.dma_semaphore, #tpu.memory_space<semaphore_mem>>
      %dma_start3A_267 = arith.constant 0 : i32
      %dma_start3A_268 = tpu.memref_slice %arg5[%add3A_261, %dma_start3A_267] : memref<20480x128xf32, #tpu.memory_space<hbm>> -> memref<32x128xf32, #tpu.memory_space<hbm>>
      %dma_start3A_269 = arith.constant 0 : i32
      %dma_start3A_270 = tpu.memref_slice %arg6[%add3A_258, %dma_start3A_269] : memref<10240x128xf32, #tpu.memory_space<vmem_shared>> -> memref<32x128xf32, #tpu.memory_space<vmem_shared>>
      tpu.enqueue_dma source(%dma_start3A_270 : memref<32x128xf32, #tpu.memory_space<vmem_shared>>) target(%dma_start3A_268 : memref<32x128xf32, #tpu.memory_space<hbm>>) target_semaphore(%run_scoped3A : memref<!tpu.dma_semaphore, #tpu.memory_space<semaphore_mem>>)
      %dma_wait3A_271 = arith.constant 0 : i32
      %dma_wait3A_272 = tpu.memref_slice %arg5[%add3A_261, %dma_wait3A_271] : memref<20480x128xf32, #tpu.memory_space<hbm>> -> memref<32x128xf32, #tpu.memory_space<hbm>>
      %dma_wait3A_273 = arith.constant 0 : i32
      %dma_wait3A_274 = tpu.memref_slice %arg6[%add3A_258, %dma_wait3A_273] : memref<10240x128xf32, #tpu.memory_space<vmem_shared>> -> memref<32x128xf32, #tpu.memory_space<vmem_shared>>
      tpu.wait_dma2 semaphore(%run_scoped3A : memref<!tpu.dma_semaphore, #tpu.memory_space<semaphore_mem>>) src(%dma_wait3A_274 : memref<32x128xf32, #tpu.memory_space<vmem_shared>>) dst(%dma_wait3A_272 : memref<32x128xf32, #tpu.memory_space<hbm>>)
      tpu.yield
    }) : () -> ()
    %add3A_262 = arith.constant 608 : i32
    %add3A_263 = arith.addi %mul3A_9, %add3A_262 : i32
    %mul3A_264 = arith.constant 10240 : i32
    %mul3A_265 = arith.muli %arg0, %mul3A_264 : i32
    %add3A_266 = arith.addi %mul3A_265, %add3A_263 : i32
    "tpu.region"() ({
      %run_scoped3A = tpu.sem_alloc : memref<!tpu.dma_semaphore, #tpu.memory_space<semaphore_mem>>
      %dma_start3A_267 = arith.constant 0 : i32
      %dma_start3A_268 = tpu.memref_slice %arg5[%add3A_266, %dma_start3A_267] : memref<20480x128xf32, #tpu.memory_space<hbm>> -> memref<32x128xf32, #tpu.memory_space<hbm>>
      %dma_start3A_269 = arith.constant 0 : i32
      %dma_start3A_270 = tpu.memref_slice %arg6[%add3A_263, %dma_start3A_269] : memref<10240x128xf32, #tpu.memory_space<vmem_shared>> -> memref<32x128xf32, #tpu.memory_space<vmem_shared>>
      tpu.enqueue_dma source(%dma_start3A_270 : memref<32x128xf32, #tpu.memory_space<vmem_shared>>) target(%dma_start3A_268 : memref<32x128xf32, #tpu.memory_space<hbm>>) target_semaphore(%run_scoped3A : memref<!tpu.dma_semaphore, #tpu.memory_space<semaphore_mem>>)
      %dma_wait3A_271 = arith.constant 0 : i32
      %dma_wait3A_272 = tpu.memref_slice %arg5[%add3A_266, %dma_wait3A_271] : memref<20480x128xf32, #tpu.memory_space<hbm>> -> memref<32x128xf32, #tpu.memory_space<hbm>>
      %dma_wait3A_273 = arith.constant 0 : i32
      %dma_wait3A_274 = tpu.memref_slice %arg6[%add3A_263, %dma_wait3A_273] : memref<10240x128xf32, #tpu.memory_space<vmem_shared>> -> memref<32x128xf32, #tpu.memory_space<vmem_shared>>
      tpu.wait_dma2 semaphore(%run_scoped3A : memref<!tpu.dma_semaphore, #tpu.memory_space<semaphore_mem>>) src(%dma_wait3A_274 : memref<32x128xf32, #tpu.memory_space<vmem_shared>>) dst(%dma_wait3A_272 : memref<32x128xf32, #tpu.memory_space<hbm>>)
      tpu.yield
    }) : () -> ()
    return
  }
}

module attributes {stable_mosaic.version = 14 : i64} {
  func.func @body(%arg0: memref<10000x128xf32, #tpu.memory_space<vmem>>, %arg1: memref<128x128xf32, #tpu.memory_space<vmem>>, %arg2: memref<10000x128xf32, #tpu.memory_space<vmem>>) attributes {dimension_semantics = [], scalar_prefetch = 0 : i64, scratch_operands = 0 : i64, tpu.core_type = #tpu.core_type<tc>} {
    %get3A = arith.constant 0 : index
    %get3A_0 = arith.constant 0 : index
    %get3A_1 = vector.load %arg0[%get3A, %get3A_0] : memref<10000x128xf32, #tpu.memory_space<vmem>>, vector<10000x128xf32>
    %get3A_2 = arith.constant 0 : index
    %get3A_3 = arith.constant 0 : index
    %get3A_4 = vector.load %arg1[%get3A_2, %get3A_3] : memref<128x128xf32, #tpu.memory_space<vmem>>, vector<128x128xf32>
    %dot_general3A = arith.constant dense<0.000000e+00> : vector<10000x128xf32>
    %dot_general3A_5 = tpu.matmul %get3A_1, %get3A_4, %dot_general3A {dimension_numbers = #tpu.dot_dimension_numbers<[1], [0], [0], [1], [0, 0, 1, 1], [], []>, transpose_lhs_hint = false} : vector<10000x128xf32>, vector<128x128xf32>, vector<10000x128xf32> -> vector<10000x128xf32>
    %swap3A = arith.constant 0 : index
    %swap3A_6 = arith.constant 0 : index
    %swap3A_7 = vector.load %arg2[%swap3A, %swap3A_6] : memref<10000x128xf32, #tpu.memory_space<vmem>>, vector<10000x128xf32>
    tpu.vector_store %arg2[%swap3A, %swap3A_6], %dot_general3A_5 {strides = array<i32>} : memref<10000x128xf32, #tpu.memory_space<vmem>>, vector<10000x128xf32>,
    return
  }
}

module attributes {stable_mosaic.version = 14 : i64} {
  func.func @body(%arg0: memref<10000x128xf32, #tpu.memory_space<vmem>>, %arg1: memref<32x10240xf32, #tpu.memory_space<vmem>>, %arg2: memref<10000x128xf32, #tpu.memory_space<vmem>>, %arg3: memref<10000x1xf32, #tpu.memory_space<vmem>>) attributes {dimension_semantics = [], scalar_prefetch = 0 : i64, scratch_operands = 0 : i64, tpu.core_type = #tpu.core_type<tc>} {
    %broadcast_in_dim3A = arith.constant 1.000000e+00 : f32
    %broadcast_in_dim3A_0 = vector.broadcast %broadcast_in_dim3A : f32 to vector<32x1xf32>
    %get3A = arith.constant 0 : index
    %get3A_1 = arith.constant 0 : index
    %get3A_2 = vector.load %arg1[%get3A, %get3A_1] : memref<32x10240xf32, #tpu.memory_space<vmem>>, vector<32x10240xf32>
    %dot_general3A = arith.constant dense<0.000000e+00> : vector<10240x1xf32>
    %dot_general3A_3 = tpu.matmul %get3A_2, %broadcast_in_dim3A_0, %dot_general3A {dimension_numbers = #tpu.dot_dimension_numbers<[0], [0], [1], [1], [0, 1, 1, 1], [], []>, transpose_lhs_hint = false} : vector<32x10240xf32>, vector<32x1xf32>, vector<10240x1xf32> -> vector<10240x1xf32>
    %add3A = arith.constant 1.000000e+00 : f32
    %add3A_4 = vector.broadcast %add3A : f32 to vector<10240x1xf32>
    %add3A_5 = arith.addf %dot_general3A_3, %add3A_4 : vector<10240x1xf32>
    %slice3A = vector.extract_strided_slice %add3A_5 {offsets = [0, 0], sizes = [10000, 1], strides = [1, 1]} : vector<10240x1xf32> to vector<10000x1xf32>
    %rsqrt3A = math.rsqrt %slice3A : vector<10000x1xf32>
    %swap3A = arith.constant 0 : index
    %swap3A_6 = arith.constant 0 : index
    %swap3A_7 = vector.load %arg3[%swap3A, %swap3A_6] : memref<10000x1xf32, #tpu.memory_space<vmem>>, vector<10000x1xf32>
    tpu.vector_store %arg3[%swap3A, %swap3A_6], %rsqrt3A {strides = array<i32>} : memref<10000x1xf32, #tpu.memory_space<vmem>>, vector<10000x1xf32>,
    %get3A_8 = arith.constant 0 : index
    %get3A_9 = arith.constant 0 : index
    %get3A_10 = vector.load %arg0[%get3A_8, %get3A_9] : memref<10000x128xf32, #tpu.memory_space<vmem>>, vector<10000x128xf32>
    %mul3A = vector.broadcast %rsqrt3A : vector<10000x1xf32> to vector<10000x128xf32>
    %mul3A_11 = arith.mulf %get3A_10, %mul3A : vector<10000x128xf32>
    %swap3A_12 = arith.constant 0 : index
    %swap3A_13 = arith.constant 0 : index
    %swap3A_14 = vector.load %arg2[%swap3A_12, %swap3A_13] : memref<10000x128xf32, #tpu.memory_space<vmem>>, vector<10000x128xf32>
    tpu.vector_store %arg2[%swap3A_12, %swap3A_13], %mul3A_11 {strides = array<i32>} : memref<10000x128xf32, #tpu.memory_space<vmem>>, vector<10000x128xf32>,
    return
  }
}

module attributes {stable_mosaic.version = 14 : i64} {
  func.func @body(%arg0: memref<2x10240x128xf32, #tpu.memory_space<vmem>>, %arg1: memref<10000x128xf32, #tpu.memory_space<vmem>>, %arg2: memref<10000x1xf32, #tpu.memory_space<vmem>>, %arg3: memref<128xf32, #tpu.memory_space<vmem>>, %arg4: memref<128xf32, #tpu.memory_space<vmem>>, %arg5: memref<10000x128xf32, #tpu.memory_space<vmem>>) attributes {dimension_semantics = [], scalar_prefetch = 0 : i64, scratch_operands = 0 : i64, tpu.core_type = #tpu.core_type<tc>} {
    %get3A = arith.constant 0 : index
    %get3A_0 = arith.constant 0 : index
    %get3A_1 = arith.constant 0 : index
    %get3A_2 = vector.load %arg0[%get3A, %get3A_0, %get3A_1] : memref<2x10240x128xf32, #tpu.memory_space<vmem>>, vector<1x10000x128xf32>
    %get3A_3 = vector.shape_cast %get3A_2 : vector<1x10000x128xf32> to vector<10000x128xf32>
    %get3A_4 = arith.constant 1 : index
    %get3A_5 = arith.constant 0 : index
    %get3A_6 = arith.constant 0 : index
    %get3A_7 = vector.load %arg0[%get3A_4, %get3A_5, %get3A_6] : memref<2x10240x128xf32, #tpu.memory_space<vmem>>, vector<1x10000x128xf32>
    %get3A_8 = vector.shape_cast %get3A_7 : vector<1x10000x128xf32> to vector<10000x128xf32>
    %add3A = arith.addf %get3A_3, %get3A_8 : vector<10000x128xf32>
    %get3A_9 = arith.constant 0 : index
    %get3A_10 = arith.constant 0 : index
    %get3A_11 = vector.load %arg1[%get3A_9, %get3A_10] : memref<10000x128xf32, #tpu.memory_space<vmem>>, vector<10000x128xf32>
    %add3A_12 = arith.addf %add3A, %get3A_11 : vector<10000x128xf32>
    %get3A_13 = arith.constant 0 : index
    %get3A_14 = arith.constant 0 : index
    %get3A_15 = vector.load %arg2[%get3A_13, %get3A_14] : memref<10000x1xf32, #tpu.memory_space<vmem>>, vector<10000x1xf32>
    %mul3A = vector.broadcast %get3A_15 : vector<10000x1xf32> to vector<10000x128xf32>
    %mul3A_16 = arith.mulf %add3A_12, %mul3A : vector<10000x128xf32>
    %get3A_17 = arith.constant 0 : index
    %get3A_18 = vector.load %arg3[%get3A_17] : memref<128xf32, #tpu.memory_space<vmem>>, vector<128xf32>
    %broadcast_in_dim3A = vector.shape_cast %get3A_18 : vector<128xf32> to vector<1x128xf32>
    %add3A_19 = vector.broadcast %broadcast_in_dim3A : vector<1x128xf32> to vector<10000x128xf32>
    %add3A_20 = arith.addf %mul3A_16, %add3A_19 : vector<10000x128xf32>
    %ge3A = arith.constant 0.000000e+00 : f32
    %ge3A_21 = vector.broadcast %ge3A : f32 to vector<10000x128xf32>
    %ge3A_22 = arith.cmpf oge, %add3A_20, %ge3A_21 : vector<10000x128xf32>
    %get3A_23 = arith.constant 0 : index
    %get3A_24 = vector.load %arg4[%get3A_23] : memref<128xf32, #tpu.memory_space<vmem>>, vector<128xf32>
    %broadcast_in_dim3A_25 = vector.shape_cast %get3A_24 : vector<128xf32> to vector<1x128xf32>
    %mul3A_26 = vector.broadcast %broadcast_in_dim3A_25 : vector<1x128xf32> to vector<10000x128xf32>
    %mul3A_27 = arith.mulf %mul3A_26, %add3A_20 : vector<10000x128xf32>
    %select_n3A = arith.select %ge3A_22, %add3A_20, %mul3A_27 : vector<10000x128xi1>, vector<10000x128xf32>
    %swap3A = arith.constant 0 : index
    %swap3A_28 = arith.constant 0 : index
    %swap3A_29 = vector.load %arg5[%swap3A, %swap3A_28] : memref<10000x128xf32, #tpu.memory_space<vmem>>, vector<10000x128xf32>
    tpu.vector_store %arg5[%swap3A, %swap3A_28], %select_n3A {strides = array<i32>} : memref<10000x128xf32, #tpu.memory_space<vmem>>, vector<10000x128xf32>,
    return
  }
}

</mosaic_0001>

<sc_bundles>
// kernel: kernel.10.cloned.1.call-start
scs
__scs_entry_jumppad:
0x0: {  	(pc) =	sbr.rel $0x88, $3  }
0x1: {  	(tag) =	ssettag $0x0;
	lr =	simm.s32 $0x1  }
0x2: {  	[smem:$0x3F9C] =	sst lr;
	_ =	strace $0xD0000000  }
0x3: {  	_ = 	snop  }
0x4: {  	_ = 	snop  }
0x5: {  	_ = 	snop  }
0x6: {  	_ = 	snop  }
0x7: {  	_ = 	snop  }
__scs_overlays_trampoline_lowered:
0x8: {  	[smem:$0x3FAB] =	sst s0  }
0x9: {  	[smem:$0x3FAC] =	sst s1  }
0xa: {  	[smem:$0x3FAD] =	sst s2  }
0xb: {  	[smem:$0x3FAE] =	sst s3  }
0xc: {  	[smem:$0x3FAF] =	sst s4  }
0xd: {  	[smem:$0x3FB0] =	sst s5  }
0xe: {  	[smem:$0x3FB1] =	sst s6  }
0xf: {  	[smem:$0x3FB2] =	sst s7  }
0x10: {  	[smem:$0x3FB3] =	sst s8  }
0x11: {  	[smem:$0x3FB4] =	sst s9;
	s0 =	simm.s32 @!p0 $0x0  }
0x12: {  	s1 =	sld [smem:$0x3F9A];
	s0 =	simm.s32 @p0 $0x1  }
0x13: {  	[smem:$0x3FB5] =	sst s0;
	s0 =	simm.s32 @!p1 $0x0  }
0x14: {  	s2 =	sld [smem:$0x3F99];
	s0 =	simm.s32 @p1 $0x1  }
0x15: {  	[smem:$0x3FB6] =	sst s0;
	s0 =	simm.s32 @!p2 $0x0  }
0x16: {  	s3 =	sld [smem:$0x3FDB];
	s0 =	simm.s32 @p2 $0x1  }
0x17: {  	s4 =	simm.s32 $0x1BF5;
	[smem:$0x3FB8] =	sst s0  }
0x18: {  	s0 =	sld [smem:$0x3F9B];
	_ =	swait.ge [sflag:s4], $0x0  }
0x19: {  	s7 =	sld [smem:$0x3F9C]  }
0x1a: {  	s8 =	sadd.s32 $0xFFFFE003, lr  }
0x1b: {  	s9 =	sadd.s32 $0xFFFFFEF7, lr;
	s5 =	simm.s32 $0xFFFFFFFF;
	p2 =	slt.u32 s8, $0xFFFFF086  }
0x1c: {  	p1 =	slt.u32 s9, $0xF7A;
	s5 =	simm.s32 @!p2 $0x0  }
0x1d: {  	s5 =	simm.s32 @p1 $0x1;
	p0 =	seq.s32 s7, s2  }
0x1e: {  	s7 =	smul.u32 @!p0 $0xF7A, s2;
	p2 =	seq.s32 @!p0 s5, $0x0  }
0x1f: {  	s9 =	smul.u32 $0xF7A, s1;
	s8 =	simm.s32 @!p0 $0x1BF5;
	p2 =	por !p2, p0  }
0x20: {  	[sflag:s8] =	ssyncset.s32 @!p0 $0xFFFFF086;
	s6 =	sadd.s32 @!p0 s3, s7;
	s7 =	simm.s32 @!p0 $0x108  }
0x21: {  	s3 =	sadd.s32 s3, s9;
	s6 =	sadd.s32 @!p0 $0x88, s6;
	s7 =	simm.s32 @p2 $0x1082  }
0x22: {  	[simem:s7], [sflag:s8] =	dma.local @!p0 [hbm:s6], $0xF7A  }
0x23: {  	s9 =	sor.u32 $0xD0000000, s2;
	s6 =	simm.s32 $0x108;
	_ =	swait.ge @!p0 [sflag:s8], $0x0  }
0x24: {  	s3 =	sadd.s32 $0x88, s3;
	s6 =	simm.s32 @!p1 $0x1082;
	[sflag:s4] =	ssyncset.s32 $0xFFFFF086  }
0x25: {  	[simem:s6], [sflag:s4] =	dma.local [hbm:s3], $0xF7A  }
0x26: {  	[smem:$0x3F9C] =	sst s1;
	(tag) =	ssettag s2;
	_ =	strace s9  }
0x27: {  	s1 =	sld [smem:$0x3FAC]  }
0x28: {  	s2 =	sld [smem:$0x3FAD]  }
0x29: {  	s4 =	sld [smem:$0x3FAF]  }
0x2a: {  	p0 =	seq.s32 s5, $0x0;
	s5 =	sld [smem:$0x3FB0]  }
0x2b: {  	s6 =	sld [smem:$0x3FB1]  }
0x2c: {  	s7 =	sld [smem:$0x3FB2]  }
0x2d: {  	s3 =	simm.s32 $0x108;
	s8 =	sld [smem:$0x3FB3]  }
0x2e: {  	s3 =	simm.s32 @!p0 $0x1082;
	s9 =	sld [smem:$0x3FB4]  }
0x2f: {  	lr =	sadd.s32 s0, s3;
	s0 =	sld [smem:$0x3FAB]  }
0x30: {  	s3 =	sld [smem:$0x3FAE]  }
0x31: {  	[smem:$0x3FB7] =	sst s10  }
0x32: {  	s10 =	sld [smem:$0x3FB5];
	_ =	sdelay $0x3  }
0x33: {  	p0 =	seq.s32 s10, $0x1;
	s10 =	sld [smem:$0x3FB7];
	_ =	sdelay $0x3  }
0x34: {  	[smem:$0x3FB7] =	sst s10  }
0x35: {  	s10 =	sld [smem:$0x3FB6];
	_ =	sdelay $0x3  }
0x36: {  	p1 =	seq.s32 s10, $0x1;
	s10 =	sld [smem:$0x3FB7];
	_ =	sdelay $0x3  }
0x37: {  	[smem:$0x3FB7] =	sst s10  }
0x38: {  	s10 =	sld [smem:$0x3FB8]  }
0x39: {  	_ = 	snop;
	(pc) =	sbr.ind lr, $3  }
0x3a: {  	_ = 	snop  }
0x3b: {  	_ = 	snop  }
0x3c: {  	p2 =	seq.s32 s10, $0x1;
	s10 =	sld [smem:$0x3FB7]  }
0x3d: {  	_ =	shalt  }
0x3e: {  	_ =	shalt  }
0x3f: {  	_ =	shalt  }
0x40: {  	_ =	shalt  }
0x41: {  	_ =	shalt  }
0x42: {  	_ =	shalt  }
0x43: {  	_ =	shalt  }
0x44: {  	_ =	shalt  }
0x45: {  	_ =	shalt  }
0x46: {  	_ =	shalt  }
0x47: {  	_ =	shalt  }
0x48: {  	_ =	shalt  }
0x49: {  	_ =	shalt  }
0x4a: {  	_ =	shalt  }
0x4b: {  	_ =	shalt  }
0x4c: {  	_ =	shalt  }
0x4d: {  	_ =	shalt  }
0x4e: {  	_ =	shalt  }
0x4f: {  	_ =	shalt  }
0x50: {  	_ =	shalt  }
0x51: {  	_ =	shalt  }
0x52: {  	_ =	shalt  }
0x53: {  	_ =	shalt  }
0x54: {  	_ =	shalt  }
0x55: {  	_ =	shalt  }
0x56: {  	_ =	shalt  }
0x57: {  	_ =	shalt  }
0x58: {  	_ =	shalt  }
0x59: {  	_ =	shalt  }
0x5a: {  	_ =	shalt  }
0x5b: {  	_ =	shalt  }
0x5c: {  	_ =	shalt  }
0x5d: {  	_ =	shalt  }
0x5e: {  	_ =	shalt  }
0x5f: {  	_ =	shalt  }
0x60: {  	_ =	shalt  }
0x61: {  	_ =	shalt  }
0x62: {  	_ =	shalt  }
0x63: {  	_ =	shalt  }
0x64: {  	_ =	shalt  }
0x65: {  	_ =	shalt  }
0x66: {  	_ =	shalt  }
0x67: {  	_ =	shalt  }
0x68: {  	_ =	shalt  }
0x69: {  	_ =	shalt  }
0x6a: {  	_ =	shalt  }
0x6b: {  	_ =	shalt  }
0x6c: {  	_ =	shalt  }
0x6d: {  	_ =	shalt  }
0x6e: {  	_ =	shalt  }
0x6f: {  	_ =	shalt  }
0x70: {  	_ =	shalt  }
0x71: {  	_ =	shalt  }
0x72: {  	_ =	shalt  }
0x73: {  	_ =	shalt  }
0x74: {  	_ =	shalt  }
0x75: {  	_ =	shalt  }
0x76: {  	_ =	shalt  }
0x77: {  	_ =	shalt  }
0x78: {  	_ =	shalt  }
0x79: {  	_ =	shalt  }
0x7a: {  	_ =	shalt  }
0x7b: {  	_ =	shalt  }
0x7c: {  	_ =	shalt  }
0x7d: {  	_ =	shalt  }
0x7e: {  	_ =	shalt  }
0x7f: {  	_ =	shalt  }
0x80: {  	_ =	shalt  }
0x81: {  	_ =	shalt  }
0x82: {  	_ =	shalt  }
0x83: {  	_ =	shalt  }
0x84: {  	_ =	shalt  }
0x85: {  	_ =	shalt  }
0x86: {  	_ =	shalt  }
0x87: {  	_ =	shalt  }
.Lfunc_end0:
.L_simem_size_0:
called_computation.1_lowered:
.L_overlay_start_0:
0x88: {  	s2 =	sld [smem:$0x3FD9]  }
0x89: {  	s3 =	sld [smem:$0x3FFE];
	_ =	sdelay $0x1  }
0x8a: {  	s1 =	srdreg.scid  }
0x8b: {  	s0 =	sand.u32 $0x1, s1  }
0x8c: {  	s17 =	sshll.u32 s0, $0xA;
	s2 =	sadd.s32 s3, s2  }
0x8d: {  	s2 =	sadd.s32 s2, s17  }
0x8e: {  	[smem:$0x3FC3] =	sst s2  }
0x8f: {  	_ = 	snop  }
0x90: {  	s2 =	sld [smem:$0x3FC8]  }
0x91: {  	s18 =	sld [smem:$0x3FD0];
	(tm) =	ssettm $0x1  }
0x92: {  	s4 =	sld [smem:$0x3FFB];
	_ =	sdelay $0x3  }
0x93: {  	_ =	strace s4  }
0x94: {  	s4 =	sld [smem:$0x3FFC];
	_ =	sdelay $0x3  }
0x95: {  	_ =	strace s4  }
0x96: {  	s4 =	sld [smem:$0x3FFD];
	_ =	sdelay $0x3  }
0x97: {  	_ =	strace s4  }
0x98: {  	_ =	strace $0x8FFFFFFF  }
0x99: {  	s19 =	sld [smem:$0x3FDB];
	_ =	sdelay $0x1  }
0x9a: {  	s5 =	simm.s32 $_scs_section_size  }
0x9b: {  	s6 =	simm.s32 $_size__tile_overlayer_lowered;
	s7 =	simm.s32 $_tile_overlayer_lowered  }
0x9c: {  	s22 =	simm.s32 $0x1BFF;
	s21 =	sshll.u32 s7, $0x1;
	s4 =	sadd.s32 s5, s19  }
0x9d: {  	s8 =	simm.s32 $0x0;
	s20 =	sshll.u32 s6, $0x1;
	s6 =	sadd.s32 s21, s4  }
0x9e: {  	[timem:s8], [sflag:s22] =	dma.local [hbm:s6], s20  }
0x9f: {  	_ =	swait.ge [sflag:s22], s20  }
0xa0: {  	s5 =	ssub.s32 $0x0, s20;
	[sflag:s22] =	ssyncset.done $0x0  }
0xa1: {  	[sflag:s22] =	ssyncadd.s32 s5;
	_ =	sdelay $0x1  }
0xa2: {  	s23 =	simm.s32 $0x1B8B  }
0xa3: {  	_ =	swait.ge [sflag:s23], $0x1  }
0xa4: {  	[sflag:s23] =	ssyncset.done $0x0  }
0xa5: {  	s25 =	simm.s32 $0x1B8E;
	s24 =	sld [smem:$0x3FFE];
	[sflag:s23] =	ssyncadd.s32 $0xFFFFFFFF  }
0xa6: {  	s26 =	simm.s32 $execute0_lowered;
	[smem:$0x3FD2] =	sst s25  }
0xa7: {  	s6 =	sshll.u32 s26, $0x1;
	_ =	strace $0x80000049;
	[dreg:$0x1] =	wrdreg $0xFFFFFFFF  }
0xa8: {  	s28 =	simm.s32 $_size_execute0_lowered;
	s4 =	sadd.s32 s4, s6;
	[dreg:$0x0] =	wrdreg $0x0  }
0xa9: {  	s6 =	sshll.u32 s28, $0x1;
	[dreg:$0x2] =	wrdreg s4  }
0xaa: {  	[dreg:$0x3] =	wrdreg s6  }
0xab: {  	[dreg:$0x4] =	wrdreg $0xC0  }
0xac: {  	_ =	task [dreg:s8], $0x5FFFF  }
0xad: {  	[dreg:$0x1] =	wrdreg $0xFFFFFFFF  }
0xae: {  	[dreg:$0x0] =	wrdreg $0x60  }
0xaf: {  	[dreg:$0x2] =	wrdreg s18  }
0xb0: {  	[dreg:$0x3] =	wrdreg s2  }
0xb1: {  	[dreg:$0x4] =	wrdreg s24  }
0xb2: {  	[dreg:$0x5] =	wrdreg $0x0  }
0xb3: {  	[dreg:$0x6] =	wrdreg $0x9  }
0xb4: {  	_ =	task.clear_ibuf [dreg:s8], $0x7FFFF;
	_ =	strace $0x90000049  }
0xb5: {  	s29 =	simm.s32 $0x9;
	_ =	strace $0x8000004B  }
0xb6: {  	_ =	swait.ge [sflag:s29], $0x1  }
0xb7: {  	[sflag:s29] =	ssyncadd.s32 $0xFFFFFFFF  }
0xb8: {  	_ =	strace $0x9000004B  }
0xb9: {  	_ =	sfence  }
0xba: {  	s30 =	sld [smem:$0x0];
	_ =	sdelay $0x2  }
0xbb: {  	s31 =	sshll.u32 s1, $0xD;
	s1 =	sshrl.u32 s1, $0x2  }
0xbc: {  	s3 =	sand.u32 $0x4000, s31;
	s1 =	sadd.s32 s1, s30  }
0xbd: {  	s0 =	sor.u32 s3, s0;
	s1 =	sshll.u32 s1, $0x11  }
0xbe: {  	s0 =	sor.u32 s1, s0  }
0xbf: {  	s0 =	sadd.s32 $0x8F2B, s0  }
0xc0: {  	[sflag:s0] =	ssyncadd.remote.s32 $0x1  }
0xc1: {  	_ =	sfence.sel $0xFFFF  }
0xc2: {  	[dreg:$0x0] =	wrdreg $0xFFFFFFFF;
	(pc) =	sbr.abs _section_cstart, $3  }
0xc3: {  	[dreg:$0x1] =	wrdreg $0xFFFFFFFF  }
0xc4: {  	_ =	task.clear_ibuf [dreg:s8], $0x2FFFF;
	_ =	strace $0x9FFFFFFF  }
0xc5: {  	(tm) =	ssettm $0x7FFFFFFF  }
tec
execute0_lowered:
.L_overlay_start_1:
0x0: {  	(tag) =	ssettag $0x1  }
0x1: {  	s0 =	srdreg.scid  }
0x2: {  	s12 =	rddreg [dreg:$0x2];
	s31 =	stileid.u32  }
0x3: {  	s1 =	simm.s32 $0x0;
	s23 =	sand.u32 $0x1, s0;
	s25 =	smul.u32 $0x280, s31  }
0x4: {  	[smem:$0x7FF] =	sst s1;
	s30 =	smul.u32 $0x5000, s31;
	s0 =	ssub.s32 $0x2, s23  }
0x5: {  	s24 =	sadd.s32 $0x2400, s12;
	s21 =	smul.u32 $0x2800, s23;
	s2 =	sshrl.u32 s0, $0x1  }
0x6: {  	s22 =	sor.u32 $0x20, s25;
	s19 =	sor.u32 $0x40, s25;
	s20 =	sor.u32 $0x60, s25  }
0x7: {  	s18 =	sadd.s32 $0x80, s25;
	s16 =	sadd.s32 $0xA0, s25;
	s17 =	sadd.s32 $0xC0, s25  }
0x8: {  	s15 =	sadd.s32 $0xE0, s25;
	s13 =	sadd.s32 $0x100, s25;
	s14 =	sadd.s32 $0x120, s25  }
0x9: {  	s10 =	sadd.s32 $0x140, s25;
	s9 =	sadd.s32 $0x160, s25;
	s11 =	sadd.s32 $0x180, s25  }
0xa: {  	s8 =	sadd.s32 $0x1A0, s25;
	s6 =	sadd.s32 $0x1C0, s25;
	s7 =	sadd.s32 $0x1E0, s25  }
0xb: {  	s3 =	sadd.s32 $0x200, s25;
	s4 =	sadd.s32 $0x220, s25;
	s0 =	ssub.s32 s0, s2  }
0xc: {  	s5 =	sadd.s32 s25, s21;
	s2 =	sadd.s32 $0x260, s25;
	s1 =	sadd.s32 s21, s19  }
0xd: {  	s28 =	sadd.s32 s21, s20;
	[smem:$0x7F1] =	sst s0;
	s26 =	sshll.u32 s5, $0x4  }
0xe: {  	s5 =	sadd.s32 $0x240, s25;
	s0 =	sadd.s32 s21, s22;
	s26 =	sadd.s32 s24, s26  }
0xf: {  	s25 =	sshll.u32 s0, $0x4;
	s0 =	sshll.u32 s1, $0x4;
	s1 =	sshll.u32 s28, $0x4  }
0x10: {  	s28 =	sadd.s32 s21, s17;
	[dreg:$0xd] =	wrdreg s26;
	s25 =	sadd.s32 s24, s25  }
0x11: {  	s26 =	sadd.s32 s24, s1;
	s1 =	sadd.s32 s21, s16;
	[dreg:$0xe] =	wrdreg s25  }
0x12: {  	s25 =	sadd.s32 s24, s0;
	[dreg:$0x10] =	wrdreg s26;
	s0 =	sadd.s32 s21, s18  }
0x13: {  	[dreg:$0xf] =	wrdreg s25;
	s25 =	sshll.u32 s0, $0x4;
	s0 =	sshll.u32 s1, $0x4  }
0x14: {  	s1 =	sshll.u32 s28, $0x4;
	s28 =	sadd.s32 s21, s14;
	s25 =	sadd.s32 s24, s25  }
0x15: {  	s26 =	sadd.s32 s24, s1;
	s1 =	sadd.s32 s21, s13;
	[dreg:$0x11] =	wrdreg s25  }
0x16: {  	s25 =	sadd.s32 s24, s0;
	[dreg:$0x13] =	wrdreg s26;
	s0 =	sadd.s32 s21, s15  }
0x17: {  	[dreg:$0x12] =	wrdreg s25;
	s25 =	sshll.u32 s0, $0x4;
	s0 =	sshll.u32 s1, $0x4  }
0x18: {  	s1 =	sshll.u32 s28, $0x4;
	s28 =	sadd.s32 s21, s11;
	s25 =	sadd.s32 s24, s25  }
0x19: {  	s26 =	sadd.s32 s24, s1;
	s1 =	sadd.s32 s21, s9;
	[dreg:$0x14] =	wrdreg s25  }
0x1a: {  	s25 =	sadd.s32 s24, s0;
	[dreg:$0x16] =	wrdreg s26;
	s0 =	sadd.s32 s21, s10  }
0x1b: {  	[dreg:$0x15] =	wrdreg s25;
	s25 =	sshll.u32 s0, $0x4;
	s0 =	sshll.u32 s1, $0x4  }
0x1c: {  	s1 =	sshll.u32 s28, $0x4;
	s28 =	sadd.s32 s21, s7;
	s25 =	sadd.s32 s24, s25  }
0x1d: {  	s26 =	sadd.s32 s24, s1;
	s1 =	sadd.s32 s21, s6;
	[dreg:$0x17] =	wrdreg s25  }
0x1e: {  	s25 =	sadd.s32 s24, s0;
	[dreg:$0x19] =	wrdreg s26;
	s0 =	sadd.s32 s21, s8  }
0x1f: {  	[dreg:$0x18] =	wrdreg s25;
	s25 =	sshll.u32 s0, $0x4;
	s0 =	sshll.u32 s1, $0x4  }
0x20: {  	s1 =	sshll.u32 s28, $0x4;
	s28 =	sadd.s32 s21, s5;
	s25 =	sadd.s32 s24, s25  }
0x21: {  	s26 =	sadd.s32 s24, s1;
	s1 =	sadd.s32 s21, s4;
	[dreg:$0x1a] =	wrdreg s25  }
0x22: {  	s25 =	sadd.s32 s24, s0;
	[dreg:$0x1c] =	wrdreg s26;
	s0 =	sadd.s32 s21, s3  }
0x23: {  	[dreg:$0x1b] =	wrdreg s25;
	s25 =	sshll.u32 s0, $0x4;
	s0 =	sshll.u32 s1, $0x4  }
0x24: {  	s1 =	sshll.u32 s28, $0x4;
	s28 =	rddreg [dreg:$0x1];
	s25 =	sadd.s32 s24, s25  }
0x25: {  	s29 =	sshll.u32 s23, $0x4;
	s26 =	sadd.s32 s24, s1;
	[dreg:$0x1d] =	wrdreg s25  }
0x26: {  	s21 =	sadd.s32 s21, s2;
	s1 =	smul.u32 $0x50000, s23;
	[dreg:$0x1f] =	wrdreg s26  }
0x27: {  	s25 =	sadd.s32 s24, s0;
	s0 =	sshll.u32 s21, $0x4;
	s21 =	rddreg [dreg:$0x0]  }
0x28: {  	s29 =	sor.u32 s31, s29;
	[dreg:$0x1e] =	wrdreg s25;
	s24 =	sadd.s32 s24, s0  }
0x29: {  	s25 =	sadd.s32 s30, s1;
	s0 =	smul.u32 $0xA00, s29;
	[smem:$0x7E1] =	sst s24  }
0x2a: {  	s29 =	smul.u32 $0xA000, s23;
	s30 =	simm.s32 $0x15080;
	s24 =	rddreg [dreg:$0x3]  }
0x2b: {  	s1 =	simm.s32 $0x15180;
	_ =	strace $0x8000004A;
	[dreg:$0x5] =	wrdreg s30  }
0x2c: {  	s0 =	sadd.s32 s28, s0;
	[dreg:$0x6] =	wrdreg s1;
	s1 =	simm.s32 $0x15280  }
0x2d: {  	s28 =	sadd.s32 s29, s28;
	s29 =	simm.s32 $0x15480;
	[dreg:$0x7] =	wrdreg s1  }
0x2e: {  	s10 =	sshll.u32 s10, $0x7;
	s30 =	simm.s32 $0x15580;
	[dreg:$0x9] =	wrdreg s29  }
0x2f: {  	s9 =	sshll.u32 s9, $0x7;
	s10 =	sadd.s32 s10, s24;
	[dreg:$0xa] =	wrdreg s30  }
0x30: {  	s8 =	sshll.u32 s8, $0x7;
	s9 =	sadd.s32 s9, s24;
	[smem:$0x7E7] =	sst s10  }
0x31: {  	s6 =	sshll.u32 s6, $0x7;
	s8 =	sadd.s32 s8, s24;
	[smem:$0x7E8] =	sst s9  }
0x32: {  	s3 =	sshll.u32 s3, $0x7;
	s6 =	sadd.s32 s6, s24;
	[smem:$0x7EA] =	sst s8  }
0x33: {  	s2 =	sshll.u32 s2, $0x7;
	s3 =	sadd.s32 s3, s24;
	[smem:$0x7EB] =	sst s6  }
0x34: {  	s19 =	sshll.u32 s19, $0x7;
	s2 =	sadd.s32 s2, s24;
	[smem:$0x7ED] =	sst s3  }
0x35: {  	s16 =	sshll.u32 s16, $0x7;
	s7 =	sshll.u32 s7, $0x7;
	[smem:$0x7F0] =	sst s2  }
0x36: {  	s1 =	simm.s32 $0x15380;
	s29 =	smul.u32 $0xA00, s31;
	[smem:$0x7F7] =	sst s0  }
0x37: {  	s30 =	smul.u32 $0x50, s31;
	s10 =	sadd.s32 s7, s24;
	[dreg:$0x8] =	wrdreg s1  }
0x38: {  	s1 =	smul.u32 $0x50000, s31;
	s31 =	simm.s32 $0x15680;
	[smem:$0x7EC] =	sst s10  }
0x39: {  	s29 =	sadd.s32 s29, s28;
	[dreg:$0xb] =	wrdreg s31;
	s28 =	simm.s32 $0x15780  }
0x3a: {  	s13 =	sshll.u32 s13, $0x7;
	[dreg:$0xc] =	wrdreg s28;
	s26 =	sshrl.u32 s1, $0x2  }
0x3b: {  	s28 =	sadd.s32 $0x1C00, s12;
	s1 =	sshll.u32 s22, $0x7;
	s12 =	sadd.s32 s16, s24  }
0x3c: {  	s26 =	sadd.s32 s26, s24;
	s22 =	sadd.s32 s1, s24;
	[smem:$0x7E2] =	sst s12  }
0x3d: {  	s1 =	sshll.u32 s20, $0x7;
	s20 =	sadd.s32 s19, s24;
	[smem:$0x7F9] =	sst s26  }
0x3e: {  	s19 =	sadd.s32 s1, s24;
	s1 =	sshll.u32 s18, $0x7;
	[smem:$0x7FA] =	sst s22  }
0x3f: {  	[smem:$0x7FB] =	sst s20;
	s18 =	sadd.s32 s1, s24;
	s1 =	sshll.u32 s17, $0x7  }
0x40: {  	s23 =	smul.u32 $0x500, s23;
	[smem:$0x7FC] =	sst s19;
	s17 =	sadd.s32 s1, s24  }
0x41: {  	s1 =	sshll.u32 s15, $0x7;
	s15 =	sshll.u32 s14, $0x7;
	s14 =	sld [smem:$0x7F1]  }
0x42: {  	s6 =	simm.s32 $0xB;
	s7 =	simm.s32 $0xA;
	[smem:$0x7FD] =	sst s18  }
0x43: {  	s10 =	simm.s32 $0xC;
	[smem:$0x7E3] =	sst s17;
	s12 =	sadd.s32 s1, s24  }
0x44: {  	s23 =	sadd.s32 s30, s23;
	s16 =	sadd.s32 s15, s24;
	[smem:$0x7E4] =	sst s12  }
0x45: {  	s30 =	simm.s32 $0x80;
	s15 =	sadd.s32 $0x160, s29;
	[smem:$0x7E6] =	sst s16  }
0x46: {  	s17 =	sshll.u32 s11, $0x7;
	s12 =	sadd.s32 s13, s24;
	[smem:$0x7F3] =	sst s15  }
0x47: {  	s11 =	sshll.u32 s4, $0x7;
	s1 =	sadd.s32 s17, s24;
	[smem:$0x7E5] =	sst s12  }
0x48: {  	s31 =	simm.s32 $0x15800;
	s3 =	sadd.s32 s11, s24;
	[smem:$0x7E9] =	sst s1  }
0x49: {  	s29 =	simm.s32 $0x15100;
	s16 =	sor.u32 $0xB, s23;
	[smem:$0x7EE] =	sst s3  }
0x4a: {  	s17 =	sadd.s32 $0x20, s0;
	s23 =	sadd.s32 $0x40, s0;
	[smem:$0x7F4] =	sst s16  }
0x4b: {  	s0 =	sadd.s32 $0x60, s0;
	s11 =	simm.s32 $0x15200;
	[smem:$0x7F5] =	sst s17  }
0x4c: {  	s15 =	simm.s32 $0x5;
	s1 =	simm.s32 $0x0;
	[smem:$0x7F6] =	sst s23  }
0x4d: {  	s12 =	sshll.u32 s5, $0x7;
	s2 =	smax.u32 s14, $0x1;
	[smem:$0x7F8] =	sst s0  }
0x4e: {  	s23 =	simm.s32 $0xD;
	s3 =	simm.s32 $0x9;
	s0 =	simm.s32 $0x0  }
0x4f: {  	s5 =	simm.s32 $0x0;
	s13 =	sadd.s32 s12, s24;
	[smem:$0x7F2] =	sst s2  }
0x50: {  	v0 =	vimm.f32 $0.0e+00;
	s2 =	simm.s32 $0x19800;
	[smem:$0x7EF] =	sst s13;
	s13 =	simm.s32 $0x4  }
.LBB2_1:
0x51: {  	[smem:$0x7E0] =	sst s0;
	s16 =	simm.s32 $0x0;
	s17 =	simm.s32 $0x200  }
.LBB2_2:
0x52: {  	p0 =	sne.s32 s17, $0x3E00;
	[tilespmem:s16+$0x14070] =	vst v0  }
0x53: {  	[tilespmem:s16+$0x14000] =	vst v0  }
0x54: {  	[tilespmem:s16+$0x14010] =	vst v0  }
.Ltmp0:
0x55: {  	[tilespmem:s16+$0x14020] =	vst v0;
	(pc) =	sbr.rel @p0 .LBB2_2-.Ltmp0, $4  }
0x56: {  	[tilespmem:s16+$0x14030] =	vst v0  }
0x57: {  	[tilespmem:s16+$0x14040] =	vst v0  }
0x58: {  	[tilespmem:s16+$0x14050] =	vst v0  }
0x59: {  	[tilespmem:s16+$0x14060] =	vst v0;
	s16 =	sshra.s32 s17, $0x2;
	s17 =	sadd.s32 $0x200, s17  }
0x5a: {  	[tilespmem:s16+$0x14070] =	vst v0  }
0x5b: {  	[tilespmem:s16+$0x14000] =	vst v0  }
0x5c: {  	[tilespmem:s16+$0x14010] =	vst v0  }
0x5d: {  	[tilespmem:s16+$0x14020] =	vst v0  }
0x5e: {  	[tilespmem:s16+$0x14030] =	vst v0  }
0x5f: {  	[tilespmem:s16+$0x14040] =	vst v0  }
0x60: {  	[tilespmem:s16+$0x14050] =	vst v0  }
0x61: {  	[tilespmem:s16+$0x14060] =	vst v0;
	s8 =	simm.s32 $0x14000  }
0x62: {  	[spmem:s26] =	stream.linear.scatter [tilespmem:s8], [sflag:$0xD], $0x1000, $0x38;
	[tilespmem:$0x1D800] =	vst v63  }
0x63: {  	_ =	swait.ge [sflag:s23], $0x1000  }
0x64: {  	[sflag:s23] =	ssyncset.done $0x0  }
0x65: {  	[sflag:s23] =	ssyncadd.s32 $0xFFFFF000  }
0x66: {  	[spmem:s22] =	stream.linear.scatter [tilespmem:s8], [sflag:$0xD], $0x1000, $0x38;
	[tilespmem:$0x1D800] =	vst v63  }
0x67: {  	_ =	swait.ge [sflag:s23], $0x1000  }
0x68: {  	[sflag:s23] =	ssyncset.done $0x0  }
0x69: {  	[sflag:s23] =	ssyncadd.s32 $0xFFFFF000  }
0x6a: {  	[spmem:s20] =	stream.linear.scatter [tilespmem:s8], [sflag:$0xD], $0x1000, $0x38;
	[tilespmem:$0x1D800] =	vst v63  }
0x6b: {  	_ =	swait.ge [sflag:s23], $0x1000  }
0x6c: {  	[sflag:s23] =	ssyncset.done $0x0  }
0x6d: {  	[sflag:s23] =	ssyncadd.s32 $0xFFFFF000  }
0x6e: {  	[spmem:s19] =	stream.linear.scatter [tilespmem:s8], [sflag:$0xD], $0x1000, $0x38;
	[tilespmem:$0x1D800] =	vst v63  }
0x6f: {  	_ =	swait.ge [sflag:s23], $0x1000  }
0x70: {  	[sflag:s23] =	ssyncset.done $0x0  }
0x71: {  	[sflag:s23] =	ssyncadd.s32 $0xFFFFF000  }
0x72: {  	[spmem:s18] =	stream.linear.scatter [tilespmem:s8], [sflag:$0xD], $0x1000, $0x38;
	[tilespmem:$0x1D800] =	vst v63  }
0x73: {  	_ =	swait.ge [sflag:s23], $0x1000  }
0x74: {  	s4 =	sld [smem:$0x7E2]  }
0x75: {  	[sflag:s23] =	ssyncset.done $0x0  }
0x76: {  	[sflag:s23] =	ssyncadd.s32 $0xFFFFF000  }
0x77: {  	[spmem:s4] =	stream.linear.scatter [tilespmem:s8], [sflag:$0xD], $0x1000, $0x38;
	[tilespmem:$0x1D800] =	vst v63  }
0x78: {  	_ =	swait.ge [sflag:s23], $0x1000  }
0x79: {  	s22 =	sld [smem:$0x7E3]  }
0x7a: {  	[sflag:s23] =	ssyncset.done $0x0  }
0x7b: {  	[sflag:s23] =	ssyncadd.s32 $0xFFFFF000  }
0x7c: {  	[spmem:s22] =	stream.linear.scatter [tilespmem:s8], [sflag:$0xD], $0x1000, $0x38;
	[tilespmem:$0x1D800] =	vst v63  }
0x7d: {  	_ =	swait.ge [sflag:s23], $0x1000  }
0x7e: {  	s26 =	sld [smem:$0x7E4]  }
0x7f: {  	[sflag:s23] =	ssyncset.done $0x0  }
0x80: {  	[sflag:s23] =	ssyncadd.s32 $0xFFFFF000  }
0x81: {  	[spmem:s26] =	stream.linear.scatter [tilespmem:s8], [sflag:$0xD], $0x1000, $0x38;
	[tilespmem:$0x1D800] =	vst v63  }
0x82: {  	_ =	swait.ge [sflag:s23], $0x1000  }
0x83: {  	s0 =	sld [smem:$0x7E5]  }
0x84: {  	[sflag:s23] =	ssyncset.done $0x0  }
0x85: {  	[sflag:s23] =	ssyncadd.s32 $0xFFFFF000  }
0x86: {  	[spmem:s0] =	stream.linear.scatter [tilespmem:s8], [sflag:$0xD], $0x1000, $0x38;
	[tilespmem:$0x1D800] =	vst v63  }
0x87: {  	_ =	swait.ge [sflag:s23], $0x1000  }
0x88: {  	s9 =	sld [smem:$0x7E6]  }
0x89: {  	[sflag:s23] =	ssyncset.done $0x0  }
0x8a: {  	[sflag:s23] =	ssyncadd.s32 $0xFFFFF000  }
0x8b: {  	[spmem:s9] =	stream.linear.scatter [tilespmem:s8], [sflag:$0xD], $0x1000, $0x38;
	[tilespmem:$0x1D800] =	vst v63  }
0x8c: {  	_ =	swait.ge [sflag:s23], $0x1000  }
0x8d: {  	s12 =	sld [smem:$0x7E7]  }
0x8e: {  	[sflag:s23] =	ssyncset.done $0x0  }
0x8f: {  	[sflag:s23] =	ssyncadd.s32 $0xFFFFF000  }
0x90: {  	[spmem:s12] =	stream.linear.scatter [tilespmem:s8], [sflag:$0xD], $0x1000, $0x38;
	[tilespmem:$0x1D800] =	vst v63  }
0x91: {  	_ =	swait.ge [sflag:s23], $0x1000  }
0x92: {  	s14 =	sld [smem:$0x7E8]  }
0x93: {  	[sflag:s23] =	ssyncset.done $0x0  }
0x94: {  	[sflag:s23] =	ssyncadd.s32 $0xFFFFF000  }
0x95: {  	[spmem:s14] =	stream.linear.scatter [tilespmem:s8], [sflag:$0xD], $0x1000, $0x38;
	[tilespmem:$0x1D800] =	vst v63  }
0x96: {  	_ =	swait.ge [sflag:s23], $0x1000  }
0x97: {  	s16 =	sld [smem:$0x7E9]  }
0x98: {  	[sflag:s23] =	ssyncset.done $0x0  }
0x99: {  	[sflag:s23] =	ssyncadd.s32 $0xFFFFF000  }
0x9a: {  	[spmem:s16] =	stream.linear.scatter [tilespmem:s8], [sflag:$0xD], $0x1000, $0x38;
	[tilespmem:$0x1D800] =	vst v63  }
0x9b: {  	_ =	swait.ge [sflag:s23], $0x1000  }
0x9c: {  	s17 =	sld [smem:$0x7EA]  }
0x9d: {  	[sflag:s23] =	ssyncset.done $0x0  }
0x9e: {  	[sflag:s23] =	ssyncadd.s32 $0xFFFFF000  }
0x9f: {  	[spmem:s17] =	stream.linear.scatter [tilespmem:s8], [sflag:$0xD], $0x1000, $0x38;
	[tilespmem:$0x1D800] =	vst v63  }
0xa0: {  	_ =	swait.ge [sflag:s23], $0x1000  }
0xa1: {  	s18 =	sld [smem:$0x7EB]  }
0xa2: {  	[sflag:s23] =	ssyncset.done $0x0  }
0xa3: {  	[sflag:s23] =	ssyncadd.s32 $0xFFFFF000  }
0xa4: {  	[spmem:s18] =	stream.linear.scatter [tilespmem:s8], [sflag:$0xD], $0x1000, $0x38;
	[tilespmem:$0x1D800] =	vst v63  }
0xa5: {  	_ =	swait.ge [sflag:s23], $0x1000  }
0xa6: {  	s19 =	sld [smem:$0x7EC]  }
0xa7: {  	[sflag:s23] =	ssyncset.done $0x0  }
0xa8: {  	[sflag:s23] =	ssyncadd.s32 $0xFFFFF000  }
0xa9: {  	[spmem:s19] =	stream.linear.scatter [tilespmem:s8], [sflag:$0xD], $0x1000, $0x38;
	[tilespmem:$0x1D800] =	vst v63  }
0xaa: {  	_ =	swait.ge [sflag:s23], $0x1000  }
0xab: {  	s20 =	sld [smem:$0x7ED]  }
0xac: {  	[sflag:s23] =	ssyncset.done $0x0  }
0xad: {  	[sflag:s23] =	ssyncadd.s32 $0xFFFFF000  }
0xae: {  	[spmem:s20] =	stream.linear.scatter [tilespmem:s8], [sflag:$0xD], $0x1000, $0x38;
	[tilespmem:$0x1D800] =	vst v63  }
0xaf: {  	_ =	swait.ge [sflag:s23], $0x1000  }
0xb0: {  	s22 =	sld [smem:$0x7EE]  }
0xb1: {  	[sflag:s23] =	ssyncset.done $0x0  }
0xb2: {  	[sflag:s23] =	ssyncadd.s32 $0xFFFFF000  }
0xb3: {  	[spmem:s22] =	stream.linear.scatter [tilespmem:s8], [sflag:$0xD], $0x1000, $0x38;
	[tilespmem:$0x1D800] =	vst v63  }
0xb4: {  	_ =	swait.ge [sflag:s23], $0x1000  }
0xb5: {  	s26 =	sld [smem:$0x7EF]  }
0xb6: {  	[sflag:s23] =	ssyncset.done $0x0  }
0xb7: {  	[sflag:s23] =	ssyncadd.s32 $0xFFFFF000  }
0xb8: {  	[spmem:s26] =	stream.linear.scatter [tilespmem:s8], [sflag:$0xD], $0x1000, $0x38;
	[tilespmem:$0x1D800] =	vst v63  }
0xb9: {  	_ =	swait.ge [sflag:s23], $0x1000  }
0xba: {  	s0 =	sld [smem:$0x7F0]  }
0xbb: {  	[sflag:s23] =	ssyncset.done $0x0  }
0xbc: {  	[sflag:s23] =	ssyncadd.s32 $0xFFFFF000  }
0xbd: {  	[spmem:s0] =	stream.linear.scatter [tilespmem:s8], [sflag:$0xD], $0x1000, $0x38;
	[tilespmem:$0x1D800] =	vst v63  }
0xbe: {  	_ =	swait.ge [sflag:s23], $0x1000  }
0xbf: {  	[sflag:s23] =	ssyncset.done $0x0  }
0xc0: {  	[sflag:s23] =	ssyncadd.s32 $0xFFFFF000  }
0xc1: {  	[bflag:$0x0] =	sbarrier.arrive $0xFFFF  }
0xc2: {  	s9 =	sld [smem:$0x7F7];
	_ =	sdelay $0x1  }
0xc3: {  	s12 =	simm.s32 $0x15000;
	s8 =	simm.s32 $0x0;
	s14 =	sld [smem:$0x7F5]  }
0xc4: {  	[tilespmem:s12], [sflag:$0x1] =	stream.linear.gather [hbm4b:s9+s8], $0x100, $0x38;
	[tilespmem:$0x1D800] =	vst v63  }
0xc5: {  	s17 =	sld [smem:$0x7F6]  }
0xc6: {  	[tilespmem:s29], [sflag:$0x2] =	stream.linear.gather [hbm4b:s14+s8], $0x100, $0x38;
	[tilespmem:$0x1D800] =	vst v63  }
0xc7: {  	s18 =	sld [smem:$0x7F8]  }
0xc8: {  	[tilespmem:s11], [sflag:$0x3] =	stream.linear.gather [hbm4b:s17+s8], $0x100, $0x38;
	[tilespmem:$0x1D800] =	vst v63  }
0xc9: {  	s19 =	simm.s32 $0x1;
	s22 =	simm.s32 $0x15300  }
0xca: {  	[tilespmem:s22], [sflag:$0x4] =	stream.linear.gather [hbm4b:s18+s8], $0x100, $0x38;
	[tilespmem:$0x1D800] =	vst v63  }
0xcb: {  	_ =	swait.ge [sflag:s19], $0x100  }
0xcc: {  	[sflag:s19] =	ssyncset.done $0x0;
	s8 =	sld [smem:$0x7F4]  }
0xcd: {  	[sflag:s19] =	ssyncadd.s32 $0xFFFFFF00  }
0xce: {  	[tilespmem:s31], [sflag:$0x9] =	stream.indirect.gather [hbm4b:s21+s30], $0x80, s12, s30, $0xb8;
	[tilespmem:$0x1D800] =	vst v63  }
0xcf: {  	s20 =	sadd.s32 $0xFFFFFFF9, s8  }
0xd0: {  	p0 =	sgt.u32 s20, $0x9C3  }
0xd1: {  	s4 =	sld [smem:$0x7F3];
	s16 =	sadd.s32 @p0 $0x0, s25  }
0xd2: {  	s16 =	sadd.s32 @p0 $0xFFF64000, s16  }
0xd3: {  	s16 =	sshrl.u32 @p0 s16, $0x3  }
0xd4: {  	s17 =	sadd.s32 @!p0 $0xFFFFFF20, s4;
	s16 =	sadd.s32 @p0 s28, s16  }
0xd5: {  	s0 =	simm.s32 $0x2;
	s14 =	simm.s32 $0x15400;
	s17 =	smov.u32 @p0 s16  }
0xd6: {  	[tilespmem:s14], [sflag:$0x5] =	stream.linear.gather [hbm4b:s17+s1], $0x100, $0x38;
	[tilespmem:$0x1D800] =	vst v63  }
0xd7: {  	_ =	swait.ge [sflag:s0], $0x100  }
0xd8: {  	p0 =	por $0x1, $0x1;
	[sflag:s0] =	ssyncset.done $0x0  }
0xd9: {  	s16 =	simm.s32 @!p0 $0xC;
	[sflag:s0] =	ssyncadd.s32 $0xFFFFFF00  }
0xda: {  	s23 =	sadd.s32 $0xFFFFFFFA, s8;
	_ =	swait.ge @!p0 [sflag:s16], $0x4000  }
0xdb: {  	p1 =	sgt.u32 s23, $0x9C3;
	[sflag:s16] =	ssyncset.done @!p0 $0x0  }
0xdc: {  	[sflag:s16] =	ssyncadd.s32 @!p0 $0xFFFFC000;
	s16 =	sadd.s32 @p1 $0x0, s25  }
0xdd: {  	[tilespmem:s2], [sflag:$0xA] =	stream.indirect.gather [hbm4b:s21+s30], $0x80, s29, s30, $0xb8;
	[tilespmem:$0x1D800] =	vst v63  }
0xde: {  	s16 =	sadd.s32 @p1 $0xFFF64100, s16;
	_ =	swait.ge [sflag:s3], $0x4000  }
0xdf: {  	s18 =	sadd.s32 @!p1 $0xFFFFFF40, s4;
	s16 =	sshrl.u32 @p1 s16, $0x3;
	[sflag:s3] =	ssyncset.done $0x0  }
0xe0: {  	s26 =	rddreg [dreg:$0x5];
	s16 =	sadd.s32 @p1 s28, s16;
	[sflag:s3] =	ssyncadd.s32 $0xFFFFC000  }
0xe1: {  	[spmem:s24] =	stream.indirect.scatter.add.f32 [tilespmem:s31], [sflag:$0xB], $0x80, s26, s30, $0xb8;
	[tilespmem:$0x1D800] =	vst v63  }
0xe2: {  	s9 =	simm.s32 $0x3;
	s12 =	simm.s32 $0x15500;
	s18 =	smov.u32 @p1 s16  }
0xe3: {  	[tilespmem:s12], [sflag:$0x6] =	stream.linear.gather [hbm4b:s18+s1], $0x100, $0x38;
	[tilespmem:$0x1D800] =	vst v63  }
0xe4: {  	_ =	swait.ge [sflag:s9], $0x100  }
0xe5: {  	[sflag:s9] =	ssyncset.done $0x0  }
0xe6: {  	[sflag:s9] =	ssyncadd.s32 $0xFFFFFF00  }
0xe7: {  	s0 =	sadd.s32 $0xFFFFFFFB, s8;
	_ =	swait.ge [sflag:s6], $0x4000  }
0xe8: {  	p0 =	sgt.u32 s0, $0x9C3;
	[sflag:s6] =	ssyncset.done $0x0  }
0xe9: {  	s16 =	sadd.s32 @p0 $0x0, s25;
	[sflag:s6] =	ssyncadd.s32 $0xFFFFC000  }
0xea: {  	[tilespmem:s31], [sflag:$0x9] =	stream.indirect.gather [hbm4b:s21+s30], $0x80, s11, s30, $0xb8;
	[tilespmem:$0x1D800] =	vst v63  }
0xeb: {  	s16 =	sadd.s32 @p0 $0xFFF64200, s16;
	_ =	swait.ge [sflag:s7], $0x4000  }
0xec: {  	s16 =	sshrl.u32 @p0 s16, $0x3;
	s18 =	sadd.s32 @!p0 $0xFFFFFF60, s4;
	[sflag:s7] =	ssyncset.done $0x0  }
0xed: {  	s16 =	sadd.s32 @p0 s28, s16;
	s1 =	rddreg [dreg:$0x6];
	[sflag:s7] =	ssyncadd.s32 $0xFFFFC000  }
0xee: {  	[spmem:s24] =	stream.indirect.scatter.add.f32 [tilespmem:s2], [sflag:$0xC], $0x80, s1, s30, $0xb8;
	[tilespmem:$0x1D800] =	vst v63  }
0xef: {  	s18 =	smov.u32 @p0 s16;
	s11 =	simm.s32 $0x15600  }
0xf0: {  	[tilespmem:s11], [sflag:$0x7] =	stream.linear.gather [hbm4b:s18+s5], $0x100, $0x38;
	[tilespmem:$0x1D800] =	vst v63  }
0xf1: {  	_ =	swait.ge [sflag:s13], $0x100  }
0xf2: {  	[sflag:s13] =	ssyncset.done $0x0  }
0xf3: {  	[sflag:s13] =	ssyncadd.s32 $0xFFFFFF00  }
0xf4: {  	s18 =	sadd.s32 $0xFFFFFFFC, s8;
	_ =	swait.ge [sflag:s10], $0x4000  }
0xf5: {  	p0 =	sgt.u32 s18, $0x9C3;
	[sflag:s10] =	ssyncset.done $0x0  }
0xf6: {  	s16 =	sadd.s32 @p0 $0x0, s25;
	[sflag:s10] =	ssyncadd.s32 $0xFFFFC000  }
0xf7: {  	[tilespmem:s2], [sflag:$0xA] =	stream.indirect.gather [hbm4b:s21+s30], $0x80, s22, s30, $0xb8;
	[tilespmem:$0x1D800] =	vst v63  }
0xf8: {  	s16 =	sadd.s32 @p0 $0xFFF64300, s16;
	_ =	swait.ge [sflag:s3], $0x4000  }
0xf9: {  	s18 =	sadd.s32 @!p0 $0xFFFFFF80, s4;
	s16 =	sshrl.u32 @p0 s16, $0x3;
	[sflag:s3] =	ssyncset.done $0x0  }
0xfa: {  	s16 =	sadd.s32 @p0 s28, s16;
	s19 =	rddreg [dreg:$0x7];
	[sflag:s3] =	ssyncadd.s32 $0xFFFFC000  }
0xfb: {  	[spmem:s24] =	stream.indirect.scatter.add.f32 [tilespmem:s31], [sflag:$0xB], $0x80, s19, s30, $0xb8;
	[tilespmem:$0x1D800] =	vst v63  }
0xfc: {  	s20 =	simm.s32 $0x15700;
	s18 =	smov.u32 @p0 s16  }
0xfd: {  	[tilespmem:s20], [sflag:$0x8] =	stream.linear.gather [hbm4b:s18+s5], $0x100, $0x38;
	[tilespmem:$0x1D800] =	vst v63  }
0xfe: {  	p1 =	por $0x0, $0x0;
	_ =	swait.ge [sflag:s15], $0x100  }
0xff: {  	s16 =	sadd.s32 @!p1 $0xFFFFFFFD, s8;
	[sflag:s15] =	ssyncset.done $0x0  }
0x100: {  	p0 =	sgt.u32 @!p1 s16, $0x9C3;
	[sflag:s15] =	ssyncadd.s32 $0xFFFFFF00  }
0x101: {  	p2 =	por !p0, p1;
	_ =	swait.ge [sflag:s6], $0x4000  }
0x102: {  	s17 =	sadd.s32 @!p2 $0x0, s25;
	[sflag:s6] =	ssyncset.done $0x0  }
0x103: {  	s17 =	sadd.s32 @!p2 $0xFFF64400, s17;
	[sflag:s6] =	ssyncadd.s32 $0xFFFFC000  }
0x104: {  	[tilespmem:s31], [sflag:$0x9] =	stream.indirect.gather [hbm4b:s21+s30], $0x80, s14, s30, $0xb8;
	[tilespmem:$0x1D800] =	vst v63  }
0x105: {  	p0 =	por p0, p1;
	s17 =	sshrl.u32 @!p2 s17, $0x3;
	_ =	swait.ge [sflag:s7], $0x4000  }
0x106: {  	s16 =	sadd.s32 @!p0 $0xFFFFFFA0, s4;
	s17 =	sadd.s32 @!p2 s28, s17;
	[sflag:s7] =	ssyncset.done $0x0  }
0x107: {  	s17 =	smov.u32 @p2 s16;
	s23 =	rddreg [dreg:$0x8];
	[sflag:s7] =	ssyncadd.s32 $0xFFFFC000  }
0x108: {  	[spmem:s24] =	stream.indirect.scatter.add.f32 [tilespmem:s2], [sflag:$0xC], $0x80, s23, s30, $0xb8;
	[tilespmem:$0x1D800] =	vst v63  }
0x109: {  	s16 =	simm.s32 @!p1 $0x0;
	s14 =	simm.s32 $0x6;
	s23 =	simm.s32 @!p1 $0x15000  }
0x10a: {  	[tilespmem:s23], [sflag:$0x1] =	stream.linear.gather @!p1 [hbm4b:s17+s16], $0x100, $0x38;
	[tilespmem:$0x1D800] =	vst v63  }
0x10b: {  	_ =	swait.ge [sflag:s14], $0x100  }
0x10c: {  	[sflag:s14] =	ssyncset.done $0x0  }
0x10d: {  	s17 =	sadd.s32 @!p1 $0xFFFFFFFE, s8;
	[sflag:s14] =	ssyncadd.s32 $0xFFFFFF00  }
0x10e: {  	p0 =	sgt.u32 @!p1 s17, $0x9C3;
	_ =	swait.ge [sflag:s10], $0x4000  }
0x10f: {  	p2 =	por !p0, p1;
	[sflag:s10] =	ssyncset.done $0x0  }
0x110: {  	s17 =	sadd.s32 @!p2 $0x0, s25;
	[sflag:s10] =	ssyncadd.s32 $0xFFFFC000  }
0x111: {  	[tilespmem:s2], [sflag:$0xA] =	stream.indirect.gather [hbm4b:s21+s30], $0x80, s12, s30, $0xb8;
	[tilespmem:$0x1D800] =	vst v63  }
0x112: {  	p0 =	por p0, p1;
	s17 =	sadd.s32 @!p2 $0xFFF64500, s17;
	_ =	swait.ge [sflag:s3], $0x4000  }
0x113: {  	s19 =	sadd.s32 @!p0 $0xFFFFFFC0, s4;
	s17 =	sshrl.u32 @!p2 s17, $0x3;
	[sflag:s3] =	ssyncset.done $0x0  }
0x114: {  	s17 =	sadd.s32 @!p2 s28, s17;
	s26 =	rddreg [dreg:$0x9];
	[sflag:s3] =	ssyncadd.s32 $0xFFFFC000  }
0x115: {  	[spmem:s24] =	stream.indirect.scatter.add.f32 [tilespmem:s31], [sflag:$0xB], $0x80, s26, s30, $0xb8;
	[tilespmem:$0x1D800] =	vst v63  }
0x116: {  	s18 =	simm.s32 @!p1 $0x15100;
	s17 =	smov.u32 @p2 s19;
	s12 =	simm.s32 $0x7  }
0x117: {  	[tilespmem:s18], [sflag:$0x2] =	stream.linear.gather @!p1 [hbm4b:s17+s16], $0x100, $0x38;
	[tilespmem:$0x1D800] =	vst v63  }
0x118: {  	_ =	swait.ge [sflag:s12], $0x100  }
0x119: {  	[sflag:s12] =	ssyncset.done $0x0  }
0x11a: {  	s17 =	sadd.s32 @!p1 $0xFFFFFFFF, s8;
	[sflag:s12] =	ssyncadd.s32 $0xFFFFFF00  }
0x11b: {  	p0 =	sgt.u32 @!p1 s17, $0x9C3;
	_ =	swait.ge [sflag:s6], $0x4000  }
0x11c: {  	p2 =	por !p0, p1;
	[sflag:s6] =	ssyncset.done $0x0  }
0x11d: {  	s17 =	sadd.s32 @!p2 $0x0, s25;
	[sflag:s6] =	ssyncadd.s32 $0xFFFFC000  }
0x11e: {  	[tilespmem:s31], [sflag:$0x9] =	stream.indirect.gather [hbm4b:s21+s30], $0x80, s11, s30, $0xb8;
	[tilespmem:$0x1D800] =	vst v63  }
0x11f: {  	p0 =	por p0, p1;
	s17 =	sadd.s32 @!p2 $0xFFF64600, s17;
	_ =	swait.ge [sflag:s7], $0x4000  }
0x120: {  	s19 =	sadd.s32 @!p0 $0xFFFFFFE0, s4;
	s17 =	sshrl.u32 @!p2 s17, $0x3;
	[sflag:s7] =	ssyncset.done $0x0  }
0x121: {  	s17 =	sadd.s32 @!p2 s28, s17;
	s1 =	rddreg [dreg:$0xa];
	[sflag:s7] =	ssyncadd.s32 $0xFFFFC000  }
0x122: {  	[spmem:s24] =	stream.indirect.scatter.add.f32 [tilespmem:s2], [sflag:$0xC], $0x80, s1, s30, $0xb8;
	[tilespmem:$0x1D800] =	vst v63  }
0x123: {  	s0 =	simm.s32 $0x8;
	s18 =	simm.s32 @!p1 $0x15200;
	s17 =	smov.u32 @p2 s19  }
0x124: {  	[tilespmem:s18], [sflag:$0x3] =	stream.linear.gather @!p1 [hbm4b:s17+s16], $0x100, $0x38;
	[tilespmem:$0x1D800] =	vst v63  }
0x125: {  	_ =	swait.ge [sflag:s0], $0x100  }
0x126: {  	[sflag:s0] =	ssyncset.done $0x0  }
0x127: {  	[sflag:s0] =	ssyncadd.s32 $0xFFFFFF00  }
0x128: {  	_ =	swait.ge [sflag:s10], $0x4000  }
0x129: {  	[sflag:s10] =	ssyncset.done $0x0  }
0x12a: {  	p0 =	slt.u32 @!p1 s8, $0x9C4;
	s17 =	sadd.s32 @!p1 $0x0, s25;
	[sflag:s10] =	ssyncadd.s32 $0xFFFFC000  }
0x12b: {  	[tilespmem:s2], [sflag:$0xA] =	stream.indirect.gather [hbm4b:s21+s30], $0x80, s20, s30, $0xb8;
	[tilespmem:$0x1D800] =	vst v63  }
0x12c: {  	p0 =	por !p0, p1;
	s17 =	sadd.s32 @!p1 $0xFFF64700, s17;
	_ =	swait.ge [sflag:s3], $0x4000  }
0x12d: {  	s18 =	smov.u32 s4;
	s17 =	sshrl.u32 @!p1 s17, $0x3;
	[sflag:s3] =	ssyncset.done $0x0  }
0x12e: {  	s17 =	sadd.s32 @!p1 s28, s17;
	s20 =	rddreg [dreg:$0xb];
	[sflag:s3] =	ssyncadd.s32 $0xFFFFC000  }
0x12f: {  	[spmem:s24] =	stream.indirect.scatter.add.f32 [tilespmem:s31], [sflag:$0xB], $0x80, s20, s30, $0xb8;
	[tilespmem:$0x1D800] =	vst v63  }
0x130: {  	s19 =	simm.s32 @!p1 $0x1;
	s18 =	smov.u32 @p0 s17;
	s17 =	simm.s32 @!p1 $0x15300  }
0x131: {  	[tilespmem:s17], [sflag:$0x4] =	stream.linear.gather @!p1 [hbm4b:s18+s16], $0x100, $0x38;
	[tilespmem:$0x1D800] =	vst v63  }
0x132: {  	s29 =	simm.s32 @!p1 $0xB;
	s16 =	sadd.s32 $0x8, s8;
	_ =	swait.ge @!p1 [sflag:s19], $0x100  }
0x133: {  	s20 =	simm.s32 $0x1000;
	s26 =	sadd.s32 $0xFFFFFFF9, s16;
	[sflag:s19] =	ssyncset.done @!p1 $0x0  }
0x134: {  	s18 =	simm.s32 $0x800;
	p2 =	sgt.u32 s26, $0x9C3;
	[sflag:s19] =	ssyncadd.s32 @!p1 $0xFFFFFF00  }
0x135: {  	s26 =	simm.s32 @!p1 $0x15800;
	s17 =	sadd.s32 @p2 $0x800, s25;
	_ =	swait.ge @!p1 [sflag:s29], $0x4000  }
0x136: {  	s19 =	sadd.s32 $0x100, s4;
	s17 =	sadd.s32 @p2 $0xFFF64000, s17;
	[sflag:s29] =	ssyncset.done @!p1 $0x0  }
0x137: {  	s17 =	sshrl.u32 @p2 s17, $0x3;
	[sflag:s29] =	ssyncadd.s32 @!p1 $0xFFFFC000;
	s29 =	simm.s32 @!p1 $0x80  }
.LBB2_4:
0x138: {  	[tilespmem:s26], [sflag:$0x9] =	stream.indirect.gather @!p1 [hbm4b:s21+s29], $0x80, s23, s29, $0xb8;
	[tilespmem:$0x1D800] =	vst v63  }
0x139: {  	_ =	swait.ge [sflag:s7], $0x4000  }
0x13a: {  	s17 =	sadd.s32 @p2 s28, s17;
	[sflag:s7] =	ssyncset.done $0x0  }
0x13b: {  	s23 =	sadd.s32 @!p2 $0xFFFFFF20, s19;
	s8 =	rddreg [dreg:$0xc];
	[sflag:s7] =	ssyncadd.s32 $0xFFFFC000  }
0x13c: {  	[spmem:s24] =	stream.indirect.scatter.add.f32 [tilespmem:s2], [sflag:$0xC], $0x80, s8, s30, $0xb8;
	[tilespmem:$0x1D800] =	vst v63  }
0x13d: {  	s4 =	simm.s32 $0x15400;
	s1 =	simm.s32 $0x2;
	s23 =	smov.u32 @p2 s17  }
0x13e: {  	[tilespmem:s4], [sflag:$0x5] =	stream.linear.gather [hbm4b:s23+s5], $0x100, $0x38;
	[tilespmem:$0x1D800] =	vst v63  }
0x13f: {  	_ =	swait.ge [sflag:s1], $0x100  }
0x140: {  	p2 =	seq.s32 s18, $0x0;
	[sflag:s1] =	ssyncset.done $0x0  }
0x141: {  	s11 =	sadd.s32 $0xFFFFFFFA, s16;
	s23 =	simm.s32 @!p2 $0xC;
	[sflag:s1] =	ssyncadd.s32 $0xFFFFFF00  }
0x142: {  	p1 =	sgt.u32 s11, $0x9C3;
	_ =	swait.ge @!p2 [sflag:s23], $0x4000  }
0x143: {  	s26 =	sadd.s32 @p1 s18, s25;
	[sflag:s23] =	ssyncset.done @!p2 $0x0  }
0x144: {  	[sflag:s23] =	ssyncadd.s32 @!p2 $0xFFFFC000;
	s23 =	sadd.s32 @p1 $0xFFF64100, s26;
	s26 =	simm.s32 $0x15100  }
0x145: {  	[tilespmem:s2], [sflag:$0xA] =	stream.indirect.gather [hbm4b:s21+s30], $0x80, s26, s30, $0xb8;
	[tilespmem:$0x1D800] =	vst v63  }
0x146: {  	_ =	swait.ge [sflag:s3], $0x4000  }
0x147: {  	s29 =	sadd.s32 @!p1 $0xFFFFFF40, s19;
	s23 =	sshrl.u32 @p1 s23, $0x3;
	[sflag:s3] =	ssyncset.done $0x0  }
0x148: {  	s23 =	sadd.s32 @p1 s28, s23;
	s8 =	rddreg [dreg:$0x5];
	[sflag:s3] =	ssyncadd.s32 $0xFFFFC000  }
0x149: {  	[spmem:s24] =	stream.indirect.scatter.add.f32 [tilespmem:s31], [sflag:$0xB], $0x80, s8, s30, $0xb8;
	[tilespmem:$0x1D800] =	vst v63  }
0x14a: {  	s29 =	smov.u32 @p1 s23;
	s8 =	simm.s32 $0x15500  }
0x14b: {  	[tilespmem:s8], [sflag:$0x6] =	stream.linear.gather [hbm4b:s29+s5], $0x100, $0x38;
	[tilespmem:$0x1D800] =	vst v63  }
0x14c: {  	_ =	swait.ge [sflag:s9], $0x100  }
0x14d: {  	[sflag:s9] =	ssyncset.done $0x0  }
0x14e: {  	[sflag:s9] =	ssyncadd.s32 $0xFFFFFF00  }
0x14f: {  	s11 =	sadd.s32 $0xFFFFFFFB, s16;
	_ =	swait.ge [sflag:s6], $0x4000  }
0x150: {  	p1 =	sgt.u32 s11, $0x9C3;
	[sflag:s6] =	ssyncset.done $0x0  }
0x151: {  	s26 =	simm.s32 $0x15200;
	s23 =	sadd.s32 @p1 s18, s25;
	[sflag:s6] =	ssyncadd.s32 $0xFFFFC000  }
0x152: {  	[tilespmem:s31], [sflag:$0x9] =	stream.indirect.gather [hbm4b:s21+s30], $0x80, s26, s30, $0xb8;
	[tilespmem:$0x1D800] =	vst v63  }
0x153: {  	s23 =	sadd.s32 @p1 $0xFFF64200, s23;
	_ =	swait.ge [sflag:s7], $0x4000  }
0x154: {  	s23 =	sshrl.u32 @p1 s23, $0x3;
	s29 =	sadd.s32 @!p1 $0xFFFFFF60, s19;
	[sflag:s7] =	ssyncset.done $0x0  }
0x155: {  	s23 =	sadd.s32 @p1 s28, s23;
	s11 =	rddreg [dreg:$0x6];
	[sflag:s7] =	ssyncadd.s32 $0xFFFFC000  }
0x156: {  	[spmem:s24] =	stream.indirect.scatter.add.f32 [tilespmem:s2], [sflag:$0xC], $0x80, s11, s30, $0xb8;
	[tilespmem:$0x1D800] =	vst v63  }
0x157: {  	s1 =	simm.s32 $0x15600;
	s29 =	smov.u32 @p1 s23  }
0x158: {  	[tilespmem:s1], [sflag:$0x7] =	stream.linear.gather [hbm4b:s29+s5], $0x100, $0x38;
	[tilespmem:$0x1D800] =	vst v63  }
0x159: {  	_ =	swait.ge [sflag:s13], $0x100  }
0x15a: {  	[sflag:s13] =	ssyncset.done $0x0  }
0x15b: {  	s26 =	sadd.s32 $0xFFFFFFFC, s16;
	[sflag:s13] =	ssyncadd.s32 $0xFFFFFF00  }
0x15c: {  	p1 =	sgt.u32 s26, $0x9C3;
	_ =	swait.ge [sflag:s10], $0x4000  }
0x15d: {  	s23 =	sadd.s32 @p1 s18, s25;
	[sflag:s10] =	ssyncset.done $0x0  }
0x15e: {  	s23 =	sadd.s32 @p1 $0xFFF64300, s23;
	[sflag:s10] =	ssyncadd.s32 $0xFFFFC000  }
0x15f: {  	[tilespmem:s2], [sflag:$0xA] =	stream.indirect.gather [hbm4b:s21+s30], $0x80, s22, s30, $0xb8;
	[tilespmem:$0x1D800] =	vst v63  }
0x160: {  	s23 =	sshrl.u32 @p1 s23, $0x3;
	_ =	swait.ge [sflag:s3], $0x4000  }
0x161: {  	s23 =	sadd.s32 @p1 s28, s23;
	[sflag:s3] =	ssyncset.done $0x0  }
0x162: {  	s29 =	sadd.s32 @!p1 $0xFFFFFF80, s19;
	s11 =	rddreg [dreg:$0x7];
	[sflag:s3] =	ssyncadd.s32 $0xFFFFC000  }
0x163: {  	[spmem:s24] =	stream.indirect.scatter.add.f32 [tilespmem:s31], [sflag:$0xB], $0x80, s11, s30, $0xb8;
	[tilespmem:$0x1D800] =	vst v63  }
0x164: {  	s29 =	smov.u32 @p1 s23;
	s11 =	simm.s32 $0x15700  }
0x165: {  	[tilespmem:s11], [sflag:$0x8] =	stream.linear.gather [hbm4b:s29+s5], $0x100, $0x38;
	[tilespmem:$0x1D800] =	vst v63  }
0x166: {  	_ =	swait.ge [sflag:s15], $0x100  }
0x167: {  	[sflag:s15] =	ssyncset.done $0x0  }
0x168: {  	p1 =	seq.s32 s18, $0x4800;
	[sflag:s15] =	ssyncadd.s32 $0xFFFFFF00  }
0x169: {  	s23 =	sadd.s32 @!p1 $0xFFFFFFFD, s16;
	_ =	swait.ge [sflag:s6], $0x4000  }
0x16a: {  	p2 =	sgt.u32 @!p1 s23, $0x9C3;
	[sflag:s6] =	ssyncset.done $0x0  }
0x16b: {  	s26 =	sadd.s32 @!p1 $0xFFFFFFFE, s16;
	p4 =	por !p2, p1;
	[sflag:s6] =	ssyncadd.s32 $0xFFFFC000  }
0x16c: {  	[tilespmem:s31], [sflag:$0x9] =	stream.indirect.gather [hbm4b:s21+s30], $0x80, s4, s30, $0xb8;
	[tilespmem:$0x1D800] =	vst v63  }
0x16d: {  	p3 =	sgt.u32 @!p1 s26, $0x9C3;
	s26 =	sadd.s32 @!p4 s18, s25;
	_ =	swait.ge [sflag:s7], $0x4000  }
0x16e: {  	p5 =	por p2, p1;
	s26 =	sadd.s32 @!p4 $0xFFF64400, s26;
	[sflag:s7] =	ssyncset.done $0x0  }
0x16f: {  	s26 =	sshrl.u32 @!p4 s26, $0x3;
	s22 =	rddreg [dreg:$0x8];
	[sflag:s7] =	ssyncadd.s32 $0xFFFFC000  }
0x170: {  	[spmem:s24] =	stream.indirect.scatter.add.f32 [tilespmem:s2], [sflag:$0xC], $0x80, s22, s30, $0xb8;
	[tilespmem:$0x1D800] =	vst v63  }
0x171: {  	s23 =	sadd.s32 @!p5 $0xFFFFFFA0, s19;
	s22 =	sadd.s32 @!p4 s28, s26  }
0x172: {  	s26 =	simm.s32 @!p1 $0x0;
	s22 =	smov.u32 @p4 s23;
	s23 =	simm.s32 @!p1 $0x15000  }
0x173: {  	[tilespmem:s23], [sflag:$0x1] =	stream.linear.gather @!p1 [hbm4b:s22+s26], $0x100, $0x38;
	[tilespmem:$0x1D800] =	vst v63  }
0x174: {  	_ =	swait.ge [sflag:s14], $0x100  }
0x175: {  	[sflag:s14] =	ssyncset.done $0x0  }
0x176: {  	[sflag:s14] =	ssyncadd.s32 $0xFFFFFF00  }
0x177: {  	_ =	swait.ge [sflag:s10], $0x4000  }
0x178: {  	p2 =	por !p3, p1;
	[sflag:s10] =	ssyncset.done $0x0  }
0x179: {  	s29 =	sadd.s32 @!p2 s18, s25;
	[sflag:s10] =	ssyncadd.s32 $0xFFFFC000  }
0x17a: {  	[tilespmem:s2], [sflag:$0xA] =	stream.indirect.gather [hbm4b:s21+s30], $0x80, s8, s30, $0xb8;
	[tilespmem:$0x1D800] =	vst v63  }
0x17b: {  	p3 =	por p3, p1;
	s29 =	sadd.s32 @!p2 $0xFFF64500, s29;
	_ =	swait.ge [sflag:s3], $0x4000  }
0x17c: {  	s4 =	sadd.s32 @!p3 $0xFFFFFFC0, s19;
	s22 =	sshrl.u32 @!p2 s29, $0x3;
	[sflag:s3] =	ssyncset.done $0x0  }
0x17d: {  	s22 =	sadd.s32 @!p2 s28, s22;
	s8 =	rddreg [dreg:$0x9];
	[sflag:s3] =	ssyncadd.s32 $0xFFFFC000  }
0x17e: {  	[spmem:s24] =	stream.indirect.scatter.add.f32 [tilespmem:s31], [sflag:$0xB], $0x80, s8, s30, $0xb8;
	[tilespmem:$0x1D800] =	vst v63  }
0x17f: {  	s22 =	smov.u32 @p2 s4;
	s8 =	simm.s32 @!p1 $0x15100  }
0x180: {  	[tilespmem:s8], [sflag:$0x2] =	stream.linear.gather @!p1 [hbm4b:s22+s26], $0x100, $0x38;
	[tilespmem:$0x1D800] =	vst v63  }
0x181: {  	_ =	swait.ge [sflag:s12], $0x100  }
0x182: {  	[sflag:s12] =	ssyncset.done $0x0  }
0x183: {  	s29 =	sadd.s32 @!p1 $0xFFFFFFFF, s16;
	[sflag:s12] =	ssyncadd.s32 $0xFFFFFF00  }
0x184: {  	p3 =	sgt.u32 @!p1 s29, $0x9C3;
	_ =	swait.ge [sflag:s6], $0x4000  }
0x185: {  	p2 =	por !p3, p1;
	[sflag:s6] =	ssyncset.done $0x0  }
0x186: {  	s4 =	sadd.s32 @!p2 s18, s25;
	[sflag:s6] =	ssyncadd.s32 $0xFFFFC000  }
0x187: {  	[tilespmem:s31], [sflag:$0x9] =	stream.indirect.gather [hbm4b:s21+s30], $0x80, s1, s30, $0xb8;
	[tilespmem:$0x1D800] =	vst v63  }
0x188: {  	p3 =	por p3, p1;
	s4 =	sadd.s32 @!p2 $0xFFF64600, s4;
	_ =	swait.ge [sflag:s7], $0x4000  }
0x189: {  	s29 =	sadd.s32 @!p3 $0xFFFFFFE0, s19;
	s4 =	sshrl.u32 @!p2 s4, $0x3;
	[sflag:s7] =	ssyncset.done $0x0  }
0x18a: {  	s4 =	sadd.s32 @!p2 s28, s4;
	s1 =	rddreg [dreg:$0xa];
	[sflag:s7] =	ssyncadd.s32 $0xFFFFC000  }
0x18b: {  	[spmem:s24] =	stream.indirect.scatter.add.f32 [tilespmem:s2], [sflag:$0xC], $0x80, s1, s30, $0xb8;
	[tilespmem:$0x1D800] =	vst v63  }
0x18c: {  	s4 =	smov.u32 @p2 s29;
	s8 =	simm.s32 @!p1 $0x15200  }
0x18d: {  	[tilespmem:s8], [sflag:$0x3] =	stream.linear.gather @!p1 [hbm4b:s4+s26], $0x100, $0x38;
	[tilespmem:$0x1D800] =	vst v63  }
0x18e: {  	_ =	swait.ge [sflag:s0], $0x100  }
0x18f: {  	[sflag:s0] =	ssyncset.done $0x0  }
0x190: {  	[sflag:s0] =	ssyncadd.s32 $0xFFFFFF00  }
0x191: {  	s17 =	smov.u32 s20;
	s18 =	sadd.s32 @!p1 s18, s25;
	_ =	swait.ge [sflag:s10], $0x4000  }
0x192: {  	s20 =	sadd.s32 $0x800, s20;
	s18 =	sadd.s32 @!p1 $0xFFF64700, s18;
	[sflag:s10] =	ssyncset.done $0x0  }
0x193: {  	p0 =	sne.s32 s20, $0x5000;
	s18 =	sshrl.u32 @!p1 s18, $0x3;
	[sflag:s10] =	ssyncadd.s32 $0xFFFFC000  }
0x194: {  	[tilespmem:s2], [sflag:$0xA] =	stream.indirect.gather [hbm4b:s21+s30], $0x80, s11, s30, $0xb8;
	[tilespmem:$0x1D800] =	vst v63  }
0x195: {  	s29 =	sadd.s32 @!p1 s28, s18;
	p2 =	slt.u32 @!p1 s16, $0x9C4;
	_ =	swait.ge [sflag:s3], $0x4000  }
0x196: {  	s18 =	smov.u32 s17;
	p2 =	por !p2, p1;
	[sflag:s3] =	ssyncset.done $0x0  }
0x197: {  	s4 =	smov.u32 s19;
	s17 =	rddreg [dreg:$0xb];
	[sflag:s3] =	ssyncadd.s32 $0xFFFFC000  }
0x198: {  	[spmem:s24] =	stream.indirect.scatter.add.f32 [tilespmem:s31], [sflag:$0xB], $0x80, s17, s30, $0xb8;
	[tilespmem:$0x1D800] =	vst v63  }
0x199: {  	s8 =	simm.s32 @!p1 $0x15300;
	s4 =	smov.u32 @p2 s29;
	s17 =	simm.s32 @!p1 $0x1  }
0x19a: {  	[tilespmem:s8], [sflag:$0x4] =	stream.linear.gather @!p1 [hbm4b:s4+s26], $0x100, $0x38;
	[tilespmem:$0x1D800] =	vst v63  }
0x19b: {  	s16 =	sadd.s32 $0x8, s16;
	s22 =	simm.s32 $0x15300;
	_ =	swait.ge @!p1 [sflag:s17], $0x100  }
.Ltmp1:
0x19c: {  	s26 =	sadd.s32 $0xFFFFFFF9, s16;
	[sflag:s17] =	ssyncset.done @!p1 $0x0;
	(pc) =	sbr.rel @p0 .LBB2_4-.Ltmp1, $4  }
0x19d: {  	s4 =	simm.s32 @!p1 $0xB;
	p2 =	sgt.u32 s26, $0x9C3;
	[sflag:s17] =	ssyncadd.s32 @!p1 $0xFFFFFF00  }
0x19e: {  	s19 =	sadd.s32 $0x100, s19;
	s8 =	sadd.s32 @p2 s18, s25;
	_ =	swait.ge @!p1 [sflag:s4], $0x4000  }
0x19f: {  	s29 =	simm.s32 @!p1 $0x80;
	s8 =	sadd.s32 @p2 $0xFFF64000, s8;
	[sflag:s4] =	ssyncset.done @!p1 $0x0  }
0x1a0: {  	s26 =	simm.s32 @!p1 $0x15800;
	s17 =	sshrl.u32 @p2 s8, $0x3;
	[sflag:s4] =	ssyncadd.s32 @!p1 $0xFFFFC000  }
0x1a1: {  	[tilespmem:s26], [sflag:$0x9] =	stream.indirect.gather @!p1 [hbm4b:s21+s29], $0x80, s23, s29, $0xb8;
	[tilespmem:$0x1D800] =	vst v63  }
0x1a2: {  	_ =	swait.ge [sflag:s7], $0x4000  }
0x1a3: {  	s8 =	sadd.s32 @p2 s28, s17;
	[sflag:s7] =	ssyncset.done $0x0  }
0x1a4: {  	s17 =	sadd.s32 @!p2 $0xFFFFFF20, s19;
	s4 =	rddreg [dreg:$0xc];
	[sflag:s7] =	ssyncadd.s32 $0xFFFFC000  }
0x1a5: {  	[spmem:s24] =	stream.indirect.scatter.add.f32 [tilespmem:s2], [sflag:$0xC], $0x80, s4, s30, $0xb8;
	[tilespmem:$0x1D800] =	vst v63  }
0x1a6: {  	s20 =	simm.s32 $0x15400;
	s1 =	simm.s32 $0x2;
	s17 =	smov.u32 @p2 s8  }
0x1a7: {  	[tilespmem:s20], [sflag:$0x5] =	stream.linear.gather [hbm4b:s17+s5], $0x100, $0x38;
	[tilespmem:$0x1D800] =	vst v63  }
0x1a8: {  	_ =	swait.ge [sflag:s1], $0x100  }
0x1a9: {  	p0 =	seq.s32 s18, $0x0;
	[sflag:s1] =	ssyncset.done $0x0  }
0x1aa: {  	s4 =	simm.s32 @!p0 $0xC;
	[sflag:s1] =	ssyncadd.s32 $0xFFFFFF00  }
0x1ab: {  	s1 =	sadd.s32 $0xFFFFFFFA, s16;
	_ =	swait.ge @!p0 [sflag:s4], $0x4000  }
0x1ac: {  	p1 =	sgt.u32 s1, $0x9C3;
	[sflag:s4] =	ssyncset.done @!p0 $0x0  }
0x1ad: {  	s8 =	simm.s32 $0x15100;
	[sflag:s4] =	ssyncadd.s32 @!p0 $0xFFFFC000;
	s4 =	sadd.s32 @p1 s18, s25  }
0x1ae: {  	[tilespmem:s2], [sflag:$0xA] =	stream.indirect.gather [hbm4b:s21+s30], $0x80, s8, s30, $0xb8;
	[tilespmem:$0x1D800] =	vst v63  }
0x1af: {  	s4 =	sadd.s32 @p1 $0xFFF64100, s4;
	_ =	swait.ge [sflag:s3], $0x4000  }
0x1b0: {  	s17 =	sadd.s32 @!p1 $0xFFFFFF40, s19;
	s4 =	sshrl.u32 @p1 s4, $0x3;
	[sflag:s3] =	ssyncset.done $0x0  }
0x1b1: {  	s11 =	rddreg [dreg:$0x5];
	s4 =	sadd.s32 @p1 s28, s4;
	[sflag:s3] =	ssyncadd.s32 $0xFFFFC000  }
0x1b2: {  	[spmem:s24] =	stream.indirect.scatter.add.f32 [tilespmem:s31], [sflag:$0xB], $0x80, s11, s30, $0xb8;
	[tilespmem:$0x1D800] =	vst v63  }
0x1b3: {  	s17 =	smov.u32 @p1 s4;
	s11 =	simm.s32 $0x15500  }
0x1b4: {  	[tilespmem:s11], [sflag:$0x6] =	stream.linear.gather [hbm4b:s17+s5], $0x100, $0x38;
	[tilespmem:$0x1D800] =	vst v63  }
0x1b5: {  	_ =	swait.ge [sflag:s9], $0x100  }
0x1b6: {  	[sflag:s9] =	ssyncset.done $0x0  }
0x1b7: {  	[sflag:s9] =	ssyncadd.s32 $0xFFFFFF00  }
0x1b8: {  	s23 =	sadd.s32 $0xFFFFFFFB, s16;
	_ =	swait.ge [sflag:s6], $0x4000  }
0x1b9: {  	p0 =	sgt.u32 s23, $0x9C3;
	[sflag:s6] =	ssyncset.done $0x0  }
0x1ba: {  	s26 =	simm.s32 $0x15200;
	s4 =	sadd.s32 @p0 s18, s25;
	[sflag:s6] =	ssyncadd.s32 $0xFFFFC000  }
0x1bb: {  	[tilespmem:s31], [sflag:$0x9] =	stream.indirect.gather [hbm4b:s21+s30], $0x80, s26, s30, $0xb8;
	[tilespmem:$0x1D800] =	vst v63  }
0x1bc: {  	s4 =	sadd.s32 @p0 $0xFFF64200, s4;
	_ =	swait.ge [sflag:s7], $0x4000  }
0x1bd: {  	s4 =	sshrl.u32 @p0 s4, $0x3;
	s17 =	sadd.s32 @!p0 $0xFFFFFF60, s19;
	[sflag:s7] =	ssyncset.done $0x0  }
0x1be: {  	s4 =	sadd.s32 @p0 s28, s4;
	s1 =	rddreg [dreg:$0x6];
	[sflag:s7] =	ssyncadd.s32 $0xFFFFC000  }
0x1bf: {  	[spmem:s24] =	stream.indirect.scatter.add.f32 [tilespmem:s2], [sflag:$0xC], $0x80, s1, s30, $0xb8;
	[tilespmem:$0x1D800] =	vst v63  }
0x1c0: {  	s17 =	smov.u32 @p0 s4;
	s9 =	simm.s32 $0x15600  }
0x1c1: {  	[tilespmem:s9], [sflag:$0x7] =	stream.linear.gather [hbm4b:s17+s5], $0x100, $0x38;
	[tilespmem:$0x1D800] =	vst v63  }
0x1c2: {  	_ =	swait.ge [sflag:s13], $0x100  }
0x1c3: {  	[sflag:s13] =	ssyncset.done $0x0  }
0x1c4: {  	[sflag:s13] =	ssyncadd.s32 $0xFFFFFF00  }
0x1c5: {  	s17 =	sadd.s32 $0xFFFFFFFC, s16;
	_ =	swait.ge [sflag:s10], $0x4000  }
0x1c6: {  	p0 =	sgt.u32 s17, $0x9C3;
	[sflag:s10] =	ssyncset.done $0x0  }
0x1c7: {  	s4 =	sadd.s32 @p0 s18, s25;
	[sflag:s10] =	ssyncadd.s32 $0xFFFFC000  }
0x1c8: {  	[tilespmem:s2], [sflag:$0xA] =	stream.indirect.gather [hbm4b:s21+s30], $0x80, s22, s30, $0xb8;
	[tilespmem:$0x1D800] =	vst v63  }
0x1c9: {  	s4 =	sadd.s32 @p0 $0xFFF64300, s4;
	_ =	swait.ge [sflag:s3], $0x4000  }
0x1ca: {  	s17 =	sadd.s32 @!p0 $0xFFFFFF80, s19;
	s4 =	sshrl.u32 @p0 s4, $0x3;
	[sflag:s3] =	ssyncset.done $0x0  }
0x1cb: {  	s4 =	sadd.s32 @p0 s28, s4;
	s22 =	rddreg [dreg:$0x7];
	[sflag:s3] =	ssyncadd.s32 $0xFFFFC000  }
0x1cc: {  	[spmem:s24] =	stream.indirect.scatter.add.f32 [tilespmem:s31], [sflag:$0xB], $0x80, s22, s30, $0xb8;
	[tilespmem:$0x1D800] =	vst v63  }
0x1cd: {  	s23 =	simm.s32 $0x15700;
	s17 =	smov.u32 @p0 s4  }
0x1ce: {  	[tilespmem:s23], [sflag:$0x8] =	stream.linear.gather [hbm4b:s17+s5], $0x100, $0x38;
	[tilespmem:$0x1D800] =	vst v63  }
0x1cf: {  	p0 =	seq.s32 s18, $0x4800;
	_ =	swait.ge [sflag:s15], $0x100  }
0x1d0: {  	s4 =	sadd.s32 @!p0 $0xFFFFFFFD, s16;
	[sflag:s15] =	ssyncset.done $0x0  }
0x1d1: {  	p1 =	sgt.u32 @!p0 s4, $0x9C3;
	[sflag:s15] =	ssyncadd.s32 $0xFFFFFF00  }
0x1d2: {  	p2 =	por !p1, p0;
	_ =	swait.ge [sflag:s6], $0x4000  }
0x1d3: {  	s8 =	sadd.s32 @!p2 s18, s25;
	[sflag:s6] =	ssyncset.done $0x0  }
0x1d4: {  	s8 =	sadd.s32 @!p2 $0xFFF64400, s8;
	[sflag:s6] =	ssyncadd.s32 $0xFFFFC000  }
0x1d5: {  	[tilespmem:s31], [sflag:$0x9] =	stream.indirect.gather [hbm4b:s21+s30], $0x80, s20, s30, $0xb8;
	[tilespmem:$0x1D800] =	vst v63  }
0x1d6: {  	s8 =	sshrl.u32 @!p2 s8, $0x3;
	_ =	swait.ge [sflag:s7], $0x4000  }
0x1d7: {  	p1 =	por p1, p0;
	s4 =	sadd.s32 @!p2 s28, s8;
	[sflag:s7] =	ssyncset.done $0x0  }
0x1d8: {  	s8 =	sadd.s32 @!p1 $0xFFFFFFA0, s19;
	s26 =	rddreg [dreg:$0x8];
	[sflag:s7] =	ssyncadd.s32 $0xFFFFC000  }
0x1d9: {  	[spmem:s24] =	stream.indirect.scatter.add.f32 [tilespmem:s2], [sflag:$0xC], $0x80, s26, s30, $0xb8;
	[tilespmem:$0x1D800] =	vst v63  }
0x1da: {  	s17 =	simm.s32 @!p0 $0x15000;
	s4 =	smov.u32 @p2 s8;
	s20 =	simm.s32 @!p0 $0x0  }
0x1db: {  	[tilespmem:s17], [sflag:$0x1] =	stream.linear.gather @!p0 [hbm4b:s4+s20], $0x100, $0x38;
	[tilespmem:$0x1D800] =	vst v63  }
0x1dc: {  	_ =	swait.ge [sflag:s14], $0x100  }
0x1dd: {  	[sflag:s14] =	ssyncset.done $0x0  }
0x1de: {  	s4 =	sadd.s32 @!p0 $0xFFFFFFFE, s16;
	[sflag:s14] =	ssyncadd.s32 $0xFFFFFF00  }
0x1df: {  	p1 =	sgt.u32 @!p0 s4, $0x9C3;
	_ =	swait.ge [sflag:s10], $0x4000  }
0x1e0: {  	p2 =	por !p1, p0;
	[sflag:s10] =	ssyncset.done $0x0  }
0x1e1: {  	s4 =	sadd.s32 @!p2 s18, s25;
	[sflag:s10] =	ssyncadd.s32 $0xFFFFC000  }
0x1e2: {  	[tilespmem:s2], [sflag:$0xA] =	stream.indirect.gather [hbm4b:s21+s30], $0x80, s11, s30, $0xb8;
	[tilespmem:$0x1D800] =	vst v63  }
0x1e3: {  	p1 =	por p1, p0;
	s4 =	sadd.s32 @!p2 $0xFFF64500, s4;
	_ =	swait.ge [sflag:s3], $0x4000  }
0x1e4: {  	s8 =	sadd.s32 @!p1 $0xFFFFFFC0, s19;
	s4 =	sshrl.u32 @!p2 s4, $0x3;
	[sflag:s3] =	ssyncset.done $0x0  }
0x1e5: {  	s4 =	sadd.s32 @!p2 s28, s4;
	s11 =	rddreg [dreg:$0x9];
	[sflag:s3] =	ssyncadd.s32 $0xFFFFC000  }
0x1e6: {  	[spmem:s24] =	stream.indirect.scatter.add.f32 [tilespmem:s31], [sflag:$0xB], $0x80, s11, s30, $0xb8;
	[tilespmem:$0x1D800] =	vst v63  }
0x1e7: {  	s4 =	smov.u32 @p2 s8;
	s8 =	simm.s32 @!p0 $0x15100  }
0x1e8: {  	[tilespmem:s8], [sflag:$0x2] =	stream.linear.gather @!p0 [hbm4b:s4+s20], $0x100, $0x38;
	[tilespmem:$0x1D800] =	vst v63  }
0x1e9: {  	_ =	swait.ge [sflag:s12], $0x100  }
0x1ea: {  	[sflag:s12] =	ssyncset.done $0x0  }
0x1eb: {  	s4 =	sadd.s32 @!p0 $0xFFFFFFFF, s16;
	[sflag:s12] =	ssyncadd.s32 $0xFFFFFF00  }
0x1ec: {  	p1 =	sgt.u32 @!p0 s4, $0x9C3;
	_ =	swait.ge [sflag:s6], $0x4000  }
0x1ed: {  	p2 =	por !p1, p0;
	[sflag:s6] =	ssyncset.done $0x0  }
0x1ee: {  	s4 =	sadd.s32 @!p2 s18, s25;
	[sflag:s6] =	ssyncadd.s32 $0xFFFFC000  }
0x1ef: {  	[tilespmem:s31], [sflag:$0x9] =	stream.indirect.gather [hbm4b:s21+s30], $0x80, s9, s30, $0xb8;
	[tilespmem:$0x1D800] =	vst v63  }
0x1f0: {  	p1 =	por p1, p0;
	s4 =	sadd.s32 @!p2 $0xFFF64600, s4;
	_ =	swait.ge [sflag:s7], $0x4000  }
0x1f1: {  	s8 =	sadd.s32 @!p1 $0xFFFFFFE0, s19;
	s4 =	sshrl.u32 @!p2 s4, $0x3;
	[sflag:s7] =	ssyncset.done $0x0  }
0x1f2: {  	s4 =	sadd.s32 @!p2 s28, s4;
	s12 =	rddreg [dreg:$0xa];
	[sflag:s7] =	ssyncadd.s32 $0xFFFFC000  }
0x1f3: {  	[spmem:s24] =	stream.indirect.scatter.add.f32 [tilespmem:s2], [sflag:$0xC], $0x80, s12, s30, $0xb8;
	[tilespmem:$0x1D800] =	vst v63  }
0x1f4: {  	s4 =	smov.u32 @p2 s8;
	s8 =	simm.s32 @!p0 $0x15200  }
0x1f5: {  	[tilespmem:s8], [sflag:$0x3] =	stream.linear.gather @!p0 [hbm4b:s4+s20], $0x100, $0x38;
	[tilespmem:$0x1D800] =	vst v63  }
0x1f6: {  	_ =	swait.ge [sflag:s0], $0x100  }
0x1f7: {  	[sflag:s0] =	ssyncset.done $0x0  }
0x1f8: {  	[sflag:s0] =	ssyncadd.s32 $0xFFFFFF00  }
0x1f9: {  	_ =	swait.ge [sflag:s10], $0x4000  }
0x1fa: {  	[sflag:s10] =	ssyncset.done $0x0  }
0x1fb: {  	s4 =	sadd.s32 @!p0 s18, s25;
	[sflag:s10] =	ssyncadd.s32 $0xFFFFC000  }
0x1fc: {  	[tilespmem:s2], [sflag:$0xA] =	stream.indirect.gather [hbm4b:s21+s30], $0x80, s23, s30, $0xb8;
	[tilespmem:$0x1D800] =	vst v63  }
0x1fd: {  	p1 =	slt.u32 @!p0 s16, $0x9C4;
	s4 =	sadd.s32 @!p0 $0xFFF64700, s4;
	_ =	swait.ge [sflag:s3], $0x4000  }
0x1fe: {  	p1 =	por !p1, p0;
	s4 =	sshrl.u32 @!p0 s4, $0x3;
	[sflag:s3] =	ssyncset.done $0x0  }
0x1ff: {  	s4 =	sadd.s32 @!p0 s28, s4;
	s14 =	rddreg [dreg:$0xb];
	[sflag:s3] =	ssyncadd.s32 $0xFFFFC000  }
0x200: {  	[spmem:s24] =	stream.indirect.scatter.add.f32 [tilespmem:s31], [sflag:$0xB], $0x80, s14, s30, $0xb8;
	[tilespmem:$0x1D800] =	vst v63  }
0x201: {  	s19 =	smov.u32 @p1 s4;
	s4 =	simm.s32 @!p0 $0x15300  }
0x202: {  	[tilespmem:s4], [sflag:$0x4] =	stream.linear.gather @!p0 [hbm4b:s19+s20], $0x100, $0x38;
	[tilespmem:$0x1D800] =	vst v63  }
0x203: {  	s4 =	simm.s32 @!p0 $0x1  }
0x204: {  	_ =	swait.ge @!p0 [sflag:s4], $0x100  }
0x205: {  	[sflag:s4] =	ssyncset.done @!p0 $0x0  }
0x206: {  	[sflag:s4] =	ssyncadd.s32 @!p0 $0xFFFFFF00;
	s4 =	simm.s32 @!p0 $0xB  }
0x207: {  	_ =	swait.ge @!p0 [sflag:s4], $0x4000  }
0x208: {  	[sflag:s4] =	ssyncset.done @!p0 $0x0  }
0x209: {  	s8 =	simm.s32 @!p0 $0x15800;
	[sflag:s4] =	ssyncadd.s32 @!p0 $0xFFFFC000;
	s4 =	simm.s32 @!p0 $0x80  }
0x20a: {  	[tilespmem:s8], [sflag:$0x9] =	stream.indirect.gather @!p0 [hbm4b:s21+s4], $0x80, s17, s4, $0xb8;
	[tilespmem:$0x1D800] =	vst v63  }
0x20b: {  	_ =	swait.ge [sflag:s7], $0x4000  }
0x20c: {  	[sflag:s7] =	ssyncset.done $0x0  }
0x20d: {  	s19 =	rddreg [dreg:$0xc];
	[sflag:s7] =	ssyncadd.s32 $0xFFFFC000  }
0x20e: {  	[spmem:s24] =	stream.indirect.scatter.add.f32 [tilespmem:s2], [sflag:$0xC], $0x80, s19, s30, $0xb8;
	[tilespmem:$0x1D800] =	vst v63  }
0x20f: {  	_ =	swait.ge [sflag:s6], $0x4000  }
0x210: {  	[sflag:s6] =	ssyncset.done $0x0  }
0x211: {  	[sflag:s6] =	ssyncadd.s32 $0xFFFFC000  }
0x212: {  	_ =	swait.ge [sflag:s10], $0x4000  }
0x213: {  	[sflag:s10] =	ssyncset.done $0x0  }
0x214: {  	[sflag:s10] =	ssyncadd.s32 $0xFFFFC000  }
0x215: {  	[bflag:$0x0] =	sbarrier.arrive $0xFFFF  }
0x216: {  	s26 =	sld [smem:$0x7F9]  }
0x217: {  	s20 =	stileid.u32  }
0x218: {  	s4 =	sshll.u32 s20, $0x6  }
0x219: {  	s16 =	sor.u32 $0x1C0D, s4;
	s23 =	rddreg [dreg:$0xd];
	s22 =	sshrl.u32 s26, $0x3  }
0x21a: {  	[hbm:s23], [sflag:s16] =	dma.local [spmem:s22], $0x200  }
0x21b: {  	s23 =	simm.s32 $0xD  }
0x21c: {  	_ =	swait.ge [sflag:s23], $0x200  }
0x21d: {  	s22 =	sld [smem:$0x7FA];
	_ =	sdelay $0x1  }
0x21e: {  	[sflag:s23] =	ssyncset.done $0x0  }
0x21f: {  	s1 =	rddreg [dreg:$0xe];
	[sflag:s23] =	ssyncadd.s32 $0xFFFFFE00;
	s0 =	sshrl.u32 s22, $0x3  }
0x220: {  	[hbm:s1], [sflag:s16] =	dma.local [spmem:s0], $0x200  }
0x221: {  	_ =	swait.ge [sflag:s23], $0x200  }
0x222: {  	s20 =	sld [smem:$0x7FB];
	_ =	sdelay $0x1  }
0x223: {  	[sflag:s23] =	ssyncset.done $0x0  }
0x224: {  	s9 =	rddreg [dreg:$0xf];
	[sflag:s23] =	ssyncadd.s32 $0xFFFFFE00;
	s8 =	sshrl.u32 s20, $0x3  }
0x225: {  	[hbm:s9], [sflag:s16] =	dma.local [spmem:s8], $0x200  }
0x226: {  	_ =	swait.ge [sflag:s23], $0x200  }
0x227: {  	s19 =	sld [smem:$0x7FC];
	_ =	sdelay $0x1  }
0x228: {  	[sflag:s23] =	ssyncset.done $0x0  }
0x229: {  	s12 =	rddreg [dreg:$0x10];
	[sflag:s23] =	ssyncadd.s32 $0xFFFFFE00;
	s11 =	sshrl.u32 s19, $0x3  }
0x22a: {  	[hbm:s12], [sflag:s16] =	dma.local [spmem:s11], $0x200  }
0x22b: {  	_ =	swait.ge [sflag:s23], $0x200  }
0x22c: {  	s18 =	sld [smem:$0x7FD];
	_ =	sdelay $0x1  }
0x22d: {  	[sflag:s23] =	ssyncset.done $0x0  }
0x22e: {  	s17 =	rddreg [dreg:$0x11];
	[sflag:s23] =	ssyncadd.s32 $0xFFFFFE00;
	s14 =	sshrl.u32 s18, $0x3  }
0x22f: {  	[hbm:s17], [sflag:s16] =	dma.local [spmem:s14], $0x200  }
0x230: {  	_ =	swait.ge [sflag:s23], $0x200  }
0x231: {  	s0 =	sld [smem:$0x7E2];
	_ =	sdelay $0x1  }
0x232: {  	[sflag:s23] =	ssyncset.done $0x0  }
0x233: {  	s1 =	rddreg [dreg:$0x12];
	[sflag:s23] =	ssyncadd.s32 $0xFFFFFE00;
	s4 =	sshrl.u32 s0, $0x3  }
0x234: {  	[hbm:s1], [sflag:s16] =	dma.local [spmem:s4], $0x200  }
0x235: {  	_ =	swait.ge [sflag:s23], $0x200  }
0x236: {  	s8 =	sld [smem:$0x7E3];
	_ =	sdelay $0x1  }
0x237: {  	[sflag:s23] =	ssyncset.done $0x0  }
0x238: {  	s9 =	rddreg [dreg:$0x13];
	[sflag:s23] =	ssyncadd.s32 $0xFFFFFE00;
	s4 =	sshrl.u32 s8, $0x3  }
0x239: {  	[hbm:s9], [sflag:s16] =	dma.local [spmem:s4], $0x200  }
0x23a: {  	_ =	swait.ge [sflag:s23], $0x200  }
0x23b: {  	s11 =	sld [smem:$0x7E4];
	_ =	sdelay $0x1  }
0x23c: {  	[sflag:s23] =	ssyncset.done $0x0  }
0x23d: {  	s12 =	rddreg [dreg:$0x14];
	[sflag:s23] =	ssyncadd.s32 $0xFFFFFE00;
	s4 =	sshrl.u32 s11, $0x3  }
0x23e: {  	[hbm:s12], [sflag:s16] =	dma.local [spmem:s4], $0x200  }
0x23f: {  	_ =	swait.ge [sflag:s23], $0x200  }
0x240: {  	s14 =	sld [smem:$0x7E5];
	_ =	sdelay $0x1  }
0x241: {  	[sflag:s23] =	ssyncset.done $0x0  }
0x242: {  	s17 =	rddreg [dreg:$0x15];
	[sflag:s23] =	ssyncadd.s32 $0xFFFFFE00;
	s4 =	sshrl.u32 s14, $0x3  }
0x243: {  	[hbm:s17], [sflag:s16] =	dma.local [spmem:s4], $0x200  }
0x244: {  	_ =	swait.ge [sflag:s23], $0x200  }
0x245: {  	s0 =	sld [smem:$0x7E6];
	_ =	sdelay $0x1  }
0x246: {  	[sflag:s23] =	ssyncset.done $0x0  }
0x247: {  	s1 =	rddreg [dreg:$0x16];
	[sflag:s23] =	ssyncadd.s32 $0xFFFFFE00;
	s4 =	sshrl.u32 s0, $0x3  }
0x248: {  	[hbm:s1], [sflag:s16] =	dma.local [spmem:s4], $0x200  }
0x249: {  	_ =	swait.ge [sflag:s23], $0x200  }
0x24a: {  	s8 =	sld [smem:$0x7E7];
	_ =	sdelay $0x1  }
0x24b: {  	[sflag:s23] =	ssyncset.done $0x0  }
0x24c: {  	s9 =	rddreg [dreg:$0x17];
	[sflag:s23] =	ssyncadd.s32 $0xFFFFFE00;
	s4 =	sshrl.u32 s8, $0x3  }
0x24d: {  	[hbm:s9], [sflag:s16] =	dma.local [spmem:s4], $0x200  }
0x24e: {  	_ =	swait.ge [sflag:s23], $0x200  }
0x24f: {  	s11 =	sld [smem:$0x7E8];
	_ =	sdelay $0x1  }
0x250: {  	[sflag:s23] =	ssyncset.done $0x0  }
0x251: {  	s12 =	rddreg [dreg:$0x18];
	[sflag:s23] =	ssyncadd.s32 $0xFFFFFE00;
	s4 =	sshrl.u32 s11, $0x3  }
0x252: {  	[hbm:s12], [sflag:s16] =	dma.local [spmem:s4], $0x200  }
0x253: {  	_ =	swait.ge [sflag:s23], $0x200  }
0x254: {  	s14 =	sld [smem:$0x7E9];
	_ =	sdelay $0x1  }
0x255: {  	[sflag:s23] =	ssyncset.done $0x0  }
0x256: {  	s17 =	rddreg [dreg:$0x19];
	[sflag:s23] =	ssyncadd.s32 $0xFFFFFE00;
	s4 =	sshrl.u32 s14, $0x3  }
0x257: {  	[hbm:s17], [sflag:s16] =	dma.local [spmem:s4], $0x200  }
0x258: {  	_ =	swait.ge [sflag:s23], $0x200  }
0x259: {  	s0 =	sld [smem:$0x7EA];
	_ =	sdelay $0x1  }
0x25a: {  	[sflag:s23] =	ssyncset.done $0x0  }
0x25b: {  	s1 =	rddreg [dreg:$0x1a];
	[sflag:s23] =	ssyncadd.s32 $0xFFFFFE00;
	s4 =	sshrl.u32 s0, $0x3  }
0x25c: {  	[hbm:s1], [sflag:s16] =	dma.local [spmem:s4], $0x200  }
0x25d: {  	_ =	swait.ge [sflag:s23], $0x200  }
0x25e: {  	s8 =	sld [smem:$0x7EB];
	_ =	sdelay $0x1  }
0x25f: {  	[sflag:s23] =	ssyncset.done $0x0  }
0x260: {  	s9 =	rddreg [dreg:$0x1b];
	[sflag:s23] =	ssyncadd.s32 $0xFFFFFE00;
	s4 =	sshrl.u32 s8, $0x3  }
0x261: {  	[hbm:s9], [sflag:s16] =	dma.local [spmem:s4], $0x200  }
0x262: {  	_ =	swait.ge [sflag:s23], $0x200  }
0x263: {  	s11 =	sld [smem:$0x7EC];
	_ =	sdelay $0x1  }
0x264: {  	[sflag:s23] =	ssyncset.done $0x0  }
0x265: {  	s12 =	rddreg [dreg:$0x1c];
	[sflag:s23] =	ssyncadd.s32 $0xFFFFFE00;
	s4 =	sshrl.u32 s11, $0x3  }
0x266: {  	[hbm:s12], [sflag:s16] =	dma.local [spmem:s4], $0x200  }
0x267: {  	_ =	swait.ge [sflag:s23], $0x200  }
0x268: {  	s14 =	sld [smem:$0x7ED];
	_ =	sdelay $0x1  }
0x269: {  	[sflag:s23] =	ssyncset.done $0x0  }
0x26a: {  	s17 =	rddreg [dreg:$0x1d];
	[sflag:s23] =	ssyncadd.s32 $0xFFFFFE00;
	s4 =	sshrl.u32 s14, $0x3  }
0x26b: {  	[hbm:s17], [sflag:s16] =	dma.local [spmem:s4], $0x200  }
0x26c: {  	_ =	swait.ge [sflag:s23], $0x200  }
0x26d: {  	s0 =	sld [smem:$0x7EE];
	_ =	sdelay $0x1  }
0x26e: {  	[sflag:s23] =	ssyncset.done $0x0  }
0x26f: {  	s1 =	rddreg [dreg:$0x1e];
	[sflag:s23] =	ssyncadd.s32 $0xFFFFFE00;
	s4 =	sshrl.u32 s0, $0x3  }
0x270: {  	[hbm:s1], [sflag:s16] =	dma.local [spmem:s4], $0x200  }
0x271: {  	_ =	swait.ge [sflag:s23], $0x200  }
0x272: {  	s9 =	sld [smem:$0x7EF];
	_ =	sdelay $0x1  }
0x273: {  	[sflag:s23] =	ssyncset.done $0x0  }
0x274: {  	s11 =	rddreg [dreg:$0x1f];
	[sflag:s23] =	ssyncadd.s32 $0xFFFFFE00;
	s4 =	sshrl.u32 s9, $0x3  }
0x275: {  	[hbm:s11], [sflag:s16] =	dma.local [spmem:s4], $0x200  }
0x276: {  	_ =	swait.ge [sflag:s23], $0x200  }
0x277: {  	s12 =	sld [smem:$0x7F0]  }
0x278: {  	s14 =	sld [smem:$0x7E1]  }
0x279: {  	[sflag:s23] =	ssyncset.done $0x0  }
0x27a: {  	[sflag:s23] =	ssyncadd.s32 $0xFFFFFE00;
	s4 =	sshrl.u32 s12, $0x3  }
0x27b: {  	[hbm:s14], [sflag:s16] =	dma.local [spmem:s4], $0x200  }
0x27c: {  	_ =	swait.ge [sflag:s23], $0x200  }
0x27d: {  	s16 =	sld [smem:$0x7E0]  }
0x27e: {  	s17 =	sld [smem:$0x7F2];
	_ =	sdelay $0x1  }
0x27f: {  	s0 =	sadd.s32 $0x1, s16  }
0x280: {  	p0 =	sne.s32 s0, s17  }
.Ltmp2:
0x281: {  	_ = 	snop;
	(pc) =	sbr.rel @p0 .LBB2_1-.Ltmp2, $3  }
0x282: {  	_ =	sdelay $0x1  }
0x283: {  	s29 =	simm.s32 $0x15100;
	[sflag:s23] =	ssyncset.done $0x0  }
0x284: {  	s1 =	simm.s32 $0x0;
	s11 =	simm.s32 $0x15200;
	[sflag:s23] =	ssyncadd.s32 $0xFFFFFE00  }
0x285: {  	_ =	sfence.sel $0x180000  }
0x286: {  	[bflag:$0x0] =	sbarrier.arrive $0xFFFF  }
0x287: {  	_ =	strace $0x9000004A  }
0x288: {  	s0 =	stileid.u32;
	[bflag:$0x2] =	sbarrier.arrive $0xFFFF  }
0x289: {  	p0 =	sne.s32 s0, $0x0;
	s0 =	rddreg [dreg:$0x4]  }
0x28a: {  	s0 =	sadd.s32 @!p0 $0x100000, s0  }
0x28b: {  	[sflag:s0] =	ssyncadd.tile.s32 @!p0 $0x1;
	_ =	shalt  }
.Lfunc_end2:
_tile_overlayer_lowered:
.L_overlay_start_2:
0x28c: {  	(tag) =	ssettag $0x2  }
0x28d: {  	s0 =	rddreg [dreg:$0x0];
	s2 =	stileid.u32  }
0x28e: {  	s1 =	rddreg [dreg:$0x1];
	p0 =	sne.s32 s2, $0x0  }
0x28f: {  	s3 =	rddreg [dreg:$0x2];
	[bflag:$0x3] =	sbarrier.arrive $0xFFFF;
	s2 =	simm.s32 @!p0 $0x1C0D  }
0x290: {  	[timem:s3], [sflag:s2] =	dma.local @!p0 [hbm:s0], s1  }
0x291: {  	s0 =	simm.s32 @!p0 $0xD  }
0x292: {  	_ =	swait.ge @!p0 [sflag:s0], s1  }
0x293: {  	s1 =	ssub.s32 @!p0 $0x0, s1;
	[sflag:s0] =	ssyncset.done @!p0 $0x0  }
0x294: {  	[sflag:s0] =	ssyncadd.s32 @!p0 s1  }
0x295: {  	[bflag:$0x3] =	sbarrier.arrive $0xFFFF  }
0x296: {  	_ =	shalt  }

// kernel: kernel.7.cloned.1.call-start
scs
__scs_entry_jumppad:
0x0: {  	(pc) =	sbr.rel $0x88, $3  }
0x1: {  	(tag) =	ssettag $0x0;
	lr =	simm.s32 $0x1  }
0x2: {  	[smem:$0x3F9C] =	sst lr;
	_ =	strace $0xD0000000  }
0x3: {  	_ = 	snop  }
0x4: {  	_ = 	snop  }
0x5: {  	_ = 	snop  }
0x6: {  	_ = 	snop  }
0x7: {  	_ = 	snop  }
__scs_overlays_trampoline_lowered:
0x8: {  	[smem:$0x3FAB] =	sst s0  }
0x9: {  	[smem:$0x3FAC] =	sst s1  }
0xa: {  	[smem:$0x3FAD] =	sst s2  }
0xb: {  	[smem:$0x3FAE] =	sst s3  }
0xc: {  	[smem:$0x3FAF] =	sst s4  }
0xd: {  	[smem:$0x3FB0] =	sst s5  }
0xe: {  	[smem:$0x3FB1] =	sst s6  }
0xf: {  	[smem:$0x3FB2] =	sst s7  }
0x10: {  	[smem:$0x3FB3] =	sst s8  }
0x11: {  	[smem:$0x3FB4] =	sst s9;
	s0 =	simm.s32 @!p0 $0x0  }
0x12: {  	s1 =	sld [smem:$0x3F9A];
	s0 =	simm.s32 @p0 $0x1  }
0x13: {  	[smem:$0x3FB5] =	sst s0;
	s0 =	simm.s32 @!p1 $0x0  }
0x14: {  	s2 =	sld [smem:$0x3F99];
	s0 =	simm.s32 @p1 $0x1  }
0x15: {  	[smem:$0x3FB6] =	sst s0;
	s0 =	simm.s32 @!p2 $0x0  }
0x16: {  	s3 =	sld [smem:$0x3FDB];
	s0 =	simm.s32 @p2 $0x1  }
0x17: {  	s4 =	simm.s32 $0x1BF5;
	[smem:$0x3FB8] =	sst s0  }
0x18: {  	s0 =	sld [smem:$0x3F9B];
	_ =	swait.ge [sflag:s4], $0x0  }
0x19: {  	s7 =	sld [smem:$0x3F9C]  }
0x1a: {  	s8 =	sadd.s32 $0xFFFFE003, lr  }
0x1b: {  	s9 =	sadd.s32 $0xFFFFFEF7, lr;
	s5 =	simm.s32 $0xFFFFFFFF;
	p2 =	slt.u32 s8, $0xFFFFF086  }
0x1c: {  	p1 =	slt.u32 s9, $0xF7A;
	s5 =	simm.s32 @!p2 $0x0  }
0x1d: {  	s5 =	simm.s32 @p1 $0x1;
	p0 =	seq.s32 s7, s2  }
0x1e: {  	s7 =	smul.u32 @!p0 $0xF7A, s2;
	p2 =	seq.s32 @!p0 s5, $0x0  }
0x1f: {  	s9 =	smul.u32 $0xF7A, s1;
	s8 =	simm.s32 @!p0 $0x1BF5;
	p2 =	por !p2, p0  }
0x20: {  	[sflag:s8] =	ssyncset.s32 @!p0 $0xFFFFF086;
	s6 =	sadd.s32 @!p0 s3, s7;
	s7 =	simm.s32 @!p0 $0x108  }
0x21: {  	s3 =	sadd.s32 s3, s9;
	s6 =	sadd.s32 @!p0 $0x88, s6;
	s7 =	simm.s32 @p2 $0x1082  }
0x22: {  	[simem:s7], [sflag:s8] =	dma.local @!p0 [hbm:s6], $0xF7A  }
0x23: {  	s9 =	sor.u32 $0xD0000000, s2;
	s6 =	simm.s32 $0x108;
	_ =	swait.ge @!p0 [sflag:s8], $0x0  }
0x24: {  	s3 =	sadd.s32 $0x88, s3;
	s6 =	simm.s32 @!p1 $0x1082;
	[sflag:s4] =	ssyncset.s32 $0xFFFFF086  }
0x25: {  	[simem:s6], [sflag:s4] =	dma.local [hbm:s3], $0xF7A  }
0x26: {  	[smem:$0x3F9C] =	sst s1;
	(tag) =	ssettag s2;
	_ =	strace s9  }
0x27: {  	s1 =	sld [smem:$0x3FAC]  }
0x28: {  	s2 =	sld [smem:$0x3FAD]  }
0x29: {  	s4 =	sld [smem:$0x3FAF]  }
0x2a: {  	p0 =	seq.s32 s5, $0x0;
	s5 =	sld [smem:$0x3FB0]  }
0x2b: {  	s6 =	sld [smem:$0x3FB1]  }
0x2c: {  	s7 =	sld [smem:$0x3FB2]  }
0x2d: {  	s3 =	simm.s32 $0x108;
	s8 =	sld [smem:$0x3FB3]  }
0x2e: {  	s3 =	simm.s32 @!p0 $0x1082;
	s9 =	sld [smem:$0x3FB4]  }
0x2f: {  	lr =	sadd.s32 s0, s3;
	s0 =	sld [smem:$0x3FAB]  }
0x30: {  	s3 =	sld [smem:$0x3FAE]  }
0x31: {  	[smem:$0x3FB7] =	sst s10  }
0x32: {  	s10 =	sld [smem:$0x3FB5];
	_ =	sdelay $0x3  }
0x33: {  	p0 =	seq.s32 s10, $0x1;
	s10 =	sld [smem:$0x3FB7];
	_ =	sdelay $0x3  }
0x34: {  	[smem:$0x3FB7] =	sst s10  }
0x35: {  	s10 =	sld [smem:$0x3FB6];
	_ =	sdelay $0x3  }
0x36: {  	p1 =	seq.s32 s10, $0x1;
	s10 =	sld [smem:$0x3FB7];
	_ =	sdelay $0x3  }
0x37: {  	[smem:$0x3FB7] =	sst s10  }
0x38: {  	s10 =	sld [smem:$0x3FB8]  }
0x39: {  	_ = 	snop;
	(pc) =	sbr.ind lr, $3  }
0x3a: {  	_ = 	snop  }
0x3b: {  	_ = 	snop  }
0x3c: {  	p2 =	seq.s32 s10, $0x1;
	s10 =	sld [smem:$0x3FB7]  }
0x3d: {  	_ =	shalt  }
0x3e: {  	_ =	shalt  }
0x3f: {  	_ =	shalt  }
0x40: {  	_ =	shalt  }
0x41: {  	_ =	shalt  }
0x42: {  	_ =	shalt  }
0x43: {  	_ =	shalt  }
0x44: {  	_ =	shalt  }
0x45: {  	_ =	shalt  }
0x46: {  	_ =	shalt  }
0x47: {  	_ =	shalt  }
0x48: {  	_ =	shalt  }
0x49: {  	_ =	shalt  }
0x4a: {  	_ =	shalt  }
0x4b: {  	_ =	shalt  }
0x4c: {  	_ =	shalt  }
0x4d: {  	_ =	shalt  }
0x4e: {  	_ =	shalt  }
0x4f: {  	_ =	shalt  }
0x50: {  	_ =	shalt  }
0x51: {  	_ =	shalt  }
0x52: {  	_ =	shalt  }
0x53: {  	_ =	shalt  }
0x54: {  	_ =	shalt  }
0x55: {  	_ =	shalt  }
0x56: {  	_ =	shalt  }
0x57: {  	_ =	shalt  }
0x58: {  	_ =	shalt  }
0x59: {  	_ =	shalt  }
0x5a: {  	_ =	shalt  }
0x5b: {  	_ =	shalt  }
0x5c: {  	_ =	shalt  }
0x5d: {  	_ =	shalt  }
0x5e: {  	_ =	shalt  }
0x5f: {  	_ =	shalt  }
0x60: {  	_ =	shalt  }
0x61: {  	_ =	shalt  }
0x62: {  	_ =	shalt  }
0x63: {  	_ =	shalt  }
0x64: {  	_ =	shalt  }
0x65: {  	_ =	shalt  }
0x66: {  	_ =	shalt  }
0x67: {  	_ =	shalt  }
0x68: {  	_ =	shalt  }
0x69: {  	_ =	shalt  }
0x6a: {  	_ =	shalt  }
0x6b: {  	_ =	shalt  }
0x6c: {  	_ =	shalt  }
0x6d: {  	_ =	shalt  }
0x6e: {  	_ =	shalt  }
0x6f: {  	_ =	shalt  }
0x70: {  	_ =	shalt  }
0x71: {  	_ =	shalt  }
0x72: {  	_ =	shalt  }
0x73: {  	_ =	shalt  }
0x74: {  	_ =	shalt  }
0x75: {  	_ =	shalt  }
0x76: {  	_ =	shalt  }
0x77: {  	_ =	shalt  }
0x78: {  	_ =	shalt  }
0x79: {  	_ =	shalt  }
0x7a: {  	_ =	shalt  }
0x7b: {  	_ =	shalt  }
0x7c: {  	_ =	shalt  }
0x7d: {  	_ =	shalt  }
0x7e: {  	_ =	shalt  }
0x7f: {  	_ =	shalt  }
0x80: {  	_ =	shalt  }
0x81: {  	_ =	shalt  }
0x82: {  	_ =	shalt  }
0x83: {  	_ =	shalt  }
0x84: {  	_ =	shalt  }
0x85: {  	_ =	shalt  }
0x86: {  	_ =	shalt  }
0x87: {  	_ =	shalt  }
.Lfunc_end0:
.L_simem_size_0:
called_computation_lowered:
.L_overlay_start_0:
0x88: {  	s2 =	sld [smem:$0x3FD9]  }
0x89: {  	s3 =	sld [smem:$0x3FFE];
	_ =	sdelay $0x1  }
0x8a: {  	s1 =	srdreg.scid  }
0x8b: {  	s0 =	sand.u32 $0x1, s1  }
0x8c: {  	s18 =	sshll.u32 s0, $0xA;
	s2 =	sadd.s32 s3, s2  }
0x8d: {  	s2 =	sadd.s32 s2, s18  }
0x8e: {  	[smem:$0x3FC3] =	sst s2  }
0x8f: {  	_ = 	snop  }
0x90: {  	s2 =	sld [smem:$0x3FC8]  }
0x91: {  	s19 =	sld [smem:$0x3FD0];
	(tm) =	ssettm $0x1  }
0x92: {  	s4 =	sld [smem:$0x3FFB];
	_ =	sdelay $0x3  }
0x93: {  	_ =	strace s4  }
0x94: {  	s4 =	sld [smem:$0x3FFC];
	_ =	sdelay $0x3  }
0x95: {  	_ =	strace s4  }
0x96: {  	s4 =	sld [smem:$0x3FFD];
	_ =	sdelay $0x3  }
0x97: {  	_ =	strace s4  }
0x98: {  	_ =	strace $0x8FFFFFFF  }
0x99: {  	s20 =	sld [smem:$0x3FDB];
	_ =	sdelay $0x1  }
0x9a: {  	s5 =	simm.s32 $_scs_section_size  }
0x9b: {  	s6 =	simm.s32 $_size__tile_overlayer_lowered;
	s7 =	simm.s32 $_tile_overlayer_lowered  }
0x9c: {  	s23 =	simm.s32 $0x1BFF;
	s22 =	sshll.u32 s7, $0x1;
	s4 =	sadd.s32 s5, s20  }
0x9d: {  	s8 =	simm.s32 $0x0;
	s21 =	sshll.u32 s6, $0x1;
	s6 =	sadd.s32 s22, s4  }
0x9e: {  	[timem:s8], [sflag:s23] =	dma.local [hbm:s6], s21  }
0x9f: {  	_ =	swait.ge [sflag:s23], s21  }
0xa0: {  	s5 =	ssub.s32 $0x0, s21;
	[sflag:s23] =	ssyncset.done $0x0  }
0xa1: {  	[sflag:s23] =	ssyncadd.s32 s5;
	_ =	sdelay $0x1  }
0xa2: {  	s24 =	simm.s32 $0x1B8B  }
0xa3: {  	_ =	swait.ge [sflag:s24], $0x1  }
0xa4: {  	[sflag:s24] =	ssyncset.done $0x0  }
0xa5: {  	s25 =	simm.s32 $0x1B8E;
	[sflag:s24] =	ssyncadd.s32 $0xFFFFFFFF  }
0xa6: {  	s26 =	simm.s32 $execute0_lowered;
	[smem:$0x3FD2] =	sst s25  }
0xa7: {  	s5 =	sshll.u32 s26, $0x1;
	_ =	strace $0x80000046;
	[dreg:$0x1] =	wrdreg $0xFFFFFFFF  }
0xa8: {  	s28 =	simm.s32 $_size_execute0_lowered;
	s4 =	sadd.s32 s4, s5;
	[dreg:$0x0] =	wrdreg $0x0  }
0xa9: {  	s5 =	sshll.u32 s28, $0x1;
	[dreg:$0x2] =	wrdreg s4  }
0xaa: {  	[dreg:$0x3] =	wrdreg s5  }
0xab: {  	[dreg:$0x4] =	wrdreg $0xC0  }
0xac: {  	_ =	task [dreg:s8], $0x5FFFF  }
0xad: {  	[dreg:$0x1] =	wrdreg $0xFFFFFFFF  }
0xae: {  	[dreg:$0x0] =	wrdreg $0x60  }
0xaf: {  	[dreg:$0x2] =	wrdreg s2  }
0xb0: {  	[dreg:$0x3] =	wrdreg s19  }
0xb1: {  	[dreg:$0x4] =	wrdreg $0x9  }
0xb2: {  	_ =	task.clear_ibuf [dreg:s8], $0x5FFFF;
	_ =	strace $0x90000046  }
0xb3: {  	s29 =	simm.s32 $0x9;
	_ =	strace $0x80000048  }
0xb4: {  	_ =	swait.ge [sflag:s29], $0x1  }
0xb5: {  	[sflag:s29] =	ssyncadd.s32 $0xFFFFFFFF  }
0xb6: {  	_ =	strace $0x90000048  }
0xb7: {  	_ =	sfence  }
0xb8: {  	s30 =	sld [smem:$0x0];
	_ =	sdelay $0x2  }
0xb9: {  	s31 =	sshll.u32 s1, $0xD;
	s1 =	sshrl.u32 s1, $0x2  }
0xba: {  	s3 =	sand.u32 $0x4000, s31;
	s1 =	sadd.s32 s1, s30  }
0xbb: {  	s0 =	sor.u32 s3, s0;
	s1 =	sshll.u32 s1, $0x11  }
0xbc: {  	s0 =	sor.u32 s1, s0  }
0xbd: {  	s0 =	sadd.s32 $0x8F2B, s0  }
0xbe: {  	[sflag:s0] =	ssyncadd.remote.s32 $0x1  }
0xbf: {  	_ =	sfence.sel $0xFFFF  }
0xc0: {  	[dreg:$0x0] =	wrdreg $0xFFFFFFFF;
	(pc) =	sbr.abs _section_cstart, $3  }
0xc1: {  	[dreg:$0x1] =	wrdreg $0xFFFFFFFF  }
0xc2: {  	_ =	task.clear_ibuf [dreg:s8], $0x2FFFF;
	_ =	strace $0x9FFFFFFF  }
0xc3: {  	(tm) =	ssettm $0x7FFFFFFF  }
tec
execute0_lowered:
.L_overlay_start_1:
0x0: {  	(tag) =	ssettag $0x1  }
0x1: {  	s4 =	rddreg [dreg:$0x0]  }
0x2: {  	s5 =	rddreg [dreg:$0x1]  }
0x3: {  	s0 =	rddreg [dreg:$0x2]  }
0x4: {  	s2 =	simm.s32 $0x0;
	s3 =	srdreg.scid;
	s1 =	stileid.u32  }
0x5: {  	s11 =	simm.s32 $0x0;
	[smem:$0x7FF] =	sst s2;
	s3 =	sand.u32 $0x1, s3  }
0x6: {  	s6 =	sshll.u32 s1, $0x1;
	s7 =	sshrl.u32 s1, $0x2;
	p0 =	sgt.u32 s1, $0x1  }
0x7: {  	_ =	strace $0x80000047;
	s6 =	sor.u32 s3, s6;
	s7 =	smul.u32 $0x14000, s7  }
0x8: {  	s3 =	ssub.s32 $0x2, s3;
	s8 =	sshll.u32 s6, $0x7;
	s10 =	smul.u32 $0x9C0, s6  }
0x9: {  	s9 =	sshrl.u32 s3, $0x1;
	s6 =	sshll.u32 s6, $0x5;
	s8 =	sand.u32 $0x380, s8  }
0xa: {  	s9 =	ssub.s32 s3, s9;
	s7 =	sor.u32 s7, s8;
	s3 =	sadd.s32 s4, s10  }
0xb: {  	s4 =	sadd.s32 s6, s4;
	s6 =	smax.u32 s9, $0x1;
	s8 =	simm.s32 $0x4F00  }
0xc: {  	s9 =	simm.s32 $0x80;
	s10 =	simm.s32 $0x400;
	s31 =	sshrl.u32 s7, $0x3  }
0xd: {  	v0 =	vimm.f32 $0.0e+00;
	v1 =	vimm.f32 $1.000000000e+00;
	s4 =	sadd.s32 $0x13800, s4;
	s7 =	simm.s32 $0x1;
	s5 =	sadd.s32 s5, s31  }
.LBB2_1:
0xe: {  	[tilespmem:s2], [sflag:$0x1] =	stream.linear.gather [hbm4b:s3+s2], $0x4E00, $0x38;
	[tilespmem:$0x7700] =	vst v63  }
0xf: {  	_ =	swait.ge [sflag:s7], $0x4E00  }
0x10: {  	[sflag:s7] =	ssyncset.done $0x0  }
0x11: {  	s12 =	simm.s32 $0x0;
	[sflag:s7] =	ssyncadd.s32 $0xFFFFB200  }
.LBB2_2:
0x12: {  	p1 =	sne.s32 s12, $0x9FC0  }
.Ltmp0:
0x13: {  	_ = 	snop;
	(pc) =	sbr.rel @p1 .LBB2_2-.Ltmp0, $3  }
0x14: {  	_ =	sdelay $0x1  }
0x15: {  	s13 =	sshra.s32 s12, $0x2  }
0x16: {  	s12 =	sadd.s32 $0x40, s12;
	[tilespmem:s13+$0x4F00] =	vst v0  }
0x17: {  	s12 =	simm.s32 $0x0  }
0x18: {  	s13 =	sand.u32 $0x70, s12;
	s12 =	sand.u32 $0x7F00, s12  }
0x19: {  	s13 =	sor.u32 s13, s12  }
0x1a: {  	v2 =	vld [tilespmem:s13+$0x80];
	_ =	sdelay $0x5  }
0x1b: {  	s14 =	simm.s32 $0x10;
	s12 =	simm.s32 $0x20  }
0x1c: {  	s14 =	sand.u32 $0x70, s14;
	s15 =	sand.u32 $0x7F00, s12;
	s13 =	simm.s32 $0x20  }
.LBB2_4:
0x1d: {  	p1 =	sne.s32 s13, $0x26F0;
	s14 =	sor.u32 s14, s15;
	[tilespmem:v2+s8+$0x0] =	vst.idx.add.f32.msk $0xffff, v1  }
0x1e: {  	v2 =	vld [tilespmem:s14+$0x80];
	_ =	sdelay $0x2  }
.Ltmp1:
0x1f: {  	(pc) =	sbr.rel @p1 .LBB2_4-.Ltmp1, $3  }
0x20: {  	_ =	sdelay $0x1  }
0x21: {  	s12 =	sadd.s32 $0x20, s12  }
0x22: {  	s14 =	sand.u32 $0x70, s13;
	s15 =	sand.u32 $0x7F00, s12;
	s13 =	sadd.s32 $0x10, s13  }
0x23: {  	_ =	sdelay $0x3  }
0x24: {  	s12 =	sor.u32 s14, s15;
	[tilespmem:v2+s8+$0x0] =	vst.idx.add.f32.msk $0xffff, v1  }
0x25: {  	v2 =	vld [tilespmem:s12+$0x80];
	_ =	sdelay $0x7  }
0x26: {  	s13 =	simm.s32 @!p0 $0x4E00;
	s12 =	simm.s32 @!p0 $0x0;
	[tilespmem:v2+s8+$0x0] =	vst.idx.add.f32.msk $0xffff, v1  }
0x27: {  	[tilespmem:s13], [sflag:$0x1] =	stream.linear.gather @!p0 [hbm4b:s4+s12], $0x100, $0x38;
	[tilespmem:$0x7700] =	vst v63  }
0x28: {  	s12 =	simm.s32 @!p0 $0x1  }
0x29: {  	_ =	swait.ge @!p0 [sflag:s12], $0x100  }
0x2a: {  	[sflag:s12] =	ssyncset.done @!p0 $0x0  }
0x2b: {  	[sflag:s12] =	ssyncadd.s32 @!p0 $0xFFFFFF00  }
0x2c: {  	v2 =	vld @!p0 [tilespmem:$0x4E80];
	_ =	sdelay $0x6  }
0x2d: {  	v3 =	vimm.f32 @!p0 $1.000000000e+00;
	s12 =	simm.s32 @!p0 $0x4F00  }
0x2e: {  	[tilespmem:v2+s12+$0x0] =	vst.idx.add.f32.msk @!p0 $0xffff, v3  }
0x2f: {  	v2 =	vld @!p0 [tilespmem:$0x4E90];
	_ =	sdelay $0x7  }
0x30: {  	[tilespmem:v2+s12+$0x0] =	vst.idx.add.f32.msk @!p0 $0xffff, v3  }
0x31: {  	v2 =	vld @!p0 [tilespmem:$0x4EA0];
	_ =	sdelay $0x7  }
0x32: {  	[tilespmem:v2+s12+$0x0] =	vst.idx.add.f32.msk @!p0 $0xffff, v3  }
0x33: {  	v2 =	vld @!p0 [tilespmem:$0x4EB0];
	_ =	sdelay $0x7  }
0x34: {  	[tilespmem:v2+s12+$0x0] =	vst.idx.add.f32.msk @!p0 $0xffff, v3  }
0x35: {  	v2 =	vld @!p0 [tilespmem:$0x4EC0];
	_ =	sdelay $0x7  }
0x36: {  	[tilespmem:v2+s12+$0x0] =	vst.idx.add.f32.msk @!p0 $0xffff, v3  }
0x37: {  	v2 =	vld @!p0 [tilespmem:$0x4ED0];
	_ =	sdelay $0x7  }
0x38: {  	[tilespmem:v2+s12+$0x0] =	vst.idx.add.f32.msk @!p0 $0xffff, v3  }
0x39: {  	v2 =	vld @!p0 [tilespmem:$0x4EE0];
	_ =	sdelay $0x7  }
0x3a: {  	[tilespmem:v2+s12+$0x0] =	vst.idx.add.f32.msk @!p0 $0xffff, v3  }
0x3b: {  	v2 =	vld @!p0 [tilespmem:$0x4EF0];
	_ =	sdelay $0x5  }
0x3c: {  	s11 =	sadd.s32 $0x1, s11  }
0x3d: {  	p1 =	sne.s32 s11, s6  }
.Ltmp2:
0x3e: {  	[tilespmem:v2+s12+$0x0] =	vst.idx.add.f32.msk @!p0 $0xffff, v3;
	(pc) =	sbr.rel @p1 .LBB2_1-.Ltmp2, $4  }
0x3f: {  	[hbm4b:s5+s9] =	stream.strided.scatter [tilespmem:s8], [sflag:$0x1], $0x2800, s10, s9, $0x38;
	[tilespmem:$0x7700] =	vst v63  }
0x40: {  	_ =	swait.ge [sflag:s7], $0x2800  }
0x41: {  	[sflag:s7] =	ssyncset.done $0x0  }
0x42: {  	[sflag:s7] =	ssyncadd.s32 $0xFFFFD800  }
0x43: {  	_ =	sfence.sel $0x180000  }
0x44: {  	[bflag:$0x0] =	sbarrier.arrive $0xFFFF  }
0x45: {  	p0 =	sne.s32 s1, $0x0;
	_ =	strace $0x90000047  }
0x46: {  	s0 =	sadd.s32 @!p0 $0x100000, s0;
	[bflag:$0x2] =	sbarrier.arrive $0xFFFF  }
0x47: {  	[sflag:s0] =	ssyncadd.tile.s32 @!p0 $0x1;
	_ =	shalt  }
.Lfunc_end2:
_tile_overlayer_lowered:
.L_overlay_start_2:
0x48: {  	(tag) =	ssettag $0x2  }
0x49: {  	s0 =	rddreg [dreg:$0x0];
	s2 =	stileid.u32  }
0x4a: {  	s1 =	rddreg [dreg:$0x1];
	p0 =	sne.s32 s2, $0x0  }
0x4b: {  	s3 =	rddreg [dreg:$0x2];
	[bflag:$0x3] =	sbarrier.arrive $0xFFFF;
	s2 =	simm.s32 @!p0 $0x1C01  }
0x4c: {  	[timem:s3], [sflag:s2] =	dma.local @!p0 [hbm:s0], s1  }
0x4d: {  	s0 =	simm.s32 @!p0 $0x1  }
0x4e: {  	_ =	swait.ge @!p0 [sflag:s0], s1  }
0x4f: {  	s1 =	ssub.s32 @!p0 $0x0, s1;
	[sflag:s0] =	ssyncset.done @!p0 $0x0  }
0x50: {  	[sflag:s0] =	ssyncadd.s32 @!p0 s1  }
0x51: {  	[bflag:$0x3] =	sbarrier.arrive $0xFFFF  }
0x52: {  	_ =	shalt  }

</sc_bundles>
